<compile_context>
chip_gen: v7x
topology: tpu7x:2x2x1
jax: 0.10.2.dev20260603
libtpu: 0.0.44.dev20260713+nightly
codegen_flags: <defaults>
</compile_context>

<pallas_src>
import functools
import math

import jax
import jax.numpy as jnp
from jax import lax
from jax.experimental import pallas as pl
from jax.experimental.pallas import tpu as pltpu
from jax.experimental.pallas import tpu_sc as plsc

NC = 2
NS = 16
LANES = 16

V = 10000
E = 320000
D = 128
H = 64

CHUNK = 80
EPW_G = E // (NC * NS)
NCH_G = EPW_G // CHUNK
EPT_S = E // NS
NCH_S = EPT_S // CHUNK
ZCH = 80
NZCH = V // ZCH
VPAD = 10240
HR = VPAD // D

import numpy as np

_RSQRT_MAGIC = np.int32(0x5F3759DF)


def _rsqrt_nr(s):
    si = plsc.bitcast(s, jnp.int32)
    y = plsc.bitcast(_RSQRT_MAGIC - (si >> 1), jnp.float32)
    half = s * 0.5
    for _ in range(3):
        y = y * (1.5 - half * y * y)
    return jnp.minimum(y, 1.0e6)



def _gather_body(x_hbm, px_hbm, py_hbm, pz_hbm,
                 ii_hbm, ij_hbm, ik_hbm, il_hbm,
                 a0_hbm, a1_hbm, a2_hbm,
                 xi_out, xl_out, small_out,
                 px_v, py_v, pz_v,
                 ii_v, ij_v, ik_v, il_v,
                 a0_v, a1_v, a2_v,
                 xi_rows, xl_rows, small_v,
                 sem0, sem1):
    cc = lax.axis_index("c")
    ss = lax.axis_index("s")
    wid = ss * NC + cc

    pltpu.sync_copy(px_hbm, px_v)
    pltpu.sync_copy(py_hbm, py_v)
    pltpu.sync_copy(pz_hbm, pz_v)

    zeros16 = jnp.zeros((LANES,), jnp.float32)
    for t in range(CHUNK * 8 // LANES):
        small_v[pl.ds(t * LANES, LANES)] = zeros16

    iota16 = lax.iota(jnp.int32, LANES)

    def chunk_body(ch, carry):
        base = wid * EPW_G + ch * CHUNK
        pltpu.sync_copy(ii_hbm.at[pl.ds(base, CHUNK)], ii_v)
        pltpu.sync_copy(il_hbm.at[pl.ds(base, CHUNK)], il_v)
        cp0 = pltpu.async_copy(x_hbm.at[ii_v], xi_rows, sem0)
        cp1 = pltpu.async_copy(x_hbm.at[il_v], xl_rows, sem1)
        pltpu.sync_copy(ij_hbm.at[pl.ds(base, CHUNK)], ij_v)
        pltpu.sync_copy(ik_hbm.at[pl.ds(base, CHUNK)], ik_v)
        pltpu.sync_copy(a0_hbm.at[pl.ds(base, CHUNK)], a0_v)
        pltpu.sync_copy(a1_hbm.at[pl.ds(base, CHUNK)], a1_v)
        pltpu.sync_copy(a2_hbm.at[pl.ds(base, CHUNK)], a2_v)

        for sub in range(CHUNK // LANES):
            sl = pl.ds(sub * LANES, LANES)
            i16 = ii_v[sl]
            j16 = ij_v[sl]
            k16 = ik_v[sl]
            l16 = il_v[sl]
            pix = plsc.load_gather(px_v, [i16])
            piy = plsc.load_gather(py_v, [i16])
            piz = plsc.load_gather(pz_v, [i16])
            pjx = plsc.load_gather(px_v, [j16])
            pjy = plsc.load_gather(py_v, [j16])
            pjz = plsc.load_gather(pz_v, [j16])
            pkx = plsc.load_gather(px_v, [k16])
            pky = plsc.load_gather(py_v, [k16])
            pkz = plsc.load_gather(pz_v, [k16])
            plx = plsc.load_gather(px_v, [l16])
            ply = plsc.load_gather(py_v, [l16])
            plz = plsc.load_gather(pz_v, [l16])

            b1x, b1y, b1z = pjx - pix, pjy - piy, pjz - piz
            b2x, b2y, b2z = pkx - pjx, pky - pjy, pkz - pjz
            b3x, b3y, b3z = plx - pkx, ply - pky, plz - pkz

            n1x = b1y * b2z - b1z * b2y
            n1y = b1z * b2x - b1x * b2z
            n1z = b1x * b2y - b1y * b2x
            n2x = b2y * b3z - b2z * b3y
            n2y = b2z * b3x - b2x * b3z
            n2z = b2x * b3y - b2y * b3x

            r1 = _rsqrt_nr(n1x * n1x + n1y * n1y + n1z * n1z)
            r2 = _rsqrt_nr(n2x * n2x + n2y * n2y + n2z * n2z)
            rb = _rsqrt_nr(b2x * b2x + b2y * b2y + b2z * b2z)

            dot12 = n1x * n2x + n1y * n2y + n1z * n2z
            cos_d = jnp.clip(dot12 * (r1 * r2), -1.0, 1.0)

            mx = n1y * b2z - n1z * b2y
            my = n1z * b2x - n1x * b2z
            mz = n1x * b2y - n1y * b2x
            sin_d = (mx * n2x + my * n2y + mz * n2z) * (r1 * rb * r2)

            fbase = iota16 * 8 + sub * LANES * 8
            plsc.store_scatter(small_v, [fbase + 0], a0_v[sl])
            plsc.store_scatter(small_v, [fbase + 1], a1_v[sl])
            plsc.store_scatter(small_v, [fbase + 2], a2_v[sl])
            plsc.store_scatter(small_v, [fbase + 3], cos_d)
            plsc.store_scatter(small_v, [fbase + 4], sin_d)

        pltpu.sync_copy(small_v, small_out.at[pl.ds(base * 8, CHUNK * 8)])
        cp0.wait()
        cp1.wait()
        pltpu.sync_copy(xi_rows, xi_out.at[pl.ds(base, CHUNK)])
        pltpu.sync_copy(xl_rows, xl_out.at[pl.ds(base, CHUNK)])
        return carry

    lax.fori_loop(0, NCH_G, chunk_body, 0)


def _gather_call(x, px, py, pz, ii, ij, ik, il, a0, a1, a2):
    mesh = plsc.VectorSubcoreMesh(core_axis_name="c", subcore_axis_name="s",
                                  num_cores=NC, num_subcores=NS)
    f = pl.kernel(
        _gather_body,
        out_type=[
            jax.ShapeDtypeStruct((E, D), jnp.float32),
            jax.ShapeDtypeStruct((E, D), jnp.float32),
            jax.ShapeDtypeStruct((E * 8,), jnp.float32),
        ],
        mesh=mesh,
        scratch_types=[
            pltpu.VMEM((V,), jnp.float32),
            pltpu.VMEM((V,), jnp.float32),
            pltpu.VMEM((V,), jnp.float32),
            pltpu.VMEM((CHUNK,), jnp.int32),
            pltpu.VMEM((CHUNK,), jnp.int32),
            pltpu.VMEM((CHUNK,), jnp.int32),
            pltpu.VMEM((CHUNK,), jnp.int32),
            pltpu.VMEM((CHUNK,), jnp.float32),
            pltpu.VMEM((CHUNK,), jnp.float32),
            pltpu.VMEM((CHUNK,), jnp.float32),
            pltpu.VMEM((CHUNK, D), jnp.float32),
            pltpu.VMEM((CHUNK, D), jnp.float32),
            pltpu.VMEM((CHUNK * 8,), jnp.float32),
            pltpu.SemaphoreType.DMA,
            pltpu.SemaphoreType.DMA,
        ],
        compiler_params=pltpu.CompilerParams(needs_layout_passes=False),
    )
    return f(x, px, py, pz, ii, ij, ik, il, a0, a1, a2)



TB = 512


def _mlp_body(in_dim, xi_ref, xl_ref, sm_ref, w1i_ref, w1l_ref, wsm_ref,
              cst1_ref, w2_ref, w3_ref, cst2_ref, out_ref):
    xi = xi_ref[...]
    xl = xl_ref[...]
    sm = sm_ref[...]

    s1 = (jnp.sum(xi, axis=1, keepdims=True)
          + jnp.sum(xl, axis=1, keepdims=True)
          + jnp.sum(sm, axis=1, keepdims=True))
    s2 = (jnp.sum(xi * xi, axis=1, keepdims=True)
          + jnp.sum(xl * xl, axis=1, keepdims=True)
          + jnp.sum(sm * sm, axis=1, keepdims=True))
    mu = s1 * (1.0 / in_dim)
    var = s2 * (1.0 / in_dim) - mu * mu
    rs = lax.rsqrt(var + 1e-5)

    bf = jnp.bfloat16
    acc = (jnp.dot(xi.astype(bf), w1i_ref[...].astype(bf),
                   preferred_element_type=jnp.float32)
           + jnp.dot(xl.astype(bf), w1l_ref[...].astype(bf),
                     preferred_element_type=jnp.float32)
           + jnp.dot(sm, wsm_ref[...], preferred_element_type=jnp.float32))
    c0 = cst1_ref[0:1, :]
    g1 = cst1_ref[1:2, :]
    b2 = cst1_ref[2:3, :]
    h = rs * (acc - mu * g1) + c0
    h = h * jax.nn.sigmoid(h)
    h = jnp.dot(h.astype(bf), w2_ref[...].astype(bf),
                preferred_element_type=jnp.float32) + b2
    h = h * jax.nn.sigmoid(h)
    msg = jnp.dot(h.astype(bf), w3_ref[...].astype(bf),
                  preferred_element_type=jnp.float32) + cst2_ref[0:1, :]
    out_ref[...] = msg


def _mlp_call(xi_g, xl_g, small8, w1i_t, w1l_t, wsm_t, cst1, w2_t, w3_t, cst2,
              in_dim):
    grid = (E // TB,)
    return pl.pallas_call(
        functools.partial(_mlp_body, float(in_dim)),
        grid=grid,
        in_specs=[
            pl.BlockSpec((TB, D), lambda i: (i, 0)),
            pl.BlockSpec((TB, D), lambda i: (i, 0)),
            pl.BlockSpec((TB, 8), lambda i: (i, 0)),
            pl.BlockSpec((D, H), lambda i: (0, 0)),
            pl.BlockSpec((D, H), lambda i: (0, 0)),
            pl.BlockSpec((8, H), lambda i: (0, 0)),
            pl.BlockSpec((8, H), lambda i: (0, 0)),
            pl.BlockSpec((H, H), lambda i: (0, 0)),
            pl.BlockSpec((H, D), lambda i: (0, 0)),
            pl.BlockSpec((8, D), lambda i: (0, 0)),
        ],
        out_specs=pl.BlockSpec((TB, D), lambda i: (i, 0)),
        out_shape=jax.ShapeDtypeStruct((E, D), jnp.float32),
    )(xi_g, xl_g, small8, w1i_t, w1l_t, wsm_t, cst1, w2_t, w3_t, cst2)



def _scatter_body(msg_hbm, jk_hbm,
                  means_out,
                  acc_sh, cnt_sh, idx_v, mrows, hist_v, rid_v, recip_v):
    cc = lax.axis_index("c")
    ss = lax.axis_index("s")

    zeros16 = jnp.zeros((LANES,), jnp.float32)
    ones16 = jnp.ones((LANES,), jnp.float32)
    iota16 = lax.iota(jnp.int32, LANES)

    def hzrow(r, carry):
        for q in range(D // LANES):
            hist_v[r, pl.ds(q * LANES, LANES)] = zeros16
        return carry
    lax.fori_loop(0, HR, hzrow, 0)

    for q in range(HR // LANES):
        rid_v[pl.ds(q * LANES, LANES)] = iota16 + q * LANES

    @pl.when(ss == 0)
    def _():
        pltpu.sync_copy(hist_v, cnt_sh)

    def zrow(r, carry):
        for q in range(D // LANES):
            mrows[r, pl.ds(q * LANES, LANES)] = zeros16
        return carry
    lax.fori_loop(0, CHUNK, zrow, 0)

    for q in range((NZCH + NS - 1) // NS):
        stripe = ss + NS * q

        @pl.when(stripe < NZCH)
        def _():
            pltpu.sync_copy(mrows, acc_sh.at[pl.ds(stripe * ZCH, ZCH)])

    plsc.subcore_barrier()

    def chunk_body(ch, carry):
        ebase = ss * EPT_S + ch * CHUNK
        pltpu.sync_copy(jk_hbm.at[pl.ds(cc * E + ebase, CHUNK)], idx_v)
        pltpu.sync_copy(msg_hbm.at[pl.ds(ebase, CHUNK)], mrows)
        pltpu.sync_copy(mrows, acc_sh.at[idx_v], add=True)
        for sub in range(CHUNK // LANES):
            nid = idx_v[pl.ds(sub * LANES, LANES)]
            plsc.addupdate_scatter(hist_v, [nid >> 7, nid & 127], ones16)
        return carry

    lax.fori_loop(0, NCH_S, chunk_body, 0)

    pltpu.sync_copy(hist_v, cnt_sh.at[rid_v], add=True)
    plsc.subcore_barrier()

    pltpu.sync_copy(cnt_sh, hist_v)

    for q in range((NZCH + NS - 1) // NS):
        stripe = ss + NS * q

        @pl.when(stripe < NZCH)
        def _():
            r0 = stripe * ZCH
            pltpu.sync_copy(acc_sh.at[pl.ds(r0, ZCH)], mrows)

            for sub in range(ZCH // LANES):
                nid16 = r0 + sub * LANES + iota16
                cnt16 = plsc.load_gather(hist_v, [nid16 >> 7, nid16 & 127])
                recip_v[pl.ds(sub * LANES, LANES)] = (
                    1.0 / jnp.maximum(cnt16, 1.0))

            def divrow(t, carry):
                c = recip_v[pl.ds(t, LANES)][0]
                for q8 in range(D // LANES):
                    sl = pl.ds(q8 * LANES, LANES)
                    mrows[t, sl] = mrows[t, sl] * c
                return carry

            lax.fori_loop(0, ZCH, divrow, 0)
            pltpu.sync_copy(mrows, means_out.at[cc, pl.ds(r0, ZCH)])


def _scatter_call(msg, jk):
    mesh = plsc.VectorSubcoreMesh(core_axis_name="c", subcore_axis_name="s",
                                  num_cores=NC, num_subcores=NS)
    f = pl.kernel(
        _scatter_body,
        out_type=[
            jax.ShapeDtypeStruct((NC, V, D), jnp.float32),
        ],
        mesh=mesh,
        scratch_types=[
            pltpu.VMEM_SHARED((V, D), jnp.float32),
            pltpu.VMEM_SHARED((HR, D), jnp.float32),
            pltpu.VMEM((CHUNK,), jnp.int32),
            pltpu.VMEM((CHUNK, D), jnp.float32),
            pltpu.VMEM((HR, D), jnp.float32),
            pltpu.VMEM((HR,), jnp.int32),
            pltpu.VMEM((ZCH + LANES,), jnp.float32),
        ],
        compiler_params=pltpu.CompilerParams(needs_layout_passes=False),
    )
    return f(msg, jk)[0]



RB = 1000


def _final_body(mj_ref, mk_ref, wout_ref, out_ref):
    aggr = (mj_ref[0] + mk_ref[0]) * 0.5
    out_ref[...] = jnp.dot(aggr, wout_ref[...],
                           preferred_element_type=jnp.float32) * (1.0 / math.sqrt(D))


def _final_call(means, wout_t):
    grid = (V // RB,)
    return pl.pallas_call(
        _final_body,
        grid=grid,
        in_specs=[
            pl.BlockSpec((1, RB, D), lambda i: (0, i, 0)),
            pl.BlockSpec((1, RB, D), lambda i: (1, i, 0)),
            pl.BlockSpec((D, D), lambda i: (0, 0)),
        ],
        out_specs=pl.BlockSpec((RB, D), lambda i: (i, 0)),
        out_shape=jax.ShapeDtypeStruct((V, D), jnp.float32),
    )(means, means, wout_t)



def kernel(x, pos, quadra_index, quadra_attr, ln_gamma, ln_beta,
           W1, b1, W2, b2, W3, b3, Wout):
    in_dim = W1.shape[1]

    ii = quadra_index[0].astype(jnp.int32)
    ij = quadra_index[1].astype(jnp.int32)
    ik = quadra_index[2].astype(jnp.int32)
    il = quadra_index[3].astype(jnp.int32)
    px, py, pz = pos[:, 0], pos[:, 1], pos[:, 2]
    a0, a1, a2 = quadra_attr[:, 0], quadra_attr[:, 1], quadra_attr[:, 2]

    w1i_t = (W1[:, 0:D] * ln_gamma[0:D]).T
    w1l_t = (W1[:, D:2 * D] * ln_gamma[D:2 * D]).T
    wsm = (W1[:, 2 * D:in_dim] * ln_gamma[2 * D:in_dim]).T
    wsm_t = jnp.zeros((8, H), jnp.float32).at[0:5, :].set(wsm)
    g1 = W1 @ ln_gamma
    c0 = b1 + W1 @ ln_beta
    cst1 = jnp.zeros((8, H), jnp.float32)
    cst1 = cst1.at[0, :].set(c0).at[1, :].set(g1).at[2, :].set(b2)
    cst2 = jnp.zeros((8, D), jnp.float32).at[0, :].set(b3)

    xi_g, xl_g, small_flat = _gather_call(x, px, py, pz, ii, ij, ik, il,
                                          a0, a1, a2)
    small8 = small_flat.reshape(E, 8)
    msg = _mlp_call(xi_g, xl_g, small8, w1i_t, w1l_t, wsm_t, cst1,
                    W2.T, W3.T, cst2, in_dim)
    jk = jnp.concatenate([ij, ik])
    means = _scatter_call(msg, jk)
    return _final_call(means, Wout.T)

# --- scband reference (transcript-rebuilt; emitter-appended) ---
"""Pipeline reference for scband-geometric-dihedral-message-passing-45973329936787 (READ-ONLY COPY).

The authoritative reference and input builder live on the scoring server;
editing this copy changes nothing except your own understanding.
"""

import jax, jax.numpy as jnp
import numpy as np

N_NODES = 10000
N_DIH = 320000
SCALAR_DIM = 128
HIDDEN = 64
ATTR_DIM = 3
IN_DIM = SCALAR_DIM * 2 + ATTR_DIM + 2  # 259


def setup_inputs(seed: int = 0) -> dict:
    key = jax.random.key(seed)
    ks = jax.random.split(key, 12)
    x = jax.random.normal(ks[0], (N_NODES, SCALAR_DIM), dtype=jnp.float32)
    pos = jax.random.normal(ks[1], (N_NODES, 3), dtype=jnp.float32)
    quadra_index = jax.random.randint(ks[2], (4, N_DIH), 0, N_NODES)
    quadra_attr = jax.random.normal(ks[3], (N_DIH, ATTR_DIM), dtype=jnp.float32)
    ln_gamma = jnp.ones((IN_DIM,), dtype=jnp.float32)
    ln_beta = jnp.zeros((IN_DIM,), dtype=jnp.float32)
    W1 = jax.random.normal(ks[4], (HIDDEN, IN_DIM), dtype=jnp.float32) / np.sqrt(IN_DIM)
    b1 = jnp.zeros((HIDDEN,), dtype=jnp.float32)
    W2 = jax.random.normal(ks[5], (HIDDEN, HIDDEN), dtype=jnp.float32) / np.sqrt(HIDDEN)
    b2 = jnp.zeros((HIDDEN,), dtype=jnp.float32)
    W3 = jax.random.normal(ks[6], (SCALAR_DIM, HIDDEN), dtype=jnp.float32) / np.sqrt(HIDDEN)
    b3 = jnp.zeros((SCALAR_DIM,), dtype=jnp.float32)
    Wout = jax.random.normal(ks[7], (SCALAR_DIM, SCALAR_DIM), dtype=jnp.float32)
    return {"x": x, "pos": pos, "quadra_index": quadra_index, "quadra_attr": quadra_attr,
            "ln_gamma": ln_gamma, "ln_beta": ln_beta, "W1": W1, "b1": b1,
            "W2": W2, "b2": b2, "W3": W3, "b3": b3, "Wout": Wout}


def reference(x, pos, quadra_index, quadra_attr, ln_gamma, ln_beta, W1, b1, W2, b2, W3, b3, Wout):
    i, j, k, l = quadra_index[0], quadra_index[1], quadra_index[2], quadra_index[3]
    x_scalar = x[:, :SCALAR_DIM]
    x_i = x_scalar[i]
    x_l = x_scalar[l]
    # dihedral angle (rotation invariant)
    b1v = pos[j] - pos[i]
    b2v = pos[k] - pos[j]
    b3v = pos[l] - pos[k]
    n1 = jnp.cross(b1v, b2v)
    n2 = jnp.cross(b2v, b3v)
    n1 = n1 / jnp.maximum(jnp.linalg.norm(n1, axis=-1, keepdims=True), 1e-6)
    n2 = n2 / jnp.maximum(jnp.linalg.norm(n2, axis=-1, keepdims=True), 1e-6)
    cos_d = jnp.clip(jnp.sum(n1 * n2, axis=-1), -1.0, 1.0)
    b2n = b2v / jnp.maximum(jnp.linalg.norm(b2v, axis=-1, keepdims=True), 1e-6)
    m = jnp.cross(n1, b2n)
    sin_d = jnp.sum(m * n2, axis=-1)
    inp = jnp.concatenate([x_i, x_l, quadra_attr, cos_d[:, None], sin_d[:, None]], axis=-1)
    # LayerNorm
    mu = jnp.mean(inp, axis=-1, keepdims=True)
    var = jnp.var(inp, axis=-1, keepdims=True)
    inp = (inp - mu) / jnp.sqrt(var + 1e-5) * ln_gamma + ln_beta
    # MLP
    h = jax.nn.silu(inp @ W1.T + b1)
    h = jax.nn.silu(h @ W2.T + b2)
    msg = h @ W3.T + b3
    # scatter mean on j and k
    ones = jnp.ones((msg.shape[0],), dtype=msg.dtype)
    Nn = x.shape[0]
    sum_j = jax.ops.segment_sum(msg, j, num_segments=Nn)
    cnt_j = jax.ops.segment_sum(ones, j, num_segments=Nn)
    sum_k = jax.ops.segment_sum(msg, k, num_segments=Nn)
    cnt_k = jax.ops.segment_sum(ones, k, num_segments=Nn)
    aggr_j = sum_j / jnp.maximum(cnt_j, 1.0)[:, None]
    aggr_k = sum_k / jnp.maximum(cnt_k, 1.0)[:, None]
    aggr = (aggr_j + aggr_k) / 2.0
    # e3nn o3.Linear on 0e scalars == dense linear with 1/sqrt(fan_in) path norm, no bias
    out = aggr @ Wout.T / jnp.sqrt(float(SCALAR_DIM))
    return out

if __name__ == "__main__":
    import jax
    _d = setup_inputs()
    print(jax.jit(kernel)(*tuple(_d.values())))

</pallas_src>

<mosaic_0001>
#map = affine_map<(d0, d1) -> (0, 0)>
#map1 = affine_map<(d0, d1) -> (0)>
module attributes {stable_mosaic.version = 14 : i64} {
  func.func @_gather_body(%arg0: i32, %arg1: i32, %arg2: memref<10000x128xf32, #tpu.memory_space<hbm>>, %arg3: memref<10000xf32, #tpu.memory_space<hbm>>, %arg4: memref<10000xf32, #tpu.memory_space<hbm>>, %arg5: memref<10000xf32, #tpu.memory_space<hbm>>, %arg6: memref<320000xi32, #tpu.memory_space<hbm>>, %arg7: memref<320000xi32, #tpu.memory_space<hbm>>, %arg8: memref<320000xi32, #tpu.memory_space<hbm>>, %arg9: memref<320000xi32, #tpu.memory_space<hbm>>, %arg10: memref<320000xf32, #tpu.memory_space<hbm>>, %arg11: memref<320000xf32, #tpu.memory_space<hbm>>, %arg12: memref<320000xf32, #tpu.memory_space<hbm>>, %arg13: memref<320000x128xf32, #tpu.memory_space<hbm>>, %arg14: memref<320000x128xf32, #tpu.memory_space<hbm>>, %arg15: memref<2560000xf32, #tpu.memory_space<hbm>>, %arg16: memref<10000xf32, #tpu.memory_space<vmem>>, %arg17: memref<10000xf32, #tpu.memory_space<vmem>>, %arg18: memref<10000xf32, #tpu.memory_space<vmem>>, %arg19: memref<80xi32, #tpu.memory_space<vmem>>, %arg20: memref<80xi32, #tpu.memory_space<vmem>>, %arg21: memref<80xi32, #tpu.memory_space<vmem>>, %arg22: memref<80xi32, #tpu.memory_space<vmem>>, %arg23: memref<80xf32, #tpu.memory_space<vmem>>, %arg24: memref<80xf32, #tpu.memory_space<vmem>>, %arg25: memref<80xf32, #tpu.memory_space<vmem>>, %arg26: memref<80x128xf32, #tpu.memory_space<vmem>>, %arg27: memref<80x128xf32, #tpu.memory_space<vmem>>, %arg28: memref<640xf32, #tpu.memory_space<vmem>>, %arg29: memref<!tpu.dma_semaphore, #tpu.memory_space<semaphore_mem>>, %arg30: memref<!tpu.dma_semaphore, #tpu.memory_space<semaphore_mem>>) attributes {dimension_semantics = [#tpu.dimension_semantics<core_parallel>, #tpu.dimension_semantics<subcore_parallel>], iteration_bounds = array<i64: 2, 16>, scalar_prefetch = 0 : i64, scratch_operands = 15 : i64, tpu.core_type = #tpu.core_type<sc_vector_subcore>, window_params = [{transform_indices = #map}, {transform_indices = #map1}, {transform_indices = #map1}, {transform_indices = #map1}, {transform_indices = #map1}, {transform_indices = #map1}, {transform_indices = #map1}, {transform_indices = #map1}, {transform_indices = #map1}, {transform_indices = #map1}, {transform_indices = #map1}, {transform_indices = #map}, {transform_indices = #map}, {transform_indices = #map1}]} {
    %mul3A = arith.constant 2 : i32
    %mul3A_0 = arith.muli %arg1, %mul3A : i32
    %add3A = arith.addi %mul3A_0, %arg0 : i32
    "tpu.region"() ({
      %run_scoped3A = tpu.sem_alloc : memref<!tpu.dma_semaphore, #tpu.memory_space<semaphore_mem>>
      tpu.enqueue_dma source(%arg3 : memref<10000xf32, #tpu.memory_space<hbm>>) target(%arg16 : memref<10000xf32, #tpu.memory_space<vmem>>) target_semaphore(%run_scoped3A : memref<!tpu.dma_semaphore, #tpu.memory_space<semaphore_mem>>)
      tpu.wait_dma2 semaphore(%run_scoped3A : memref<!tpu.dma_semaphore, #tpu.memory_space<semaphore_mem>>) src(%arg3 : memref<10000xf32, #tpu.memory_space<hbm>>) dst(%arg16 : memref<10000xf32, #tpu.memory_space<vmem>>)
      tpu.yield
    }) : () -> ()
    "tpu.region"() ({
      %run_scoped3A = tpu.sem_alloc : memref<!tpu.dma_semaphore, #tpu.memory_space<semaphore_mem>>
      tpu.enqueue_dma source(%arg4 : memref<10000xf32, #tpu.memory_space<hbm>>) target(%arg17 : memref<10000xf32, #tpu.memory_space<vmem>>) target_semaphore(%run_scoped3A : memref<!tpu.dma_semaphore, #tpu.memory_space<semaphore_mem>>)
      tpu.wait_dma2 semaphore(%run_scoped3A : memref<!tpu.dma_semaphore, #tpu.memory_space<semaphore_mem>>) src(%arg4 : memref<10000xf32, #tpu.memory_space<hbm>>) dst(%arg17 : memref<10000xf32, #tpu.memory_space<vmem>>)
      tpu.yield
    }) : () -> ()
    "tpu.region"() ({
      %run_scoped3A = tpu.sem_alloc : memref<!tpu.dma_semaphore, #tpu.memory_space<semaphore_mem>>
      tpu.enqueue_dma source(%arg5 : memref<10000xf32, #tpu.memory_space<hbm>>) target(%arg18 : memref<10000xf32, #tpu.memory_space<vmem>>) target_semaphore(%run_scoped3A : memref<!tpu.dma_semaphore, #tpu.memory_space<semaphore_mem>>)
      tpu.wait_dma2 semaphore(%run_scoped3A : memref<!tpu.dma_semaphore, #tpu.memory_space<semaphore_mem>>) src(%arg5 : memref<10000xf32, #tpu.memory_space<hbm>>) dst(%arg18 : memref<10000xf32, #tpu.memory_space<vmem>>)
      tpu.yield
    }) : () -> ()
    %broadcast_in_dim3A = arith.constant 0.000000e+00 : f32
    %broadcast_in_dim3A_1 = vector.broadcast %broadcast_in_dim3A : f32 to vector<16xf32>
    %swap3A = arith.constant 0 : index
    %swap3A_2 = tpu.vector_load %arg28[%swap3A] {strides = array<i32>} : memref<640xf32, #tpu.memory_space<vmem>>, vector<16xf32>,
    tpu.vector_store %arg28[%swap3A], %broadcast_in_dim3A_1 {strides = array<i32>} : memref<640xf32, #tpu.memory_space<vmem>>, vector<16xf32>,
    %swap3A_3 = arith.constant 16 : index
    %swap3A_4 = tpu.vector_load %arg28[%swap3A_3] {strides = array<i32>} : memref<640xf32, #tpu.memory_space<vmem>>, vector<16xf32>,
    tpu.vector_store %arg28[%swap3A_3], %broadcast_in_dim3A_1 {strides = array<i32>} : memref<640xf32, #tpu.memory_space<vmem>>, vector<16xf32>,
    %swap3A_5 = arith.constant 32 : index
    %swap3A_6 = tpu.vector_load %arg28[%swap3A_5] {strides = array<i32>} : memref<640xf32, #tpu.memory_space<vmem>>, vector<16xf32>,
    tpu.vector_store %arg28[%swap3A_5], %broadcast_in_dim3A_1 {strides = array<i32>} : memref<640xf32, #tpu.memory_space<vmem>>, vector<16xf32>,
    %swap3A_7 = arith.constant 48 : index
    %swap3A_8 = tpu.vector_load %arg28[%swap3A_7] {strides = array<i32>} : memref<640xf32, #tpu.memory_space<vmem>>, vector<16xf32>,
    tpu.vector_store %arg28[%swap3A_7], %broadcast_in_dim3A_1 {strides = array<i32>} : memref<640xf32, #tpu.memory_space<vmem>>, vector<16xf32>,
    %swap3A_9 = arith.constant 64 : index
    %swap3A_10 = tpu.vector_load %arg28[%swap3A_9] {strides = array<i32>} : memref<640xf32, #tpu.memory_space<vmem>>, vector<16xf32>,
    tpu.vector_store %arg28[%swap3A_9], %broadcast_in_dim3A_1 {strides = array<i32>} : memref<640xf32, #tpu.memory_space<vmem>>, vector<16xf32>,
    %swap3A_11 = arith.constant 80 : index
    %swap3A_12 = tpu.vector_load %arg28[%swap3A_11] {strides = array<i32>} : memref<640xf32, #tpu.memory_space<vmem>>, vector<16xf32>,
    tpu.vector_store %arg28[%swap3A_11], %broadcast_in_dim3A_1 {strides = array<i32>} : memref<640xf32, #tpu.memory_space<vmem>>, vector<16xf32>,
    %swap3A_13 = arith.constant 96 : index
    %swap3A_14 = tpu.vector_load %arg28[%swap3A_13] {strides = array<i32>} : memref<640xf32, #tpu.memory_space<vmem>>, vector<16xf32>,
    tpu.vector_store %arg28[%swap3A_13], %broadcast_in_dim3A_1 {strides = array<i32>} : memref<640xf32, #tpu.memory_space<vmem>>, vector<16xf32>,
    %swap3A_15 = arith.constant 112 : index
    %swap3A_16 = tpu.vector_load %arg28[%swap3A_15] {strides = array<i32>} : memref<640xf32, #tpu.memory_space<vmem>>, vector<16xf32>,
    tpu.vector_store %arg28[%swap3A_15], %broadcast_in_dim3A_1 {strides = array<i32>} : memref<640xf32, #tpu.memory_space<vmem>>, vector<16xf32>,
    %swap3A_17 = arith.constant 128 : index
    %swap3A_18 = tpu.vector_load %arg28[%swap3A_17] {strides = array<i32>} : memref<640xf32, #tpu.memory_space<vmem>>, vector<16xf32>,
    tpu.vector_store %arg28[%swap3A_17], %broadcast_in_dim3A_1 {strides = array<i32>} : memref<640xf32, #tpu.memory_space<vmem>>, vector<16xf32>,
    %swap3A_19 = arith.constant 144 : index
    %swap3A_20 = tpu.vector_load %arg28[%swap3A_19] {strides = array<i32>} : memref<640xf32, #tpu.memory_space<vmem>>, vector<16xf32>,
    tpu.vector_store %arg28[%swap3A_19], %broadcast_in_dim3A_1 {strides = array<i32>} : memref<640xf32, #tpu.memory_space<vmem>>, vector<16xf32>,
    %swap3A_21 = arith.constant 160 : index
    %swap3A_22 = tpu.vector_load %arg28[%swap3A_21] {strides = array<i32>} : memref<640xf32, #tpu.memory_space<vmem>>, vector<16xf32>,
    tpu.vector_store %arg28[%swap3A_21], %broadcast_in_dim3A_1 {strides = array<i32>} : memref<640xf32, #tpu.memory_space<vmem>>, vector<16xf32>,
    %swap3A_23 = arith.constant 176 : index
    %swap3A_24 = tpu.vector_load %arg28[%swap3A_23] {strides = array<i32>} : memref<640xf32, #tpu.memory_space<vmem>>, vector<16xf32>,
    tpu.vector_store %arg28[%swap3A_23], %broadcast_in_dim3A_1 {strides = array<i32>} : memref<640xf32, #tpu.memory_space<vmem>>, vector<16xf32>,
    %swap3A_25 = arith.constant 192 : index
    %swap3A_26 = tpu.vector_load %arg28[%swap3A_25] {strides = array<i32>} : memref<640xf32, #tpu.memory_space<vmem>>, vector<16xf32>,
    tpu.vector_store %arg28[%swap3A_25], %broadcast_in_dim3A_1 {strides = array<i32>} : memref<640xf32, #tpu.memory_space<vmem>>, vector<16xf32>,
    %swap3A_27 = arith.constant 208 : index
    %swap3A_28 = tpu.vector_load %arg28[%swap3A_27] {strides = array<i32>} : memref<640xf32, #tpu.memory_space<vmem>>, vector<16xf32>,
    tpu.vector_store %arg28[%swap3A_27], %broadcast_in_dim3A_1 {strides = array<i32>} : memref<640xf32, #tpu.memory_space<vmem>>, vector<16xf32>,
    %swap3A_29 = arith.constant 224 : index
    %swap3A_30 = tpu.vector_load %arg28[%swap3A_29] {strides = array<i32>} : memref<640xf32, #tpu.memory_space<vmem>>, vector<16xf32>,
    tpu.vector_store %arg28[%swap3A_29], %broadcast_in_dim3A_1 {strides = array<i32>} : memref<640xf32, #tpu.memory_space<vmem>>, vector<16xf32>,
    %swap3A_31 = arith.constant 240 : index
    %swap3A_32 = tpu.vector_load %arg28[%swap3A_31] {strides = array<i32>} : memref<640xf32, #tpu.memory_space<vmem>>, vector<16xf32>,
    tpu.vector_store %arg28[%swap3A_31], %broadcast_in_dim3A_1 {strides = array<i32>} : memref<640xf32, #tpu.memory_space<vmem>>, vector<16xf32>,
    %swap3A_33 = arith.constant 256 : index
    %swap3A_34 = tpu.vector_load %arg28[%swap3A_33] {strides = array<i32>} : memref<640xf32, #tpu.memory_space<vmem>>, vector<16xf32>,
    tpu.vector_store %arg28[%swap3A_33], %broadcast_in_dim3A_1 {strides = array<i32>} : memref<640xf32, #tpu.memory_space<vmem>>, vector<16xf32>,
    %swap3A_35 = arith.constant 272 : index
    %swap3A_36 = tpu.vector_load %arg28[%swap3A_35] {strides = array<i32>} : memref<640xf32, #tpu.memory_space<vmem>>, vector<16xf32>,
    tpu.vector_store %arg28[%swap3A_35], %broadcast_in_dim3A_1 {strides = array<i32>} : memref<640xf32, #tpu.memory_space<vmem>>, vector<16xf32>,
    %swap3A_37 = arith.constant 288 : index
    %swap3A_38 = tpu.vector_load %arg28[%swap3A_37] {strides = array<i32>} : memref<640xf32, #tpu.memory_space<vmem>>, vector<16xf32>,
    tpu.vector_store %arg28[%swap3A_37], %broadcast_in_dim3A_1 {strides = array<i32>} : memref<640xf32, #tpu.memory_space<vmem>>, vector<16xf32>,
    %swap3A_39 = arith.constant 304 : index
    %swap3A_40 = tpu.vector_load %arg28[%swap3A_39] {strides = array<i32>} : memref<640xf32, #tpu.memory_space<vmem>>, vector<16xf32>,
    tpu.vector_store %arg28[%swap3A_39], %broadcast_in_dim3A_1 {strides = array<i32>} : memref<640xf32, #tpu.memory_space<vmem>>, vector<16xf32>,
    %swap3A_41 = arith.constant 320 : index
    %swap3A_42 = tpu.vector_load %arg28[%swap3A_41] {strides = array<i32>} : memref<640xf32, #tpu.memory_space<vmem>>, vector<16xf32>,
    tpu.vector_store %arg28[%swap3A_41], %broadcast_in_dim3A_1 {strides = array<i32>} : memref<640xf32, #tpu.memory_space<vmem>>, vector<16xf32>,
    %swap3A_43 = arith.constant 336 : index
    %swap3A_44 = tpu.vector_load %arg28[%swap3A_43] {strides = array<i32>} : memref<640xf32, #tpu.memory_space<vmem>>, vector<16xf32>,
    tpu.vector_store %arg28[%swap3A_43], %broadcast_in_dim3A_1 {strides = array<i32>} : memref<640xf32, #tpu.memory_space<vmem>>, vector<16xf32>,
    %swap3A_45 = arith.constant 352 : index
    %swap3A_46 = tpu.vector_load %arg28[%swap3A_45] {strides = array<i32>} : memref<640xf32, #tpu.memory_space<vmem>>, vector<16xf32>,
    tpu.vector_store %arg28[%swap3A_45], %broadcast_in_dim3A_1 {strides = array<i32>} : memref<640xf32, #tpu.memory_space<vmem>>, vector<16xf32>,
    %swap3A_47 = arith.constant 368 : index
    %swap3A_48 = tpu.vector_load %arg28[%swap3A_47] {strides = array<i32>} : memref<640xf32, #tpu.memory_space<vmem>>, vector<16xf32>,
    tpu.vector_store %arg28[%swap3A_47], %broadcast_in_dim3A_1 {strides = array<i32>} : memref<640xf32, #tpu.memory_space<vmem>>, vector<16xf32>,
    %swap3A_49 = arith.constant 384 : index
    %swap3A_50 = tpu.vector_load %arg28[%swap3A_49] {strides = array<i32>} : memref<640xf32, #tpu.memory_space<vmem>>, vector<16xf32>,
    tpu.vector_store %arg28[%swap3A_49], %broadcast_in_dim3A_1 {strides = array<i32>} : memref<640xf32, #tpu.memory_space<vmem>>, vector<16xf32>,
    %swap3A_51 = arith.constant 400 : index
    %swap3A_52 = tpu.vector_load %arg28[%swap3A_51] {strides = array<i32>} : memref<640xf32, #tpu.memory_space<vmem>>, vector<16xf32>,
    tpu.vector_store %arg28[%swap3A_51], %broadcast_in_dim3A_1 {strides = array<i32>} : memref<640xf32, #tpu.memory_space<vmem>>, vector<16xf32>,
    %swap3A_53 = arith.constant 416 : index
    %swap3A_54 = tpu.vector_load %arg28[%swap3A_53] {strides = array<i32>} : memref<640xf32, #tpu.memory_space<vmem>>, vector<16xf32>,
    tpu.vector_store %arg28[%swap3A_53], %broadcast_in_dim3A_1 {strides = array<i32>} : memref<640xf32, #tpu.memory_space<vmem>>, vector<16xf32>,
    %swap3A_55 = arith.constant 432 : index
    %swap3A_56 = tpu.vector_load %arg28[%swap3A_55] {strides = array<i32>} : memref<640xf32, #tpu.memory_space<vmem>>, vector<16xf32>,
    tpu.vector_store %arg28[%swap3A_55], %broadcast_in_dim3A_1 {strides = array<i32>} : memref<640xf32, #tpu.memory_space<vmem>>, vector<16xf32>,
    %swap3A_57 = arith.constant 448 : index
    %swap3A_58 = tpu.vector_load %arg28[%swap3A_57] {strides = array<i32>} : memref<640xf32, #tpu.memory_space<vmem>>, vector<16xf32>,
    tpu.vector_store %arg28[%swap3A_57], %broadcast_in_dim3A_1 {strides = array<i32>} : memref<640xf32, #tpu.memory_space<vmem>>, vector<16xf32>,
    %swap3A_59 = arith.constant 464 : index
    %swap3A_60 = tpu.vector_load %arg28[%swap3A_59] {strides = array<i32>} : memref<640xf32, #tpu.memory_space<vmem>>, vector<16xf32>,
    tpu.vector_store %arg28[%swap3A_59], %broadcast_in_dim3A_1 {strides = array<i32>} : memref<640xf32, #tpu.memory_space<vmem>>, vector<16xf32>,
    %swap3A_61 = arith.constant 480 : index
    %swap3A_62 = tpu.vector_load %arg28[%swap3A_61] {strides = array<i32>} : memref<640xf32, #tpu.memory_space<vmem>>, vector<16xf32>,
    tpu.vector_store %arg28[%swap3A_61], %broadcast_in_dim3A_1 {strides = array<i32>} : memref<640xf32, #tpu.memory_space<vmem>>, vector<16xf32>,
    %swap3A_63 = arith.constant 496 : index
    %swap3A_64 = tpu.vector_load %arg28[%swap3A_63] {strides = array<i32>} : memref<640xf32, #tpu.memory_space<vmem>>, vector<16xf32>,
    tpu.vector_store %arg28[%swap3A_63], %broadcast_in_dim3A_1 {strides = array<i32>} : memref<640xf32, #tpu.memory_space<vmem>>, vector<16xf32>,
    %swap3A_65 = arith.constant 512 : index
    %swap3A_66 = tpu.vector_load %arg28[%swap3A_65] {strides = array<i32>} : memref<640xf32, #tpu.memory_space<vmem>>, vector<16xf32>,
    tpu.vector_store %arg28[%swap3A_65], %broadcast_in_dim3A_1 {strides = array<i32>} : memref<640xf32, #tpu.memory_space<vmem>>, vector<16xf32>,
    %swap3A_67 = arith.constant 528 : index
    %swap3A_68 = tpu.vector_load %arg28[%swap3A_67] {strides = array<i32>} : memref<640xf32, #tpu.memory_space<vmem>>, vector<16xf32>,
    tpu.vector_store %arg28[%swap3A_67], %broadcast_in_dim3A_1 {strides = array<i32>} : memref<640xf32, #tpu.memory_space<vmem>>, vector<16xf32>,
    %swap3A_69 = arith.constant 544 : index
    %swap3A_70 = tpu.vector_load %arg28[%swap3A_69] {strides = array<i32>} : memref<640xf32, #tpu.memory_space<vmem>>, vector<16xf32>,
    tpu.vector_store %arg28[%swap3A_69], %broadcast_in_dim3A_1 {strides = array<i32>} : memref<640xf32, #tpu.memory_space<vmem>>, vector<16xf32>,
    %swap3A_71 = arith.constant 560 : index
    %swap3A_72 = tpu.vector_load %arg28[%swap3A_71] {strides = array<i32>} : memref<640xf32, #tpu.memory_space<vmem>>, vector<16xf32>,
    tpu.vector_store %arg28[%swap3A_71], %broadcast_in_dim3A_1 {strides = array<i32>} : memref<640xf32, #tpu.memory_space<vmem>>, vector<16xf32>,
    %swap3A_73 = arith.constant 576 : index
    %swap3A_74 = tpu.vector_load %arg28[%swap3A_73] {strides = array<i32>} : memref<640xf32, #tpu.memory_space<vmem>>, vector<16xf32>,
    tpu.vector_store %arg28[%swap3A_73], %broadcast_in_dim3A_1 {strides = array<i32>} : memref<640xf32, #tpu.memory_space<vmem>>, vector<16xf32>,
    %swap3A_75 = arith.constant 592 : index
    %swap3A_76 = tpu.vector_load %arg28[%swap3A_75] {strides = array<i32>} : memref<640xf32, #tpu.memory_space<vmem>>, vector<16xf32>,
    tpu.vector_store %arg28[%swap3A_75], %broadcast_in_dim3A_1 {strides = array<i32>} : memref<640xf32, #tpu.memory_space<vmem>>, vector<16xf32>,
    %swap3A_77 = arith.constant 608 : index
    %swap3A_78 = tpu.vector_load %arg28[%swap3A_77] {strides = array<i32>} : memref<640xf32, #tpu.memory_space<vmem>>, vector<16xf32>,
    tpu.vector_store %arg28[%swap3A_77], %broadcast_in_dim3A_1 {strides = array<i32>} : memref<640xf32, #tpu.memory_space<vmem>>, vector<16xf32>,
    %swap3A_79 = arith.constant 624 : index
    %swap3A_80 = tpu.vector_load %arg28[%swap3A_79] {strides = array<i32>} : memref<640xf32, #tpu.memory_space<vmem>>, vector<16xf32>,
    tpu.vector_store %arg28[%swap3A_79], %broadcast_in_dim3A_1 {strides = array<i32>} : memref<640xf32, #tpu.memory_space<vmem>>, vector<16xf32>,
    %iota3A = tpu.iota {dimensions = array<i32: 0>} : vector<16xi32>
    %scan3A = arith.constant 0 : i32
    %scan3A_81 = arith.constant 0 : i32
    %scan3A_82 = arith.constant 125 : i32
    %scan3A_83 = arith.addi %scan3A_81, %scan3A_82 : i32
    %scan3A_84 = arith.constant 1 : i32
    scf.for %scan3A_86 = %scan3A_81 to %scan3A_83 step %scan3A_84  : i32 {
      %mul3A_87 = arith.constant 10000 : i32
      %mul3A_88 = arith.muli %add3A, %mul3A_87 : i32
      %mul3A_89 = arith.constant 80 : i32
      %mul3A_90 = arith.muli %scan3A_86, %mul3A_89 : i32
      %add3A_91 = arith.addi %mul3A_88, %mul3A_90 : i32
      "tpu.region"() ({
        %run_scoped3A = tpu.sem_alloc : memref<!tpu.dma_semaphore, #tpu.memory_space<semaphore_mem>>
        %dma_start3A_1171 = tpu.memref_slice %arg6[%add3A_91] : memref<320000xi32, #tpu.memory_space<hbm>> -> memref<80xi32, #tpu.memory_space<hbm>>
        %dma_start3A_1172 = tpu.memref_slice %arg6[%add3A_91] : memref<320000xi32, #tpu.memory_space<hbm>> -> memref<80xi32, #tpu.memory_space<hbm>>
        tpu.enqueue_dma source(%dma_start3A_1172 : memref<80xi32, #tpu.memory_space<hbm>>) target(%arg19 : memref<80xi32, #tpu.memory_space<vmem>>) target_semaphore(%run_scoped3A : memref<!tpu.dma_semaphore, #tpu.memory_space<semaphore_mem>>)
        %dma_wait3A_1173 = tpu.memref_slice %arg6[%add3A_91] : memref<320000xi32, #tpu.memory_space<hbm>> -> memref<80xi32, #tpu.memory_space<hbm>>
        %dma_wait3A_1174 = tpu.memref_slice %arg6[%add3A_91] : memref<320000xi32, #tpu.memory_space<hbm>> -> memref<80xi32, #tpu.memory_space<hbm>>
        tpu.wait_dma2 semaphore(%run_scoped3A : memref<!tpu.dma_semaphore, #tpu.memory_space<semaphore_mem>>) src(%dma_wait3A_1174 : memref<80xi32, #tpu.memory_space<hbm>>) dst(%arg19 : memref<80xi32, #tpu.memory_space<vmem>>)
        tpu.yield
      }) : () -> ()
      "tpu.region"() ({
        %run_scoped3A = tpu.sem_alloc : memref<!tpu.dma_semaphore, #tpu.memory_space<semaphore_mem>>
        %dma_start3A_1171 = tpu.memref_slice %arg9[%add3A_91] : memref<320000xi32, #tpu.memory_space<hbm>> -> memref<80xi32, #tpu.memory_space<hbm>>
        %dma_start3A_1172 = tpu.memref_slice %arg9[%add3A_91] : memref<320000xi32, #tpu.memory_space<hbm>> -> memref<80xi32, #tpu.memory_space<hbm>>
        tpu.enqueue_dma source(%dma_start3A_1172 : memref<80xi32, #tpu.memory_space<hbm>>) target(%arg22 : memref<80xi32, #tpu.memory_space<vmem>>) target_semaphore(%run_scoped3A : memref<!tpu.dma_semaphore, #tpu.memory_space<semaphore_mem>>)
        %dma_wait3A_1173 = tpu.memref_slice %arg9[%add3A_91] : memref<320000xi32, #tpu.memory_space<hbm>> -> memref<80xi32, #tpu.memory_space<hbm>>
        %dma_wait3A_1174 = tpu.memref_slice %arg9[%add3A_91] : memref<320000xi32, #tpu.memory_space<hbm>> -> memref<80xi32, #tpu.memory_space<hbm>>
        tpu.wait_dma2 semaphore(%run_scoped3A : memref<!tpu.dma_semaphore, #tpu.memory_space<semaphore_mem>>) src(%dma_wait3A_1174 : memref<80xi32, #tpu.memory_space<hbm>>) dst(%arg22 : memref<80xi32, #tpu.memory_space<vmem>>)
        tpu.yield
      }) : () -> ()
      %dma_start3A = arith.constant 0 : i32
      %dma_start3A_92 = arith.constant 0 : i32
      %dma_start3A_93 = tpu.memref_slice %arg2[%dma_start3A, %dma_start3A_92] : memref<10000x128xf32, #tpu.memory_space<hbm>> -> memref<10000x128xf32, #tpu.memory_space<hbm>>
      tpu.enqueue_indirect_dma source(%dma_start3A_93 : memref<10000x128xf32, #tpu.memory_space<hbm>>) target(%arg26 : memref<80x128xf32, #tpu.memory_space<vmem>>) offsets(%arg19 : memref<80xi32, #tpu.memory_space<vmem>>) semaphore(%arg29 : memref<!tpu.dma_semaphore, #tpu.memory_space<semaphore_mem>>)
      %dma_start3A_94 = arith.constant 0 : i32
      %dma_start3A_95 = arith.constant 0 : i32
      %dma_start3A_96 = tpu.memref_slice %arg2[%dma_start3A_94, %dma_start3A_95] : memref<10000x128xf32, #tpu.memory_space<hbm>> -> memref<10000x128xf32, #tpu.memory_space<hbm>>
      tpu.enqueue_indirect_dma source(%dma_start3A_96 : memref<10000x128xf32, #tpu.memory_space<hbm>>) target(%arg27 : memref<80x128xf32, #tpu.memory_space<vmem>>) offsets(%arg22 : memref<80xi32, #tpu.memory_space<vmem>>) semaphore(%arg30 : memref<!tpu.dma_semaphore, #tpu.memory_space<semaphore_mem>>)
      "tpu.region"() ({
        %run_scoped3A = tpu.sem_alloc : memref<!tpu.dma_semaphore, #tpu.memory_space<semaphore_mem>>
        %dma_start3A_1171 = tpu.memref_slice %arg7[%add3A_91] : memref<320000xi32, #tpu.memory_space<hbm>> -> memref<80xi32, #tpu.memory_space<hbm>>
        %dma_start3A_1172 = tpu.memref_slice %arg7[%add3A_91] : memref<320000xi32, #tpu.memory_space<hbm>> -> memref<80xi32, #tpu.memory_space<hbm>>
        tpu.enqueue_dma source(%dma_start3A_1172 : memref<80xi32, #tpu.memory_space<hbm>>) target(%arg20 : memref<80xi32, #tpu.memory_space<vmem>>) target_semaphore(%run_scoped3A : memref<!tpu.dma_semaphore, #tpu.memory_space<semaphore_mem>>)
        %dma_wait3A_1173 = tpu.memref_slice %arg7[%add3A_91] : memref<320000xi32, #tpu.memory_space<hbm>> -> memref<80xi32, #tpu.memory_space<hbm>>
        %dma_wait3A_1174 = tpu.memref_slice %arg7[%add3A_91] : memref<320000xi32, #tpu.memory_space<hbm>> -> memref<80xi32, #tpu.memory_space<hbm>>
        tpu.wait_dma2 semaphore(%run_scoped3A : memref<!tpu.dma_semaphore, #tpu.memory_space<semaphore_mem>>) src(%dma_wait3A_1174 : memref<80xi32, #tpu.memory_space<hbm>>) dst(%arg20 : memref<80xi32, #tpu.memory_space<vmem>>)
        tpu.yield
      }) : () -> ()
      "tpu.region"() ({
        %run_scoped3A = tpu.sem_alloc : memref<!tpu.dma_semaphore, #tpu.memory_space<semaphore_mem>>
        %dma_start3A_1171 = tpu.memref_slice %arg8[%add3A_91] : memref<320000xi32, #tpu.memory_space<hbm>> -> memref<80xi32, #tpu.memory_space<hbm>>
        %dma_start3A_1172 = tpu.memref_slice %arg8[%add3A_91] : memref<320000xi32, #tpu.memory_space<hbm>> -> memref<80xi32, #tpu.memory_space<hbm>>
        tpu.enqueue_dma source(%dma_start3A_1172 : memref<80xi32, #tpu.memory_space<hbm>>) target(%arg21 : memref<80xi32, #tpu.memory_space<vmem>>) target_semaphore(%run_scoped3A : memref<!tpu.dma_semaphore, #tpu.memory_space<semaphore_mem>>)
        %dma_wait3A_1173 = tpu.memref_slice %arg8[%add3A_91] : memref<320000xi32, #tpu.memory_space<hbm>> -> memref<80xi32, #tpu.memory_space<hbm>>
        %dma_wait3A_1174 = tpu.memref_slice %arg8[%add3A_91] : memref<320000xi32, #tpu.memory_space<hbm>> -> memref<80xi32, #tpu.memory_space<hbm>>
        tpu.wait_dma2 semaphore(%run_scoped3A : memref<!tpu.dma_semaphore, #tpu.memory_space<semaphore_mem>>) src(%dma_wait3A_1174 : memref<80xi32, #tpu.memory_space<hbm>>) dst(%arg21 : memref<80xi32, #tpu.memory_space<vmem>>)
        tpu.yield
      }) : () -> ()
      "tpu.region"() ({
        %run_scoped3A = tpu.sem_alloc : memref<!tpu.dma_semaphore, #tpu.memory_space<semaphore_mem>>
        %dma_start3A_1171 = tpu.memref_slice %arg10[%add3A_91] : memref<320000xf32, #tpu.memory_space<hbm>> -> memref<80xf32, #tpu.memory_space<hbm>>
        %dma_start3A_1172 = tpu.memref_slice %arg10[%add3A_91] : memref<320000xf32, #tpu.memory_space<hbm>> -> memref<80xf32, #tpu.memory_space<hbm>>
        tpu.enqueue_dma source(%dma_start3A_1172 : memref<80xf32, #tpu.memory_space<hbm>>) target(%arg23 : memref<80xf32, #tpu.memory_space<vmem>>) target_semaphore(%run_scoped3A : memref<!tpu.dma_semaphore, #tpu.memory_space<semaphore_mem>>)
        %dma_wait3A_1173 = tpu.memref_slice %arg10[%add3A_91] : memref<320000xf32, #tpu.memory_space<hbm>> -> memref<80xf32, #tpu.memory_space<hbm>>
        %dma_wait3A_1174 = tpu.memref_slice %arg10[%add3A_91] : memref<320000xf32, #tpu.memory_space<hbm>> -> memref<80xf32, #tpu.memory_space<hbm>>
        tpu.wait_dma2 semaphore(%run_scoped3A : memref<!tpu.dma_semaphore, #tpu.memory_space<semaphore_mem>>) src(%dma_wait3A_1174 : memref<80xf32, #tpu.memory_space<hbm>>) dst(%arg23 : memref<80xf32, #tpu.memory_space<vmem>>)
        tpu.yield
      }) : () -> ()
      "tpu.region"() ({
        %run_scoped3A = tpu.sem_alloc : memref<!tpu.dma_semaphore, #tpu.memory_space<semaphore_mem>>
        %dma_start3A_1171 = tpu.memref_slice %arg11[%add3A_91] : memref<320000xf32, #tpu.memory_space<hbm>> -> memref<80xf32, #tpu.memory_space<hbm>>
        %dma_start3A_1172 = tpu.memref_slice %arg11[%add3A_91] : memref<320000xf32, #tpu.memory_space<hbm>> -> memref<80xf32, #tpu.memory_space<hbm>>
        tpu.enqueue_dma source(%dma_start3A_1172 : memref<80xf32, #tpu.memory_space<hbm>>) target(%arg24 : memref<80xf32, #tpu.memory_space<vmem>>) target_semaphore(%run_scoped3A : memref<!tpu.dma_semaphore, #tpu.memory_space<semaphore_mem>>)
        %dma_wait3A_1173 = tpu.memref_slice %arg11[%add3A_91] : memref<320000xf32, #tpu.memory_space<hbm>> -> memref<80xf32, #tpu.memory_space<hbm>>
        %dma_wait3A_1174 = tpu.memref_slice %arg11[%add3A_91] : memref<320000xf32, #tpu.memory_space<hbm>> -> memref<80xf32, #tpu.memory_space<hbm>>
        tpu.wait_dma2 semaphore(%run_scoped3A : memref<!tpu.dma_semaphore, #tpu.memory_space<semaphore_mem>>) src(%dma_wait3A_1174 : memref<80xf32, #tpu.memory_space<hbm>>) dst(%arg24 : memref<80xf32, #tpu.memory_space<vmem>>)
        tpu.yield
      }) : () -> ()
      "tpu.region"() ({
        %run_scoped3A = tpu.sem_alloc : memref<!tpu.dma_semaphore, #tpu.memory_space<semaphore_mem>>
        %dma_start3A_1171 = tpu.memref_slice %arg12[%add3A_91] : memref<320000xf32, #tpu.memory_space<hbm>> -> memref<80xf32, #tpu.memory_space<hbm>>
        %dma_start3A_1172 = tpu.memref_slice %arg12[%add3A_91] : memref<320000xf32, #tpu.memory_space<hbm>> -> memref<80xf32, #tpu.memory_space<hbm>>
        tpu.enqueue_dma source(%dma_start3A_1172 : memref<80xf32, #tpu.memory_space<hbm>>) target(%arg25 : memref<80xf32, #tpu.memory_space<vmem>>) target_semaphore(%run_scoped3A : memref<!tpu.dma_semaphore, #tpu.memory_space<semaphore_mem>>)
        %dma_wait3A_1173 = tpu.memref_slice %arg12[%add3A_91] : memref<320000xf32, #tpu.memory_space<hbm>> -> memref<80xf32, #tpu.memory_space<hbm>>
        %dma_wait3A_1174 = tpu.memref_slice %arg12[%add3A_91] : memref<320000xf32, #tpu.memory_space<hbm>> -> memref<80xf32, #tpu.memory_space<hbm>>
        tpu.wait_dma2 semaphore(%run_scoped3A : memref<!tpu.dma_semaphore, #tpu.memory_space<semaphore_mem>>) src(%dma_wait3A_1174 : memref<80xf32, #tpu.memory_space<hbm>>) dst(%arg25 : memref<80xf32, #tpu.memory_space<vmem>>)
        tpu.yield
      }) : () -> ()
      %get3A = arith.constant 0 : index
      %get3A_97 = tpu.vector_load %arg19[%get3A] {strides = array<i32>} : memref<80xi32, #tpu.memory_space<vmem>>, vector<16xi32>,
      %get3A_98 = arith.constant 0 : index
      %get3A_99 = tpu.vector_load %arg20[%get3A_98] {strides = array<i32>} : memref<80xi32, #tpu.memory_space<vmem>>, vector<16xi32>,
      %get3A_100 = arith.constant 0 : index
      %get3A_101 = tpu.vector_load %arg21[%get3A_100] {strides = array<i32>} : memref<80xi32, #tpu.memory_space<vmem>>, vector<16xi32>,
      %get3A_102 = arith.constant 0 : index
      %get3A_103 = tpu.vector_load %arg22[%get3A_102] {strides = array<i32>} : memref<80xi32, #tpu.memory_space<vmem>>, vector<16xi32>,
      %gather3A = tpu.vector_load_idx %arg16[%get3A_97] : memref<10000xf32, #tpu.memory_space<vmem>>[vector<16xi32>], vector<16xf32>,
      %gather3A_104 = tpu.vector_load_idx %arg17[%get3A_97] : memref<10000xf32, #tpu.memory_space<vmem>>[vector<16xi32>], vector<16xf32>,
      %gather3A_105 = tpu.vector_load_idx %arg18[%get3A_97] : memref<10000xf32, #tpu.memory_space<vmem>>[vector<16xi32>], vector<16xf32>,
      %gather3A_106 = tpu.vector_load_idx %arg16[%get3A_99] : memref<10000xf32, #tpu.memory_space<vmem>>[vector<16xi32>], vector<16xf32>,
      %gather3A_107 = tpu.vector_load_idx %arg17[%get3A_99] : memref<10000xf32, #tpu.memory_space<vmem>>[vector<16xi32>], vector<16xf32>,
      %gather3A_108 = tpu.vector_load_idx %arg18[%get3A_99] : memref<10000xf32, #tpu.memory_space<vmem>>[vector<16xi32>], vector<16xf32>,
      %gather3A_109 = tpu.vector_load_idx %arg16[%get3A_101] : memref<10000xf32, #tpu.memory_space<vmem>>[vector<16xi32>], vector<16xf32>,
      %gather3A_110 = tpu.vector_load_idx %arg17[%get3A_101] : memref<10000xf32, #tpu.memory_space<vmem>>[vector<16xi32>], vector<16xf32>,
      %gather3A_111 = tpu.vector_load_idx %arg18[%get3A_101] : memref<10000xf32, #tpu.memory_space<vmem>>[vector<16xi32>], vector<16xf32>,
      %gather3A_112 = tpu.vector_load_idx %arg16[%get3A_103] : memref<10000xf32, #tpu.memory_space<vmem>>[vector<16xi32>], vector<16xf32>,
      %gather3A_113 = tpu.vector_load_idx %arg17[%get3A_103] : memref<10000xf32, #tpu.memory_space<vmem>>[vector<16xi32>], vector<16xf32>,
      %gather3A_114 = tpu.vector_load_idx %arg18[%get3A_103] : memref<10000xf32, #tpu.memory_space<vmem>>[vector<16xi32>], vector<16xf32>,
      %sub3A = arith.subf %gather3A_106, %gather3A : vector<16xf32>
      %sub3A_115 = arith.subf %gather3A_107, %gather3A_104 : vector<16xf32>
      %sub3A_116 = arith.subf %gather3A_108, %gather3A_105 : vector<16xf32>
      %sub3A_117 = arith.subf %gather3A_109, %gather3A_106 : vector<16xf32>
      %sub3A_118 = arith.subf %gather3A_110, %gather3A_107 : vector<16xf32>
      %sub3A_119 = arith.subf %gather3A_111, %gather3A_108 : vector<16xf32>
      %sub3A_120 = arith.subf %gather3A_112, %gather3A_109 : vector<16xf32>
      %sub3A_121 = arith.subf %gather3A_113, %gather3A_110 : vector<16xf32>
      %sub3A_122 = arith.subf %gather3A_114, %gather3A_111 : vector<16xf32>
      %mul3A_123 = arith.mulf %sub3A_115, %sub3A_119 : vector<16xf32>
      %mul3A_124 = arith.mulf %sub3A_116, %sub3A_118 : vector<16xf32>
      %sub3A_125 = arith.subf %mul3A_123, %mul3A_124 : vector<16xf32>
      %mul3A_126 = arith.mulf %sub3A_116, %sub3A_117 : vector<16xf32>
      %mul3A_127 = arith.mulf %sub3A, %sub3A_119 : vector<16xf32>
      %sub3A_128 = arith.subf %mul3A_126, %mul3A_127 : vector<16xf32>
      %mul3A_129 = arith.mulf %sub3A, %sub3A_118 : vector<16xf32>
      %mul3A_130 = arith.mulf %sub3A_115, %sub3A_117 : vector<16xf32>
      %sub3A_131 = arith.subf %mul3A_129, %mul3A_130 : vector<16xf32>
      %mul3A_132 = arith.mulf %sub3A_118, %sub3A_122 : vector<16xf32>
      %mul3A_133 = arith.mulf %sub3A_119, %sub3A_121 : vector<16xf32>
      %sub3A_134 = arith.subf %mul3A_132, %mul3A_133 : vector<16xf32>
      %mul3A_135 = arith.mulf %sub3A_119, %sub3A_120 : vector<16xf32>
      %mul3A_136 = arith.mulf %sub3A_117, %sub3A_122 : vector<16xf32>
      %sub3A_137 = arith.subf %mul3A_135, %mul3A_136 : vector<16xf32>
      %mul3A_138 = arith.mulf %sub3A_117, %sub3A_121 : vector<16xf32>
      %mul3A_139 = arith.mulf %sub3A_118, %sub3A_120 : vector<16xf32>
      %sub3A_140 = arith.subf %mul3A_138, %mul3A_139 : vector<16xf32>
      %mul3A_141 = arith.mulf %sub3A_125, %sub3A_125 : vector<16xf32>
      %mul3A_142 = arith.mulf %sub3A_128, %sub3A_128 : vector<16xf32>
      %add3A_143 = arith.addf %mul3A_141, %mul3A_142 : vector<16xf32>
      %mul3A_144 = arith.mulf %sub3A_131, %sub3A_131 : vector<16xf32>
      %add3A_145 = arith.addf %add3A_143, %mul3A_144 : vector<16xf32>
      %bitcast3A = vector.bitcast %add3A_145 : vector<16xf32> to vector<16xi32>
      %shift_right_arithmetic3A = arith.constant 1 : i32
      %shift_right_arithmetic3A_146 = vector.broadcast %shift_right_arithmetic3A : i32 to vector<16xi32>
      %shift_right_arithmetic3A_147 = arith.shrsi %bitcast3A, %shift_right_arithmetic3A_146 : vector<16xi32>
      %sub3A_148 = arith.constant 1597463007 : i32
      %sub3A_149 = vector.broadcast %sub3A_148 : i32 to vector<16xi32>
      %sub3A_150 = arith.subi %sub3A_149, %shift_right_arithmetic3A_147 : vector<16xi32>
      %bitcast3A_151 = vector.bitcast %sub3A_150 : vector<16xi32> to vector<16xf32>
      %mul3A_152 = arith.constant 5.000000e-01 : f32
      %mul3A_153 = vector.broadcast %mul3A_152 : f32 to vector<16xf32>
      %mul3A_154 = arith.mulf %add3A_145, %mul3A_153 : vector<16xf32>
      %mul3A_155 = arith.mulf %mul3A_154, %bitcast3A_151 : vector<16xf32>
      %mul3A_156 = arith.mulf %mul3A_155, %bitcast3A_151 : vector<16xf32>
      %sub3A_157 = arith.constant 1.500000e+00 : f32
      %sub3A_158 = vector.broadcast %sub3A_157 : f32 to vector<16xf32>
      %sub3A_159 = arith.subf %sub3A_158, %mul3A_156 : vector<16xf32>
      %mul3A_160 = arith.mulf %bitcast3A_151, %sub3A_159 : vector<16xf32>
      %mul3A_161 = arith.mulf %mul3A_154, %mul3A_160 : vector<16xf32>
      %mul3A_162 = arith.mulf %mul3A_161, %mul3A_160 : vector<16xf32>
      %sub3A_163 = arith.constant 1.500000e+00 : f32
      %sub3A_164 = vector.broadcast %sub3A_163 : f32 to vector<16xf32>
      %sub3A_165 = arith.subf %sub3A_164, %mul3A_162 : vector<16xf32>
      %mul3A_166 = arith.mulf %mul3A_160, %sub3A_165 : vector<16xf32>
      %mul3A_167 = arith.mulf %mul3A_154, %mul3A_166 : vector<16xf32>
      %mul3A_168 = arith.mulf %mul3A_167, %mul3A_166 : vector<16xf32>
      %sub3A_169 = arith.constant 1.500000e+00 : f32
      %sub3A_170 = vector.broadcast %sub3A_169 : f32 to vector<16xf32>
      %sub3A_171 = arith.subf %sub3A_170, %mul3A_168 : vector<16xf32>
      %mul3A_172 = arith.mulf %mul3A_166, %sub3A_171 : vector<16xf32>
      %min3A = arith.constant 1.000000e+06 : f32
      %min3A_173 = vector.broadcast %min3A : f32 to vector<16xf32>
      %min3A_174 = arith.minimumf %mul3A_172, %min3A_173 : vector<16xf32>
      %mul3A_175 = arith.mulf %sub3A_134, %sub3A_134 : vector<16xf32>
      %mul3A_176 = arith.mulf %sub3A_137, %sub3A_137 : vector<16xf32>
      %add3A_177 = arith.addf %mul3A_175, %mul3A_176 : vector<16xf32>
      %mul3A_178 = arith.mulf %sub3A_140, %sub3A_140 : vector<16xf32>
      %add3A_179 = arith.addf %add3A_177, %mul3A_178 : vector<16xf32>
      %bitcast3A_180 = vector.bitcast %add3A_179 : vector<16xf32> to vector<16xi32>
      %shift_right_arithmetic3A_181 = arith.constant 1 : i32
      %shift_right_arithmetic3A_182 = vector.broadcast %shift_right_arithmetic3A_181 : i32 to vector<16xi32>
      %shift_right_arithmetic3A_183 = arith.shrsi %bitcast3A_180, %shift_right_arithmetic3A_182 : vector<16xi32>
      %sub3A_184 = arith.constant 1597463007 : i32
      %sub3A_185 = vector.broadcast %sub3A_184 : i32 to vector<16xi32>
      %sub3A_186 = arith.subi %sub3A_185, %shift_right_arithmetic3A_183 : vector<16xi32>
      %bitcast3A_187 = vector.bitcast %sub3A_186 : vector<16xi32> to vector<16xf32>
      %mul3A_188 = arith.constant 5.000000e-01 : f32
      %mul3A_189 = vector.broadcast %mul3A_188 : f32 to vector<16xf32>
      %mul3A_190 = arith.mulf %add3A_179, %mul3A_189 : vector<16xf32>
      %mul3A_191 = arith.mulf %mul3A_190, %bitcast3A_187 : vector<16xf32>
      %mul3A_192 = arith.mulf %mul3A_191, %bitcast3A_187 : vector<16xf32>
      %sub3A_193 = arith.constant 1.500000e+00 : f32
      %sub3A_194 = vector.broadcast %sub3A_193 : f32 to vector<16xf32>
      %sub3A_195 = arith.subf %sub3A_194, %mul3A_192 : vector<16xf32>
      %mul3A_196 = arith.mulf %bitcast3A_187, %sub3A_195 : vector<16xf32>
      %mul3A_197 = arith.mulf %mul3A_190, %mul3A_196 : vector<16xf32>
      %mul3A_198 = arith.mulf %mul3A_197, %mul3A_196 : vector<16xf32>
      %sub3A_199 = arith.constant 1.500000e+00 : f32
      %sub3A_200 = vector.broadcast %sub3A_199 : f32 to vector<16xf32>
      %sub3A_201 = arith.subf %sub3A_200, %mul3A_198 : vector<16xf32>
      %mul3A_202 = arith.mulf %mul3A_196, %sub3A_201 : vector<16xf32>
      %mul3A_203 = arith.mulf %mul3A_190, %mul3A_202 : vector<16xf32>
      %mul3A_204 = arith.mulf %mul3A_203, %mul3A_202 : vector<16xf32>
      %sub3A_205 = arith.constant 1.500000e+00 : f32
      %sub3A_206 = vector.broadcast %sub3A_205 : f32 to vector<16xf32>
      %sub3A_207 = arith.subf %sub3A_206, %mul3A_204 : vector<16xf32>
      %mul3A_208 = arith.mulf %mul3A_202, %sub3A_207 : vector<16xf32>
      %min3A_209 = arith.constant 1.000000e+06 : f32
      %min3A_210 = vector.broadcast %min3A_209 : f32 to vector<16xf32>
      %min3A_211 = arith.minimumf %mul3A_208, %min3A_210 : vector<16xf32>
      %mul3A_212 = arith.mulf %sub3A_117, %sub3A_117 : vector<16xf32>
      %mul3A_213 = arith.mulf %sub3A_118, %sub3A_118 : vector<16xf32>
      %add3A_214 = arith.addf %mul3A_212, %mul3A_213 : vector<16xf32>
      %mul3A_215 = arith.mulf %sub3A_119, %sub3A_119 : vector<16xf32>
      %add3A_216 = arith.addf %add3A_214, %mul3A_215 : vector<16xf32>
      %bitcast3A_217 = vector.bitcast %add3A_216 : vector<16xf32> to vector<16xi32>
      %shift_right_arithmetic3A_218 = arith.constant 1 : i32
      %shift_right_arithmetic3A_219 = vector.broadcast %shift_right_arithmetic3A_218 : i32 to vector<16xi32>
      %shift_right_arithmetic3A_220 = arith.shrsi %bitcast3A_217, %shift_right_arithmetic3A_219 : vector<16xi32>
      %sub3A_221 = arith.constant 1597463007 : i32
      %sub3A_222 = vector.broadcast %sub3A_221 : i32 to vector<16xi32>
      %sub3A_223 = arith.subi %sub3A_222, %shift_right_arithmetic3A_220 : vector<16xi32>
      %bitcast3A_224 = vector.bitcast %sub3A_223 : vector<16xi32> to vector<16xf32>
      %mul3A_225 = arith.constant 5.000000e-01 : f32
      %mul3A_226 = vector.broadcast %mul3A_225 : f32 to vector<16xf32>
      %mul3A_227 = arith.mulf %add3A_216, %mul3A_226 : vector<16xf32>
      %mul3A_228 = arith.mulf %mul3A_227, %bitcast3A_224 : vector<16xf32>
      %mul3A_229 = arith.mulf %mul3A_228, %bitcast3A_224 : vector<16xf32>
      %sub3A_230 = arith.constant 1.500000e+00 : f32
      %sub3A_231 = vector.broadcast %sub3A_230 : f32 to vector<16xf32>
      %sub3A_232 = arith.subf %sub3A_231, %mul3A_229 : vector<16xf32>
      %mul3A_233 = arith.mulf %bitcast3A_224, %sub3A_232 : vector<16xf32>
      %mul3A_234 = arith.mulf %mul3A_227, %mul3A_233 : vector<16xf32>
      %mul3A_235 = arith.mulf %mul3A_234, %mul3A_233 : vector<16xf32>
      %sub3A_236 = arith.constant 1.500000e+00 : f32
      %sub3A_237 = vector.broadcast %sub3A_236 : f32 to vector<16xf32>
      %sub3A_238 = arith.subf %sub3A_237, %mul3A_235 : vector<16xf32>
      %mul3A_239 = arith.mulf %mul3A_233, %sub3A_238 : vector<16xf32>
      %mul3A_240 = arith.mulf %mul3A_227, %mul3A_239 : vector<16xf32>
      %mul3A_241 = arith.mulf %mul3A_240, %mul3A_239 : vector<16xf32>
      %sub3A_242 = arith.constant 1.500000e+00 : f32
      %sub3A_243 = vector.broadcast %sub3A_242 : f32 to vector<16xf32>
      %sub3A_244 = arith.subf %sub3A_243, %mul3A_241 : vector<16xf32>
      %mul3A_245 = arith.mulf %mul3A_239, %sub3A_244 : vector<16xf32>
      %min3A_246 = arith.constant 1.000000e+06 : f32
      %min3A_247 = vector.broadcast %min3A_246 : f32 to vector<16xf32>
      %min3A_248 = arith.minimumf %mul3A_245, %min3A_247 : vector<16xf32>
      %mul3A_249 = arith.mulf %sub3A_125, %sub3A_134 : vector<16xf32>
      %mul3A_250 = arith.mulf %sub3A_128, %sub3A_137 : vector<16xf32>
      %add3A_251 = arith.addf %mul3A_249, %mul3A_250 : vector<16xf32>
      %mul3A_252 = arith.mulf %sub3A_131, %sub3A_140 : vector<16xf32>
      %add3A_253 = arith.addf %add3A_251, %mul3A_252 : vector<16xf32>
      %mul3A_254 = arith.mulf %min3A_174, %min3A_211 : vector<16xf32>
      %mul3A_255 = arith.mulf %add3A_253, %mul3A_254 : vector<16xf32>
      %jit3A = arith.constant -1.000000e+00 : f32
      %jit3A_256 = arith.constant 1.000000e+00 : f32
      %max3A = vector.broadcast %jit3A : f32 to vector<16xf32>
      %max3A_257 = arith.maximumf %max3A, %mul3A_255 : vector<16xf32>
      %min3A_258 = vector.broadcast %jit3A_256 : f32 to vector<16xf32>
      %min3A_259 = arith.minimumf %min3A_258, %max3A_257 : vector<16xf32>
      %mul3A_260 = arith.mulf %sub3A_128, %sub3A_119 : vector<16xf32>
      %mul3A_261 = arith.mulf %sub3A_131, %sub3A_118 : vector<16xf32>
      %sub3A_262 = arith.subf %mul3A_260, %mul3A_261 : vector<16xf32>
      %mul3A_263 = arith.mulf %sub3A_131, %sub3A_117 : vector<16xf32>
      %mul3A_264 = arith.mulf %sub3A_125, %sub3A_119 : vector<16xf32>
      %sub3A_265 = arith.subf %mul3A_263, %mul3A_264 : vector<16xf32>
      %mul3A_266 = arith.mulf %sub3A_125, %sub3A_118 : vector<16xf32>
      %mul3A_267 = arith.mulf %sub3A_128, %sub3A_117 : vector<16xf32>
      %sub3A_268 = arith.subf %mul3A_266, %mul3A_267 : vector<16xf32>
      %mul3A_269 = arith.mulf %sub3A_262, %sub3A_134 : vector<16xf32>
      %mul3A_270 = arith.mulf %sub3A_265, %sub3A_137 : vector<16xf32>
      %add3A_271 = arith.addf %mul3A_269, %mul3A_270 : vector<16xf32>
      %mul3A_272 = arith.mulf %sub3A_268, %sub3A_140 : vector<16xf32>
      %add3A_273 = arith.addf %add3A_271, %mul3A_272 : vector<16xf32>
      %mul3A_274 = arith.mulf %min3A_174, %min3A_248 : vector<16xf32>
      %mul3A_275 = arith.mulf %mul3A_274, %min3A_211 : vector<16xf32>
      %mul3A_276 = arith.mulf %add3A_273, %mul3A_275 : vector<16xf32>
      %mul3A_277 = arith.constant 8 : i32
      %mul3A_278 = vector.broadcast %mul3A_277 : i32 to vector<16xi32>
      %mul3A_279 = arith.muli %iota3A, %mul3A_278 : vector<16xi32>
      %add3A_280 = arith.constant 0 : i32
      %add3A_281 = vector.broadcast %add3A_280 : i32 to vector<16xi32>
      %add3A_282 = arith.addi %mul3A_279, %add3A_281 : vector<16xi32>
      %add3A_283 = arith.constant 0 : i32
      %add3A_284 = vector.broadcast %add3A_283 : i32 to vector<16xi32>
      %add3A_285 = arith.addi %add3A_282, %add3A_284 : vector<16xi32>
      %get3A_286 = arith.constant 0 : index
      %get3A_287 = tpu.vector_load %arg23[%get3A_286] {strides = array<i32>} : memref<80xf32, #tpu.memory_space<vmem>>, vector<16xf32>,
      tpu.vector_store_idx %arg28[%add3A_285], %get3A_287 : memref<640xf32, #tpu.memory_space<vmem>>[vector<16xi32>], vector<16xf32>,
      %add3A_288 = arith.constant 1 : i32
      %add3A_289 = vector.broadcast %add3A_288 : i32 to vector<16xi32>
      %add3A_290 = arith.addi %add3A_282, %add3A_289 : vector<16xi32>
      %get3A_291 = arith.constant 0 : index
      %get3A_292 = tpu.vector_load %arg24[%get3A_291] {strides = array<i32>} : memref<80xf32, #tpu.memory_space<vmem>>, vector<16xf32>,
      tpu.vector_store_idx %arg28[%add3A_290], %get3A_292 : memref<640xf32, #tpu.memory_space<vmem>>[vector<16xi32>], vector<16xf32>,
      %add3A_293 = arith.constant 2 : i32
      %add3A_294 = vector.broadcast %add3A_293 : i32 to vector<16xi32>
      %add3A_295 = arith.addi %add3A_282, %add3A_294 : vector<16xi32>
      %get3A_296 = arith.constant 0 : index
      %get3A_297 = tpu.vector_load %arg25[%get3A_296] {strides = array<i32>} : memref<80xf32, #tpu.memory_space<vmem>>, vector<16xf32>,
      tpu.vector_store_idx %arg28[%add3A_295], %get3A_297 : memref<640xf32, #tpu.memory_space<vmem>>[vector<16xi32>], vector<16xf32>,
      %add3A_298 = arith.constant 3 : i32
      %add3A_299 = vector.broadcast %add3A_298 : i32 to vector<16xi32>
      %add3A_300 = arith.addi %add3A_282, %add3A_299 : vector<16xi32>
      tpu.vector_store_idx %arg28[%add3A_300], %min3A_259 : memref<640xf32, #tpu.memory_space<vmem>>[vector<16xi32>], vector<16xf32>,
      %add3A_301 = arith.constant 4 : i32
      %add3A_302 = vector.broadcast %add3A_301 : i32 to vector<16xi32>
      %add3A_303 = arith.addi %add3A_282, %add3A_302 : vector<16xi32>
      tpu.vector_store_idx %arg28[%add3A_303], %mul3A_276 : memref<640xf32, #tpu.memory_space<vmem>>[vector<16xi32>], vector<16xf32>,
      %get3A_304 = arith.constant 16 : index
      %get3A_305 = tpu.vector_load %arg19[%get3A_304] {strides = array<i32>} : memref<80xi32, #tpu.memory_space<vmem>>, vector<16xi32>,
      %get3A_306 = arith.constant 16 : index
      %get3A_307 = tpu.vector_load %arg20[%get3A_306] {strides = array<i32>} : memref<80xi32, #tpu.memory_space<vmem>>, vector<16xi32>,
      %get3A_308 = arith.constant 16 : index
      %get3A_309 = tpu.vector_load %arg21[%get3A_308] {strides = array<i32>} : memref<80xi32, #tpu.memory_space<vmem>>, vector<16xi32>,
      %get3A_310 = arith.constant 16 : index
      %get3A_311 = tpu.vector_load %arg22[%get3A_310] {strides = array<i32>} : memref<80xi32, #tpu.memory_space<vmem>>, vector<16xi32>,
      %gather3A_312 = tpu.vector_load_idx %arg16[%get3A_305] : memref<10000xf32, #tpu.memory_space<vmem>>[vector<16xi32>], vector<16xf32>,
      %gather3A_313 = tpu.vector_load_idx %arg17[%get3A_305] : memref<10000xf32, #tpu.memory_space<vmem>>[vector<16xi32>], vector<16xf32>,
      %gather3A_314 = tpu.vector_load_idx %arg18[%get3A_305] : memref<10000xf32, #tpu.memory_space<vmem>>[vector<16xi32>], vector<16xf32>,
      %gather3A_315 = tpu.vector_load_idx %arg16[%get3A_307] : memref<10000xf32, #tpu.memory_space<vmem>>[vector<16xi32>], vector<16xf32>,
      %gather3A_316 = tpu.vector_load_idx %arg17[%get3A_307] : memref<10000xf32, #tpu.memory_space<vmem>>[vector<16xi32>], vector<16xf32>,
      %gather3A_317 = tpu.vector_load_idx %arg18[%get3A_307] : memref<10000xf32, #tpu.memory_space<vmem>>[vector<16xi32>], vector<16xf32>,
      %gather3A_318 = tpu.vector_load_idx %arg16[%get3A_309] : memref<10000xf32, #tpu.memory_space<vmem>>[vector<16xi32>], vector<16xf32>,
      %gather3A_319 = tpu.vector_load_idx %arg17[%get3A_309] : memref<10000xf32, #tpu.memory_space<vmem>>[vector<16xi32>], vector<16xf32>,
      %gather3A_320 = tpu.vector_load_idx %arg18[%get3A_309] : memref<10000xf32, #tpu.memory_space<vmem>>[vector<16xi32>], vector<16xf32>,
      %gather3A_321 = tpu.vector_load_idx %arg16[%get3A_311] : memref<10000xf32, #tpu.memory_space<vmem>>[vector<16xi32>], vector<16xf32>,
      %gather3A_322 = tpu.vector_load_idx %arg17[%get3A_311] : memref<10000xf32, #tpu.memory_space<vmem>>[vector<16xi32>], vector<16xf32>,
      %gather3A_323 = tpu.vector_load_idx %arg18[%get3A_311] : memref<10000xf32, #tpu.memory_space<vmem>>[vector<16xi32>], vector<16xf32>,
      %sub3A_324 = arith.subf %gather3A_315, %gather3A_312 : vector<16xf32>
      %sub3A_325 = arith.subf %gather3A_316, %gather3A_313 : vector<16xf32>
      %sub3A_326 = arith.subf %gather3A_317, %gather3A_314 : vector<16xf32>
      %sub3A_327 = arith.subf %gather3A_318, %gather3A_315 : vector<16xf32>
      %sub3A_328 = arith.subf %gather3A_319, %gather3A_316 : vector<16xf32>
      %sub3A_329 = arith.subf %gather3A_320, %gather3A_317 : vector<16xf32>
      %sub3A_330 = arith.subf %gather3A_321, %gather3A_318 : vector<16xf32>
      %sub3A_331 = arith.subf %gather3A_322, %gather3A_319 : vector<16xf32>
      %sub3A_332 = arith.subf %gather3A_323, %gather3A_320 : vector<16xf32>
      %mul3A_333 = arith.mulf %sub3A_325, %sub3A_329 : vector<16xf32>
      %mul3A_334 = arith.mulf %sub3A_326, %sub3A_328 : vector<16xf32>
      %sub3A_335 = arith.subf %mul3A_333, %mul3A_334 : vector<16xf32>
      %mul3A_336 = arith.mulf %sub3A_326, %sub3A_327 : vector<16xf32>
      %mul3A_337 = arith.mulf %sub3A_324, %sub3A_329 : vector<16xf32>
      %sub3A_338 = arith.subf %mul3A_336, %mul3A_337 : vector<16xf32>
      %mul3A_339 = arith.mulf %sub3A_324, %sub3A_328 : vector<16xf32>
      %mul3A_340 = arith.mulf %sub3A_325, %sub3A_327 : vector<16xf32>
      %sub3A_341 = arith.subf %mul3A_339, %mul3A_340 : vector<16xf32>
      %mul3A_342 = arith.mulf %sub3A_328, %sub3A_332 : vector<16xf32>
      %mul3A_343 = arith.mulf %sub3A_329, %sub3A_331 : vector<16xf32>
      %sub3A_344 = arith.subf %mul3A_342, %mul3A_343 : vector<16xf32>
      %mul3A_345 = arith.mulf %sub3A_329, %sub3A_330 : vector<16xf32>
      %mul3A_346 = arith.mulf %sub3A_327, %sub3A_332 : vector<16xf32>
      %sub3A_347 = arith.subf %mul3A_345, %mul3A_346 : vector<16xf32>
      %mul3A_348 = arith.mulf %sub3A_327, %sub3A_331 : vector<16xf32>
      %mul3A_349 = arith.mulf %sub3A_328, %sub3A_330 : vector<16xf32>
      %sub3A_350 = arith.subf %mul3A_348, %mul3A_349 : vector<16xf32>
      %mul3A_351 = arith.mulf %sub3A_335, %sub3A_335 : vector<16xf32>
      %mul3A_352 = arith.mulf %sub3A_338, %sub3A_338 : vector<16xf32>
      %add3A_353 = arith.addf %mul3A_351, %mul3A_352 : vector<16xf32>
      %mul3A_354 = arith.mulf %sub3A_341, %sub3A_341 : vector<16xf32>
      %add3A_355 = arith.addf %add3A_353, %mul3A_354 : vector<16xf32>
      %bitcast3A_356 = vector.bitcast %add3A_355 : vector<16xf32> to vector<16xi32>
      %shift_right_arithmetic3A_357 = arith.constant 1 : i32
      %shift_right_arithmetic3A_358 = vector.broadcast %shift_right_arithmetic3A_357 : i32 to vector<16xi32>
      %shift_right_arithmetic3A_359 = arith.shrsi %bitcast3A_356, %shift_right_arithmetic3A_358 : vector<16xi32>
      %sub3A_360 = arith.constant 1597463007 : i32
      %sub3A_361 = vector.broadcast %sub3A_360 : i32 to vector<16xi32>
      %sub3A_362 = arith.subi %sub3A_361, %shift_right_arithmetic3A_359 : vector<16xi32>
      %bitcast3A_363 = vector.bitcast %sub3A_362 : vector<16xi32> to vector<16xf32>
      %mul3A_364 = arith.constant 5.000000e-01 : f32
      %mul3A_365 = vector.broadcast %mul3A_364 : f32 to vector<16xf32>
      %mul3A_366 = arith.mulf %add3A_355, %mul3A_365 : vector<16xf32>
      %mul3A_367 = arith.mulf %mul3A_366, %bitcast3A_363 : vector<16xf32>
      %mul3A_368 = arith.mulf %mul3A_367, %bitcast3A_363 : vector<16xf32>
      %sub3A_369 = arith.constant 1.500000e+00 : f32
      %sub3A_370 = vector.broadcast %sub3A_369 : f32 to vector<16xf32>
      %sub3A_371 = arith.subf %sub3A_370, %mul3A_368 : vector<16xf32>
      %mul3A_372 = arith.mulf %bitcast3A_363, %sub3A_371 : vector<16xf32>
      %mul3A_373 = arith.mulf %mul3A_366, %mul3A_372 : vector<16xf32>
      %mul3A_374 = arith.mulf %mul3A_373, %mul3A_372 : vector<16xf32>
      %sub3A_375 = arith.constant 1.500000e+00 : f32
      %sub3A_376 = vector.broadcast %sub3A_375 : f32 to vector<16xf32>
      %sub3A_377 = arith.subf %sub3A_376, %mul3A_374 : vector<16xf32>
      %mul3A_378 = arith.mulf %mul3A_372, %sub3A_377 : vector<16xf32>
      %mul3A_379 = arith.mulf %mul3A_366, %mul3A_378 : vector<16xf32>
      %mul3A_380 = arith.mulf %mul3A_379, %mul3A_378 : vector<16xf32>
      %sub3A_381 = arith.constant 1.500000e+00 : f32
      %sub3A_382 = vector.broadcast %sub3A_381 : f32 to vector<16xf32>
      %sub3A_383 = arith.subf %sub3A_382, %mul3A_380 : vector<16xf32>
      %mul3A_384 = arith.mulf %mul3A_378, %sub3A_383 : vector<16xf32>
      %min3A_385 = arith.constant 1.000000e+06 : f32
      %min3A_386 = vector.broadcast %min3A_385 : f32 to vector<16xf32>
      %min3A_387 = arith.minimumf %mul3A_384, %min3A_386 : vector<16xf32>
      %mul3A_388 = arith.mulf %sub3A_344, %sub3A_344 : vector<16xf32>
      %mul3A_389 = arith.mulf %sub3A_347, %sub3A_347 : vector<16xf32>
      %add3A_390 = arith.addf %mul3A_388, %mul3A_389 : vector<16xf32>
      %mul3A_391 = arith.mulf %sub3A_350, %sub3A_350 : vector<16xf32>
      %add3A_392 = arith.addf %add3A_390, %mul3A_391 : vector<16xf32>
      %bitcast3A_393 = vector.bitcast %add3A_392 : vector<16xf32> to vector<16xi32>
      %shift_right_arithmetic3A_394 = arith.constant 1 : i32
      %shift_right_arithmetic3A_395 = vector.broadcast %shift_right_arithmetic3A_394 : i32 to vector<16xi32>
      %shift_right_arithmetic3A_396 = arith.shrsi %bitcast3A_393, %shift_right_arithmetic3A_395 : vector<16xi32>
      %sub3A_397 = arith.constant 1597463007 : i32
      %sub3A_398 = vector.broadcast %sub3A_397 : i32 to vector<16xi32>
      %sub3A_399 = arith.subi %sub3A_398, %shift_right_arithmetic3A_396 : vector<16xi32>
      %bitcast3A_400 = vector.bitcast %sub3A_399 : vector<16xi32> to vector<16xf32>
      %mul3A_401 = arith.constant 5.000000e-01 : f32
      %mul3A_402 = vector.broadcast %mul3A_401 : f32 to vector<16xf32>
      %mul3A_403 = arith.mulf %add3A_392, %mul3A_402 : vector<16xf32>
      %mul3A_404 = arith.mulf %mul3A_403, %bitcast3A_400 : vector<16xf32>
      %mul3A_405 = arith.mulf %mul3A_404, %bitcast3A_400 : vector<16xf32>
      %sub3A_406 = arith.constant 1.500000e+00 : f32
      %sub3A_407 = vector.broadcast %sub3A_406 : f32 to vector<16xf32>
      %sub3A_408 = arith.subf %sub3A_407, %mul3A_405 : vector<16xf32>
      %mul3A_409 = arith.mulf %bitcast3A_400, %sub3A_408 : vector<16xf32>
      %mul3A_410 = arith.mulf %mul3A_403, %mul3A_409 : vector<16xf32>
      %mul3A_411 = arith.mulf %mul3A_410, %mul3A_409 : vector<16xf32>
      %sub3A_412 = arith.constant 1.500000e+00 : f32
      %sub3A_413 = vector.broadcast %sub3A_412 : f32 to vector<16xf32>
      %sub3A_414 = arith.subf %sub3A_413, %mul3A_411 : vector<16xf32>
      %mul3A_415 = arith.mulf %mul3A_409, %sub3A_414 : vector<16xf32>
      %mul3A_416 = arith.mulf %mul3A_403, %mul3A_415 : vector<16xf32>
      %mul3A_417 = arith.mulf %mul3A_416, %mul3A_415 : vector<16xf32>
      %sub3A_418 = arith.constant 1.500000e+00 : f32
      %sub3A_419 = vector.broadcast %sub3A_418 : f32 to vector<16xf32>
      %sub3A_420 = arith.subf %sub3A_419, %mul3A_417 : vector<16xf32>
      %mul3A_421 = arith.mulf %mul3A_415, %sub3A_420 : vector<16xf32>
      %min3A_422 = arith.constant 1.000000e+06 : f32
      %min3A_423 = vector.broadcast %min3A_422 : f32 to vector<16xf32>
      %min3A_424 = arith.minimumf %mul3A_421, %min3A_423 : vector<16xf32>
      %mul3A_425 = arith.mulf %sub3A_327, %sub3A_327 : vector<16xf32>
      %mul3A_426 = arith.mulf %sub3A_328, %sub3A_328 : vector<16xf32>
      %add3A_427 = arith.addf %mul3A_425, %mul3A_426 : vector<16xf32>
      %mul3A_428 = arith.mulf %sub3A_329, %sub3A_329 : vector<16xf32>
      %add3A_429 = arith.addf %add3A_427, %mul3A_428 : vector<16xf32>
      %bitcast3A_430 = vector.bitcast %add3A_429 : vector<16xf32> to vector<16xi32>
      %shift_right_arithmetic3A_431 = arith.constant 1 : i32
      %shift_right_arithmetic3A_432 = vector.broadcast %shift_right_arithmetic3A_431 : i32 to vector<16xi32>
      %shift_right_arithmetic3A_433 = arith.shrsi %bitcast3A_430, %shift_right_arithmetic3A_432 : vector<16xi32>
      %sub3A_434 = arith.constant 1597463007 : i32
      %sub3A_435 = vector.broadcast %sub3A_434 : i32 to vector<16xi32>
      %sub3A_436 = arith.subi %sub3A_435, %shift_right_arithmetic3A_433 : vector<16xi32>
      %bitcast3A_437 = vector.bitcast %sub3A_436 : vector<16xi32> to vector<16xf32>
      %mul3A_438 = arith.constant 5.000000e-01 : f32
      %mul3A_439 = vector.broadcast %mul3A_438 : f32 to vector<16xf32>
      %mul3A_440 = arith.mulf %add3A_429, %mul3A_439 : vector<16xf32>
      %mul3A_441 = arith.mulf %mul3A_440, %bitcast3A_437 : vector<16xf32>
      %mul3A_442 = arith.mulf %mul3A_441, %bitcast3A_437 : vector<16xf32>
      %sub3A_443 = arith.constant 1.500000e+00 : f32
      %sub3A_444 = vector.broadcast %sub3A_443 : f32 to vector<16xf32>
      %sub3A_445 = arith.subf %sub3A_444, %mul3A_442 : vector<16xf32>
      %mul3A_446 = arith.mulf %bitcast3A_437, %sub3A_445 : vector<16xf32>
      %mul3A_447 = arith.mulf %mul3A_440, %mul3A_446 : vector<16xf32>
      %mul3A_448 = arith.mulf %mul3A_447, %mul3A_446 : vector<16xf32>
      %sub3A_449 = arith.constant 1.500000e+00 : f32
      %sub3A_450 = vector.broadcast %sub3A_449 : f32 to vector<16xf32>
      %sub3A_451 = arith.subf %sub3A_450, %mul3A_448 : vector<16xf32>
      %mul3A_452 = arith.mulf %mul3A_446, %sub3A_451 : vector<16xf32>
      %mul3A_453 = arith.mulf %mul3A_440, %mul3A_452 : vector<16xf32>
      %mul3A_454 = arith.mulf %mul3A_453, %mul3A_452 : vector<16xf32>
      %sub3A_455 = arith.constant 1.500000e+00 : f32
      %sub3A_456 = vector.broadcast %sub3A_455 : f32 to vector<16xf32>
      %sub3A_457 = arith.subf %sub3A_456, %mul3A_454 : vector<16xf32>
      %mul3A_458 = arith.mulf %mul3A_452, %sub3A_457 : vector<16xf32>
      %min3A_459 = arith.constant 1.000000e+06 : f32
      %min3A_460 = vector.broadcast %min3A_459 : f32 to vector<16xf32>
      %min3A_461 = arith.minimumf %mul3A_458, %min3A_460 : vector<16xf32>
      %mul3A_462 = arith.mulf %sub3A_335, %sub3A_344 : vector<16xf32>
      %mul3A_463 = arith.mulf %sub3A_338, %sub3A_347 : vector<16xf32>
      %add3A_464 = arith.addf %mul3A_462, %mul3A_463 : vector<16xf32>
      %mul3A_465 = arith.mulf %sub3A_341, %sub3A_350 : vector<16xf32>
      %add3A_466 = arith.addf %add3A_464, %mul3A_465 : vector<16xf32>
      %mul3A_467 = arith.mulf %min3A_387, %min3A_424 : vector<16xf32>
      %mul3A_468 = arith.mulf %add3A_466, %mul3A_467 : vector<16xf32>
      %jit3A_469 = arith.constant -1.000000e+00 : f32
      %jit3A_470 = arith.constant 1.000000e+00 : f32
      %max3A_471 = vector.broadcast %jit3A_469 : f32 to vector<16xf32>
      %max3A_472 = arith.maximumf %max3A_471, %mul3A_468 : vector<16xf32>
      %min3A_473 = vector.broadcast %jit3A_470 : f32 to vector<16xf32>
      %min3A_474 = arith.minimumf %min3A_473, %max3A_472 : vector<16xf32>
      %mul3A_475 = arith.mulf %sub3A_338, %sub3A_329 : vector<16xf32>
      %mul3A_476 = arith.mulf %sub3A_341, %sub3A_328 : vector<16xf32>
      %sub3A_477 = arith.subf %mul3A_475, %mul3A_476 : vector<16xf32>
      %mul3A_478 = arith.mulf %sub3A_341, %sub3A_327 : vector<16xf32>
      %mul3A_479 = arith.mulf %sub3A_335, %sub3A_329 : vector<16xf32>
      %sub3A_480 = arith.subf %mul3A_478, %mul3A_479 : vector<16xf32>
      %mul3A_481 = arith.mulf %sub3A_335, %sub3A_328 : vector<16xf32>
      %mul3A_482 = arith.mulf %sub3A_338, %sub3A_327 : vector<16xf32>
      %sub3A_483 = arith.subf %mul3A_481, %mul3A_482 : vector<16xf32>
      %mul3A_484 = arith.mulf %sub3A_477, %sub3A_344 : vector<16xf32>
      %mul3A_485 = arith.mulf %sub3A_480, %sub3A_347 : vector<16xf32>
      %add3A_486 = arith.addf %mul3A_484, %mul3A_485 : vector<16xf32>
      %mul3A_487 = arith.mulf %sub3A_483, %sub3A_350 : vector<16xf32>
      %add3A_488 = arith.addf %add3A_486, %mul3A_487 : vector<16xf32>
      %mul3A_489 = arith.mulf %min3A_387, %min3A_461 : vector<16xf32>
      %mul3A_490 = arith.mulf %mul3A_489, %min3A_424 : vector<16xf32>
      %mul3A_491 = arith.mulf %add3A_488, %mul3A_490 : vector<16xf32>
      %mul3A_492 = arith.constant 8 : i32
      %mul3A_493 = vector.broadcast %mul3A_492 : i32 to vector<16xi32>
      %mul3A_494 = arith.muli %iota3A, %mul3A_493 : vector<16xi32>
      %add3A_495 = arith.constant 128 : i32
      %add3A_496 = vector.broadcast %add3A_495 : i32 to vector<16xi32>
      %add3A_497 = arith.addi %mul3A_494, %add3A_496 : vector<16xi32>
      %add3A_498 = arith.constant 0 : i32
      %add3A_499 = vector.broadcast %add3A_498 : i32 to vector<16xi32>
      %add3A_500 = arith.addi %add3A_497, %add3A_499 : vector<16xi32>
      %get3A_501 = arith.constant 16 : index
      %get3A_502 = tpu.vector_load %arg23[%get3A_501] {strides = array<i32>} : memref<80xf32, #tpu.memory_space<vmem>>, vector<16xf32>,
      tpu.vector_store_idx %arg28[%add3A_500], %get3A_502 : memref<640xf32, #tpu.memory_space<vmem>>[vector<16xi32>], vector<16xf32>,
      %add3A_503 = arith.constant 1 : i32
      %add3A_504 = vector.broadcast %add3A_503 : i32 to vector<16xi32>
      %add3A_505 = arith.addi %add3A_497, %add3A_504 : vector<16xi32>
      %get3A_506 = arith.constant 16 : index
      %get3A_507 = tpu.vector_load %arg24[%get3A_506] {strides = array<i32>} : memref<80xf32, #tpu.memory_space<vmem>>, vector<16xf32>,
      tpu.vector_store_idx %arg28[%add3A_505], %get3A_507 : memref<640xf32, #tpu.memory_space<vmem>>[vector<16xi32>], vector<16xf32>,
      %add3A_508 = arith.constant 2 : i32
      %add3A_509 = vector.broadcast %add3A_508 : i32 to vector<16xi32>
      %add3A_510 = arith.addi %add3A_497, %add3A_509 : vector<16xi32>
      %get3A_511 = arith.constant 16 : index
      %get3A_512 = tpu.vector_load %arg25[%get3A_511] {strides = array<i32>} : memref<80xf32, #tpu.memory_space<vmem>>, vector<16xf32>,
      tpu.vector_store_idx %arg28[%add3A_510], %get3A_512 : memref<640xf32, #tpu.memory_space<vmem>>[vector<16xi32>], vector<16xf32>,
      %add3A_513 = arith.constant 3 : i32
      %add3A_514 = vector.broadcast %add3A_513 : i32 to vector<16xi32>
      %add3A_515 = arith.addi %add3A_497, %add3A_514 : vector<16xi32>
      tpu.vector_store_idx %arg28[%add3A_515], %min3A_474 : memref<640xf32, #tpu.memory_space<vmem>>[vector<16xi32>], vector<16xf32>,
      %add3A_516 = arith.constant 4 : i32
      %add3A_517 = vector.broadcast %add3A_516 : i32 to vector<16xi32>
      %add3A_518 = arith.addi %add3A_497, %add3A_517 : vector<16xi32>
      tpu.vector_store_idx %arg28[%add3A_518], %mul3A_491 : memref<640xf32, #tpu.memory_space<vmem>>[vector<16xi32>], vector<16xf32>,
      %get3A_519 = arith.constant 32 : index
      %get3A_520 = tpu.vector_load %arg19[%get3A_519] {strides = array<i32>} : memref<80xi32, #tpu.memory_space<vmem>>, vector<16xi32>,
      %get3A_521 = arith.constant 32 : index
      %get3A_522 = tpu.vector_load %arg20[%get3A_521] {strides = array<i32>} : memref<80xi32, #tpu.memory_space<vmem>>, vector<16xi32>,
      %get3A_523 = arith.constant 32 : index
      %get3A_524 = tpu.vector_load %arg21[%get3A_523] {strides = array<i32>} : memref<80xi32, #tpu.memory_space<vmem>>, vector<16xi32>,
      %get3A_525 = arith.constant 32 : index
      %get3A_526 = tpu.vector_load %arg22[%get3A_525] {strides = array<i32>} : memref<80xi32, #tpu.memory_space<vmem>>, vector<16xi32>,
      %gather3A_527 = tpu.vector_load_idx %arg16[%get3A_520] : memref<10000xf32, #tpu.memory_space<vmem>>[vector<16xi32>], vector<16xf32>,
      %gather3A_528 = tpu.vector_load_idx %arg17[%get3A_520] : memref<10000xf32, #tpu.memory_space<vmem>>[vector<16xi32>], vector<16xf32>,
      %gather3A_529 = tpu.vector_load_idx %arg18[%get3A_520] : memref<10000xf32, #tpu.memory_space<vmem>>[vector<16xi32>], vector<16xf32>,
      %gather3A_530 = tpu.vector_load_idx %arg16[%get3A_522] : memref<10000xf32, #tpu.memory_space<vmem>>[vector<16xi32>], vector<16xf32>,
      %gather3A_531 = tpu.vector_load_idx %arg17[%get3A_522] : memref<10000xf32, #tpu.memory_space<vmem>>[vector<16xi32>], vector<16xf32>,
      %gather3A_532 = tpu.vector_load_idx %arg18[%get3A_522] : memref<10000xf32, #tpu.memory_space<vmem>>[vector<16xi32>], vector<16xf32>,
      %gather3A_533 = tpu.vector_load_idx %arg16[%get3A_524] : memref<10000xf32, #tpu.memory_space<vmem>>[vector<16xi32>], vector<16xf32>,
      %gather3A_534 = tpu.vector_load_idx %arg17[%get3A_524] : memref<10000xf32, #tpu.memory_space<vmem>>[vector<16xi32>], vector<16xf32>,
      %gather3A_535 = tpu.vector_load_idx %arg18[%get3A_524] : memref<10000xf32, #tpu.memory_space<vmem>>[vector<16xi32>], vector<16xf32>,
      %gather3A_536 = tpu.vector_load_idx %arg16[%get3A_526] : memref<10000xf32, #tpu.memory_space<vmem>>[vector<16xi32>], vector<16xf32>,
      %gather3A_537 = tpu.vector_load_idx %arg17[%get3A_526] : memref<10000xf32, #tpu.memory_space<vmem>>[vector<16xi32>], vector<16xf32>,
      %gather3A_538 = tpu.vector_load_idx %arg18[%get3A_526] : memref<10000xf32, #tpu.memory_space<vmem>>[vector<16xi32>], vector<16xf32>,
      %sub3A_539 = arith.subf %gather3A_530, %gather3A_527 : vector<16xf32>
      %sub3A_540 = arith.subf %gather3A_531, %gather3A_528 : vector<16xf32>
      %sub3A_541 = arith.subf %gather3A_532, %gather3A_529 : vector<16xf32>
      %sub3A_542 = arith.subf %gather3A_533, %gather3A_530 : vector<16xf32>
      %sub3A_543 = arith.subf %gather3A_534, %gather3A_531 : vector<16xf32>
      %sub3A_544 = arith.subf %gather3A_535, %gather3A_532 : vector<16xf32>
      %sub3A_545 = arith.subf %gather3A_536, %gather3A_533 : vector<16xf32>
      %sub3A_546 = arith.subf %gather3A_537, %gather3A_534 : vector<16xf32>
      %sub3A_547 = arith.subf %gather3A_538, %gather3A_535 : vector<16xf32>
      %mul3A_548 = arith.mulf %sub3A_540, %sub3A_544 : vector<16xf32>
      %mul3A_549 = arith.mulf %sub3A_541, %sub3A_543 : vector<16xf32>
      %sub3A_550 = arith.subf %mul3A_548, %mul3A_549 : vector<16xf32>
      %mul3A_551 = arith.mulf %sub3A_541, %sub3A_542 : vector<16xf32>
      %mul3A_552 = arith.mulf %sub3A_539, %sub3A_544 : vector<16xf32>
      %sub3A_553 = arith.subf %mul3A_551, %mul3A_552 : vector<16xf32>
      %mul3A_554 = arith.mulf %sub3A_539, %sub3A_543 : vector<16xf32>
      %mul3A_555 = arith.mulf %sub3A_540, %sub3A_542 : vector<16xf32>
      %sub3A_556 = arith.subf %mul3A_554, %mul3A_555 : vector<16xf32>
      %mul3A_557 = arith.mulf %sub3A_543, %sub3A_547 : vector<16xf32>
      %mul3A_558 = arith.mulf %sub3A_544, %sub3A_546 : vector<16xf32>
      %sub3A_559 = arith.subf %mul3A_557, %mul3A_558 : vector<16xf32>
      %mul3A_560 = arith.mulf %sub3A_544, %sub3A_545 : vector<16xf32>
      %mul3A_561 = arith.mulf %sub3A_542, %sub3A_547 : vector<16xf32>
      %sub3A_562 = arith.subf %mul3A_560, %mul3A_561 : vector<16xf32>
      %mul3A_563 = arith.mulf %sub3A_542, %sub3A_546 : vector<16xf32>
      %mul3A_564 = arith.mulf %sub3A_543, %sub3A_545 : vector<16xf32>
      %sub3A_565 = arith.subf %mul3A_563, %mul3A_564 : vector<16xf32>
      %mul3A_566 = arith.mulf %sub3A_550, %sub3A_550 : vector<16xf32>
      %mul3A_567 = arith.mulf %sub3A_553, %sub3A_553 : vector<16xf32>
      %add3A_568 = arith.addf %mul3A_566, %mul3A_567 : vector<16xf32>
      %mul3A_569 = arith.mulf %sub3A_556, %sub3A_556 : vector<16xf32>
      %add3A_570 = arith.addf %add3A_568, %mul3A_569 : vector<16xf32>
      %bitcast3A_571 = vector.bitcast %add3A_570 : vector<16xf32> to vector<16xi32>
      %shift_right_arithmetic3A_572 = arith.constant 1 : i32
      %shift_right_arithmetic3A_573 = vector.broadcast %shift_right_arithmetic3A_572 : i32 to vector<16xi32>
      %shift_right_arithmetic3A_574 = arith.shrsi %bitcast3A_571, %shift_right_arithmetic3A_573 : vector<16xi32>
      %sub3A_575 = arith.constant 1597463007 : i32
      %sub3A_576 = vector.broadcast %sub3A_575 : i32 to vector<16xi32>
      %sub3A_577 = arith.subi %sub3A_576, %shift_right_arithmetic3A_574 : vector<16xi32>
      %bitcast3A_578 = vector.bitcast %sub3A_577 : vector<16xi32> to vector<16xf32>
      %mul3A_579 = arith.constant 5.000000e-01 : f32
      %mul3A_580 = vector.broadcast %mul3A_579 : f32 to vector<16xf32>
      %mul3A_581 = arith.mulf %add3A_570, %mul3A_580 : vector<16xf32>
      %mul3A_582 = arith.mulf %mul3A_581, %bitcast3A_578 : vector<16xf32>
      %mul3A_583 = arith.mulf %mul3A_582, %bitcast3A_578 : vector<16xf32>
      %sub3A_584 = arith.constant 1.500000e+00 : f32
      %sub3A_585 = vector.broadcast %sub3A_584 : f32 to vector<16xf32>
      %sub3A_586 = arith.subf %sub3A_585, %mul3A_583 : vector<16xf32>
      %mul3A_587 = arith.mulf %bitcast3A_578, %sub3A_586 : vector<16xf32>
      %mul3A_588 = arith.mulf %mul3A_581, %mul3A_587 : vector<16xf32>
      %mul3A_589 = arith.mulf %mul3A_588, %mul3A_587 : vector<16xf32>
      %sub3A_590 = arith.constant 1.500000e+00 : f32
      %sub3A_591 = vector.broadcast %sub3A_590 : f32 to vector<16xf32>
      %sub3A_592 = arith.subf %sub3A_591, %mul3A_589 : vector<16xf32>
      %mul3A_593 = arith.mulf %mul3A_587, %sub3A_592 : vector<16xf32>
      %mul3A_594 = arith.mulf %mul3A_581, %mul3A_593 : vector<16xf32>
      %mul3A_595 = arith.mulf %mul3A_594, %mul3A_593 : vector<16xf32>
      %sub3A_596 = arith.constant 1.500000e+00 : f32
      %sub3A_597 = vector.broadcast %sub3A_596 : f32 to vector<16xf32>
      %sub3A_598 = arith.subf %sub3A_597, %mul3A_595 : vector<16xf32>
      %mul3A_599 = arith.mulf %mul3A_593, %sub3A_598 : vector<16xf32>
      %min3A_600 = arith.constant 1.000000e+06 : f32
      %min3A_601 = vector.broadcast %min3A_600 : f32 to vector<16xf32>
      %min3A_602 = arith.minimumf %mul3A_599, %min3A_601 : vector<16xf32>
      %mul3A_603 = arith.mulf %sub3A_559, %sub3A_559 : vector<16xf32>
      %mul3A_604 = arith.mulf %sub3A_562, %sub3A_562 : vector<16xf32>
      %add3A_605 = arith.addf %mul3A_603, %mul3A_604 : vector<16xf32>
      %mul3A_606 = arith.mulf %sub3A_565, %sub3A_565 : vector<16xf32>
      %add3A_607 = arith.addf %add3A_605, %mul3A_606 : vector<16xf32>
      %bitcast3A_608 = vector.bitcast %add3A_607 : vector<16xf32> to vector<16xi32>
      %shift_right_arithmetic3A_609 = arith.constant 1 : i32
      %shift_right_arithmetic3A_610 = vector.broadcast %shift_right_arithmetic3A_609 : i32 to vector<16xi32>
      %shift_right_arithmetic3A_611 = arith.shrsi %bitcast3A_608, %shift_right_arithmetic3A_610 : vector<16xi32>
      %sub3A_612 = arith.constant 1597463007 : i32
      %sub3A_613 = vector.broadcast %sub3A_612 : i32 to vector<16xi32>
      %sub3A_614 = arith.subi %sub3A_613, %shift_right_arithmetic3A_611 : vector<16xi32>
      %bitcast3A_615 = vector.bitcast %sub3A_614 : vector<16xi32> to vector<16xf32>
      %mul3A_616 = arith.constant 5.000000e-01 : f32
      %mul3A_617 = vector.broadcast %mul3A_616 : f32 to vector<16xf32>
      %mul3A_618 = arith.mulf %add3A_607, %mul3A_617 : vector<16xf32>
      %mul3A_619 = arith.mulf %mul3A_618, %bitcast3A_615 : vector<16xf32>
      %mul3A_620 = arith.mulf %mul3A_619, %bitcast3A_615 : vector<16xf32>
      %sub3A_621 = arith.constant 1.500000e+00 : f32
      %sub3A_622 = vector.broadcast %sub3A_621 : f32 to vector<16xf32>
      %sub3A_623 = arith.subf %sub3A_622, %mul3A_620 : vector<16xf32>
      %mul3A_624 = arith.mulf %bitcast3A_615, %sub3A_623 : vector<16xf32>
      %mul3A_625 = arith.mulf %mul3A_618, %mul3A_624 : vector<16xf32>
      %mul3A_626 = arith.mulf %mul3A_625, %mul3A_624 : vector<16xf32>
      %sub3A_627 = arith.constant 1.500000e+00 : f32
      %sub3A_628 = vector.broadcast %sub3A_627 : f32 to vector<16xf32>
      %sub3A_629 = arith.subf %sub3A_628, %mul3A_626 : vector<16xf32>
      %mul3A_630 = arith.mulf %mul3A_624, %sub3A_629 : vector<16xf32>
      %mul3A_631 = arith.mulf %mul3A_618, %mul3A_630 : vector<16xf32>
      %mul3A_632 = arith.mulf %mul3A_631, %mul3A_630 : vector<16xf32>
      %sub3A_633 = arith.constant 1.500000e+00 : f32
      %sub3A_634 = vector.broadcast %sub3A_633 : f32 to vector<16xf32>
      %sub3A_635 = arith.subf %sub3A_634, %mul3A_632 : vector<16xf32>
      %mul3A_636 = arith.mulf %mul3A_630, %sub3A_635 : vector<16xf32>
      %min3A_637 = arith.constant 1.000000e+06 : f32
      %min3A_638 = vector.broadcast %min3A_637 : f32 to vector<16xf32>
      %min3A_639 = arith.minimumf %mul3A_636, %min3A_638 : vector<16xf32>
      %mul3A_640 = arith.mulf %sub3A_542, %sub3A_542 : vector<16xf32>
      %mul3A_641 = arith.mulf %sub3A_543, %sub3A_543 : vector<16xf32>
      %add3A_642 = arith.addf %mul3A_640, %mul3A_641 : vector<16xf32>
      %mul3A_643 = arith.mulf %sub3A_544, %sub3A_544 : vector<16xf32>
      %add3A_644 = arith.addf %add3A_642, %mul3A_643 : vector<16xf32>
      %bitcast3A_645 = vector.bitcast %add3A_644 : vector<16xf32> to vector<16xi32>
      %shift_right_arithmetic3A_646 = arith.constant 1 : i32
      %shift_right_arithmetic3A_647 = vector.broadcast %shift_right_arithmetic3A_646 : i32 to vector<16xi32>
      %shift_right_arithmetic3A_648 = arith.shrsi %bitcast3A_645, %shift_right_arithmetic3A_647 : vector<16xi32>
      %sub3A_649 = arith.constant 1597463007 : i32
      %sub3A_650 = vector.broadcast %sub3A_649 : i32 to vector<16xi32>
      %sub3A_651 = arith.subi %sub3A_650, %shift_right_arithmetic3A_648 : vector<16xi32>
      %bitcast3A_652 = vector.bitcast %sub3A_651 : vector<16xi32> to vector<16xf32>
      %mul3A_653 = arith.constant 5.000000e-01 : f32
      %mul3A_654 = vector.broadcast %mul3A_653 : f32 to vector<16xf32>
      %mul3A_655 = arith.mulf %add3A_644, %mul3A_654 : vector<16xf32>
      %mul3A_656 = arith.mulf %mul3A_655, %bitcast3A_652 : vector<16xf32>
      %mul3A_657 = arith.mulf %mul3A_656, %bitcast3A_652 : vector<16xf32>
      %sub3A_658 = arith.constant 1.500000e+00 : f32
      %sub3A_659 = vector.broadcast %sub3A_658 : f32 to vector<16xf32>
      %sub3A_660 = arith.subf %sub3A_659, %mul3A_657 : vector<16xf32>
      %mul3A_661 = arith.mulf %bitcast3A_652, %sub3A_660 : vector<16xf32>
      %mul3A_662 = arith.mulf %mul3A_655, %mul3A_661 : vector<16xf32>
      %mul3A_663 = arith.mulf %mul3A_662, %mul3A_661 : vector<16xf32>
      %sub3A_664 = arith.constant 1.500000e+00 : f32
      %sub3A_665 = vector.broadcast %sub3A_664 : f32 to vector<16xf32>
      %sub3A_666 = arith.subf %sub3A_665, %mul3A_663 : vector<16xf32>
      %mul3A_667 = arith.mulf %mul3A_661, %sub3A_666 : vector<16xf32>
      %mul3A_668 = arith.mulf %mul3A_655, %mul3A_667 : vector<16xf32>
      %mul3A_669 = arith.mulf %mul3A_668, %mul3A_667 : vector<16xf32>
      %sub3A_670 = arith.constant 1.500000e+00 : f32
      %sub3A_671 = vector.broadcast %sub3A_670 : f32 to vector<16xf32>
      %sub3A_672 = arith.subf %sub3A_671, %mul3A_669 : vector<16xf32>
      %mul3A_673 = arith.mulf %mul3A_667, %sub3A_672 : vector<16xf32>
      %min3A_674 = arith.constant 1.000000e+06 : f32
      %min3A_675 = vector.broadcast %min3A_674 : f32 to vector<16xf32>
      %min3A_676 = arith.minimumf %mul3A_673, %min3A_675 : vector<16xf32>
      %mul3A_677 = arith.mulf %sub3A_550, %sub3A_559 : vector<16xf32>
      %mul3A_678 = arith.mulf %sub3A_553, %sub3A_562 : vector<16xf32>
      %add3A_679 = arith.addf %mul3A_677, %mul3A_678 : vector<16xf32>
      %mul3A_680 = arith.mulf %sub3A_556, %sub3A_565 : vector<16xf32>
      %add3A_681 = arith.addf %add3A_679, %mul3A_680 : vector<16xf32>
      %mul3A_682 = arith.mulf %min3A_602, %min3A_639 : vector<16xf32>
      %mul3A_683 = arith.mulf %add3A_681, %mul3A_682 : vector<16xf32>
      %jit3A_684 = arith.constant -1.000000e+00 : f32
      %jit3A_685 = arith.constant 1.000000e+00 : f32
      %max3A_686 = vector.broadcast %jit3A_684 : f32 to vector<16xf32>
      %max3A_687 = arith.maximumf %max3A_686, %mul3A_683 : vector<16xf32>
      %min3A_688 = vector.broadcast %jit3A_685 : f32 to vector<16xf32>
      %min3A_689 = arith.minimumf %min3A_688, %max3A_687 : vector<16xf32>
      %mul3A_690 = arith.mulf %sub3A_553, %sub3A_544 : vector<16xf32>
      %mul3A_691 = arith.mulf %sub3A_556, %sub3A_543 : vector<16xf32>
      %sub3A_692 = arith.subf %mul3A_690, %mul3A_691 : vector<16xf32>
      %mul3A_693 = arith.mulf %sub3A_556, %sub3A_542 : vector<16xf32>
      %mul3A_694 = arith.mulf %sub3A_550, %sub3A_544 : vector<16xf32>
      %sub3A_695 = arith.subf %mul3A_693, %mul3A_694 : vector<16xf32>
      %mul3A_696 = arith.mulf %sub3A_550, %sub3A_543 : vector<16xf32>
      %mul3A_697 = arith.mulf %sub3A_553, %sub3A_542 : vector<16xf32>
      %sub3A_698 = arith.subf %mul3A_696, %mul3A_697 : vector<16xf32>
      %mul3A_699 = arith.mulf %sub3A_692, %sub3A_559 : vector<16xf32>
      %mul3A_700 = arith.mulf %sub3A_695, %sub3A_562 : vector<16xf32>
      %add3A_701 = arith.addf %mul3A_699, %mul3A_700 : vector<16xf32>
      %mul3A_702 = arith.mulf %sub3A_698, %sub3A_565 : vector<16xf32>
      %add3A_703 = arith.addf %add3A_701, %mul3A_702 : vector<16xf32>
      %mul3A_704 = arith.mulf %min3A_602, %min3A_676 : vector<16xf32>
      %mul3A_705 = arith.mulf %mul3A_704, %min3A_639 : vector<16xf32>
      %mul3A_706 = arith.mulf %add3A_703, %mul3A_705 : vector<16xf32>
      %mul3A_707 = arith.constant 8 : i32
      %mul3A_708 = vector.broadcast %mul3A_707 : i32 to vector<16xi32>
      %mul3A_709 = arith.muli %iota3A, %mul3A_708 : vector<16xi32>
      %add3A_710 = arith.constant 256 : i32
      %add3A_711 = vector.broadcast %add3A_710 : i32 to vector<16xi32>
      %add3A_712 = arith.addi %mul3A_709, %add3A_711 : vector<16xi32>
      %add3A_713 = arith.constant 0 : i32
      %add3A_714 = vector.broadcast %add3A_713 : i32 to vector<16xi32>
      %add3A_715 = arith.addi %add3A_712, %add3A_714 : vector<16xi32>
      %get3A_716 = arith.constant 32 : index
      %get3A_717 = tpu.vector_load %arg23[%get3A_716] {strides = array<i32>} : memref<80xf32, #tpu.memory_space<vmem>>, vector<16xf32>,
      tpu.vector_store_idx %arg28[%add3A_715], %get3A_717 : memref<640xf32, #tpu.memory_space<vmem>>[vector<16xi32>], vector<16xf32>,
      %add3A_718 = arith.constant 1 : i32
      %add3A_719 = vector.broadcast %add3A_718 : i32 to vector<16xi32>
      %add3A_720 = arith.addi %add3A_712, %add3A_719 : vector<16xi32>
      %get3A_721 = arith.constant 32 : index
      %get3A_722 = tpu.vector_load %arg24[%get3A_721] {strides = array<i32>} : memref<80xf32, #tpu.memory_space<vmem>>, vector<16xf32>,
      tpu.vector_store_idx %arg28[%add3A_720], %get3A_722 : memref<640xf32, #tpu.memory_space<vmem>>[vector<16xi32>], vector<16xf32>,
      %add3A_723 = arith.constant 2 : i32
      %add3A_724 = vector.broadcast %add3A_723 : i32 to vector<16xi32>
      %add3A_725 = arith.addi %add3A_712, %add3A_724 : vector<16xi32>
      %get3A_726 = arith.constant 32 : index
      %get3A_727 = tpu.vector_load %arg25[%get3A_726] {strides = array<i32>} : memref<80xf32, #tpu.memory_space<vmem>>, vector<16xf32>,
      tpu.vector_store_idx %arg28[%add3A_725], %get3A_727 : memref<640xf32, #tpu.memory_space<vmem>>[vector<16xi32>], vector<16xf32>,
      %add3A_728 = arith.constant 3 : i32
      %add3A_729 = vector.broadcast %add3A_728 : i32 to vector<16xi32>
      %add3A_730 = arith.addi %add3A_712, %add3A_729 : vector<16xi32>
      tpu.vector_store_idx %arg28[%add3A_730], %min3A_689 : memref<640xf32, #tpu.memory_space<vmem>>[vector<16xi32>], vector<16xf32>,
      %add3A_731 = arith.constant 4 : i32
      %add3A_732 = vector.broadcast %add3A_731 : i32 to vector<16xi32>
      %add3A_733 = arith.addi %add3A_712, %add3A_732 : vector<16xi32>
      tpu.vector_store_idx %arg28[%add3A_733], %mul3A_706 : memref<640xf32, #tpu.memory_space<vmem>>[vector<16xi32>], vector<16xf32>,
      %get3A_734 = arith.constant 48 : index
      %get3A_735 = tpu.vector_load %arg19[%get3A_734] {strides = array<i32>} : memref<80xi32, #tpu.memory_space<vmem>>, vector<16xi32>,
      %get3A_736 = arith.constant 48 : index
      %get3A_737 = tpu.vector_load %arg20[%get3A_736] {strides = array<i32>} : memref<80xi32, #tpu.memory_space<vmem>>, vector<16xi32>,
      %get3A_738 = arith.constant 48 : index
      %get3A_739 = tpu.vector_load %arg21[%get3A_738] {strides = array<i32>} : memref<80xi32, #tpu.memory_space<vmem>>, vector<16xi32>,
      %get3A_740 = arith.constant 48 : index
      %get3A_741 = tpu.vector_load %arg22[%get3A_740] {strides = array<i32>} : memref<80xi32, #tpu.memory_space<vmem>>, vector<16xi32>,
      %gather3A_742 = tpu.vector_load_idx %arg16[%get3A_735] : memref<10000xf32, #tpu.memory_space<vmem>>[vector<16xi32>], vector<16xf32>,
      %gather3A_743 = tpu.vector_load_idx %arg17[%get3A_735] : memref<10000xf32, #tpu.memory_space<vmem>>[vector<16xi32>], vector<16xf32>,
      %gather3A_744 = tpu.vector_load_idx %arg18[%get3A_735] : memref<10000xf32, #tpu.memory_space<vmem>>[vector<16xi32>], vector<16xf32>,
      %gather3A_745 = tpu.vector_load_idx %arg16[%get3A_737] : memref<10000xf32, #tpu.memory_space<vmem>>[vector<16xi32>], vector<16xf32>,
      %gather3A_746 = tpu.vector_load_idx %arg17[%get3A_737] : memref<10000xf32, #tpu.memory_space<vmem>>[vector<16xi32>], vector<16xf32>,
      %gather3A_747 = tpu.vector_load_idx %arg18[%get3A_737] : memref<10000xf32, #tpu.memory_space<vmem>>[vector<16xi32>], vector<16xf32>,
      %gather3A_748 = tpu.vector_load_idx %arg16[%get3A_739] : memref<10000xf32, #tpu.memory_space<vmem>>[vector<16xi32>], vector<16xf32>,
      %gather3A_749 = tpu.vector_load_idx %arg17[%get3A_739] : memref<10000xf32, #tpu.memory_space<vmem>>[vector<16xi32>], vector<16xf32>,
      %gather3A_750 = tpu.vector_load_idx %arg18[%get3A_739] : memref<10000xf32, #tpu.memory_space<vmem>>[vector<16xi32>], vector<16xf32>,
      %gather3A_751 = tpu.vector_load_idx %arg16[%get3A_741] : memref<10000xf32, #tpu.memory_space<vmem>>[vector<16xi32>], vector<16xf32>,
      %gather3A_752 = tpu.vector_load_idx %arg17[%get3A_741] : memref<10000xf32, #tpu.memory_space<vmem>>[vector<16xi32>], vector<16xf32>,
      %gather3A_753 = tpu.vector_load_idx %arg18[%get3A_741] : memref<10000xf32, #tpu.memory_space<vmem>>[vector<16xi32>], vector<16xf32>,
      %sub3A_754 = arith.subf %gather3A_745, %gather3A_742 : vector<16xf32>
      %sub3A_755 = arith.subf %gather3A_746, %gather3A_743 : vector<16xf32>
      %sub3A_756 = arith.subf %gather3A_747, %gather3A_744 : vector<16xf32>
      %sub3A_757 = arith.subf %gather3A_748, %gather3A_745 : vector<16xf32>
      %sub3A_758 = arith.subf %gather3A_749, %gather3A_746 : vector<16xf32>
      %sub3A_759 = arith.subf %gather3A_750, %gather3A_747 : vector<16xf32>
      %sub3A_760 = arith.subf %gather3A_751, %gather3A_748 : vector<16xf32>
      %sub3A_761 = arith.subf %gather3A_752, %gather3A_749 : vector<16xf32>
      %sub3A_762 = arith.subf %gather3A_753, %gather3A_750 : vector<16xf32>
      %mul3A_763 = arith.mulf %sub3A_755, %sub3A_759 : vector<16xf32>
      %mul3A_764 = arith.mulf %sub3A_756, %sub3A_758 : vector<16xf32>
      %sub3A_765 = arith.subf %mul3A_763, %mul3A_764 : vector<16xf32>
      %mul3A_766 = arith.mulf %sub3A_756, %sub3A_757 : vector<16xf32>
      %mul3A_767 = arith.mulf %sub3A_754, %sub3A_759 : vector<16xf32>
      %sub3A_768 = arith.subf %mul3A_766, %mul3A_767 : vector<16xf32>
      %mul3A_769 = arith.mulf %sub3A_754, %sub3A_758 : vector<16xf32>
      %mul3A_770 = arith.mulf %sub3A_755, %sub3A_757 : vector<16xf32>
      %sub3A_771 = arith.subf %mul3A_769, %mul3A_770 : vector<16xf32>
      %mul3A_772 = arith.mulf %sub3A_758, %sub3A_762 : vector<16xf32>
      %mul3A_773 = arith.mulf %sub3A_759, %sub3A_761 : vector<16xf32>
      %sub3A_774 = arith.subf %mul3A_772, %mul3A_773 : vector<16xf32>
      %mul3A_775 = arith.mulf %sub3A_759, %sub3A_760 : vector<16xf32>
      %mul3A_776 = arith.mulf %sub3A_757, %sub3A_762 : vector<16xf32>
      %sub3A_777 = arith.subf %mul3A_775, %mul3A_776 : vector<16xf32>
      %mul3A_778 = arith.mulf %sub3A_757, %sub3A_761 : vector<16xf32>
      %mul3A_779 = arith.mulf %sub3A_758, %sub3A_760 : vector<16xf32>
      %sub3A_780 = arith.subf %mul3A_778, %mul3A_779 : vector<16xf32>
      %mul3A_781 = arith.mulf %sub3A_765, %sub3A_765 : vector<16xf32>
      %mul3A_782 = arith.mulf %sub3A_768, %sub3A_768 : vector<16xf32>
      %add3A_783 = arith.addf %mul3A_781, %mul3A_782 : vector<16xf32>
      %mul3A_784 = arith.mulf %sub3A_771, %sub3A_771 : vector<16xf32>
      %add3A_785 = arith.addf %add3A_783, %mul3A_784 : vector<16xf32>
      %bitcast3A_786 = vector.bitcast %add3A_785 : vector<16xf32> to vector<16xi32>
      %shift_right_arithmetic3A_787 = arith.constant 1 : i32
      %shift_right_arithmetic3A_788 = vector.broadcast %shift_right_arithmetic3A_787 : i32 to vector<16xi32>
      %shift_right_arithmetic3A_789 = arith.shrsi %bitcast3A_786, %shift_right_arithmetic3A_788 : vector<16xi32>
      %sub3A_790 = arith.constant 1597463007 : i32
      %sub3A_791 = vector.broadcast %sub3A_790 : i32 to vector<16xi32>
      %sub3A_792 = arith.subi %sub3A_791, %shift_right_arithmetic3A_789 : vector<16xi32>
      %bitcast3A_793 = vector.bitcast %sub3A_792 : vector<16xi32> to vector<16xf32>
      %mul3A_794 = arith.constant 5.000000e-01 : f32
      %mul3A_795 = vector.broadcast %mul3A_794 : f32 to vector<16xf32>
      %mul3A_796 = arith.mulf %add3A_785, %mul3A_795 : vector<16xf32>
      %mul3A_797 = arith.mulf %mul3A_796, %bitcast3A_793 : vector<16xf32>
      %mul3A_798 = arith.mulf %mul3A_797, %bitcast3A_793 : vector<16xf32>
      %sub3A_799 = arith.constant 1.500000e+00 : f32
      %sub3A_800 = vector.broadcast %sub3A_799 : f32 to vector<16xf32>
      %sub3A_801 = arith.subf %sub3A_800, %mul3A_798 : vector<16xf32>
      %mul3A_802 = arith.mulf %bitcast3A_793, %sub3A_801 : vector<16xf32>
      %mul3A_803 = arith.mulf %mul3A_796, %mul3A_802 : vector<16xf32>
      %mul3A_804 = arith.mulf %mul3A_803, %mul3A_802 : vector<16xf32>
      %sub3A_805 = arith.constant 1.500000e+00 : f32
      %sub3A_806 = vector.broadcast %sub3A_805 : f32 to vector<16xf32>
      %sub3A_807 = arith.subf %sub3A_806, %mul3A_804 : vector<16xf32>
      %mul3A_808 = arith.mulf %mul3A_802, %sub3A_807 : vector<16xf32>
      %mul3A_809 = arith.mulf %mul3A_796, %mul3A_808 : vector<16xf32>
      %mul3A_810 = arith.mulf %mul3A_809, %mul3A_808 : vector<16xf32>
      %sub3A_811 = arith.constant 1.500000e+00 : f32
      %sub3A_812 = vector.broadcast %sub3A_811 : f32 to vector<16xf32>
      %sub3A_813 = arith.subf %sub3A_812, %mul3A_810 : vector<16xf32>
      %mul3A_814 = arith.mulf %mul3A_808, %sub3A_813 : vector<16xf32>
      %min3A_815 = arith.constant 1.000000e+06 : f32
      %min3A_816 = vector.broadcast %min3A_815 : f32 to vector<16xf32>
      %min3A_817 = arith.minimumf %mul3A_814, %min3A_816 : vector<16xf32>
      %mul3A_818 = arith.mulf %sub3A_774, %sub3A_774 : vector<16xf32>
      %mul3A_819 = arith.mulf %sub3A_777, %sub3A_777 : vector<16xf32>
      %add3A_820 = arith.addf %mul3A_818, %mul3A_819 : vector<16xf32>
      %mul3A_821 = arith.mulf %sub3A_780, %sub3A_780 : vector<16xf32>
      %add3A_822 = arith.addf %add3A_820, %mul3A_821 : vector<16xf32>
      %bitcast3A_823 = vector.bitcast %add3A_822 : vector<16xf32> to vector<16xi32>
      %shift_right_arithmetic3A_824 = arith.constant 1 : i32
      %shift_right_arithmetic3A_825 = vector.broadcast %shift_right_arithmetic3A_824 : i32 to vector<16xi32>
      %shift_right_arithmetic3A_826 = arith.shrsi %bitcast3A_823, %shift_right_arithmetic3A_825 : vector<16xi32>
      %sub3A_827 = arith.constant 1597463007 : i32
      %sub3A_828 = vector.broadcast %sub3A_827 : i32 to vector<16xi32>
      %sub3A_829 = arith.subi %sub3A_828, %shift_right_arithmetic3A_826 : vector<16xi32>
      %bitcast3A_830 = vector.bitcast %sub3A_829 : vector<16xi32> to vector<16xf32>
      %mul3A_831 = arith.constant 5.000000e-01 : f32
      %mul3A_832 = vector.broadcast %mul3A_831 : f32 to vector<16xf32>
      %mul3A_833 = arith.mulf %add3A_822, %mul3A_832 : vector<16xf32>
      %mul3A_834 = arith.mulf %mul3A_833, %bitcast3A_830 : vector<16xf32>
      %mul3A_835 = arith.mulf %mul3A_834, %bitcast3A_830 : vector<16xf32>
      %sub3A_836 = arith.constant 1.500000e+00 : f32
      %sub3A_837 = vector.broadcast %sub3A_836 : f32 to vector<16xf32>
      %sub3A_838 = arith.subf %sub3A_837, %mul3A_835 : vector<16xf32>
      %mul3A_839 = arith.mulf %bitcast3A_830, %sub3A_838 : vector<16xf32>
      %mul3A_840 = arith.mulf %mul3A_833, %mul3A_839 : vector<16xf32>
      %mul3A_841 = arith.mulf %mul3A_840, %mul3A_839 : vector<16xf32>
      %sub3A_842 = arith.constant 1.500000e+00 : f32
      %sub3A_843 = vector.broadcast %sub3A_842 : f32 to vector<16xf32>
      %sub3A_844 = arith.subf %sub3A_843, %mul3A_841 : vector<16xf32>
      %mul3A_845 = arith.mulf %mul3A_839, %sub3A_844 : vector<16xf32>
      %mul3A_846 = arith.mulf %mul3A_833, %mul3A_845 : vector<16xf32>
      %mul3A_847 = arith.mulf %mul3A_846, %mul3A_845 : vector<16xf32>
      %sub3A_848 = arith.constant 1.500000e+00 : f32
      %sub3A_849 = vector.broadcast %sub3A_848 : f32 to vector<16xf32>
      %sub3A_850 = arith.subf %sub3A_849, %mul3A_847 : vector<16xf32>
      %mul3A_851 = arith.mulf %mul3A_845, %sub3A_850 : vector<16xf32>
      %min3A_852 = arith.constant 1.000000e+06 : f32
      %min3A_853 = vector.broadcast %min3A_852 : f32 to vector<16xf32>
      %min3A_854 = arith.minimumf %mul3A_851, %min3A_853 : vector<16xf32>
      %mul3A_855 = arith.mulf %sub3A_757, %sub3A_757 : vector<16xf32>
      %mul3A_856 = arith.mulf %sub3A_758, %sub3A_758 : vector<16xf32>
      %add3A_857 = arith.addf %mul3A_855, %mul3A_856 : vector<16xf32>
      %mul3A_858 = arith.mulf %sub3A_759, %sub3A_759 : vector<16xf32>
      %add3A_859 = arith.addf %add3A_857, %mul3A_858 : vector<16xf32>
      %bitcast3A_860 = vector.bitcast %add3A_859 : vector<16xf32> to vector<16xi32>
      %shift_right_arithmetic3A_861 = arith.constant 1 : i32
      %shift_right_arithmetic3A_862 = vector.broadcast %shift_right_arithmetic3A_861 : i32 to vector<16xi32>
      %shift_right_arithmetic3A_863 = arith.shrsi %bitcast3A_860, %shift_right_arithmetic3A_862 : vector<16xi32>
      %sub3A_864 = arith.constant 1597463007 : i32
      %sub3A_865 = vector.broadcast %sub3A_864 : i32 to vector<16xi32>
      %sub3A_866 = arith.subi %sub3A_865, %shift_right_arithmetic3A_863 : vector<16xi32>
      %bitcast3A_867 = vector.bitcast %sub3A_866 : vector<16xi32> to vector<16xf32>
      %mul3A_868 = arith.constant 5.000000e-01 : f32
      %mul3A_869 = vector.broadcast %mul3A_868 : f32 to vector<16xf32>
      %mul3A_870 = arith.mulf %add3A_859, %mul3A_869 : vector<16xf32>
      %mul3A_871 = arith.mulf %mul3A_870, %bitcast3A_867 : vector<16xf32>
      %mul3A_872 = arith.mulf %mul3A_871, %bitcast3A_867 : vector<16xf32>
      %sub3A_873 = arith.constant 1.500000e+00 : f32
      %sub3A_874 = vector.broadcast %sub3A_873 : f32 to vector<16xf32>
      %sub3A_875 = arith.subf %sub3A_874, %mul3A_872 : vector<16xf32>
      %mul3A_876 = arith.mulf %bitcast3A_867, %sub3A_875 : vector<16xf32>
      %mul3A_877 = arith.mulf %mul3A_870, %mul3A_876 : vector<16xf32>
      %mul3A_878 = arith.mulf %mul3A_877, %mul3A_876 : vector<16xf32>
      %sub3A_879 = arith.constant 1.500000e+00 : f32
      %sub3A_880 = vector.broadcast %sub3A_879 : f32 to vector<16xf32>
      %sub3A_881 = arith.subf %sub3A_880, %mul3A_878 : vector<16xf32>
      %mul3A_882 = arith.mulf %mul3A_876, %sub3A_881 : vector<16xf32>
      %mul3A_883 = arith.mulf %mul3A_870, %mul3A_882 : vector<16xf32>
      %mul3A_884 = arith.mulf %mul3A_883, %mul3A_882 : vector<16xf32>
      %sub3A_885 = arith.constant 1.500000e+00 : f32
      %sub3A_886 = vector.broadcast %sub3A_885 : f32 to vector<16xf32>
      %sub3A_887 = arith.subf %sub3A_886, %mul3A_884 : vector<16xf32>
      %mul3A_888 = arith.mulf %mul3A_882, %sub3A_887 : vector<16xf32>
      %min3A_889 = arith.constant 1.000000e+06 : f32
      %min3A_890 = vector.broadcast %min3A_889 : f32 to vector<16xf32>
      %min3A_891 = arith.minimumf %mul3A_888, %min3A_890 : vector<16xf32>
      %mul3A_892 = arith.mulf %sub3A_765, %sub3A_774 : vector<16xf32>
      %mul3A_893 = arith.mulf %sub3A_768, %sub3A_777 : vector<16xf32>
      %add3A_894 = arith.addf %mul3A_892, %mul3A_893 : vector<16xf32>
      %mul3A_895 = arith.mulf %sub3A_771, %sub3A_780 : vector<16xf32>
      %add3A_896 = arith.addf %add3A_894, %mul3A_895 : vector<16xf32>
      %mul3A_897 = arith.mulf %min3A_817, %min3A_854 : vector<16xf32>
      %mul3A_898 = arith.mulf %add3A_896, %mul3A_897 : vector<16xf32>
      %jit3A_899 = arith.constant -1.000000e+00 : f32
      %jit3A_900 = arith.constant 1.000000e+00 : f32
      %max3A_901 = vector.broadcast %jit3A_899 : f32 to vector<16xf32>
      %max3A_902 = arith.maximumf %max3A_901, %mul3A_898 : vector<16xf32>
      %min3A_903 = vector.broadcast %jit3A_900 : f32 to vector<16xf32>
      %min3A_904 = arith.minimumf %min3A_903, %max3A_902 : vector<16xf32>
      %mul3A_905 = arith.mulf %sub3A_768, %sub3A_759 : vector<16xf32>
      %mul3A_906 = arith.mulf %sub3A_771, %sub3A_758 : vector<16xf32>
      %sub3A_907 = arith.subf %mul3A_905, %mul3A_906 : vector<16xf32>
      %mul3A_908 = arith.mulf %sub3A_771, %sub3A_757 : vector<16xf32>
      %mul3A_909 = arith.mulf %sub3A_765, %sub3A_759 : vector<16xf32>
      %sub3A_910 = arith.subf %mul3A_908, %mul3A_909 : vector<16xf32>
      %mul3A_911 = arith.mulf %sub3A_765, %sub3A_758 : vector<16xf32>
      %mul3A_912 = arith.mulf %sub3A_768, %sub3A_757 : vector<16xf32>
      %sub3A_913 = arith.subf %mul3A_911, %mul3A_912 : vector<16xf32>
      %mul3A_914 = arith.mulf %sub3A_907, %sub3A_774 : vector<16xf32>
      %mul3A_915 = arith.mulf %sub3A_910, %sub3A_777 : vector<16xf32>
      %add3A_916 = arith.addf %mul3A_914, %mul3A_915 : vector<16xf32>
      %mul3A_917 = arith.mulf %sub3A_913, %sub3A_780 : vector<16xf32>
      %add3A_918 = arith.addf %add3A_916, %mul3A_917 : vector<16xf32>
      %mul3A_919 = arith.mulf %min3A_817, %min3A_891 : vector<16xf32>
      %mul3A_920 = arith.mulf %mul3A_919, %min3A_854 : vector<16xf32>
      %mul3A_921 = arith.mulf %add3A_918, %mul3A_920 : vector<16xf32>
      %mul3A_922 = arith.constant 8 : i32
      %mul3A_923 = vector.broadcast %mul3A_922 : i32 to vector<16xi32>
      %mul3A_924 = arith.muli %iota3A, %mul3A_923 : vector<16xi32>
      %add3A_925 = arith.constant 384 : i32
      %add3A_926 = vector.broadcast %add3A_925 : i32 to vector<16xi32>
      %add3A_927 = arith.addi %mul3A_924, %add3A_926 : vector<16xi32>
      %add3A_928 = arith.constant 0 : i32
      %add3A_929 = vector.broadcast %add3A_928 : i32 to vector<16xi32>
      %add3A_930 = arith.addi %add3A_927, %add3A_929 : vector<16xi32>
      %get3A_931 = arith.constant 48 : index
      %get3A_932 = tpu.vector_load %arg23[%get3A_931] {strides = array<i32>} : memref<80xf32, #tpu.memory_space<vmem>>, vector<16xf32>,
      tpu.vector_store_idx %arg28[%add3A_930], %get3A_932 : memref<640xf32, #tpu.memory_space<vmem>>[vector<16xi32>], vector<16xf32>,
      %add3A_933 = arith.constant 1 : i32
      %add3A_934 = vector.broadcast %add3A_933 : i32 to vector<16xi32>
      %add3A_935 = arith.addi %add3A_927, %add3A_934 : vector<16xi32>
      %get3A_936 = arith.constant 48 : index
      %get3A_937 = tpu.vector_load %arg24[%get3A_936] {strides = array<i32>} : memref<80xf32, #tpu.memory_space<vmem>>, vector<16xf32>,
      tpu.vector_store_idx %arg28[%add3A_935], %get3A_937 : memref<640xf32, #tpu.memory_space<vmem>>[vector<16xi32>], vector<16xf32>,
      %add3A_938 = arith.constant 2 : i32
      %add3A_939 = vector.broadcast %add3A_938 : i32 to vector<16xi32>
      %add3A_940 = arith.addi %add3A_927, %add3A_939 : vector<16xi32>
      %get3A_941 = arith.constant 48 : index
      %get3A_942 = tpu.vector_load %arg25[%get3A_941] {strides = array<i32>} : memref<80xf32, #tpu.memory_space<vmem>>, vector<16xf32>,
      tpu.vector_store_idx %arg28[%add3A_940], %get3A_942 : memref<640xf32, #tpu.memory_space<vmem>>[vector<16xi32>], vector<16xf32>,
      %add3A_943 = arith.constant 3 : i32
      %add3A_944 = vector.broadcast %add3A_943 : i32 to vector<16xi32>
      %add3A_945 = arith.addi %add3A_927, %add3A_944 : vector<16xi32>
      tpu.vector_store_idx %arg28[%add3A_945], %min3A_904 : memref<640xf32, #tpu.memory_space<vmem>>[vector<16xi32>], vector<16xf32>,
      %add3A_946 = arith.constant 4 : i32
      %add3A_947 = vector.broadcast %add3A_946 : i32 to vector<16xi32>
      %add3A_948 = arith.addi %add3A_927, %add3A_947 : vector<16xi32>
      tpu.vector_store_idx %arg28[%add3A_948], %mul3A_921 : memref<640xf32, #tpu.memory_space<vmem>>[vector<16xi32>], vector<16xf32>,
      %get3A_949 = arith.constant 64 : index
      %get3A_950 = tpu.vector_load %arg19[%get3A_949] {strides = array<i32>} : memref<80xi32, #tpu.memory_space<vmem>>, vector<16xi32>,
      %get3A_951 = arith.constant 64 : index
      %get3A_952 = tpu.vector_load %arg20[%get3A_951] {strides = array<i32>} : memref<80xi32, #tpu.memory_space<vmem>>, vector<16xi32>,
      %get3A_953 = arith.constant 64 : index
      %get3A_954 = tpu.vector_load %arg21[%get3A_953] {strides = array<i32>} : memref<80xi32, #tpu.memory_space<vmem>>, vector<16xi32>,
      %get3A_955 = arith.constant 64 : index
      %get3A_956 = tpu.vector_load %arg22[%get3A_955] {strides = array<i32>} : memref<80xi32, #tpu.memory_space<vmem>>, vector<16xi32>,
      %gather3A_957 = tpu.vector_load_idx %arg16[%get3A_950] : memref<10000xf32, #tpu.memory_space<vmem>>[vector<16xi32>], vector<16xf32>,
      %gather3A_958 = tpu.vector_load_idx %arg17[%get3A_950] : memref<10000xf32, #tpu.memory_space<vmem>>[vector<16xi32>], vector<16xf32>,
      %gather3A_959 = tpu.vector_load_idx %arg18[%get3A_950] : memref<10000xf32, #tpu.memory_space<vmem>>[vector<16xi32>], vector<16xf32>,
      %gather3A_960 = tpu.vector_load_idx %arg16[%get3A_952] : memref<10000xf32, #tpu.memory_space<vmem>>[vector<16xi32>], vector<16xf32>,
      %gather3A_961 = tpu.vector_load_idx %arg17[%get3A_952] : memref<10000xf32, #tpu.memory_space<vmem>>[vector<16xi32>], vector<16xf32>,
      %gather3A_962 = tpu.vector_load_idx %arg18[%get3A_952] : memref<10000xf32, #tpu.memory_space<vmem>>[vector<16xi32>], vector<16xf32>,
      %gather3A_963 = tpu.vector_load_idx %arg16[%get3A_954] : memref<10000xf32, #tpu.memory_space<vmem>>[vector<16xi32>], vector<16xf32>,
      %gather3A_964 = tpu.vector_load_idx %arg17[%get3A_954] : memref<10000xf32, #tpu.memory_space<vmem>>[vector<16xi32>], vector<16xf32>,
      %gather3A_965 = tpu.vector_load_idx %arg18[%get3A_954] : memref<10000xf32, #tpu.memory_space<vmem>>[vector<16xi32>], vector<16xf32>,
      %gather3A_966 = tpu.vector_load_idx %arg16[%get3A_956] : memref<10000xf32, #tpu.memory_space<vmem>>[vector<16xi32>], vector<16xf32>,
      %gather3A_967 = tpu.vector_load_idx %arg17[%get3A_956] : memref<10000xf32, #tpu.memory_space<vmem>>[vector<16xi32>], vector<16xf32>,
      %gather3A_968 = tpu.vector_load_idx %arg18[%get3A_956] : memref<10000xf32, #tpu.memory_space<vmem>>[vector<16xi32>], vector<16xf32>,
      %sub3A_969 = arith.subf %gather3A_960, %gather3A_957 : vector<16xf32>
      %sub3A_970 = arith.subf %gather3A_961, %gather3A_958 : vector<16xf32>
      %sub3A_971 = arith.subf %gather3A_962, %gather3A_959 : vector<16xf32>
      %sub3A_972 = arith.subf %gather3A_963, %gather3A_960 : vector<16xf32>
      %sub3A_973 = arith.subf %gather3A_964, %gather3A_961 : vector<16xf32>
      %sub3A_974 = arith.subf %gather3A_965, %gather3A_962 : vector<16xf32>
      %sub3A_975 = arith.subf %gather3A_966, %gather3A_963 : vector<16xf32>
      %sub3A_976 = arith.subf %gather3A_967, %gather3A_964 : vector<16xf32>
      %sub3A_977 = arith.subf %gather3A_968, %gather3A_965 : vector<16xf32>
      %mul3A_978 = arith.mulf %sub3A_970, %sub3A_974 : vector<16xf32>
      %mul3A_979 = arith.mulf %sub3A_971, %sub3A_973 : vector<16xf32>
      %sub3A_980 = arith.subf %mul3A_978, %mul3A_979 : vector<16xf32>
      %mul3A_981 = arith.mulf %sub3A_971, %sub3A_972 : vector<16xf32>
      %mul3A_982 = arith.mulf %sub3A_969, %sub3A_974 : vector<16xf32>
      %sub3A_983 = arith.subf %mul3A_981, %mul3A_982 : vector<16xf32>
      %mul3A_984 = arith.mulf %sub3A_969, %sub3A_973 : vector<16xf32>
      %mul3A_985 = arith.mulf %sub3A_970, %sub3A_972 : vector<16xf32>
      %sub3A_986 = arith.subf %mul3A_984, %mul3A_985 : vector<16xf32>
      %mul3A_987 = arith.mulf %sub3A_973, %sub3A_977 : vector<16xf32>
      %mul3A_988 = arith.mulf %sub3A_974, %sub3A_976 : vector<16xf32>
      %sub3A_989 = arith.subf %mul3A_987, %mul3A_988 : vector<16xf32>
      %mul3A_990 = arith.mulf %sub3A_974, %sub3A_975 : vector<16xf32>
      %mul3A_991 = arith.mulf %sub3A_972, %sub3A_977 : vector<16xf32>
      %sub3A_992 = arith.subf %mul3A_990, %mul3A_991 : vector<16xf32>
      %mul3A_993 = arith.mulf %sub3A_972, %sub3A_976 : vector<16xf32>
      %mul3A_994 = arith.mulf %sub3A_973, %sub3A_975 : vector<16xf32>
      %sub3A_995 = arith.subf %mul3A_993, %mul3A_994 : vector<16xf32>
      %mul3A_996 = arith.mulf %sub3A_980, %sub3A_980 : vector<16xf32>
      %mul3A_997 = arith.mulf %sub3A_983, %sub3A_983 : vector<16xf32>
      %add3A_998 = arith.addf %mul3A_996, %mul3A_997 : vector<16xf32>
      %mul3A_999 = arith.mulf %sub3A_986, %sub3A_986 : vector<16xf32>
      %add3A_1000 = arith.addf %add3A_998, %mul3A_999 : vector<16xf32>
      %bitcast3A_1001 = vector.bitcast %add3A_1000 : vector<16xf32> to vector<16xi32>
      %shift_right_arithmetic3A_1002 = arith.constant 1 : i32
      %shift_right_arithmetic3A_1003 = vector.broadcast %shift_right_arithmetic3A_1002 : i32 to vector<16xi32>
      %shift_right_arithmetic3A_1004 = arith.shrsi %bitcast3A_1001, %shift_right_arithmetic3A_1003 : vector<16xi32>
      %sub3A_1005 = arith.constant 1597463007 : i32
      %sub3A_1006 = vector.broadcast %sub3A_1005 : i32 to vector<16xi32>
      %sub3A_1007 = arith.subi %sub3A_1006, %shift_right_arithmetic3A_1004 : vector<16xi32>
      %bitcast3A_1008 = vector.bitcast %sub3A_1007 : vector<16xi32> to vector<16xf32>
      %mul3A_1009 = arith.constant 5.000000e-01 : f32
      %mul3A_1010 = vector.broadcast %mul3A_1009 : f32 to vector<16xf32>
      %mul3A_1011 = arith.mulf %add3A_1000, %mul3A_1010 : vector<16xf32>
      %mul3A_1012 = arith.mulf %mul3A_1011, %bitcast3A_1008 : vector<16xf32>
      %mul3A_1013 = arith.mulf %mul3A_1012, %bitcast3A_1008 : vector<16xf32>
      %sub3A_1014 = arith.constant 1.500000e+00 : f32
      %sub3A_1015 = vector.broadcast %sub3A_1014 : f32 to vector<16xf32>
      %sub3A_1016 = arith.subf %sub3A_1015, %mul3A_1013 : vector<16xf32>
      %mul3A_1017 = arith.mulf %bitcast3A_1008, %sub3A_1016 : vector<16xf32>
      %mul3A_1018 = arith.mulf %mul3A_1011, %mul3A_1017 : vector<16xf32>
      %mul3A_1019 = arith.mulf %mul3A_1018, %mul3A_1017 : vector<16xf32>
      %sub3A_1020 = arith.constant 1.500000e+00 : f32
      %sub3A_1021 = vector.broadcast %sub3A_1020 : f32 to vector<16xf32>
      %sub3A_1022 = arith.subf %sub3A_1021, %mul3A_1019 : vector<16xf32>
      %mul3A_1023 = arith.mulf %mul3A_1017, %sub3A_1022 : vector<16xf32>
      %mul3A_1024 = arith.mulf %mul3A_1011, %mul3A_1023 : vector<16xf32>
      %mul3A_1025 = arith.mulf %mul3A_1024, %mul3A_1023 : vector<16xf32>
      %sub3A_1026 = arith.constant 1.500000e+00 : f32
      %sub3A_1027 = vector.broadcast %sub3A_1026 : f32 to vector<16xf32>
      %sub3A_1028 = arith.subf %sub3A_1027, %mul3A_1025 : vector<16xf32>
      %mul3A_1029 = arith.mulf %mul3A_1023, %sub3A_1028 : vector<16xf32>
      %min3A_1030 = arith.constant 1.000000e+06 : f32
      %min3A_1031 = vector.broadcast %min3A_1030 : f32 to vector<16xf32>
      %min3A_1032 = arith.minimumf %mul3A_1029, %min3A_1031 : vector<16xf32>
      %mul3A_1033 = arith.mulf %sub3A_989, %sub3A_989 : vector<16xf32>
      %mul3A_1034 = arith.mulf %sub3A_992, %sub3A_992 : vector<16xf32>
      %add3A_1035 = arith.addf %mul3A_1033, %mul3A_1034 : vector<16xf32>
      %mul3A_1036 = arith.mulf %sub3A_995, %sub3A_995 : vector<16xf32>
      %add3A_1037 = arith.addf %add3A_1035, %mul3A_1036 : vector<16xf32>
      %bitcast3A_1038 = vector.bitcast %add3A_1037 : vector<16xf32> to vector<16xi32>
      %shift_right_arithmetic3A_1039 = arith.constant 1 : i32
      %shift_right_arithmetic3A_1040 = vector.broadcast %shift_right_arithmetic3A_1039 : i32 to vector<16xi32>
      %shift_right_arithmetic3A_1041 = arith.shrsi %bitcast3A_1038, %shift_right_arithmetic3A_1040 : vector<16xi32>
      %sub3A_1042 = arith.constant 1597463007 : i32
      %sub3A_1043 = vector.broadcast %sub3A_1042 : i32 to vector<16xi32>
      %sub3A_1044 = arith.subi %sub3A_1043, %shift_right_arithmetic3A_1041 : vector<16xi32>
      %bitcast3A_1045 = vector.bitcast %sub3A_1044 : vector<16xi32> to vector<16xf32>
      %mul3A_1046 = arith.constant 5.000000e-01 : f32
      %mul3A_1047 = vector.broadcast %mul3A_1046 : f32 to vector<16xf32>
      %mul3A_1048 = arith.mulf %add3A_1037, %mul3A_1047 : vector<16xf32>
      %mul3A_1049 = arith.mulf %mul3A_1048, %bitcast3A_1045 : vector<16xf32>
      %mul3A_1050 = arith.mulf %mul3A_1049, %bitcast3A_1045 : vector<16xf32>
      %sub3A_1051 = arith.constant 1.500000e+00 : f32
      %sub3A_1052 = vector.broadcast %sub3A_1051 : f32 to vector<16xf32>
      %sub3A_1053 = arith.subf %sub3A_1052, %mul3A_1050 : vector<16xf32>
      %mul3A_1054 = arith.mulf %bitcast3A_1045, %sub3A_1053 : vector<16xf32>
      %mul3A_1055 = arith.mulf %mul3A_1048, %mul3A_1054 : vector<16xf32>
      %mul3A_1056 = arith.mulf %mul3A_1055, %mul3A_1054 : vector<16xf32>
      %sub3A_1057 = arith.constant 1.500000e+00 : f32
      %sub3A_1058 = vector.broadcast %sub3A_1057 : f32 to vector<16xf32>
      %sub3A_1059 = arith.subf %sub3A_1058, %mul3A_1056 : vector<16xf32>
      %mul3A_1060 = arith.mulf %mul3A_1054, %sub3A_1059 : vector<16xf32>
      %mul3A_1061 = arith.mulf %mul3A_1048, %mul3A_1060 : vector<16xf32>
      %mul3A_1062 = arith.mulf %mul3A_1061, %mul3A_1060 : vector<16xf32>
      %sub3A_1063 = arith.constant 1.500000e+00 : f32
      %sub3A_1064 = vector.broadcast %sub3A_1063 : f32 to vector<16xf32>
      %sub3A_1065 = arith.subf %sub3A_1064, %mul3A_1062 : vector<16xf32>
      %mul3A_1066 = arith.mulf %mul3A_1060, %sub3A_1065 : vector<16xf32>
      %min3A_1067 = arith.constant 1.000000e+06 : f32
      %min3A_1068 = vector.broadcast %min3A_1067 : f32 to vector<16xf32>
      %min3A_1069 = arith.minimumf %mul3A_1066, %min3A_1068 : vector<16xf32>
      %mul3A_1070 = arith.mulf %sub3A_972, %sub3A_972 : vector<16xf32>
      %mul3A_1071 = arith.mulf %sub3A_973, %sub3A_973 : vector<16xf32>
      %add3A_1072 = arith.addf %mul3A_1070, %mul3A_1071 : vector<16xf32>
      %mul3A_1073 = arith.mulf %sub3A_974, %sub3A_974 : vector<16xf32>
      %add3A_1074 = arith.addf %add3A_1072, %mul3A_1073 : vector<16xf32>
      %bitcast3A_1075 = vector.bitcast %add3A_1074 : vector<16xf32> to vector<16xi32>
      %shift_right_arithmetic3A_1076 = arith.constant 1 : i32
      %shift_right_arithmetic3A_1077 = vector.broadcast %shift_right_arithmetic3A_1076 : i32 to vector<16xi32>
      %shift_right_arithmetic3A_1078 = arith.shrsi %bitcast3A_1075, %shift_right_arithmetic3A_1077 : vector<16xi32>
      %sub3A_1079 = arith.constant 1597463007 : i32
      %sub3A_1080 = vector.broadcast %sub3A_1079 : i32 to vector<16xi32>
      %sub3A_1081 = arith.subi %sub3A_1080, %shift_right_arithmetic3A_1078 : vector<16xi32>
      %bitcast3A_1082 = vector.bitcast %sub3A_1081 : vector<16xi32> to vector<16xf32>
      %mul3A_1083 = arith.constant 5.000000e-01 : f32
      %mul3A_1084 = vector.broadcast %mul3A_1083 : f32 to vector<16xf32>
      %mul3A_1085 = arith.mulf %add3A_1074, %mul3A_1084 : vector<16xf32>
      %mul3A_1086 = arith.mulf %mul3A_1085, %bitcast3A_1082 : vector<16xf32>
      %mul3A_1087 = arith.mulf %mul3A_1086, %bitcast3A_1082 : vector<16xf32>
      %sub3A_1088 = arith.constant 1.500000e+00 : f32
      %sub3A_1089 = vector.broadcast %sub3A_1088 : f32 to vector<16xf32>
      %sub3A_1090 = arith.subf %sub3A_1089, %mul3A_1087 : vector<16xf32>
      %mul3A_1091 = arith.mulf %bitcast3A_1082, %sub3A_1090 : vector<16xf32>
      %mul3A_1092 = arith.mulf %mul3A_1085, %mul3A_1091 : vector<16xf32>
      %mul3A_1093 = arith.mulf %mul3A_1092, %mul3A_1091 : vector<16xf32>
      %sub3A_1094 = arith.constant 1.500000e+00 : f32
      %sub3A_1095 = vector.broadcast %sub3A_1094 : f32 to vector<16xf32>
      %sub3A_1096 = arith.subf %sub3A_1095, %mul3A_1093 : vector<16xf32>
      %mul3A_1097 = arith.mulf %mul3A_1091, %sub3A_1096 : vector<16xf32>
      %mul3A_1098 = arith.mulf %mul3A_1085, %mul3A_1097 : vector<16xf32>
      %mul3A_1099 = arith.mulf %mul3A_1098, %mul3A_1097 : vector<16xf32>
      %sub3A_1100 = arith.constant 1.500000e+00 : f32
      %sub3A_1101 = vector.broadcast %sub3A_1100 : f32 to vector<16xf32>
      %sub3A_1102 = arith.subf %sub3A_1101, %mul3A_1099 : vector<16xf32>
      %mul3A_1103 = arith.mulf %mul3A_1097, %sub3A_1102 : vector<16xf32>
      %min3A_1104 = arith.constant 1.000000e+06 : f32
      %min3A_1105 = vector.broadcast %min3A_1104 : f32 to vector<16xf32>
      %min3A_1106 = arith.minimumf %mul3A_1103, %min3A_1105 : vector<16xf32>
      %mul3A_1107 = arith.mulf %sub3A_980, %sub3A_989 : vector<16xf32>
      %mul3A_1108 = arith.mulf %sub3A_983, %sub3A_992 : vector<16xf32>
      %add3A_1109 = arith.addf %mul3A_1107, %mul3A_1108 : vector<16xf32>
      %mul3A_1110 = arith.mulf %sub3A_986, %sub3A_995 : vector<16xf32>
      %add3A_1111 = arith.addf %add3A_1109, %mul3A_1110 : vector<16xf32>
      %mul3A_1112 = arith.mulf %min3A_1032, %min3A_1069 : vector<16xf32>
      %mul3A_1113 = arith.mulf %add3A_1111, %mul3A_1112 : vector<16xf32>
      %jit3A_1114 = arith.constant -1.000000e+00 : f32
      %jit3A_1115 = arith.constant 1.000000e+00 : f32
      %max3A_1116 = vector.broadcast %jit3A_1114 : f32 to vector<16xf32>
      %max3A_1117 = arith.maximumf %max3A_1116, %mul3A_1113 : vector<16xf32>
      %min3A_1118 = vector.broadcast %jit3A_1115 : f32 to vector<16xf32>
      %min3A_1119 = arith.minimumf %min3A_1118, %max3A_1117 : vector<16xf32>
      %mul3A_1120 = arith.mulf %sub3A_983, %sub3A_974 : vector<16xf32>
      %mul3A_1121 = arith.mulf %sub3A_986, %sub3A_973 : vector<16xf32>
      %sub3A_1122 = arith.subf %mul3A_1120, %mul3A_1121 : vector<16xf32>
      %mul3A_1123 = arith.mulf %sub3A_986, %sub3A_972 : vector<16xf32>
      %mul3A_1124 = arith.mulf %sub3A_980, %sub3A_974 : vector<16xf32>
      %sub3A_1125 = arith.subf %mul3A_1123, %mul3A_1124 : vector<16xf32>
      %mul3A_1126 = arith.mulf %sub3A_980, %sub3A_973 : vector<16xf32>
      %mul3A_1127 = arith.mulf %sub3A_983, %sub3A_972 : vector<16xf32>
      %sub3A_1128 = arith.subf %mul3A_1126, %mul3A_1127 : vector<16xf32>
      %mul3A_1129 = arith.mulf %sub3A_1122, %sub3A_989 : vector<16xf32>
      %mul3A_1130 = arith.mulf %sub3A_1125, %sub3A_992 : vector<16xf32>
      %add3A_1131 = arith.addf %mul3A_1129, %mul3A_1130 : vector<16xf32>
      %mul3A_1132 = arith.mulf %sub3A_1128, %sub3A_995 : vector<16xf32>
      %add3A_1133 = arith.addf %add3A_1131, %mul3A_1132 : vector<16xf32>
      %mul3A_1134 = arith.mulf %min3A_1032, %min3A_1106 : vector<16xf32>
      %mul3A_1135 = arith.mulf %mul3A_1134, %min3A_1069 : vector<16xf32>
      %mul3A_1136 = arith.mulf %add3A_1133, %mul3A_1135 : vector<16xf32>
      %mul3A_1137 = arith.constant 8 : i32
      %mul3A_1138 = vector.broadcast %mul3A_1137 : i32 to vector<16xi32>
      %mul3A_1139 = arith.muli %iota3A, %mul3A_1138 : vector<16xi32>
      %add3A_1140 = arith.constant 512 : i32
      %add3A_1141 = vector.broadcast %add3A_1140 : i32 to vector<16xi32>
      %add3A_1142 = arith.addi %mul3A_1139, %add3A_1141 : vector<16xi32>
      %add3A_1143 = arith.constant 0 : i32
      %add3A_1144 = vector.broadcast %add3A_1143 : i32 to vector<16xi32>
      %add3A_1145 = arith.addi %add3A_1142, %add3A_1144 : vector<16xi32>
      %get3A_1146 = arith.constant 64 : index
      %get3A_1147 = tpu.vector_load %arg23[%get3A_1146] {strides = array<i32>} : memref<80xf32, #tpu.memory_space<vmem>>, vector<16xf32>,
      tpu.vector_store_idx %arg28[%add3A_1145], %get3A_1147 : memref<640xf32, #tpu.memory_space<vmem>>[vector<16xi32>], vector<16xf32>,
      %add3A_1148 = arith.constant 1 : i32
      %add3A_1149 = vector.broadcast %add3A_1148 : i32 to vector<16xi32>
      %add3A_1150 = arith.addi %add3A_1142, %add3A_1149 : vector<16xi32>
      %get3A_1151 = arith.constant 64 : index
      %get3A_1152 = tpu.vector_load %arg24[%get3A_1151] {strides = array<i32>} : memref<80xf32, #tpu.memory_space<vmem>>, vector<16xf32>,
      tpu.vector_store_idx %arg28[%add3A_1150], %get3A_1152 : memref<640xf32, #tpu.memory_space<vmem>>[vector<16xi32>], vector<16xf32>,
      %add3A_1153 = arith.constant 2 : i32
      %add3A_1154 = vector.broadcast %add3A_1153 : i32 to vector<16xi32>
      %add3A_1155 = arith.addi %add3A_1142, %add3A_1154 : vector<16xi32>
      %get3A_1156 = arith.constant 64 : index
      %get3A_1157 = tpu.vector_load %arg25[%get3A_1156] {strides = array<i32>} : memref<80xf32, #tpu.memory_space<vmem>>, vector<16xf32>,
      tpu.vector_store_idx %arg28[%add3A_1155], %get3A_1157 : memref<640xf32, #tpu.memory_space<vmem>>[vector<16xi32>], vector<16xf32>,
      %add3A_1158 = arith.constant 3 : i32
      %add3A_1159 = vector.broadcast %add3A_1158 : i32 to vector<16xi32>
      %add3A_1160 = arith.addi %add3A_1142, %add3A_1159 : vector<16xi32>
      tpu.vector_store_idx %arg28[%add3A_1160], %min3A_1119 : memref<640xf32, #tpu.memory_space<vmem>>[vector<16xi32>], vector<16xf32>,
      %add3A_1161 = arith.constant 4 : i32
      %add3A_1162 = vector.broadcast %add3A_1161 : i32 to vector<16xi32>
      %add3A_1163 = arith.addi %add3A_1142, %add3A_1162 : vector<16xi32>
      tpu.vector_store_idx %arg28[%add3A_1163], %mul3A_1136 : memref<640xf32, #tpu.memory_space<vmem>>[vector<16xi32>], vector<16xf32>,
      %mul3A_1164 = arith.constant 8 : i32
      %mul3A_1165 = arith.muli %add3A_91, %mul3A_1164 : i32
      "tpu.region"() ({
        %run_scoped3A = tpu.sem_alloc : memref<!tpu.dma_semaphore, #tpu.memory_space<semaphore_mem>>
        %dma_start3A_1171 = tpu.memref_slice %arg15[%mul3A_1165] : memref<2560000xf32, #tpu.memory_space<hbm>> -> memref<640xf32, #tpu.memory_space<hbm>>
        %dma_start3A_1172 = tpu.memref_slice %arg15[%mul3A_1165] : memref<2560000xf32, #tpu.memory_space<hbm>> -> memref<640xf32, #tpu.memory_space<hbm>>
        tpu.enqueue_dma source(%arg28 : memref<640xf32, #tpu.memory_space<vmem>>) target(%dma_start3A_1172 : memref<640xf32, #tpu.memory_space<hbm>>) target_semaphore(%run_scoped3A : memref<!tpu.dma_semaphore, #tpu.memory_space<semaphore_mem>>)
        %dma_wait3A_1173 = tpu.memref_slice %arg15[%mul3A_1165] : memref<2560000xf32, #tpu.memory_space<hbm>> -> memref<640xf32, #tpu.memory_space<hbm>>
        %dma_wait3A_1174 = tpu.memref_slice %arg15[%mul3A_1165] : memref<2560000xf32, #tpu.memory_space<hbm>> -> memref<640xf32, #tpu.memory_space<hbm>>
        tpu.wait_dma2 semaphore(%run_scoped3A : memref<!tpu.dma_semaphore, #tpu.memory_space<semaphore_mem>>) src(%arg28 : memref<640xf32, #tpu.memory_space<vmem>>) dst(%dma_wait3A_1174 : memref<640xf32, #tpu.memory_space<hbm>>)
        tpu.yield
      }) : () -> ()
      %dma_wait3A = arith.constant 0 : i32
      %dma_wait3A_1166 = arith.constant 0 : i32
      %dma_wait3A_1167 = tpu.memref_slice %arg2[%dma_wait3A, %dma_wait3A_1166] : memref<10000x128xf32, #tpu.memory_space<hbm>> -> memref<10000x128xf32, #tpu.memory_space<hbm>>
      tpu.wait_indirect_dma semaphore(%arg29 : memref<!tpu.dma_semaphore, #tpu.memory_space<semaphore_mem>>) src(%dma_wait3A_1167 : memref<10000x128xf32, #tpu.memory_space<hbm>>) dst(%arg26 : memref<80x128xf32, #tpu.memory_space<vmem>>)
      %dma_wait3A_1168 = arith.constant 0 : i32
      %dma_wait3A_1169 = arith.constant 0 : i32
      %dma_wait3A_1170 = tpu.memref_slice %arg2[%dma_wait3A_1168, %dma_wait3A_1169] : memref<10000x128xf32, #tpu.memory_space<hbm>> -> memref<10000x128xf32, #tpu.memory_space<hbm>>
      tpu.wait_indirect_dma semaphore(%arg30 : memref<!tpu.dma_semaphore, #tpu.memory_space<semaphore_mem>>) src(%dma_wait3A_1170 : memref<10000x128xf32, #tpu.memory_space<hbm>>) dst(%arg27 : memref<80x128xf32, #tpu.memory_space<vmem>>)
      "tpu.region"() ({
        %run_scoped3A = tpu.sem_alloc : memref<!tpu.dma_semaphore, #tpu.memory_space<semaphore_mem>>
        %dma_start3A_1171 = arith.constant 0 : i32
        %dma_start3A_1172 = tpu.memref_slice %arg13[%add3A_91, %dma_start3A_1171] : memref<320000x128xf32, #tpu.memory_space<hbm>> -> memref<80x128xf32, #tpu.memory_space<hbm>>
        %dma_start3A_1173 = arith.constant 0 : i32
        %dma_start3A_1174 = tpu.memref_slice %arg13[%add3A_91, %dma_start3A_1173] : memref<320000x128xf32, #tpu.memory_space<hbm>> -> memref<80x128xf32, #tpu.memory_space<hbm>>
        tpu.enqueue_dma source(%arg26 : memref<80x128xf32, #tpu.memory_space<vmem>>) target(%dma_start3A_1174 : memref<80x128xf32, #tpu.memory_space<hbm>>) target_semaphore(%run_scoped3A : memref<!tpu.dma_semaphore, #tpu.memory_space<semaphore_mem>>)
        %dma_wait3A_1175 = arith.constant 0 : i32
        %dma_wait3A_1176 = tpu.memref_slice %arg13[%add3A_91, %dma_wait3A_1175] : memref<320000x128xf32, #tpu.memory_space<hbm>> -> memref<80x128xf32, #tpu.memory_space<hbm>>
        %dma_wait3A_1177 = arith.constant 0 : i32
        %dma_wait3A_1178 = tpu.memref_slice %arg13[%add3A_91, %dma_wait3A_1177] : memref<320000x128xf32, #tpu.memory_space<hbm>> -> memref<80x128xf32, #tpu.memory_space<hbm>>
        tpu.wait_dma2 semaphore(%run_scoped3A : memref<!tpu.dma_semaphore, #tpu.memory_space<semaphore_mem>>) src(%arg26 : memref<80x128xf32, #tpu.memory_space<vmem>>) dst(%dma_wait3A_1178 : memref<80x128xf32, #tpu.memory_space<hbm>>)
        tpu.yield
      }) : () -> ()
      "tpu.region"() ({
        %run_scoped3A = tpu.sem_alloc : memref<!tpu.dma_semaphore, #tpu.memory_space<semaphore_mem>>
        %dma_start3A_1171 = arith.constant 0 : i32
        %dma_start3A_1172 = tpu.memref_slice %arg14[%add3A_91, %dma_start3A_1171] : memref<320000x128xf32, #tpu.memory_space<hbm>> -> memref<80x128xf32, #tpu.memory_space<hbm>>
        %dma_start3A_1173 = arith.constant 0 : i32
        %dma_start3A_1174 = tpu.memref_slice %arg14[%add3A_91, %dma_start3A_1173] : memref<320000x128xf32, #tpu.memory_space<hbm>> -> memref<80x128xf32, #tpu.memory_space<hbm>>
        tpu.enqueue_dma source(%arg27 : memref<80x128xf32, #tpu.memory_space<vmem>>) target(%dma_start3A_1174 : memref<80x128xf32, #tpu.memory_space<hbm>>) target_semaphore(%run_scoped3A : memref<!tpu.dma_semaphore, #tpu.memory_space<semaphore_mem>>)
        %dma_wait3A_1175 = arith.constant 0 : i32
        %dma_wait3A_1176 = tpu.memref_slice %arg14[%add3A_91, %dma_wait3A_1175] : memref<320000x128xf32, #tpu.memory_space<hbm>> -> memref<80x128xf32, #tpu.memory_space<hbm>>
        %dma_wait3A_1177 = arith.constant 0 : i32
        %dma_wait3A_1178 = tpu.memref_slice %arg14[%add3A_91, %dma_wait3A_1177] : memref<320000x128xf32, #tpu.memory_space<hbm>> -> memref<80x128xf32, #tpu.memory_space<hbm>>
        tpu.wait_dma2 semaphore(%run_scoped3A : memref<!tpu.dma_semaphore, #tpu.memory_space<semaphore_mem>>) src(%arg27 : memref<80x128xf32, #tpu.memory_space<vmem>>) dst(%dma_wait3A_1178 : memref<80x128xf32, #tpu.memory_space<hbm>>)
        tpu.yield
      }) : () -> ()
    }
    %scan3A_85 = arith.constant 125 : i32
    return
  }
}

#map = affine_map<(d0, d1) -> (0, 0)>
#map1 = affine_map<(d0, d1) -> (0)>
#map2 = affine_map<(d0, d1) -> (0, 0, 0)>
module attributes {stable_mosaic.version = 14 : i64} {
  func.func @_scatter_body(%arg0: i32, %arg1: i32, %arg2: memref<320000x128xf32, #tpu.memory_space<hbm>>, %arg3: memref<640000xi32, #tpu.memory_space<hbm>>, %arg4: memref<2x10000x128xf32, #tpu.memory_space<hbm>>, %arg5: memref<10000x128xf32, #tpu.memory_space<vmem_shared>>, %arg6: memref<80x128xf32, #tpu.memory_space<vmem_shared>>, %arg7: memref<80xi32, #tpu.memory_space<vmem>>, %arg8: memref<80x128xf32, #tpu.memory_space<vmem>>, %arg9: memref<80x128xf32, #tpu.memory_space<vmem>>, %arg10: memref<80xi32, #tpu.memory_space<vmem>>, %arg11: memref<96xf32, #tpu.memory_space<vmem>>) attributes {dimension_semantics = [#tpu.dimension_semantics<core_parallel>, #tpu.dimension_semantics<subcore_parallel>], iteration_bounds = array<i64: 2, 16>, scalar_prefetch = 0 : i64, scratch_operands = 7 : i64, tpu.core_type = #tpu.core_type<sc_vector_subcore>, window_params = [{transform_indices = #map}, {transform_indices = #map1}, {transform_indices = #map2}]} {
    %broadcast_in_dim3A = arith.constant 0.000000e+00 : f32
    %broadcast_in_dim3A_0 = vector.broadcast %broadcast_in_dim3A : f32 to vector<16xf32>
    %broadcast_in_dim3A_1 = arith.constant 1.000000e+00 : f32
    %broadcast_in_dim3A_2 = vector.broadcast %broadcast_in_dim3A_1 : f32 to vector<16xf32>
    %iota3A = tpu.iota {dimensions = array<i32: 0>} : vector<16xi32>
    %scan3A = arith.constant 0 : i32
    %scan3A_3 = arith.constant 0 : i32
    %scan3A_4 = arith.constant 80 : i32
    %scan3A_5 = arith.addi %scan3A_3, %scan3A_4 : i32
    %scan3A_6 = arith.constant 1 : i32
    scf.for %scan3A_157 = %scan3A_3 to %scan3A_5 step %scan3A_6  : i32 {
      %swap3A_158 = arith.index_cast %scan3A_157 : i32 to index
      %swap3A_159 = arith.constant 0 : index
      %swap3A_160 = tpu.vector_load %arg9[%swap3A_158, %swap3A_159] {strides = array<i32>} : memref<80x128xf32, #tpu.memory_space<vmem>>, vector<16xf32>,
      tpu.vector_store %arg9[%swap3A_158, %swap3A_159], %broadcast_in_dim3A_0 {strides = array<i32>} : memref<80x128xf32, #tpu.memory_space<vmem>>, vector<16xf32>,
      %swap3A_161 = arith.index_cast %scan3A_157 : i32 to index
      %swap3A_162 = arith.constant 16 : index
      %swap3A_163 = tpu.vector_load %arg9[%swap3A_161, %swap3A_162] {strides = array<i32>} : memref<80x128xf32, #tpu.memory_space<vmem>>, vector<16xf32>,
      tpu.vector_store %arg9[%swap3A_161, %swap3A_162], %broadcast_in_dim3A_0 {strides = array<i32>} : memref<80x128xf32, #tpu.memory_space<vmem>>, vector<16xf32>,
      %swap3A_164 = arith.index_cast %scan3A_157 : i32 to index
      %swap3A_165 = arith.constant 32 : index
      %swap3A_166 = tpu.vector_load %arg9[%swap3A_164, %swap3A_165] {strides = array<i32>} : memref<80x128xf32, #tpu.memory_space<vmem>>, vector<16xf32>,
      tpu.vector_store %arg9[%swap3A_164, %swap3A_165], %broadcast_in_dim3A_0 {strides = array<i32>} : memref<80x128xf32, #tpu.memory_space<vmem>>, vector<16xf32>,
      %swap3A_167 = arith.index_cast %scan3A_157 : i32 to index
      %swap3A_168 = arith.constant 48 : index
      %swap3A_169 = tpu.vector_load %arg9[%swap3A_167, %swap3A_168] {strides = array<i32>} : memref<80x128xf32, #tpu.memory_space<vmem>>, vector<16xf32>,
      tpu.vector_store %arg9[%swap3A_167, %swap3A_168], %broadcast_in_dim3A_0 {strides = array<i32>} : memref<80x128xf32, #tpu.memory_space<vmem>>, vector<16xf32>,
      %swap3A_170 = arith.index_cast %scan3A_157 : i32 to index
      %swap3A_171 = arith.constant 64 : index
      %swap3A_172 = tpu.vector_load %arg9[%swap3A_170, %swap3A_171] {strides = array<i32>} : memref<80x128xf32, #tpu.memory_space<vmem>>, vector<16xf32>,
      tpu.vector_store %arg9[%swap3A_170, %swap3A_171], %broadcast_in_dim3A_0 {strides = array<i32>} : memref<80x128xf32, #tpu.memory_space<vmem>>, vector<16xf32>,
      %swap3A_173 = arith.index_cast %scan3A_157 : i32 to index
      %swap3A_174 = arith.constant 80 : index
      %swap3A_175 = tpu.vector_load %arg9[%swap3A_173, %swap3A_174] {strides = array<i32>} : memref<80x128xf32, #tpu.memory_space<vmem>>, vector<16xf32>,
      tpu.vector_store %arg9[%swap3A_173, %swap3A_174], %broadcast_in_dim3A_0 {strides = array<i32>} : memref<80x128xf32, #tpu.memory_space<vmem>>, vector<16xf32>,
      %swap3A_176 = arith.index_cast %scan3A_157 : i32 to index
      %swap3A_177 = arith.constant 96 : index
      %swap3A_178 = tpu.vector_load %arg9[%swap3A_176, %swap3A_177] {strides = array<i32>} : memref<80x128xf32, #tpu.memory_space<vmem>>, vector<16xf32>,
      tpu.vector_store %arg9[%swap3A_176, %swap3A_177], %broadcast_in_dim3A_0 {strides = array<i32>} : memref<80x128xf32, #tpu.memory_space<vmem>>, vector<16xf32>,
      %swap3A_179 = arith.index_cast %scan3A_157 : i32 to index
      %swap3A_180 = arith.constant 112 : index
      %swap3A_181 = tpu.vector_load %arg9[%swap3A_179, %swap3A_180] {strides = array<i32>} : memref<80x128xf32, #tpu.memory_space<vmem>>, vector<16xf32>,
      tpu.vector_store %arg9[%swap3A_179, %swap3A_180], %broadcast_in_dim3A_0 {strides = array<i32>} : memref<80x128xf32, #tpu.memory_space<vmem>>, vector<16xf32>,
    }
    %scan3A_7 = arith.constant 80 : i32
    %add3A = arith.constant 0 : i32
    %add3A_8 = vector.broadcast %add3A : i32 to vector<16xi32>
    %add3A_9 = arith.addi %iota3A, %add3A_8 : vector<16xi32>
    %swap3A = arith.constant 0 : index
    %swap3A_10 = tpu.vector_load %arg10[%swap3A] {strides = array<i32>} : memref<80xi32, #tpu.memory_space<vmem>>, vector<16xi32>,
    tpu.vector_store %arg10[%swap3A], %add3A_9 {strides = array<i32>} : memref<80xi32, #tpu.memory_space<vmem>>, vector<16xi32>,
    %add3A_11 = arith.constant 16 : i32
    %add3A_12 = vector.broadcast %add3A_11 : i32 to vector<16xi32>
    %add3A_13 = arith.addi %iota3A, %add3A_12 : vector<16xi32>
    %swap3A_14 = arith.constant 16 : index
    %swap3A_15 = tpu.vector_load %arg10[%swap3A_14] {strides = array<i32>} : memref<80xi32, #tpu.memory_space<vmem>>, vector<16xi32>,
    tpu.vector_store %arg10[%swap3A_14], %add3A_13 {strides = array<i32>} : memref<80xi32, #tpu.memory_space<vmem>>, vector<16xi32>,
    %add3A_16 = arith.constant 32 : i32
    %add3A_17 = vector.broadcast %add3A_16 : i32 to vector<16xi32>
    %add3A_18 = arith.addi %iota3A, %add3A_17 : vector<16xi32>
    %swap3A_19 = arith.constant 32 : index
    %swap3A_20 = tpu.vector_load %arg10[%swap3A_19] {strides = array<i32>} : memref<80xi32, #tpu.memory_space<vmem>>, vector<16xi32>,
    tpu.vector_store %arg10[%swap3A_19], %add3A_18 {strides = array<i32>} : memref<80xi32, #tpu.memory_space<vmem>>, vector<16xi32>,
    %add3A_21 = arith.constant 48 : i32
    %add3A_22 = vector.broadcast %add3A_21 : i32 to vector<16xi32>
    %add3A_23 = arith.addi %iota3A, %add3A_22 : vector<16xi32>
    %swap3A_24 = arith.constant 48 : index
    %swap3A_25 = tpu.vector_load %arg10[%swap3A_24] {strides = array<i32>} : memref<80xi32, #tpu.memory_space<vmem>>, vector<16xi32>,
    tpu.vector_store %arg10[%swap3A_24], %add3A_23 {strides = array<i32>} : memref<80xi32, #tpu.memory_space<vmem>>, vector<16xi32>,
    %add3A_26 = arith.constant 64 : i32
    %add3A_27 = vector.broadcast %add3A_26 : i32 to vector<16xi32>
    %add3A_28 = arith.addi %iota3A, %add3A_27 : vector<16xi32>
    %swap3A_29 = arith.constant 64 : index
    %swap3A_30 = tpu.vector_load %arg10[%swap3A_29] {strides = array<i32>} : memref<80xi32, #tpu.memory_space<vmem>>, vector<16xi32>,
    tpu.vector_store %arg10[%swap3A_29], %add3A_28 {strides = array<i32>} : memref<80xi32, #tpu.memory_space<vmem>>, vector<16xi32>,
    %eq3A = arith.constant 0 : i32
    %eq3A_31 = arith.cmpi eq, %arg1, %eq3A : i32
    %convert_element_type3A = arith.extui %eq3A_31 : i1 to i32
    %cond3A = arith.constant 0 : i32
    %cond3A_32 = arith.cmpi ne, %convert_element_type3A, %cond3A : i32
    scf.if %cond3A_32 {
      "tpu.region"() ({
        %run_scoped3A = tpu.sem_alloc : memref<!tpu.dma_semaphore, #tpu.memory_space<semaphore_mem>>
        tpu.enqueue_dma source(%arg9 : memref<80x128xf32, #tpu.memory_space<vmem>>) target(%arg6 : memref<80x128xf32, #tpu.memory_space<vmem_shared>>) target_semaphore(%run_scoped3A : memref<!tpu.dma_semaphore, #tpu.memory_space<semaphore_mem>>)
        tpu.wait_dma2 semaphore(%run_scoped3A : memref<!tpu.dma_semaphore, #tpu.memory_space<semaphore_mem>>) src(%arg9 : memref<80x128xf32, #tpu.memory_space<vmem>>) dst(%arg6 : memref<80x128xf32, #tpu.memory_space<vmem_shared>>)
        tpu.yield
      }) : () -> ()
    } else {
    }
    %scan3A_33 = arith.constant 0 : i32
    %scan3A_34 = arith.constant 0 : i32
    %scan3A_35 = arith.constant 80 : i32
    %scan3A_36 = arith.addi %scan3A_34, %scan3A_35 : i32
    %scan3A_37 = arith.constant 1 : i32
    scf.for %scan3A_157 = %scan3A_34 to %scan3A_36 step %scan3A_37  : i32 {
      %swap3A_158 = arith.index_cast %scan3A_157 : i32 to index
      %swap3A_159 = arith.constant 0 : index
      %swap3A_160 = tpu.vector_load %arg8[%swap3A_158, %swap3A_159] {strides = array<i32>} : memref<80x128xf32, #tpu.memory_space<vmem>>, vector<16xf32>,
      tpu.vector_store %arg8[%swap3A_158, %swap3A_159], %broadcast_in_dim3A_0 {strides = array<i32>} : memref<80x128xf32, #tpu.memory_space<vmem>>, vector<16xf32>,
      %swap3A_161 = arith.index_cast %scan3A_157 : i32 to index
      %swap3A_162 = arith.constant 16 : index
      %swap3A_163 = tpu.vector_load %arg8[%swap3A_161, %swap3A_162] {strides = array<i32>} : memref<80x128xf32, #tpu.memory_space<vmem>>, vector<16xf32>,
      tpu.vector_store %arg8[%swap3A_161, %swap3A_162], %broadcast_in_dim3A_0 {strides = array<i32>} : memref<80x128xf32, #tpu.memory_space<vmem>>, vector<16xf32>,
      %swap3A_164 = arith.index_cast %scan3A_157 : i32 to index
      %swap3A_165 = arith.constant 32 : index
      %swap3A_166 = tpu.vector_load %arg8[%swap3A_164, %swap3A_165] {strides = array<i32>} : memref<80x128xf32, #tpu.memory_space<vmem>>, vector<16xf32>,
      tpu.vector_store %arg8[%swap3A_164, %swap3A_165], %broadcast_in_dim3A_0 {strides = array<i32>} : memref<80x128xf32, #tpu.memory_space<vmem>>, vector<16xf32>,
      %swap3A_167 = arith.index_cast %scan3A_157 : i32 to index
      %swap3A_168 = arith.constant 48 : index
      %swap3A_169 = tpu.vector_load %arg8[%swap3A_167, %swap3A_168] {strides = array<i32>} : memref<80x128xf32, #tpu.memory_space<vmem>>, vector<16xf32>,
      tpu.vector_store %arg8[%swap3A_167, %swap3A_168], %broadcast_in_dim3A_0 {strides = array<i32>} : memref<80x128xf32, #tpu.memory_space<vmem>>, vector<16xf32>,
      %swap3A_170 = arith.index_cast %scan3A_157 : i32 to index
      %swap3A_171 = arith.constant 64 : index
      %swap3A_172 = tpu.vector_load %arg8[%swap3A_170, %swap3A_171] {strides = array<i32>} : memref<80x128xf32, #tpu.memory_space<vmem>>, vector<16xf32>,
      tpu.vector_store %arg8[%swap3A_170, %swap3A_171], %broadcast_in_dim3A_0 {strides = array<i32>} : memref<80x128xf32, #tpu.memory_space<vmem>>, vector<16xf32>,
      %swap3A_173 = arith.index_cast %scan3A_157 : i32 to index
      %swap3A_174 = arith.constant 80 : index
      %swap3A_175 = tpu.vector_load %arg8[%swap3A_173, %swap3A_174] {strides = array<i32>} : memref<80x128xf32, #tpu.memory_space<vmem>>, vector<16xf32>,
      tpu.vector_store %arg8[%swap3A_173, %swap3A_174], %broadcast_in_dim3A_0 {strides = array<i32>} : memref<80x128xf32, #tpu.memory_space<vmem>>, vector<16xf32>,
      %swap3A_176 = arith.index_cast %scan3A_157 : i32 to index
      %swap3A_177 = arith.constant 96 : index
      %swap3A_178 = tpu.vector_load %arg8[%swap3A_176, %swap3A_177] {strides = array<i32>} : memref<80x128xf32, #tpu.memory_space<vmem>>, vector<16xf32>,
      tpu.vector_store %arg8[%swap3A_176, %swap3A_177], %broadcast_in_dim3A_0 {strides = array<i32>} : memref<80x128xf32, #tpu.memory_space<vmem>>, vector<16xf32>,
      %swap3A_179 = arith.index_cast %scan3A_157 : i32 to index
      %swap3A_180 = arith.constant 112 : index
      %swap3A_181 = tpu.vector_load %arg8[%swap3A_179, %swap3A_180] {strides = array<i32>} : memref<80x128xf32, #tpu.memory_space<vmem>>, vector<16xf32>,
      tpu.vector_store %arg8[%swap3A_179, %swap3A_180], %broadcast_in_dim3A_0 {strides = array<i32>} : memref<80x128xf32, #tpu.memory_space<vmem>>, vector<16xf32>,
    }
    %scan3A_38 = arith.constant 80 : i32
    %add3A_39 = arith.constant 0 : i32
    %add3A_40 = arith.addi %arg1, %add3A_39 : i32
    %lt3A = arith.constant 125 : i32
    %lt3A_41 = arith.cmpi slt, %add3A_40, %lt3A : i32
    %convert_element_type3A_42 = arith.extui %lt3A_41 : i1 to i32
    %cond3A_43 = arith.constant 0 : i32
    %cond3A_44 = arith.cmpi ne, %convert_element_type3A_42, %cond3A_43 : i32
    scf.if %cond3A_44 {
      %mul3A = arith.constant 80 : i32
      %mul3A_157 = arith.muli %add3A_40, %mul3A : i32
      "tpu.region"() ({
        %run_scoped3A = tpu.sem_alloc : memref<!tpu.dma_semaphore, #tpu.memory_space<semaphore_mem>>
        %dma_start3A = arith.constant 0 : i32
        %dma_start3A_158 = tpu.memref_slice %arg5[%mul3A_157, %dma_start3A] : memref<10000x128xf32, #tpu.memory_space<vmem_shared>> -> memref<80x128xf32, #tpu.memory_space<vmem_shared>>
        %dma_start3A_159 = arith.constant 0 : i32
        %dma_start3A_160 = tpu.memref_slice %arg5[%mul3A_157, %dma_start3A_159] : memref<10000x128xf32, #tpu.memory_space<vmem_shared>> -> memref<80x128xf32, #tpu.memory_space<vmem_shared>>
        tpu.enqueue_dma source(%arg8 : memref<80x128xf32, #tpu.memory_space<vmem>>) target(%dma_start3A_160 : memref<80x128xf32, #tpu.memory_space<vmem_shared>>) target_semaphore(%run_scoped3A : memref<!tpu.dma_semaphore, #tpu.memory_space<semaphore_mem>>)
        %dma_wait3A = arith.constant 0 : i32
        %dma_wait3A_161 = tpu.memref_slice %arg5[%mul3A_157, %dma_wait3A] : memref<10000x128xf32, #tpu.memory_space<vmem_shared>> -> memref<80x128xf32, #tpu.memory_space<vmem_shared>>
        %dma_wait3A_162 = arith.constant 0 : i32
        %dma_wait3A_163 = tpu.memref_slice %arg5[%mul3A_157, %dma_wait3A_162] : memref<10000x128xf32, #tpu.memory_space<vmem_shared>> -> memref<80x128xf32, #tpu.memory_space<vmem_shared>>
        tpu.wait_dma2 semaphore(%run_scoped3A : memref<!tpu.dma_semaphore, #tpu.memory_space<semaphore_mem>>) src(%arg8 : memref<80x128xf32, #tpu.memory_space<vmem>>) dst(%dma_wait3A_163 : memref<80x128xf32, #tpu.memory_space<vmem_shared>>)
        tpu.yield
      }) : () -> ()
    } else {
    }
    %add3A_45 = arith.constant 16 : i32
    %add3A_46 = arith.addi %arg1, %add3A_45 : i32
    %lt3A_47 = arith.constant 125 : i32
    %lt3A_48 = arith.cmpi slt, %add3A_46, %lt3A_47 : i32
    %convert_element_type3A_49 = arith.extui %lt3A_48 : i1 to i32
    %cond3A_50 = arith.constant 0 : i32
    %cond3A_51 = arith.cmpi ne, %convert_element_type3A_49, %cond3A_50 : i32
    scf.if %cond3A_51 {
      %mul3A = arith.constant 80 : i32
      %mul3A_157 = arith.muli %add3A_46, %mul3A : i32
      "tpu.region"() ({
        %run_scoped3A = tpu.sem_alloc : memref<!tpu.dma_semaphore, #tpu.memory_space<semaphore_mem>>
        %dma_start3A = arith.constant 0 : i32
        %dma_start3A_158 = tpu.memref_slice %arg5[%mul3A_157, %dma_start3A] : memref<10000x128xf32, #tpu.memory_space<vmem_shared>> -> memref<80x128xf32, #tpu.memory_space<vmem_shared>>
        %dma_start3A_159 = arith.constant 0 : i32
        %dma_start3A_160 = tpu.memref_slice %arg5[%mul3A_157, %dma_start3A_159] : memref<10000x128xf32, #tpu.memory_space<vmem_shared>> -> memref<80x128xf32, #tpu.memory_space<vmem_shared>>
        tpu.enqueue_dma source(%arg8 : memref<80x128xf32, #tpu.memory_space<vmem>>) target(%dma_start3A_160 : memref<80x128xf32, #tpu.memory_space<vmem_shared>>) target_semaphore(%run_scoped3A : memref<!tpu.dma_semaphore, #tpu.memory_space<semaphore_mem>>)
        %dma_wait3A = arith.constant 0 : i32
        %dma_wait3A_161 = tpu.memref_slice %arg5[%mul3A_157, %dma_wait3A] : memref<10000x128xf32, #tpu.memory_space<vmem_shared>> -> memref<80x128xf32, #tpu.memory_space<vmem_shared>>
        %dma_wait3A_162 = arith.constant 0 : i32
        %dma_wait3A_163 = tpu.memref_slice %arg5[%mul3A_157, %dma_wait3A_162] : memref<10000x128xf32, #tpu.memory_space<vmem_shared>> -> memref<80x128xf32, #tpu.memory_space<vmem_shared>>
        tpu.wait_dma2 semaphore(%run_scoped3A : memref<!tpu.dma_semaphore, #tpu.memory_space<semaphore_mem>>) src(%arg8 : memref<80x128xf32, #tpu.memory_space<vmem>>) dst(%dma_wait3A_163 : memref<80x128xf32, #tpu.memory_space<vmem_shared>>)
        tpu.yield
      }) : () -> ()
    } else {
    }
    %add3A_52 = arith.constant 32 : i32
    %add3A_53 = arith.addi %arg1, %add3A_52 : i32
    %lt3A_54 = arith.constant 125 : i32
    %lt3A_55 = arith.cmpi slt, %add3A_53, %lt3A_54 : i32
    %convert_element_type3A_56 = arith.extui %lt3A_55 : i1 to i32
    %cond3A_57 = arith.constant 0 : i32
    %cond3A_58 = arith.cmpi ne, %convert_element_type3A_56, %cond3A_57 : i32
    scf.if %cond3A_58 {
      %mul3A = arith.constant 80 : i32
      %mul3A_157 = arith.muli %add3A_53, %mul3A : i32
      "tpu.region"() ({
        %run_scoped3A = tpu.sem_alloc : memref<!tpu.dma_semaphore, #tpu.memory_space<semaphore_mem>>
        %dma_start3A = arith.constant 0 : i32
        %dma_start3A_158 = tpu.memref_slice %arg5[%mul3A_157, %dma_start3A] : memref<10000x128xf32, #tpu.memory_space<vmem_shared>> -> memref<80x128xf32, #tpu.memory_space<vmem_shared>>
        %dma_start3A_159 = arith.constant 0 : i32
        %dma_start3A_160 = tpu.memref_slice %arg5[%mul3A_157, %dma_start3A_159] : memref<10000x128xf32, #tpu.memory_space<vmem_shared>> -> memref<80x128xf32, #tpu.memory_space<vmem_shared>>
        tpu.enqueue_dma source(%arg8 : memref<80x128xf32, #tpu.memory_space<vmem>>) target(%dma_start3A_160 : memref<80x128xf32, #tpu.memory_space<vmem_shared>>) target_semaphore(%run_scoped3A : memref<!tpu.dma_semaphore, #tpu.memory_space<semaphore_mem>>)
        %dma_wait3A = arith.constant 0 : i32
        %dma_wait3A_161 = tpu.memref_slice %arg5[%mul3A_157, %dma_wait3A] : memref<10000x128xf32, #tpu.memory_space<vmem_shared>> -> memref<80x128xf32, #tpu.memory_space<vmem_shared>>
        %dma_wait3A_162 = arith.constant 0 : i32
        %dma_wait3A_163 = tpu.memref_slice %arg5[%mul3A_157, %dma_wait3A_162] : memref<10000x128xf32, #tpu.memory_space<vmem_shared>> -> memref<80x128xf32, #tpu.memory_space<vmem_shared>>
        tpu.wait_dma2 semaphore(%run_scoped3A : memref<!tpu.dma_semaphore, #tpu.memory_space<semaphore_mem>>) src(%arg8 : memref<80x128xf32, #tpu.memory_space<vmem>>) dst(%dma_wait3A_163 : memref<80x128xf32, #tpu.memory_space<vmem_shared>>)
        tpu.yield
      }) : () -> ()
    } else {
    }
    %add3A_59 = arith.constant 48 : i32
    %add3A_60 = arith.addi %arg1, %add3A_59 : i32
    %lt3A_61 = arith.constant 125 : i32
    %lt3A_62 = arith.cmpi slt, %add3A_60, %lt3A_61 : i32
    %convert_element_type3A_63 = arith.extui %lt3A_62 : i1 to i32
    %cond3A_64 = arith.constant 0 : i32
    %cond3A_65 = arith.cmpi ne, %convert_element_type3A_63, %cond3A_64 : i32
    scf.if %cond3A_65 {
      %mul3A = arith.constant 80 : i32
      %mul3A_157 = arith.muli %add3A_60, %mul3A : i32
      "tpu.region"() ({
        %run_scoped3A = tpu.sem_alloc : memref<!tpu.dma_semaphore, #tpu.memory_space<semaphore_mem>>
        %dma_start3A = arith.constant 0 : i32
        %dma_start3A_158 = tpu.memref_slice %arg5[%mul3A_157, %dma_start3A] : memref<10000x128xf32, #tpu.memory_space<vmem_shared>> -> memref<80x128xf32, #tpu.memory_space<vmem_shared>>
        %dma_start3A_159 = arith.constant 0 : i32
        %dma_start3A_160 = tpu.memref_slice %arg5[%mul3A_157, %dma_start3A_159] : memref<10000x128xf32, #tpu.memory_space<vmem_shared>> -> memref<80x128xf32, #tpu.memory_space<vmem_shared>>
        tpu.enqueue_dma source(%arg8 : memref<80x128xf32, #tpu.memory_space<vmem>>) target(%dma_start3A_160 : memref<80x128xf32, #tpu.memory_space<vmem_shared>>) target_semaphore(%run_scoped3A : memref<!tpu.dma_semaphore, #tpu.memory_space<semaphore_mem>>)
        %dma_wait3A = arith.constant 0 : i32
        %dma_wait3A_161 = tpu.memref_slice %arg5[%mul3A_157, %dma_wait3A] : memref<10000x128xf32, #tpu.memory_space<vmem_shared>> -> memref<80x128xf32, #tpu.memory_space<vmem_shared>>
        %dma_wait3A_162 = arith.constant 0 : i32
        %dma_wait3A_163 = tpu.memref_slice %arg5[%mul3A_157, %dma_wait3A_162] : memref<10000x128xf32, #tpu.memory_space<vmem_shared>> -> memref<80x128xf32, #tpu.memory_space<vmem_shared>>
        tpu.wait_dma2 semaphore(%run_scoped3A : memref<!tpu.dma_semaphore, #tpu.memory_space<semaphore_mem>>) src(%arg8 : memref<80x128xf32, #tpu.memory_space<vmem>>) dst(%dma_wait3A_163 : memref<80x128xf32, #tpu.memory_space<vmem_shared>>)
        tpu.yield
      }) : () -> ()
    } else {
    }
    %add3A_66 = arith.constant 64 : i32
    %add3A_67 = arith.addi %arg1, %add3A_66 : i32
    %lt3A_68 = arith.constant 125 : i32
    %lt3A_69 = arith.cmpi slt, %add3A_67, %lt3A_68 : i32
    %convert_element_type3A_70 = arith.extui %lt3A_69 : i1 to i32
    %cond3A_71 = arith.constant 0 : i32
    %cond3A_72 = arith.cmpi ne, %convert_element_type3A_70, %cond3A_71 : i32
    scf.if %cond3A_72 {
      %mul3A = arith.constant 80 : i32
      %mul3A_157 = arith.muli %add3A_67, %mul3A : i32
      "tpu.region"() ({
        %run_scoped3A = tpu.sem_alloc : memref<!tpu.dma_semaphore, #tpu.memory_space<semaphore_mem>>
        %dma_start3A = arith.constant 0 : i32
        %dma_start3A_158 = tpu.memref_slice %arg5[%mul3A_157, %dma_start3A] : memref<10000x128xf32, #tpu.memory_space<vmem_shared>> -> memref<80x128xf32, #tpu.memory_space<vmem_shared>>
        %dma_start3A_159 = arith.constant 0 : i32
        %dma_start3A_160 = tpu.memref_slice %arg5[%mul3A_157, %dma_start3A_159] : memref<10000x128xf32, #tpu.memory_space<vmem_shared>> -> memref<80x128xf32, #tpu.memory_space<vmem_shared>>
        tpu.enqueue_dma source(%arg8 : memref<80x128xf32, #tpu.memory_space<vmem>>) target(%dma_start3A_160 : memref<80x128xf32, #tpu.memory_space<vmem_shared>>) target_semaphore(%run_scoped3A : memref<!tpu.dma_semaphore, #tpu.memory_space<semaphore_mem>>)
        %dma_wait3A = arith.constant 0 : i32
        %dma_wait3A_161 = tpu.memref_slice %arg5[%mul3A_157, %dma_wait3A] : memref<10000x128xf32, #tpu.memory_space<vmem_shared>> -> memref<80x128xf32, #tpu.memory_space<vmem_shared>>
        %dma_wait3A_162 = arith.constant 0 : i32
        %dma_wait3A_163 = tpu.memref_slice %arg5[%mul3A_157, %dma_wait3A_162] : memref<10000x128xf32, #tpu.memory_space<vmem_shared>> -> memref<80x128xf32, #tpu.memory_space<vmem_shared>>
        tpu.wait_dma2 semaphore(%run_scoped3A : memref<!tpu.dma_semaphore, #tpu.memory_space<semaphore_mem>>) src(%arg8 : memref<80x128xf32, #tpu.memory_space<vmem>>) dst(%dma_wait3A_163 : memref<80x128xf32, #tpu.memory_space<vmem_shared>>)
        tpu.yield
      }) : () -> ()
    } else {
    }
    %add3A_73 = arith.constant 80 : i32
    %add3A_74 = arith.addi %arg1, %add3A_73 : i32
    %lt3A_75 = arith.constant 125 : i32
    %lt3A_76 = arith.cmpi slt, %add3A_74, %lt3A_75 : i32
    %convert_element_type3A_77 = arith.extui %lt3A_76 : i1 to i32
    %cond3A_78 = arith.constant 0 : i32
    %cond3A_79 = arith.cmpi ne, %convert_element_type3A_77, %cond3A_78 : i32
    scf.if %cond3A_79 {
      %mul3A = arith.constant 80 : i32
      %mul3A_157 = arith.muli %add3A_74, %mul3A : i32
      "tpu.region"() ({
        %run_scoped3A = tpu.sem_alloc : memref<!tpu.dma_semaphore, #tpu.memory_space<semaphore_mem>>
        %dma_start3A = arith.constant 0 : i32
        %dma_start3A_158 = tpu.memref_slice %arg5[%mul3A_157, %dma_start3A] : memref<10000x128xf32, #tpu.memory_space<vmem_shared>> -> memref<80x128xf32, #tpu.memory_space<vmem_shared>>
        %dma_start3A_159 = arith.constant 0 : i32
        %dma_start3A_160 = tpu.memref_slice %arg5[%mul3A_157, %dma_start3A_159] : memref<10000x128xf32, #tpu.memory_space<vmem_shared>> -> memref<80x128xf32, #tpu.memory_space<vmem_shared>>
        tpu.enqueue_dma source(%arg8 : memref<80x128xf32, #tpu.memory_space<vmem>>) target(%dma_start3A_160 : memref<80x128xf32, #tpu.memory_space<vmem_shared>>) target_semaphore(%run_scoped3A : memref<!tpu.dma_semaphore, #tpu.memory_space<semaphore_mem>>)
        %dma_wait3A = arith.constant 0 : i32
        %dma_wait3A_161 = tpu.memref_slice %arg5[%mul3A_157, %dma_wait3A] : memref<10000x128xf32, #tpu.memory_space<vmem_shared>> -> memref<80x128xf32, #tpu.memory_space<vmem_shared>>
        %dma_wait3A_162 = arith.constant 0 : i32
        %dma_wait3A_163 = tpu.memref_slice %arg5[%mul3A_157, %dma_wait3A_162] : memref<10000x128xf32, #tpu.memory_space<vmem_shared>> -> memref<80x128xf32, #tpu.memory_space<vmem_shared>>
        tpu.wait_dma2 semaphore(%run_scoped3A : memref<!tpu.dma_semaphore, #tpu.memory_space<semaphore_mem>>) src(%arg8 : memref<80x128xf32, #tpu.memory_space<vmem>>) dst(%dma_wait3A_163 : memref<80x128xf32, #tpu.memory_space<vmem_shared>>)
        tpu.yield
      }) : () -> ()
    } else {
    }
    %add3A_80 = arith.constant 96 : i32
    %add3A_81 = arith.addi %arg1, %add3A_80 : i32
    %lt3A_82 = arith.constant 125 : i32
    %lt3A_83 = arith.cmpi slt, %add3A_81, %lt3A_82 : i32
    %convert_element_type3A_84 = arith.extui %lt3A_83 : i1 to i32
    %cond3A_85 = arith.constant 0 : i32
    %cond3A_86 = arith.cmpi ne, %convert_element_type3A_84, %cond3A_85 : i32
    scf.if %cond3A_86 {
      %mul3A = arith.constant 80 : i32
      %mul3A_157 = arith.muli %add3A_81, %mul3A : i32
      "tpu.region"() ({
        %run_scoped3A = tpu.sem_alloc : memref<!tpu.dma_semaphore, #tpu.memory_space<semaphore_mem>>
        %dma_start3A = arith.constant 0 : i32
        %dma_start3A_158 = tpu.memref_slice %arg5[%mul3A_157, %dma_start3A] : memref<10000x128xf32, #tpu.memory_space<vmem_shared>> -> memref<80x128xf32, #tpu.memory_space<vmem_shared>>
        %dma_start3A_159 = arith.constant 0 : i32
        %dma_start3A_160 = tpu.memref_slice %arg5[%mul3A_157, %dma_start3A_159] : memref<10000x128xf32, #tpu.memory_space<vmem_shared>> -> memref<80x128xf32, #tpu.memory_space<vmem_shared>>
        tpu.enqueue_dma source(%arg8 : memref<80x128xf32, #tpu.memory_space<vmem>>) target(%dma_start3A_160 : memref<80x128xf32, #tpu.memory_space<vmem_shared>>) target_semaphore(%run_scoped3A : memref<!tpu.dma_semaphore, #tpu.memory_space<semaphore_mem>>)
        %dma_wait3A = arith.constant 0 : i32
        %dma_wait3A_161 = tpu.memref_slice %arg5[%mul3A_157, %dma_wait3A] : memref<10000x128xf32, #tpu.memory_space<vmem_shared>> -> memref<80x128xf32, #tpu.memory_space<vmem_shared>>
        %dma_wait3A_162 = arith.constant 0 : i32
        %dma_wait3A_163 = tpu.memref_slice %arg5[%mul3A_157, %dma_wait3A_162] : memref<10000x128xf32, #tpu.memory_space<vmem_shared>> -> memref<80x128xf32, #tpu.memory_space<vmem_shared>>
        tpu.wait_dma2 semaphore(%run_scoped3A : memref<!tpu.dma_semaphore, #tpu.memory_space<semaphore_mem>>) src(%arg8 : memref<80x128xf32, #tpu.memory_space<vmem>>) dst(%dma_wait3A_163 : memref<80x128xf32, #tpu.memory_space<vmem_shared>>)
        tpu.yield
      }) : () -> ()
    } else {
    }
    %add3A_87 = arith.constant 112 : i32
    %add3A_88 = arith.addi %arg1, %add3A_87 : i32
    %lt3A_89 = arith.constant 125 : i32
    %lt3A_90 = arith.cmpi slt, %add3A_88, %lt3A_89 : i32
    %convert_element_type3A_91 = arith.extui %lt3A_90 : i1 to i32
    %cond3A_92 = arith.constant 0 : i32
    %cond3A_93 = arith.cmpi ne, %convert_element_type3A_91, %cond3A_92 : i32
    scf.if %cond3A_93 {
      %mul3A = arith.constant 80 : i32
      %mul3A_157 = arith.muli %add3A_88, %mul3A : i32
      "tpu.region"() ({
        %run_scoped3A = tpu.sem_alloc : memref<!tpu.dma_semaphore, #tpu.memory_space<semaphore_mem>>
        %dma_start3A = arith.constant 0 : i32
        %dma_start3A_158 = tpu.memref_slice %arg5[%mul3A_157, %dma_start3A] : memref<10000x128xf32, #tpu.memory_space<vmem_shared>> -> memref<80x128xf32, #tpu.memory_space<vmem_shared>>
        %dma_start3A_159 = arith.constant 0 : i32
        %dma_start3A_160 = tpu.memref_slice %arg5[%mul3A_157, %dma_start3A_159] : memref<10000x128xf32, #tpu.memory_space<vmem_shared>> -> memref<80x128xf32, #tpu.memory_space<vmem_shared>>
        tpu.enqueue_dma source(%arg8 : memref<80x128xf32, #tpu.memory_space<vmem>>) target(%dma_start3A_160 : memref<80x128xf32, #tpu.memory_space<vmem_shared>>) target_semaphore(%run_scoped3A : memref<!tpu.dma_semaphore, #tpu.memory_space<semaphore_mem>>)
        %dma_wait3A = arith.constant 0 : i32
        %dma_wait3A_161 = tpu.memref_slice %arg5[%mul3A_157, %dma_wait3A] : memref<10000x128xf32, #tpu.memory_space<vmem_shared>> -> memref<80x128xf32, #tpu.memory_space<vmem_shared>>
        %dma_wait3A_162 = arith.constant 0 : i32
        %dma_wait3A_163 = tpu.memref_slice %arg5[%mul3A_157, %dma_wait3A_162] : memref<10000x128xf32, #tpu.memory_space<vmem_shared>> -> memref<80x128xf32, #tpu.memory_space<vmem_shared>>
        tpu.wait_dma2 semaphore(%run_scoped3A : memref<!tpu.dma_semaphore, #tpu.memory_space<semaphore_mem>>) src(%arg8 : memref<80x128xf32, #tpu.memory_space<vmem>>) dst(%dma_wait3A_163 : memref<80x128xf32, #tpu.memory_space<vmem_shared>>)
        tpu.yield
      }) : () -> ()
    } else {
    }
    %barrier3A = arith.constant 0 : index
    tpu.barrier barrier_id(%barrier3A)
    %scan3A_94 = arith.constant 0 : i32
    %scan3A_95 = arith.constant 0 : i32
    %scan3A_96 = arith.constant 250 : i32
    %scan3A_97 = arith.addi %scan3A_95, %scan3A_96 : i32
    %scan3A_98 = arith.constant 1 : i32
    scf.for %scan3A_157 = %scan3A_95 to %scan3A_97 step %scan3A_98  : i32 {
      %mul3A = arith.constant 20000 : i32
      %mul3A_158 = arith.muli %arg1, %mul3A : i32
      %mul3A_159 = arith.constant 80 : i32
      %mul3A_160 = arith.muli %scan3A_157, %mul3A_159 : i32
      %add3A_161 = arith.addi %mul3A_158, %mul3A_160 : i32
      %mul3A_162 = arith.constant 320000 : i32
      %mul3A_163 = arith.muli %arg0, %mul3A_162 : i32
      %add3A_164 = arith.addi %mul3A_163, %add3A_161 : i32
      "tpu.region"() ({
        %run_scoped3A = tpu.sem_alloc : memref<!tpu.dma_semaphore, #tpu.memory_space<semaphore_mem>>
        %dma_start3A = tpu.memref_slice %arg3[%add3A_164] : memref<640000xi32, #tpu.memory_space<hbm>> -> memref<80xi32, #tpu.memory_space<hbm>>
        %dma_start3A_202 = tpu.memref_slice %arg3[%add3A_164] : memref<640000xi32, #tpu.memory_space<hbm>> -> memref<80xi32, #tpu.memory_space<hbm>>
        tpu.enqueue_dma source(%dma_start3A_202 : memref<80xi32, #tpu.memory_space<hbm>>) target(%arg7 : memref<80xi32, #tpu.memory_space<vmem>>) target_semaphore(%run_scoped3A : memref<!tpu.dma_semaphore, #tpu.memory_space<semaphore_mem>>)
        %dma_wait3A = tpu.memref_slice %arg3[%add3A_164] : memref<640000xi32, #tpu.memory_space<hbm>> -> memref<80xi32, #tpu.memory_space<hbm>>
        %dma_wait3A_203 = tpu.memref_slice %arg3[%add3A_164] : memref<640000xi32, #tpu.memory_space<hbm>> -> memref<80xi32, #tpu.memory_space<hbm>>
        tpu.wait_dma2 semaphore(%run_scoped3A : memref<!tpu.dma_semaphore, #tpu.memory_space<semaphore_mem>>) src(%dma_wait3A_203 : memref<80xi32, #tpu.memory_space<hbm>>) dst(%arg7 : memref<80xi32, #tpu.memory_space<vmem>>)
        tpu.yield
      }) : () -> ()
      "tpu.region"() ({
        %run_scoped3A = tpu.sem_alloc : memref<!tpu.dma_semaphore, #tpu.memory_space<semaphore_mem>>
        %dma_start3A = arith.constant 0 : i32
        %dma_start3A_202 = tpu.memref_slice %arg2[%add3A_161, %dma_start3A] : memref<320000x128xf32, #tpu.memory_space<hbm>> -> memref<80x128xf32, #tpu.memory_space<hbm>>
        %dma_start3A_203 = arith.constant 0 : i32
        %dma_start3A_204 = tpu.memref_slice %arg2[%add3A_161, %dma_start3A_203] : memref<320000x128xf32, #tpu.memory_space<hbm>> -> memref<80x128xf32, #tpu.memory_space<hbm>>
        tpu.enqueue_dma source(%dma_start3A_204 : memref<80x128xf32, #tpu.memory_space<hbm>>) target(%arg8 : memref<80x128xf32, #tpu.memory_space<vmem>>) target_semaphore(%run_scoped3A : memref<!tpu.dma_semaphore, #tpu.memory_space<semaphore_mem>>)
        %dma_wait3A = arith.constant 0 : i32
        %dma_wait3A_205 = tpu.memref_slice %arg2[%add3A_161, %dma_wait3A] : memref<320000x128xf32, #tpu.memory_space<hbm>> -> memref<80x128xf32, #tpu.memory_space<hbm>>
        %dma_wait3A_206 = arith.constant 0 : i32
        %dma_wait3A_207 = tpu.memref_slice %arg2[%add3A_161, %dma_wait3A_206] : memref<320000x128xf32, #tpu.memory_space<hbm>> -> memref<80x128xf32, #tpu.memory_space<hbm>>
        tpu.wait_dma2 semaphore(%run_scoped3A : memref<!tpu.dma_semaphore, #tpu.memory_space<semaphore_mem>>) src(%dma_wait3A_207 : memref<80x128xf32, #tpu.memory_space<hbm>>) dst(%arg8 : memref<80x128xf32, #tpu.memory_space<vmem>>)
        tpu.yield
      }) : () -> ()
      "tpu.region"() ({
        %run_scoped3A = tpu.sem_alloc : memref<!tpu.dma_semaphore, #tpu.memory_space<semaphore_mem>>
        %dma_start3A = arith.constant 0 : i32
        %dma_start3A_202 = arith.constant 0 : i32
        %dma_start3A_203 = tpu.memref_slice %arg5[%dma_start3A, %dma_start3A_202] : memref<10000x128xf32, #tpu.memory_space<vmem_shared>> -> memref<10000x128xf32, #tpu.memory_space<vmem_shared>>
        tpu.enqueue_indirect_dma source(%arg8 : memref<80x128xf32, #tpu.memory_space<vmem>>) target(%dma_start3A_203 : memref<10000x128xf32, #tpu.memory_space<vmem_shared>>) offsets(%arg7 : memref<80xi32, #tpu.memory_space<vmem>>) semaphore(%run_scoped3A : memref<!tpu.dma_semaphore, #tpu.memory_space<semaphore_mem>>) {add = true}
        %dma_wait3A = arith.constant 0 : i32
        %dma_wait3A_204 = arith.constant 0 : i32
        %dma_wait3A_205 = tpu.memref_slice %arg5[%dma_wait3A, %dma_wait3A_204] : memref<10000x128xf32, #tpu.memory_space<vmem_shared>> -> memref<10000x128xf32, #tpu.memory_space<vmem_shared>>
        tpu.wait_indirect_dma semaphore(%run_scoped3A : memref<!tpu.dma_semaphore, #tpu.memory_space<semaphore_mem>>) src(%arg8 : memref<80x128xf32, #tpu.memory_space<vmem>>) dst(%dma_wait3A_205 : memref<10000x128xf32, #tpu.memory_space<vmem_shared>>)
        tpu.yield
      }) : () -> ()
      %get3A = arith.constant 0 : index
      %get3A_165 = tpu.vector_load %arg7[%get3A] {strides = array<i32>} : memref<80xi32, #tpu.memory_space<vmem>>, vector<16xi32>,
      %shift_right_arithmetic3A = arith.constant 7 : i32
      %shift_right_arithmetic3A_166 = vector.broadcast %shift_right_arithmetic3A : i32 to vector<16xi32>
      %shift_right_arithmetic3A_167 = arith.shrsi %get3A_165, %shift_right_arithmetic3A_166 : vector<16xi32>
      %and3A = arith.constant 127 : i32
      %and3A_168 = vector.broadcast %and3A : i32 to vector<16xi32>
      %and3A_169 = arith.andi %get3A_165, %and3A_168 : vector<16xi32>
      tpu.vector_store_idx %arg9[%shift_right_arithmetic3A_167, %and3A_169], %broadcast_in_dim3A_2 {add = true} : memref<80x128xf32, #tpu.memory_space<vmem>>[vector<16xi32>, vector<16xi32>], vector<16xf32>,
      %get3A_170 = arith.constant 16 : index
      %get3A_171 = tpu.vector_load %arg7[%get3A_170] {strides = array<i32>} : memref<80xi32, #tpu.memory_space<vmem>>, vector<16xi32>,
      %shift_right_arithmetic3A_172 = arith.constant 7 : i32
      %shift_right_arithmetic3A_173 = vector.broadcast %shift_right_arithmetic3A_172 : i32 to vector<16xi32>
      %shift_right_arithmetic3A_174 = arith.shrsi %get3A_171, %shift_right_arithmetic3A_173 : vector<16xi32>
      %and3A_175 = arith.constant 127 : i32
      %and3A_176 = vector.broadcast %and3A_175 : i32 to vector<16xi32>
      %and3A_177 = arith.andi %get3A_171, %and3A_176 : vector<16xi32>
      tpu.vector_store_idx %arg9[%shift_right_arithmetic3A_174, %and3A_177], %broadcast_in_dim3A_2 {add = true} : memref<80x128xf32, #tpu.memory_space<vmem>>[vector<16xi32>, vector<16xi32>], vector<16xf32>,
      %get3A_178 = arith.constant 32 : index
      %get3A_179 = tpu.vector_load %arg7[%get3A_178] {strides = array<i32>} : memref<80xi32, #tpu.memory_space<vmem>>, vector<16xi32>,
      %shift_right_arithmetic3A_180 = arith.constant 7 : i32
      %shift_right_arithmetic3A_181 = vector.broadcast %shift_right_arithmetic3A_180 : i32 to vector<16xi32>
      %shift_right_arithmetic3A_182 = arith.shrsi %get3A_179, %shift_right_arithmetic3A_181 : vector<16xi32>
      %and3A_183 = arith.constant 127 : i32
      %and3A_184 = vector.broadcast %and3A_183 : i32 to vector<16xi32>
      %and3A_185 = arith.andi %get3A_179, %and3A_184 : vector<16xi32>
      tpu.vector_store_idx %arg9[%shift_right_arithmetic3A_182, %and3A_185], %broadcast_in_dim3A_2 {add = true} : memref<80x128xf32, #tpu.memory_space<vmem>>[vector<16xi32>, vector<16xi32>], vector<16xf32>,
      %get3A_186 = arith.constant 48 : index
      %get3A_187 = tpu.vector_load %arg7[%get3A_186] {strides = array<i32>} : memref<80xi32, #tpu.memory_space<vmem>>, vector<16xi32>,
      %shift_right_arithmetic3A_188 = arith.constant 7 : i32
      %shift_right_arithmetic3A_189 = vector.broadcast %shift_right_arithmetic3A_188 : i32 to vector<16xi32>
      %shift_right_arithmetic3A_190 = arith.shrsi %get3A_187, %shift_right_arithmetic3A_189 : vector<16xi32>
      %and3A_191 = arith.constant 127 : i32
      %and3A_192 = vector.broadcast %and3A_191 : i32 to vector<16xi32>
      %and3A_193 = arith.andi %get3A_187, %and3A_192 : vector<16xi32>
      tpu.vector_store_idx %arg9[%shift_right_arithmetic3A_190, %and3A_193], %broadcast_in_dim3A_2 {add = true} : memref<80x128xf32, #tpu.memory_space<vmem>>[vector<16xi32>, vector<16xi32>], vector<16xf32>,
      %get3A_194 = arith.constant 64 : index
      %get3A_195 = tpu.vector_load %arg7[%get3A_194] {strides = array<i32>} : memref<80xi32, #tpu.memory_space<vmem>>, vector<16xi32>,
      %shift_right_arithmetic3A_196 = arith.constant 7 : i32
      %shift_right_arithmetic3A_197 = vector.broadcast %shift_right_arithmetic3A_196 : i32 to vector<16xi32>
      %shift_right_arithmetic3A_198 = arith.shrsi %get3A_195, %shift_right_arithmetic3A_197 : vector<16xi32>
      %and3A_199 = arith.constant 127 : i32
      %and3A_200 = vector.broadcast %and3A_199 : i32 to vector<16xi32>
      %and3A_201 = arith.andi %get3A_195, %and3A_200 : vector<16xi32>
      tpu.vector_store_idx %arg9[%shift_right_arithmetic3A_198, %and3A_201], %broadcast_in_dim3A_2 {add = true} : memref<80x128xf32, #tpu.memory_space<vmem>>[vector<16xi32>, vector<16xi32>], vector<16xf32>,
    }
    %scan3A_99 = arith.constant 250 : i32
    "tpu.region"() ({
      %run_scoped3A = tpu.sem_alloc : memref<!tpu.dma_semaphore, #tpu.memory_space<semaphore_mem>>
      %dma_start3A = arith.constant 0 : i32
      %dma_start3A_157 = arith.constant 0 : i32
      %dma_start3A_158 = tpu.memref_slice %arg6[%dma_start3A, %dma_start3A_157] : memref<80x128xf32, #tpu.memory_space<vmem_shared>> -> memref<80x128xf32, #tpu.memory_space<vmem_shared>>
      tpu.enqueue_indirect_dma source(%arg9 : memref<80x128xf32, #tpu.memory_space<vmem>>) target(%dma_start3A_158 : memref<80x128xf32, #tpu.memory_space<vmem_shared>>) offsets(%arg10 : memref<80xi32, #tpu.memory_space<vmem>>) semaphore(%run_scoped3A : memref<!tpu.dma_semaphore, #tpu.memory_space<semaphore_mem>>) {add = true}
      %dma_wait3A = arith.constant 0 : i32
      %dma_wait3A_159 = arith.constant 0 : i32
      %dma_wait3A_160 = tpu.memref_slice %arg6[%dma_wait3A, %dma_wait3A_159] : memref<80x128xf32, #tpu.memory_space<vmem_shared>> -> memref<80x128xf32, #tpu.memory_space<vmem_shared>>
      tpu.wait_indirect_dma semaphore(%run_scoped3A : memref<!tpu.dma_semaphore, #tpu.memory_space<semaphore_mem>>) src(%arg9 : memref<80x128xf32, #tpu.memory_space<vmem>>) dst(%dma_wait3A_160 : memref<80x128xf32, #tpu.memory_space<vmem_shared>>)
      tpu.yield
    }) : () -> ()
    %barrier3A_100 = arith.constant 0 : index
    tpu.barrier barrier_id(%barrier3A_100)
    "tpu.region"() ({
      %run_scoped3A = tpu.sem_alloc : memref<!tpu.dma_semaphore, #tpu.memory_space<semaphore_mem>>
      tpu.enqueue_dma source(%arg6 : memref<80x128xf32, #tpu.memory_space<vmem_shared>>) target(%arg9 : memref<80x128xf32, #tpu.memory_space<vmem>>) target_semaphore(%run_scoped3A : memref<!tpu.dma_semaphore, #tpu.memory_space<semaphore_mem>>)
      tpu.wait_dma2 semaphore(%run_scoped3A : memref<!tpu.dma_semaphore, #tpu.memory_space<semaphore_mem>>) src(%arg6 : memref<80x128xf32, #tpu.memory_space<vmem_shared>>) dst(%arg9 : memref<80x128xf32, #tpu.memory_space<vmem>>)
      tpu.yield
    }) : () -> ()
    %add3A_101 = arith.constant 0 : i32
    %add3A_102 = arith.addi %arg1, %add3A_101 : i32
    %lt3A_103 = arith.constant 125 : i32
    %lt3A_104 = arith.cmpi slt, %add3A_102, %lt3A_103 : i32
    %convert_element_type3A_105 = arith.extui %lt3A_104 : i1 to i32
    %cond3A_106 = arith.constant 0 : i32
    %cond3A_107 = arith.cmpi ne, %convert_element_type3A_105, %cond3A_106 : i32
    scf.if %cond3A_107 {
      %mul3A = arith.constant 80 : i32
      %mul3A_157 = arith.muli %add3A_102, %mul3A : i32
      "tpu.region"() ({
        %run_scoped3A = tpu.sem_alloc : memref<!tpu.dma_semaphore, #tpu.memory_space<semaphore_mem>>
        %dma_start3A = arith.constant 0 : i32
        %dma_start3A_254 = tpu.memref_slice %arg5[%mul3A_157, %dma_start3A] : memref<10000x128xf32, #tpu.memory_space<vmem_shared>> -> memref<80x128xf32, #tpu.memory_space<vmem_shared>>
        %dma_start3A_255 = arith.constant 0 : i32
        %dma_start3A_256 = tpu.memref_slice %arg5[%mul3A_157, %dma_start3A_255] : memref<10000x128xf32, #tpu.memory_space<vmem_shared>> -> memref<80x128xf32, #tpu.memory_space<vmem_shared>>
        tpu.enqueue_dma source(%dma_start3A_256 : memref<80x128xf32, #tpu.memory_space<vmem_shared>>) target(%arg8 : memref<80x128xf32, #tpu.memory_space<vmem>>) target_semaphore(%run_scoped3A : memref<!tpu.dma_semaphore, #tpu.memory_space<semaphore_mem>>)
        %dma_wait3A = arith.constant 0 : i32
        %dma_wait3A_257 = tpu.memref_slice %arg5[%mul3A_157, %dma_wait3A] : memref<10000x128xf32, #tpu.memory_space<vmem_shared>> -> memref<80x128xf32, #tpu.memory_space<vmem_shared>>
        %dma_wait3A_258 = arith.constant 0 : i32
        %dma_wait3A_259 = tpu.memref_slice %arg5[%mul3A_157, %dma_wait3A_258] : memref<10000x128xf32, #tpu.memory_space<vmem_shared>> -> memref<80x128xf32, #tpu.memory_space<vmem_shared>>
        tpu.wait_dma2 semaphore(%run_scoped3A : memref<!tpu.dma_semaphore, #tpu.memory_space<semaphore_mem>>) src(%dma_wait3A_259 : memref<80x128xf32, #tpu.memory_space<vmem_shared>>) dst(%arg8 : memref<80x128xf32, #tpu.memory_space<vmem>>)
        tpu.yield
      }) : () -> ()
      %add3A_158 = arith.constant 0 : i32
      %add3A_159 = arith.addi %mul3A_157, %add3A_158 : i32
      %add3A_160 = vector.broadcast %add3A_159 : i32 to vector<16xi32>
      %add3A_161 = arith.addi %add3A_160, %iota3A : vector<16xi32>
      %shift_right_arithmetic3A = arith.constant 7 : i32
      %shift_right_arithmetic3A_162 = vector.broadcast %shift_right_arithmetic3A : i32 to vector<16xi32>
      %shift_right_arithmetic3A_163 = arith.shrsi %add3A_161, %shift_right_arithmetic3A_162 : vector<16xi32>
      %and3A = arith.constant 127 : i32
      %and3A_164 = vector.broadcast %and3A : i32 to vector<16xi32>
      %and3A_165 = arith.andi %add3A_161, %and3A_164 : vector<16xi32>
      %gather3A = tpu.vector_load_idx %arg9[%shift_right_arithmetic3A_163, %and3A_165] : memref<80x128xf32, #tpu.memory_space<vmem>>[vector<16xi32>, vector<16xi32>], vector<16xf32>,
      %max3A = arith.constant 1.000000e+00 : f32
      %max3A_166 = vector.broadcast %max3A : f32 to vector<16xf32>
      %max3A_167 = arith.maximumf %gather3A, %max3A_166 : vector<16xf32>
      %div3A = arith.constant 1.000000e+00 : f32
      %div3A_168 = vector.broadcast %div3A : f32 to vector<16xf32>
      %div3A_169 = arith.divf %div3A_168, %max3A_167 : vector<16xf32>
      %swap3A_170 = arith.constant 0 : index
      %swap3A_171 = tpu.vector_load %arg11[%swap3A_170] {strides = array<i32>} : memref<96xf32, #tpu.memory_space<vmem>>, vector<16xf32>,
      tpu.vector_store %arg11[%swap3A_170], %div3A_169 {strides = array<i32>} : memref<96xf32, #tpu.memory_space<vmem>>, vector<16xf32>,
      %add3A_172 = arith.constant 16 : i32
      %add3A_173 = arith.addi %mul3A_157, %add3A_172 : i32
      %add3A_174 = vector.broadcast %add3A_173 : i32 to vector<16xi32>
      %add3A_175 = arith.addi %add3A_174, %iota3A : vector<16xi32>
      %shift_right_arithmetic3A_176 = arith.constant 7 : i32
      %shift_right_arithmetic3A_177 = vector.broadcast %shift_right_arithmetic3A_176 : i32 to vector<16xi32>
      %shift_right_arithmetic3A_178 = arith.shrsi %add3A_175, %shift_right_arithmetic3A_177 : vector<16xi32>
      %and3A_179 = arith.constant 127 : i32
      %and3A_180 = vector.broadcast %and3A_179 : i32 to vector<16xi32>
      %and3A_181 = arith.andi %add3A_175, %and3A_180 : vector<16xi32>
      %gather3A_182 = tpu.vector_load_idx %arg9[%shift_right_arithmetic3A_178, %and3A_181] : memref<80x128xf32, #tpu.memory_space<vmem>>[vector<16xi32>, vector<16xi32>], vector<16xf32>,
      %max3A_183 = arith.constant 1.000000e+00 : f32
      %max3A_184 = vector.broadcast %max3A_183 : f32 to vector<16xf32>
      %max3A_185 = arith.maximumf %gather3A_182, %max3A_184 : vector<16xf32>
      %div3A_186 = arith.constant 1.000000e+00 : f32
      %div3A_187 = vector.broadcast %div3A_186 : f32 to vector<16xf32>
      %div3A_188 = arith.divf %div3A_187, %max3A_185 : vector<16xf32>
      %swap3A_189 = arith.constant 16 : index
      %swap3A_190 = tpu.vector_load %arg11[%swap3A_189] {strides = array<i32>} : memref<96xf32, #tpu.memory_space<vmem>>, vector<16xf32>,
      tpu.vector_store %arg11[%swap3A_189], %div3A_188 {strides = array<i32>} : memref<96xf32, #tpu.memory_space<vmem>>, vector<16xf32>,
      %add3A_191 = arith.constant 32 : i32
      %add3A_192 = arith.addi %mul3A_157, %add3A_191 : i32
      %add3A_193 = vector.broadcast %add3A_192 : i32 to vector<16xi32>
      %add3A_194 = arith.addi %add3A_193, %iota3A : vector<16xi32>
      %shift_right_arithmetic3A_195 = arith.constant 7 : i32
      %shift_right_arithmetic3A_196 = vector.broadcast %shift_right_arithmetic3A_195 : i32 to vector<16xi32>
      %shift_right_arithmetic3A_197 = arith.shrsi %add3A_194, %shift_right_arithmetic3A_196 : vector<16xi32>
      %and3A_198 = arith.constant 127 : i32
      %and3A_199 = vector.broadcast %and3A_198 : i32 to vector<16xi32>
      %and3A_200 = arith.andi %add3A_194, %and3A_199 : vector<16xi32>
      %gather3A_201 = tpu.vector_load_idx %arg9[%shift_right_arithmetic3A_197, %and3A_200] : memref<80x128xf32, #tpu.memory_space<vmem>>[vector<16xi32>, vector<16xi32>], vector<16xf32>,
      %max3A_202 = arith.constant 1.000000e+00 : f32
      %max3A_203 = vector.broadcast %max3A_202 : f32 to vector<16xf32>
      %max3A_204 = arith.maximumf %gather3A_201, %max3A_203 : vector<16xf32>
      %div3A_205 = arith.constant 1.000000e+00 : f32
      %div3A_206 = vector.broadcast %div3A_205 : f32 to vector<16xf32>
      %div3A_207 = arith.divf %div3A_206, %max3A_204 : vector<16xf32>
      %swap3A_208 = arith.constant 32 : index
      %swap3A_209 = tpu.vector_load %arg11[%swap3A_208] {strides = array<i32>} : memref<96xf32, #tpu.memory_space<vmem>>, vector<16xf32>,
      tpu.vector_store %arg11[%swap3A_208], %div3A_207 {strides = array<i32>} : memref<96xf32, #tpu.memory_space<vmem>>, vector<16xf32>,
      %add3A_210 = arith.constant 48 : i32
      %add3A_211 = arith.addi %mul3A_157, %add3A_210 : i32
      %add3A_212 = vector.broadcast %add3A_211 : i32 to vector<16xi32>
      %add3A_213 = arith.addi %add3A_212, %iota3A : vector<16xi32>
      %shift_right_arithmetic3A_214 = arith.constant 7 : i32
      %shift_right_arithmetic3A_215 = vector.broadcast %shift_right_arithmetic3A_214 : i32 to vector<16xi32>
      %shift_right_arithmetic3A_216 = arith.shrsi %add3A_213, %shift_right_arithmetic3A_215 : vector<16xi32>
      %and3A_217 = arith.constant 127 : i32
      %and3A_218 = vector.broadcast %and3A_217 : i32 to vector<16xi32>
      %and3A_219 = arith.andi %add3A_213, %and3A_218 : vector<16xi32>
      %gather3A_220 = tpu.vector_load_idx %arg9[%shift_right_arithmetic3A_216, %and3A_219] : memref<80x128xf32, #tpu.memory_space<vmem>>[vector<16xi32>, vector<16xi32>], vector<16xf32>,
      %max3A_221 = arith.constant 1.000000e+00 : f32
      %max3A_222 = vector.broadcast %max3A_221 : f32 to vector<16xf32>
      %max3A_223 = arith.maximumf %gather3A_220, %max3A_222 : vector<16xf32>
      %div3A_224 = arith.constant 1.000000e+00 : f32
      %div3A_225 = vector.broadcast %div3A_224 : f32 to vector<16xf32>
      %div3A_226 = arith.divf %div3A_225, %max3A_223 : vector<16xf32>
      %swap3A_227 = arith.constant 48 : index
      %swap3A_228 = tpu.vector_load %arg11[%swap3A_227] {strides = array<i32>} : memref<96xf32, #tpu.memory_space<vmem>>, vector<16xf32>,
      tpu.vector_store %arg11[%swap3A_227], %div3A_226 {strides = array<i32>} : memref<96xf32, #tpu.memory_space<vmem>>, vector<16xf32>,
      %add3A_229 = arith.constant 64 : i32
      %add3A_230 = arith.addi %mul3A_157, %add3A_229 : i32
      %add3A_231 = vector.broadcast %add3A_230 : i32 to vector<16xi32>
      %add3A_232 = arith.addi %add3A_231, %iota3A : vector<16xi32>
      %shift_right_arithmetic3A_233 = arith.constant 7 : i32
      %shift_right_arithmetic3A_234 = vector.broadcast %shift_right_arithmetic3A_233 : i32 to vector<16xi32>
      %shift_right_arithmetic3A_235 = arith.shrsi %add3A_232, %shift_right_arithmetic3A_234 : vector<16xi32>
      %and3A_236 = arith.constant 127 : i32
      %and3A_237 = vector.broadcast %and3A_236 : i32 to vector<16xi32>
      %and3A_238 = arith.andi %add3A_232, %and3A_237 : vector<16xi32>
      %gather3A_239 = tpu.vector_load_idx %arg9[%shift_right_arithmetic3A_235, %and3A_238] : memref<80x128xf32, #tpu.memory_space<vmem>>[vector<16xi32>, vector<16xi32>], vector<16xf32>,
      %max3A_240 = arith.constant 1.000000e+00 : f32
      %max3A_241 = vector.broadcast %max3A_240 : f32 to vector<16xf32>
      %max3A_242 = arith.maximumf %gather3A_239, %max3A_241 : vector<16xf32>
      %div3A_243 = arith.constant 1.000000e+00 : f32
      %div3A_244 = vector.broadcast %div3A_243 : f32 to vector<16xf32>
      %div3A_245 = arith.divf %div3A_244, %max3A_242 : vector<16xf32>
      %swap3A_246 = arith.constant 64 : index
      %swap3A_247 = tpu.vector_load %arg11[%swap3A_246] {strides = array<i32>} : memref<96xf32, #tpu.memory_space<vmem>>, vector<16xf32>,
      tpu.vector_store %arg11[%swap3A_246], %div3A_245 {strides = array<i32>} : memref<96xf32, #tpu.memory_space<vmem>>, vector<16xf32>,
      %scan3A_248 = arith.constant 0 : i32
      %scan3A_249 = arith.constant 0 : i32
      %scan3A_250 = arith.constant 80 : i32
      %scan3A_251 = arith.addi %scan3A_249, %scan3A_250 : i32
      %scan3A_252 = arith.constant 1 : i32
      scf.for %scan3A_254 = %scan3A_249 to %scan3A_251 step %scan3A_252  : i32 {
        %get3A = arith.index_cast %scan3A_254 : i32 to index
        %get3A_255 = tpu.vector_load %arg11[%get3A] {strides = array<i32>} : memref<96xf32, #tpu.memory_space<vmem>>, vector<16xf32>,
        %slice3A = vector.extract_strided_slice %get3A_255 {offsets = [0], sizes = [1], strides = [1]} : vector<16xf32> to vector<1xf32>
        %squeeze3A = vector.extract %slice3A[0] : f32 from vector<1xf32>
        %get3A_256 = arith.index_cast %scan3A_254 : i32 to index
        %get3A_257 = arith.constant 0 : index
        %get3A_258 = tpu.vector_load %arg8[%get3A_256, %get3A_257] {strides = array<i32>} : memref<80x128xf32, #tpu.memory_space<vmem>>, vector<16xf32>,
        %mul3A_259 = vector.broadcast %squeeze3A : f32 to vector<16xf32>
        %mul3A_260 = arith.mulf %get3A_258, %mul3A_259 : vector<16xf32>
        %swap3A_261 = arith.index_cast %scan3A_254 : i32 to index
        %swap3A_262 = arith.constant 0 : index
        %swap3A_263 = tpu.vector_load %arg8[%swap3A_261, %swap3A_262] {strides = array<i32>} : memref<80x128xf32, #tpu.memory_space<vmem>>, vector<16xf32>,
        tpu.vector_store %arg8[%swap3A_261, %swap3A_262], %mul3A_260 {strides = array<i32>} : memref<80x128xf32, #tpu.memory_space<vmem>>, vector<16xf32>,
        %get3A_264 = arith.index_cast %scan3A_254 : i32 to index
        %get3A_265 = arith.constant 16 : index
        %get3A_266 = tpu.vector_load %arg8[%get3A_264, %get3A_265] {strides = array<i32>} : memref<80x128xf32, #tpu.memory_space<vmem>>, vector<16xf32>,
        %mul3A_267 = vector.broadcast %squeeze3A : f32 to vector<16xf32>
        %mul3A_268 = arith.mulf %get3A_266, %mul3A_267 : vector<16xf32>
        %swap3A_269 = arith.index_cast %scan3A_254 : i32 to index
        %swap3A_270 = arith.constant 16 : index
        %swap3A_271 = tpu.vector_load %arg8[%swap3A_269, %swap3A_270] {strides = array<i32>} : memref<80x128xf32, #tpu.memory_space<vmem>>, vector<16xf32>,
        tpu.vector_store %arg8[%swap3A_269, %swap3A_270], %mul3A_268 {strides = array<i32>} : memref<80x128xf32, #tpu.memory_space<vmem>>, vector<16xf32>,
        %get3A_272 = arith.index_cast %scan3A_254 : i32 to index
        %get3A_273 = arith.constant 32 : index
        %get3A_274 = tpu.vector_load %arg8[%get3A_272, %get3A_273] {strides = array<i32>} : memref<80x128xf32, #tpu.memory_space<vmem>>, vector<16xf32>,
        %mul3A_275 = vector.broadcast %squeeze3A : f32 to vector<16xf32>
        %mul3A_276 = arith.mulf %get3A_274, %mul3A_275 : vector<16xf32>
        %swap3A_277 = arith.index_cast %scan3A_254 : i32 to index
        %swap3A_278 = arith.constant 32 : index
        %swap3A_279 = tpu.vector_load %arg8[%swap3A_277, %swap3A_278] {strides = array<i32>} : memref<80x128xf32, #tpu.memory_space<vmem>>, vector<16xf32>,
        tpu.vector_store %arg8[%swap3A_277, %swap3A_278], %mul3A_276 {strides = array<i32>} : memref<80x128xf32, #tpu.memory_space<vmem>>, vector<16xf32>,
        %get3A_280 = arith.index_cast %scan3A_254 : i32 to index
        %get3A_281 = arith.constant 48 : index
        %get3A_282 = tpu.vector_load %arg8[%get3A_280, %get3A_281] {strides = array<i32>} : memref<80x128xf32, #tpu.memory_space<vmem>>, vector<16xf32>,
        %mul3A_283 = vector.broadcast %squeeze3A : f32 to vector<16xf32>
        %mul3A_284 = arith.mulf %get3A_282, %mul3A_283 : vector<16xf32>
        %swap3A_285 = arith.index_cast %scan3A_254 : i32 to index
        %swap3A_286 = arith.constant 48 : index
        %swap3A_287 = tpu.vector_load %arg8[%swap3A_285, %swap3A_286] {strides = array<i32>} : memref<80x128xf32, #tpu.memory_space<vmem>>, vector<16xf32>,
        tpu.vector_store %arg8[%swap3A_285, %swap3A_286], %mul3A_284 {strides = array<i32>} : memref<80x128xf32, #tpu.memory_space<vmem>>, vector<16xf32>,
        %get3A_288 = arith.index_cast %scan3A_254 : i32 to index
        %get3A_289 = arith.constant 64 : index
        %get3A_290 = tpu.vector_load %arg8[%get3A_288, %get3A_289] {strides = array<i32>} : memref<80x128xf32, #tpu.memory_space<vmem>>, vector<16xf32>,
        %mul3A_291 = vector.broadcast %squeeze3A : f32 to vector<16xf32>
        %mul3A_292 = arith.mulf %get3A_290, %mul3A_291 : vector<16xf32>
        %swap3A_293 = arith.index_cast %scan3A_254 : i32 to index
        %swap3A_294 = arith.constant 64 : index
        %swap3A_295 = tpu.vector_load %arg8[%swap3A_293, %swap3A_294] {strides = array<i32>} : memref<80x128xf32, #tpu.memory_space<vmem>>, vector<16xf32>,
        tpu.vector_store %arg8[%swap3A_293, %swap3A_294], %mul3A_292 {strides = array<i32>} : memref<80x128xf32, #tpu.memory_space<vmem>>, vector<16xf32>,
        %get3A_296 = arith.index_cast %scan3A_254 : i32 to index
        %get3A_297 = arith.constant 80 : index
        %get3A_298 = tpu.vector_load %arg8[%get3A_296, %get3A_297] {strides = array<i32>} : memref<80x128xf32, #tpu.memory_space<vmem>>, vector<16xf32>,
        %mul3A_299 = vector.broadcast %squeeze3A : f32 to vector<16xf32>
        %mul3A_300 = arith.mulf %get3A_298, %mul3A_299 : vector<16xf32>
        %swap3A_301 = arith.index_cast %scan3A_254 : i32 to index
        %swap3A_302 = arith.constant 80 : index
        %swap3A_303 = tpu.vector_load %arg8[%swap3A_301, %swap3A_302] {strides = array<i32>} : memref<80x128xf32, #tpu.memory_space<vmem>>, vector<16xf32>,
        tpu.vector_store %arg8[%swap3A_301, %swap3A_302], %mul3A_300 {strides = array<i32>} : memref<80x128xf32, #tpu.memory_space<vmem>>, vector<16xf32>,
        %get3A_304 = arith.index_cast %scan3A_254 : i32 to index
        %get3A_305 = arith.constant 96 : index
        %get3A_306 = tpu.vector_load %arg8[%get3A_304, %get3A_305] {strides = array<i32>} : memref<80x128xf32, #tpu.memory_space<vmem>>, vector<16xf32>,
        %mul3A_307 = vector.broadcast %squeeze3A : f32 to vector<16xf32>
        %mul3A_308 = arith.mulf %get3A_306, %mul3A_307 : vector<16xf32>
        %swap3A_309 = arith.index_cast %scan3A_254 : i32 to index
        %swap3A_310 = arith.constant 96 : index
        %swap3A_311 = tpu.vector_load %arg8[%swap3A_309, %swap3A_310] {strides = array<i32>} : memref<80x128xf32, #tpu.memory_space<vmem>>, vector<16xf32>,
        tpu.vector_store %arg8[%swap3A_309, %swap3A_310], %mul3A_308 {strides = array<i32>} : memref<80x128xf32, #tpu.memory_space<vmem>>, vector<16xf32>,
        %get3A_312 = arith.index_cast %scan3A_254 : i32 to index
        %get3A_313 = arith.constant 112 : index
        %get3A_314 = tpu.vector_load %arg8[%get3A_312, %get3A_313] {strides = array<i32>} : memref<80x128xf32, #tpu.memory_space<vmem>>, vector<16xf32>,
        %mul3A_315 = vector.broadcast %squeeze3A : f32 to vector<16xf32>
        %mul3A_316 = arith.mulf %get3A_314, %mul3A_315 : vector<16xf32>
        %swap3A_317 = arith.index_cast %scan3A_254 : i32 to index
        %swap3A_318 = arith.constant 112 : index
        %swap3A_319 = tpu.vector_load %arg8[%swap3A_317, %swap3A_318] {strides = array<i32>} : memref<80x128xf32, #tpu.memory_space<vmem>>, vector<16xf32>,
        tpu.vector_store %arg8[%swap3A_317, %swap3A_318], %mul3A_316 {strides = array<i32>} : memref<80x128xf32, #tpu.memory_space<vmem>>, vector<16xf32>,
      }
      %scan3A_253 = arith.constant 80 : i32
      "tpu.region"() ({
        %run_scoped3A = tpu.sem_alloc : memref<!tpu.dma_semaphore, #tpu.memory_space<semaphore_mem>>
        %dma_start3A = arith.constant 0 : i32
        %dma_start3A_254 = tpu.memref_slice %arg4[%arg0, %mul3A_157, %dma_start3A] : memref<2x10000x128xf32, #tpu.memory_space<hbm>> -> memref<1x80x128xf32, #tpu.memory_space<hbm>>
        %dma_start3A_255 = tpu.memref_squeeze %dma_start3A_254 : memref<1x80x128xf32, #tpu.memory_space<hbm>> -> memref<80x128xf32, #tpu.memory_space<hbm>>
        %dma_start3A_256 = arith.constant 0 : i32
        %dma_start3A_257 = tpu.memref_slice %arg4[%arg0, %mul3A_157, %dma_start3A_256] : memref<2x10000x128xf32, #tpu.memory_space<hbm>> -> memref<1x80x128xf32, #tpu.memory_space<hbm>>
        %dma_start3A_258 = tpu.memref_squeeze %dma_start3A_257 : memref<1x80x128xf32, #tpu.memory_space<hbm>> -> memref<80x128xf32, #tpu.memory_space<hbm>>
        tpu.enqueue_dma source(%arg8 : memref<80x128xf32, #tpu.memory_space<vmem>>) target(%dma_start3A_258 : memref<80x128xf32, #tpu.memory_space<hbm>>) target_semaphore(%run_scoped3A : memref<!tpu.dma_semaphore, #tpu.memory_space<semaphore_mem>>)
        %dma_wait3A = arith.constant 0 : i32
        %dma_wait3A_259 = tpu.memref_slice %arg4[%arg0, %mul3A_157, %dma_wait3A] : memref<2x10000x128xf32, #tpu.memory_space<hbm>> -> memref<1x80x128xf32, #tpu.memory_space<hbm>>
        %dma_wait3A_260 = tpu.memref_squeeze %dma_wait3A_259 : memref<1x80x128xf32, #tpu.memory_space<hbm>> -> memref<80x128xf32, #tpu.memory_space<hbm>>
        %dma_wait3A_261 = arith.constant 0 : i32
        %dma_wait3A_262 = tpu.memref_slice %arg4[%arg0, %mul3A_157, %dma_wait3A_261] : memref<2x10000x128xf32, #tpu.memory_space<hbm>> -> memref<1x80x128xf32, #tpu.memory_space<hbm>>
        %dma_wait3A_263 = tpu.memref_squeeze %dma_wait3A_262 : memref<1x80x128xf32, #tpu.memory_space<hbm>> -> memref<80x128xf32, #tpu.memory_space<hbm>>
        tpu.wait_dma2 semaphore(%run_scoped3A : memref<!tpu.dma_semaphore, #tpu.memory_space<semaphore_mem>>) src(%arg8 : memref<80x128xf32, #tpu.memory_space<vmem>>) dst(%dma_wait3A_263 : memref<80x128xf32, #tpu.memory_space<hbm>>)
        tpu.yield
      }) : () -> ()
    } else {
    }
    %add3A_108 = arith.constant 16 : i32
    %add3A_109 = arith.addi %arg1, %add3A_108 : i32
    %lt3A_110 = arith.constant 125 : i32
    %lt3A_111 = arith.cmpi slt, %add3A_109, %lt3A_110 : i32
    %convert_element_type3A_112 = arith.extui %lt3A_111 : i1 to i32
    %cond3A_113 = arith.constant 0 : i32
    %cond3A_114 = arith.cmpi ne, %convert_element_type3A_112, %cond3A_113 : i32
    scf.if %cond3A_114 {
      %mul3A = arith.constant 80 : i32
      %mul3A_157 = arith.muli %add3A_109, %mul3A : i32
      "tpu.region"() ({
        %run_scoped3A = tpu.sem_alloc : memref<!tpu.dma_semaphore, #tpu.memory_space<semaphore_mem>>
        %dma_start3A = arith.constant 0 : i32
        %dma_start3A_254 = tpu.memref_slice %arg5[%mul3A_157, %dma_start3A] : memref<10000x128xf32, #tpu.memory_space<vmem_shared>> -> memref<80x128xf32, #tpu.memory_space<vmem_shared>>
        %dma_start3A_255 = arith.constant 0 : i32
        %dma_start3A_256 = tpu.memref_slice %arg5[%mul3A_157, %dma_start3A_255] : memref<10000x128xf32, #tpu.memory_space<vmem_shared>> -> memref<80x128xf32, #tpu.memory_space<vmem_shared>>
        tpu.enqueue_dma source(%dma_start3A_256 : memref<80x128xf32, #tpu.memory_space<vmem_shared>>) target(%arg8 : memref<80x128xf32, #tpu.memory_space<vmem>>) target_semaphore(%run_scoped3A : memref<!tpu.dma_semaphore, #tpu.memory_space<semaphore_mem>>)
        %dma_wait3A = arith.constant 0 : i32
        %dma_wait3A_257 = tpu.memref_slice %arg5[%mul3A_157, %dma_wait3A] : memref<10000x128xf32, #tpu.memory_space<vmem_shared>> -> memref<80x128xf32, #tpu.memory_space<vmem_shared>>
        %dma_wait3A_258 = arith.constant 0 : i32
        %dma_wait3A_259 = tpu.memref_slice %arg5[%mul3A_157, %dma_wait3A_258] : memref<10000x128xf32, #tpu.memory_space<vmem_shared>> -> memref<80x128xf32, #tpu.memory_space<vmem_shared>>
        tpu.wait_dma2 semaphore(%run_scoped3A : memref<!tpu.dma_semaphore, #tpu.memory_space<semaphore_mem>>) src(%dma_wait3A_259 : memref<80x128xf32, #tpu.memory_space<vmem_shared>>) dst(%arg8 : memref<80x128xf32, #tpu.memory_space<vmem>>)
        tpu.yield
      }) : () -> ()
      %add3A_158 = arith.constant 0 : i32
      %add3A_159 = arith.addi %mul3A_157, %add3A_158 : i32
      %add3A_160 = vector.broadcast %add3A_159 : i32 to vector<16xi32>
      %add3A_161 = arith.addi %add3A_160, %iota3A : vector<16xi32>
      %shift_right_arithmetic3A = arith.constant 7 : i32
      %shift_right_arithmetic3A_162 = vector.broadcast %shift_right_arithmetic3A : i32 to vector<16xi32>
      %shift_right_arithmetic3A_163 = arith.shrsi %add3A_161, %shift_right_arithmetic3A_162 : vector<16xi32>
      %and3A = arith.constant 127 : i32
      %and3A_164 = vector.broadcast %and3A : i32 to vector<16xi32>
      %and3A_165 = arith.andi %add3A_161, %and3A_164 : vector<16xi32>
      %gather3A = tpu.vector_load_idx %arg9[%shift_right_arithmetic3A_163, %and3A_165] : memref<80x128xf32, #tpu.memory_space<vmem>>[vector<16xi32>, vector<16xi32>], vector<16xf32>,
      %max3A = arith.constant 1.000000e+00 : f32
      %max3A_166 = vector.broadcast %max3A : f32 to vector<16xf32>
      %max3A_167 = arith.maximumf %gather3A, %max3A_166 : vector<16xf32>
      %div3A = arith.constant 1.000000e+00 : f32
      %div3A_168 = vector.broadcast %div3A : f32 to vector<16xf32>
      %div3A_169 = arith.divf %div3A_168, %max3A_167 : vector<16xf32>
      %swap3A_170 = arith.constant 0 : index
      %swap3A_171 = tpu.vector_load %arg11[%swap3A_170] {strides = array<i32>} : memref<96xf32, #tpu.memory_space<vmem>>, vector<16xf32>,
      tpu.vector_store %arg11[%swap3A_170], %div3A_169 {strides = array<i32>} : memref<96xf32, #tpu.memory_space<vmem>>, vector<16xf32>,
      %add3A_172 = arith.constant 16 : i32
      %add3A_173 = arith.addi %mul3A_157, %add3A_172 : i32
      %add3A_174 = vector.broadcast %add3A_173 : i32 to vector<16xi32>
      %add3A_175 = arith.addi %add3A_174, %iota3A : vector<16xi32>
      %shift_right_arithmetic3A_176 = arith.constant 7 : i32
      %shift_right_arithmetic3A_177 = vector.broadcast %shift_right_arithmetic3A_176 : i32 to vector<16xi32>
      %shift_right_arithmetic3A_178 = arith.shrsi %add3A_175, %shift_right_arithmetic3A_177 : vector<16xi32>
      %and3A_179 = arith.constant 127 : i32
      %and3A_180 = vector.broadcast %and3A_179 : i32 to vector<16xi32>
      %and3A_181 = arith.andi %add3A_175, %and3A_180 : vector<16xi32>
      %gather3A_182 = tpu.vector_load_idx %arg9[%shift_right_arithmetic3A_178, %and3A_181] : memref<80x128xf32, #tpu.memory_space<vmem>>[vector<16xi32>, vector<16xi32>], vector<16xf32>,
      %max3A_183 = arith.constant 1.000000e+00 : f32
      %max3A_184 = vector.broadcast %max3A_183 : f32 to vector<16xf32>
      %max3A_185 = arith.maximumf %gather3A_182, %max3A_184 : vector<16xf32>
      %div3A_186 = arith.constant 1.000000e+00 : f32
      %div3A_187 = vector.broadcast %div3A_186 : f32 to vector<16xf32>
      %div3A_188 = arith.divf %div3A_187, %max3A_185 : vector<16xf32>
      %swap3A_189 = arith.constant 16 : index
      %swap3A_190 = tpu.vector_load %arg11[%swap3A_189] {strides = array<i32>} : memref<96xf32, #tpu.memory_space<vmem>>, vector<16xf32>,
      tpu.vector_store %arg11[%swap3A_189], %div3A_188 {strides = array<i32>} : memref<96xf32, #tpu.memory_space<vmem>>, vector<16xf32>,
      %add3A_191 = arith.constant 32 : i32
      %add3A_192 = arith.addi %mul3A_157, %add3A_191 : i32
      %add3A_193 = vector.broadcast %add3A_192 : i32 to vector<16xi32>
      %add3A_194 = arith.addi %add3A_193, %iota3A : vector<16xi32>
      %shift_right_arithmetic3A_195 = arith.constant 7 : i32
      %shift_right_arithmetic3A_196 = vector.broadcast %shift_right_arithmetic3A_195 : i32 to vector<16xi32>
      %shift_right_arithmetic3A_197 = arith.shrsi %add3A_194, %shift_right_arithmetic3A_196 : vector<16xi32>
      %and3A_198 = arith.constant 127 : i32
      %and3A_199 = vector.broadcast %and3A_198 : i32 to vector<16xi32>
      %and3A_200 = arith.andi %add3A_194, %and3A_199 : vector<16xi32>
      %gather3A_201 = tpu.vector_load_idx %arg9[%shift_right_arithmetic3A_197, %and3A_200] : memref<80x128xf32, #tpu.memory_space<vmem>>[vector<16xi32>, vector<16xi32>], vector<16xf32>,
      %max3A_202 = arith.constant 1.000000e+00 : f32
      %max3A_203 = vector.broadcast %max3A_202 : f32 to vector<16xf32>
      %max3A_204 = arith.maximumf %gather3A_201, %max3A_203 : vector<16xf32>
      %div3A_205 = arith.constant 1.000000e+00 : f32
      %div3A_206 = vector.broadcast %div3A_205 : f32 to vector<16xf32>
      %div3A_207 = arith.divf %div3A_206, %max3A_204 : vector<16xf32>
      %swap3A_208 = arith.constant 32 : index
      %swap3A_209 = tpu.vector_load %arg11[%swap3A_208] {strides = array<i32>} : memref<96xf32, #tpu.memory_space<vmem>>, vector<16xf32>,
      tpu.vector_store %arg11[%swap3A_208], %div3A_207 {strides = array<i32>} : memref<96xf32, #tpu.memory_space<vmem>>, vector<16xf32>,
      %add3A_210 = arith.constant 48 : i32
      %add3A_211 = arith.addi %mul3A_157, %add3A_210 : i32
      %add3A_212 = vector.broadcast %add3A_211 : i32 to vector<16xi32>
      %add3A_213 = arith.addi %add3A_212, %iota3A : vector<16xi32>
      %shift_right_arithmetic3A_214 = arith.constant 7 : i32
      %shift_right_arithmetic3A_215 = vector.broadcast %shift_right_arithmetic3A_214 : i32 to vector<16xi32>
      %shift_right_arithmetic3A_216 = arith.shrsi %add3A_213, %shift_right_arithmetic3A_215 : vector<16xi32>
      %and3A_217 = arith.constant 127 : i32
      %and3A_218 = vector.broadcast %and3A_217 : i32 to vector<16xi32>
      %and3A_219 = arith.andi %add3A_213, %and3A_218 : vector<16xi32>
      %gather3A_220 = tpu.vector_load_idx %arg9[%shift_right_arithmetic3A_216, %and3A_219] : memref<80x128xf32, #tpu.memory_space<vmem>>[vector<16xi32>, vector<16xi32>], vector<16xf32>,
      %max3A_221 = arith.constant 1.000000e+00 : f32
      %max3A_222 = vector.broadcast %max3A_221 : f32 to vector<16xf32>
      %max3A_223 = arith.maximumf %gather3A_220, %max3A_222 : vector<16xf32>
      %div3A_224 = arith.constant 1.000000e+00 : f32
      %div3A_225 = vector.broadcast %div3A_224 : f32 to vector<16xf32>
      %div3A_226 = arith.divf %div3A_225, %max3A_223 : vector<16xf32>
      %swap3A_227 = arith.constant 48 : index
      %swap3A_228 = tpu.vector_load %arg11[%swap3A_227] {strides = array<i32>} : memref<96xf32, #tpu.memory_space<vmem>>, vector<16xf32>,
      tpu.vector_store %arg11[%swap3A_227], %div3A_226 {strides = array<i32>} : memref<96xf32, #tpu.memory_space<vmem>>, vector<16xf32>,
      %add3A_229 = arith.constant 64 : i32
      %add3A_230 = arith.addi %mul3A_157, %add3A_229 : i32
      %add3A_231 = vector.broadcast %add3A_230 : i32 to vector<16xi32>
      %add3A_232 = arith.addi %add3A_231, %iota3A : vector<16xi32>
      %shift_right_arithmetic3A_233 = arith.constant 7 : i32
      %shift_right_arithmetic3A_234 = vector.broadcast %shift_right_arithmetic3A_233 : i32 to vector<16xi32>
      %shift_right_arithmetic3A_235 = arith.shrsi %add3A_232, %shift_right_arithmetic3A_234 : vector<16xi32>
      %and3A_236 = arith.constant 127 : i32
      %and3A_237 = vector.broadcast %and3A_236 : i32 to vector<16xi32>
      %and3A_238 = arith.andi %add3A_232, %and3A_237 : vector<16xi32>
      %gather3A_239 = tpu.vector_load_idx %arg9[%shift_right_arithmetic3A_235, %and3A_238] : memref<80x128xf32, #tpu.memory_space<vmem>>[vector<16xi32>, vector<16xi32>], vector<16xf32>,
      %max3A_240 = arith.constant 1.000000e+00 : f32
      %max3A_241 = vector.broadcast %max3A_240 : f32 to vector<16xf32>
      %max3A_242 = arith.maximumf %gather3A_239, %max3A_241 : vector<16xf32>
      %div3A_243 = arith.constant 1.000000e+00 : f32
      %div3A_244 = vector.broadcast %div3A_243 : f32 to vector<16xf32>
      %div3A_245 = arith.divf %div3A_244, %max3A_242 : vector<16xf32>
      %swap3A_246 = arith.constant 64 : index
      %swap3A_247 = tpu.vector_load %arg11[%swap3A_246] {strides = array<i32>} : memref<96xf32, #tpu.memory_space<vmem>>, vector<16xf32>,
      tpu.vector_store %arg11[%swap3A_246], %div3A_245 {strides = array<i32>} : memref<96xf32, #tpu.memory_space<vmem>>, vector<16xf32>,
      %scan3A_248 = arith.constant 0 : i32
      %scan3A_249 = arith.constant 0 : i32
      %scan3A_250 = arith.constant 80 : i32
      %scan3A_251 = arith.addi %scan3A_249, %scan3A_250 : i32
      %scan3A_252 = arith.constant 1 : i32
      scf.for %scan3A_254 = %scan3A_249 to %scan3A_251 step %scan3A_252  : i32 {
        %get3A = arith.index_cast %scan3A_254 : i32 to index
        %get3A_255 = tpu.vector_load %arg11[%get3A] {strides = array<i32>} : memref<96xf32, #tpu.memory_space<vmem>>, vector<16xf32>,
        %slice3A = vector.extract_strided_slice %get3A_255 {offsets = [0], sizes = [1], strides = [1]} : vector<16xf32> to vector<1xf32>
        %squeeze3A = vector.extract %slice3A[0] : f32 from vector<1xf32>
        %get3A_256 = arith.index_cast %scan3A_254 : i32 to index
        %get3A_257 = arith.constant 0 : index
        %get3A_258 = tpu.vector_load %arg8[%get3A_256, %get3A_257] {strides = array<i32>} : memref<80x128xf32, #tpu.memory_space<vmem>>, vector<16xf32>,
        %mul3A_259 = vector.broadcast %squeeze3A : f32 to vector<16xf32>
        %mul3A_260 = arith.mulf %get3A_258, %mul3A_259 : vector<16xf32>
        %swap3A_261 = arith.index_cast %scan3A_254 : i32 to index
        %swap3A_262 = arith.constant 0 : index
        %swap3A_263 = tpu.vector_load %arg8[%swap3A_261, %swap3A_262] {strides = array<i32>} : memref<80x128xf32, #tpu.memory_space<vmem>>, vector<16xf32>,
        tpu.vector_store %arg8[%swap3A_261, %swap3A_262], %mul3A_260 {strides = array<i32>} : memref<80x128xf32, #tpu.memory_space<vmem>>, vector<16xf32>,
        %get3A_264 = arith.index_cast %scan3A_254 : i32 to index
        %get3A_265 = arith.constant 16 : index
        %get3A_266 = tpu.vector_load %arg8[%get3A_264, %get3A_265] {strides = array<i32>} : memref<80x128xf32, #tpu.memory_space<vmem>>, vector<16xf32>,
        %mul3A_267 = vector.broadcast %squeeze3A : f32 to vector<16xf32>
        %mul3A_268 = arith.mulf %get3A_266, %mul3A_267 : vector<16xf32>
        %swap3A_269 = arith.index_cast %scan3A_254 : i32 to index
        %swap3A_270 = arith.constant 16 : index
        %swap3A_271 = tpu.vector_load %arg8[%swap3A_269, %swap3A_270] {strides = array<i32>} : memref<80x128xf32, #tpu.memory_space<vmem>>, vector<16xf32>,
        tpu.vector_store %arg8[%swap3A_269, %swap3A_270], %mul3A_268 {strides = array<i32>} : memref<80x128xf32, #tpu.memory_space<vmem>>, vector<16xf32>,
        %get3A_272 = arith.index_cast %scan3A_254 : i32 to index
        %get3A_273 = arith.constant 32 : index
        %get3A_274 = tpu.vector_load %arg8[%get3A_272, %get3A_273] {strides = array<i32>} : memref<80x128xf32, #tpu.memory_space<vmem>>, vector<16xf32>,
        %mul3A_275 = vector.broadcast %squeeze3A : f32 to vector<16xf32>
        %mul3A_276 = arith.mulf %get3A_274, %mul3A_275 : vector<16xf32>
        %swap3A_277 = arith.index_cast %scan3A_254 : i32 to index
        %swap3A_278 = arith.constant 32 : index
        %swap3A_279 = tpu.vector_load %arg8[%swap3A_277, %swap3A_278] {strides = array<i32>} : memref<80x128xf32, #tpu.memory_space<vmem>>, vector<16xf32>,
        tpu.vector_store %arg8[%swap3A_277, %swap3A_278], %mul3A_276 {strides = array<i32>} : memref<80x128xf32, #tpu.memory_space<vmem>>, vector<16xf32>,
        %get3A_280 = arith.index_cast %scan3A_254 : i32 to index
        %get3A_281 = arith.constant 48 : index
        %get3A_282 = tpu.vector_load %arg8[%get3A_280, %get3A_281] {strides = array<i32>} : memref<80x128xf32, #tpu.memory_space<vmem>>, vector<16xf32>,
        %mul3A_283 = vector.broadcast %squeeze3A : f32 to vector<16xf32>
        %mul3A_284 = arith.mulf %get3A_282, %mul3A_283 : vector<16xf32>
        %swap3A_285 = arith.index_cast %scan3A_254 : i32 to index
        %swap3A_286 = arith.constant 48 : index
        %swap3A_287 = tpu.vector_load %arg8[%swap3A_285, %swap3A_286] {strides = array<i32>} : memref<80x128xf32, #tpu.memory_space<vmem>>, vector<16xf32>,
        tpu.vector_store %arg8[%swap3A_285, %swap3A_286], %mul3A_284 {strides = array<i32>} : memref<80x128xf32, #tpu.memory_space<vmem>>, vector<16xf32>,
        %get3A_288 = arith.index_cast %scan3A_254 : i32 to index
        %get3A_289 = arith.constant 64 : index
        %get3A_290 = tpu.vector_load %arg8[%get3A_288, %get3A_289] {strides = array<i32>} : memref<80x128xf32, #tpu.memory_space<vmem>>, vector<16xf32>,
        %mul3A_291 = vector.broadcast %squeeze3A : f32 to vector<16xf32>
        %mul3A_292 = arith.mulf %get3A_290, %mul3A_291 : vector<16xf32>
        %swap3A_293 = arith.index_cast %scan3A_254 : i32 to index
        %swap3A_294 = arith.constant 64 : index
        %swap3A_295 = tpu.vector_load %arg8[%swap3A_293, %swap3A_294] {strides = array<i32>} : memref<80x128xf32, #tpu.memory_space<vmem>>, vector<16xf32>,
        tpu.vector_store %arg8[%swap3A_293, %swap3A_294], %mul3A_292 {strides = array<i32>} : memref<80x128xf32, #tpu.memory_space<vmem>>, vector<16xf32>,
        %get3A_296 = arith.index_cast %scan3A_254 : i32 to index
        %get3A_297 = arith.constant 80 : index
        %get3A_298 = tpu.vector_load %arg8[%get3A_296, %get3A_297] {strides = array<i32>} : memref<80x128xf32, #tpu.memory_space<vmem>>, vector<16xf32>,
        %mul3A_299 = vector.broadcast %squeeze3A : f32 to vector<16xf32>
        %mul3A_300 = arith.mulf %get3A_298, %mul3A_299 : vector<16xf32>
        %swap3A_301 = arith.index_cast %scan3A_254 : i32 to index
        %swap3A_302 = arith.constant 80 : index
        %swap3A_303 = tpu.vector_load %arg8[%swap3A_301, %swap3A_302] {strides = array<i32>} : memref<80x128xf32, #tpu.memory_space<vmem>>, vector<16xf32>,
        tpu.vector_store %arg8[%swap3A_301, %swap3A_302], %mul3A_300 {strides = array<i32>} : memref<80x128xf32, #tpu.memory_space<vmem>>, vector<16xf32>,
        %get3A_304 = arith.index_cast %scan3A_254 : i32 to index
        %get3A_305 = arith.constant 96 : index
        %get3A_306 = tpu.vector_load %arg8[%get3A_304, %get3A_305] {strides = array<i32>} : memref<80x128xf32, #tpu.memory_space<vmem>>, vector<16xf32>,
        %mul3A_307 = vector.broadcast %squeeze3A : f32 to vector<16xf32>
        %mul3A_308 = arith.mulf %get3A_306, %mul3A_307 : vector<16xf32>
        %swap3A_309 = arith.index_cast %scan3A_254 : i32 to index
        %swap3A_310 = arith.constant 96 : index
        %swap3A_311 = tpu.vector_load %arg8[%swap3A_309, %swap3A_310] {strides = array<i32>} : memref<80x128xf32, #tpu.memory_space<vmem>>, vector<16xf32>,
        tpu.vector_store %arg8[%swap3A_309, %swap3A_310], %mul3A_308 {strides = array<i32>} : memref<80x128xf32, #tpu.memory_space<vmem>>, vector<16xf32>,
        %get3A_312 = arith.index_cast %scan3A_254 : i32 to index
        %get3A_313 = arith.constant 112 : index
        %get3A_314 = tpu.vector_load %arg8[%get3A_312, %get3A_313] {strides = array<i32>} : memref<80x128xf32, #tpu.memory_space<vmem>>, vector<16xf32>,
        %mul3A_315 = vector.broadcast %squeeze3A : f32 to vector<16xf32>
        %mul3A_316 = arith.mulf %get3A_314, %mul3A_315 : vector<16xf32>
        %swap3A_317 = arith.index_cast %scan3A_254 : i32 to index
        %swap3A_318 = arith.constant 112 : index
        %swap3A_319 = tpu.vector_load %arg8[%swap3A_317, %swap3A_318] {strides = array<i32>} : memref<80x128xf32, #tpu.memory_space<vmem>>, vector<16xf32>,
        tpu.vector_store %arg8[%swap3A_317, %swap3A_318], %mul3A_316 {strides = array<i32>} : memref<80x128xf32, #tpu.memory_space<vmem>>, vector<16xf32>,
      }
      %scan3A_253 = arith.constant 80 : i32
      "tpu.region"() ({
        %run_scoped3A = tpu.sem_alloc : memref<!tpu.dma_semaphore, #tpu.memory_space<semaphore_mem>>
        %dma_start3A = arith.constant 0 : i32
        %dma_start3A_254 = tpu.memref_slice %arg4[%arg0, %mul3A_157, %dma_start3A] : memref<2x10000x128xf32, #tpu.memory_space<hbm>> -> memref<1x80x128xf32, #tpu.memory_space<hbm>>
        %dma_start3A_255 = tpu.memref_squeeze %dma_start3A_254 : memref<1x80x128xf32, #tpu.memory_space<hbm>> -> memref<80x128xf32, #tpu.memory_space<hbm>>
        %dma_start3A_256 = arith.constant 0 : i32
        %dma_start3A_257 = tpu.memref_slice %arg4[%arg0, %mul3A_157, %dma_start3A_256] : memref<2x10000x128xf32, #tpu.memory_space<hbm>> -> memref<1x80x128xf32, #tpu.memory_space<hbm>>
        %dma_start3A_258 = tpu.memref_squeeze %dma_start3A_257 : memref<1x80x128xf32, #tpu.memory_space<hbm>> -> memref<80x128xf32, #tpu.memory_space<hbm>>
        tpu.enqueue_dma source(%arg8 : memref<80x128xf32, #tpu.memory_space<vmem>>) target(%dma_start3A_258 : memref<80x128xf32, #tpu.memory_space<hbm>>) target_semaphore(%run_scoped3A : memref<!tpu.dma_semaphore, #tpu.memory_space<semaphore_mem>>)
        %dma_wait3A = arith.constant 0 : i32
        %dma_wait3A_259 = tpu.memref_slice %arg4[%arg0, %mul3A_157, %dma_wait3A] : memref<2x10000x128xf32, #tpu.memory_space<hbm>> -> memref<1x80x128xf32, #tpu.memory_space<hbm>>
        %dma_wait3A_260 = tpu.memref_squeeze %dma_wait3A_259 : memref<1x80x128xf32, #tpu.memory_space<hbm>> -> memref<80x128xf32, #tpu.memory_space<hbm>>
        %dma_wait3A_261 = arith.constant 0 : i32
        %dma_wait3A_262 = tpu.memref_slice %arg4[%arg0, %mul3A_157, %dma_wait3A_261] : memref<2x10000x128xf32, #tpu.memory_space<hbm>> -> memref<1x80x128xf32, #tpu.memory_space<hbm>>
        %dma_wait3A_263 = tpu.memref_squeeze %dma_wait3A_262 : memref<1x80x128xf32, #tpu.memory_space<hbm>> -> memref<80x128xf32, #tpu.memory_space<hbm>>
        tpu.wait_dma2 semaphore(%run_scoped3A : memref<!tpu.dma_semaphore, #tpu.memory_space<semaphore_mem>>) src(%arg8 : memref<80x128xf32, #tpu.memory_space<vmem>>) dst(%dma_wait3A_263 : memref<80x128xf32, #tpu.memory_space<hbm>>)
        tpu.yield
      }) : () -> ()
    } else {
    }
    %add3A_115 = arith.constant 32 : i32
    %add3A_116 = arith.addi %arg1, %add3A_115 : i32
    %lt3A_117 = arith.constant 125 : i32
    %lt3A_118 = arith.cmpi slt, %add3A_116, %lt3A_117 : i32
    %convert_element_type3A_119 = arith.extui %lt3A_118 : i1 to i32
    %cond3A_120 = arith.constant 0 : i32
    %cond3A_121 = arith.cmpi ne, %convert_element_type3A_119, %cond3A_120 : i32
    scf.if %cond3A_121 {
      %mul3A = arith.constant 80 : i32
      %mul3A_157 = arith.muli %add3A_116, %mul3A : i32
      "tpu.region"() ({
        %run_scoped3A = tpu.sem_alloc : memref<!tpu.dma_semaphore, #tpu.memory_space<semaphore_mem>>
        %dma_start3A = arith.constant 0 : i32
        %dma_start3A_254 = tpu.memref_slice %arg5[%mul3A_157, %dma_start3A] : memref<10000x128xf32, #tpu.memory_space<vmem_shared>> -> memref<80x128xf32, #tpu.memory_space<vmem_shared>>
        %dma_start3A_255 = arith.constant 0 : i32
        %dma_start3A_256 = tpu.memref_slice %arg5[%mul3A_157, %dma_start3A_255] : memref<10000x128xf32, #tpu.memory_space<vmem_shared>> -> memref<80x128xf32, #tpu.memory_space<vmem_shared>>
        tpu.enqueue_dma source(%dma_start3A_256 : memref<80x128xf32, #tpu.memory_space<vmem_shared>>) target(%arg8 : memref<80x128xf32, #tpu.memory_space<vmem>>) target_semaphore(%run_scoped3A : memref<!tpu.dma_semaphore, #tpu.memory_space<semaphore_mem>>)
        %dma_wait3A = arith.constant 0 : i32
        %dma_wait3A_257 = tpu.memref_slice %arg5[%mul3A_157, %dma_wait3A] : memref<10000x128xf32, #tpu.memory_space<vmem_shared>> -> memref<80x128xf32, #tpu.memory_space<vmem_shared>>
        %dma_wait3A_258 = arith.constant 0 : i32
        %dma_wait3A_259 = tpu.memref_slice %arg5[%mul3A_157, %dma_wait3A_258] : memref<10000x128xf32, #tpu.memory_space<vmem_shared>> -> memref<80x128xf32, #tpu.memory_space<vmem_shared>>
        tpu.wait_dma2 semaphore(%run_scoped3A : memref<!tpu.dma_semaphore, #tpu.memory_space<semaphore_mem>>) src(%dma_wait3A_259 : memref<80x128xf32, #tpu.memory_space<vmem_shared>>) dst(%arg8 : memref<80x128xf32, #tpu.memory_space<vmem>>)
        tpu.yield
      }) : () -> ()
      %add3A_158 = arith.constant 0 : i32
      %add3A_159 = arith.addi %mul3A_157, %add3A_158 : i32
      %add3A_160 = vector.broadcast %add3A_159 : i32 to vector<16xi32>
      %add3A_161 = arith.addi %add3A_160, %iota3A : vector<16xi32>
      %shift_right_arithmetic3A = arith.constant 7 : i32
      %shift_right_arithmetic3A_162 = vector.broadcast %shift_right_arithmetic3A : i32 to vector<16xi32>
      %shift_right_arithmetic3A_163 = arith.shrsi %add3A_161, %shift_right_arithmetic3A_162 : vector<16xi32>
      %and3A = arith.constant 127 : i32
      %and3A_164 = vector.broadcast %and3A : i32 to vector<16xi32>
      %and3A_165 = arith.andi %add3A_161, %and3A_164 : vector<16xi32>
      %gather3A = tpu.vector_load_idx %arg9[%shift_right_arithmetic3A_163, %and3A_165] : memref<80x128xf32, #tpu.memory_space<vmem>>[vector<16xi32>, vector<16xi32>], vector<16xf32>,
      %max3A = arith.constant 1.000000e+00 : f32
      %max3A_166 = vector.broadcast %max3A : f32 to vector<16xf32>
      %max3A_167 = arith.maximumf %gather3A, %max3A_166 : vector<16xf32>
      %div3A = arith.constant 1.000000e+00 : f32
      %div3A_168 = vector.broadcast %div3A : f32 to vector<16xf32>
      %div3A_169 = arith.divf %div3A_168, %max3A_167 : vector<16xf32>
      %swap3A_170 = arith.constant 0 : index
      %swap3A_171 = tpu.vector_load %arg11[%swap3A_170] {strides = array<i32>} : memref<96xf32, #tpu.memory_space<vmem>>, vector<16xf32>,
      tpu.vector_store %arg11[%swap3A_170], %div3A_169 {strides = array<i32>} : memref<96xf32, #tpu.memory_space<vmem>>, vector<16xf32>,
      %add3A_172 = arith.constant 16 : i32
      %add3A_173 = arith.addi %mul3A_157, %add3A_172 : i32
      %add3A_174 = vector.broadcast %add3A_173 : i32 to vector<16xi32>
      %add3A_175 = arith.addi %add3A_174, %iota3A : vector<16xi32>
      %shift_right_arithmetic3A_176 = arith.constant 7 : i32
      %shift_right_arithmetic3A_177 = vector.broadcast %shift_right_arithmetic3A_176 : i32 to vector<16xi32>
      %shift_right_arithmetic3A_178 = arith.shrsi %add3A_175, %shift_right_arithmetic3A_177 : vector<16xi32>
      %and3A_179 = arith.constant 127 : i32
      %and3A_180 = vector.broadcast %and3A_179 : i32 to vector<16xi32>
      %and3A_181 = arith.andi %add3A_175, %and3A_180 : vector<16xi32>
      %gather3A_182 = tpu.vector_load_idx %arg9[%shift_right_arithmetic3A_178, %and3A_181] : memref<80x128xf32, #tpu.memory_space<vmem>>[vector<16xi32>, vector<16xi32>], vector<16xf32>,
      %max3A_183 = arith.constant 1.000000e+00 : f32
      %max3A_184 = vector.broadcast %max3A_183 : f32 to vector<16xf32>
      %max3A_185 = arith.maximumf %gather3A_182, %max3A_184 : vector<16xf32>
      %div3A_186 = arith.constant 1.000000e+00 : f32
      %div3A_187 = vector.broadcast %div3A_186 : f32 to vector<16xf32>
      %div3A_188 = arith.divf %div3A_187, %max3A_185 : vector<16xf32>
      %swap3A_189 = arith.constant 16 : index
      %swap3A_190 = tpu.vector_load %arg11[%swap3A_189] {strides = array<i32>} : memref<96xf32, #tpu.memory_space<vmem>>, vector<16xf32>,
      tpu.vector_store %arg11[%swap3A_189], %div3A_188 {strides = array<i32>} : memref<96xf32, #tpu.memory_space<vmem>>, vector<16xf32>,
      %add3A_191 = arith.constant 32 : i32
      %add3A_192 = arith.addi %mul3A_157, %add3A_191 : i32
      %add3A_193 = vector.broadcast %add3A_192 : i32 to vector<16xi32>
      %add3A_194 = arith.addi %add3A_193, %iota3A : vector<16xi32>
      %shift_right_arithmetic3A_195 = arith.constant 7 : i32
      %shift_right_arithmetic3A_196 = vector.broadcast %shift_right_arithmetic3A_195 : i32 to vector<16xi32>
      %shift_right_arithmetic3A_197 = arith.shrsi %add3A_194, %shift_right_arithmetic3A_196 : vector<16xi32>
      %and3A_198 = arith.constant 127 : i32
      %and3A_199 = vector.broadcast %and3A_198 : i32 to vector<16xi32>
      %and3A_200 = arith.andi %add3A_194, %and3A_199 : vector<16xi32>
      %gather3A_201 = tpu.vector_load_idx %arg9[%shift_right_arithmetic3A_197, %and3A_200] : memref<80x128xf32, #tpu.memory_space<vmem>>[vector<16xi32>, vector<16xi32>], vector<16xf32>,
      %max3A_202 = arith.constant 1.000000e+00 : f32
      %max3A_203 = vector.broadcast %max3A_202 : f32 to vector<16xf32>
      %max3A_204 = arith.maximumf %gather3A_201, %max3A_203 : vector<16xf32>
      %div3A_205 = arith.constant 1.000000e+00 : f32
      %div3A_206 = vector.broadcast %div3A_205 : f32 to vector<16xf32>
      %div3A_207 = arith.divf %div3A_206, %max3A_204 : vector<16xf32>
      %swap3A_208 = arith.constant 32 : index
      %swap3A_209 = tpu.vector_load %arg11[%swap3A_208] {strides = array<i32>} : memref<96xf32, #tpu.memory_space<vmem>>, vector<16xf32>,
      tpu.vector_store %arg11[%swap3A_208], %div3A_207 {strides = array<i32>} : memref<96xf32, #tpu.memory_space<vmem>>, vector<16xf32>,
      %add3A_210 = arith.constant 48 : i32
      %add3A_211 = arith.addi %mul3A_157, %add3A_210 : i32
      %add3A_212 = vector.broadcast %add3A_211 : i32 to vector<16xi32>
      %add3A_213 = arith.addi %add3A_212, %iota3A : vector<16xi32>
      %shift_right_arithmetic3A_214 = arith.constant 7 : i32
      %shift_right_arithmetic3A_215 = vector.broadcast %shift_right_arithmetic3A_214 : i32 to vector<16xi32>
      %shift_right_arithmetic3A_216 = arith.shrsi %add3A_213, %shift_right_arithmetic3A_215 : vector<16xi32>
      %and3A_217 = arith.constant 127 : i32
      %and3A_218 = vector.broadcast %and3A_217 : i32 to vector<16xi32>
      %and3A_219 = arith.andi %add3A_213, %and3A_218 : vector<16xi32>
      %gather3A_220 = tpu.vector_load_idx %arg9[%shift_right_arithmetic3A_216, %and3A_219] : memref<80x128xf32, #tpu.memory_space<vmem>>[vector<16xi32>, vector<16xi32>], vector<16xf32>,
      %max3A_221 = arith.constant 1.000000e+00 : f32
      %max3A_222 = vector.broadcast %max3A_221 : f32 to vector<16xf32>
      %max3A_223 = arith.maximumf %gather3A_220, %max3A_222 : vector<16xf32>
      %div3A_224 = arith.constant 1.000000e+00 : f32
      %div3A_225 = vector.broadcast %div3A_224 : f32 to vector<16xf32>
      %div3A_226 = arith.divf %div3A_225, %max3A_223 : vector<16xf32>
      %swap3A_227 = arith.constant 48 : index
      %swap3A_228 = tpu.vector_load %arg11[%swap3A_227] {strides = array<i32>} : memref<96xf32, #tpu.memory_space<vmem>>, vector<16xf32>,
      tpu.vector_store %arg11[%swap3A_227], %div3A_226 {strides = array<i32>} : memref<96xf32, #tpu.memory_space<vmem>>, vector<16xf32>,
      %add3A_229 = arith.constant 64 : i32
      %add3A_230 = arith.addi %mul3A_157, %add3A_229 : i32
      %add3A_231 = vector.broadcast %add3A_230 : i32 to vector<16xi32>
      %add3A_232 = arith.addi %add3A_231, %iota3A : vector<16xi32>
      %shift_right_arithmetic3A_233 = arith.constant 7 : i32
      %shift_right_arithmetic3A_234 = vector.broadcast %shift_right_arithmetic3A_233 : i32 to vector<16xi32>
      %shift_right_arithmetic3A_235 = arith.shrsi %add3A_232, %shift_right_arithmetic3A_234 : vector<16xi32>
      %and3A_236 = arith.constant 127 : i32
      %and3A_237 = vector.broadcast %and3A_236 : i32 to vector<16xi32>
      %and3A_238 = arith.andi %add3A_232, %and3A_237 : vector<16xi32>
      %gather3A_239 = tpu.vector_load_idx %arg9[%shift_right_arithmetic3A_235, %and3A_238] : memref<80x128xf32, #tpu.memory_space<vmem>>[vector<16xi32>, vector<16xi32>], vector<16xf32>,
      %max3A_240 = arith.constant 1.000000e+00 : f32
      %max3A_241 = vector.broadcast %max3A_240 : f32 to vector<16xf32>
      %max3A_242 = arith.maximumf %gather3A_239, %max3A_241 : vector<16xf32>
      %div3A_243 = arith.constant 1.000000e+00 : f32
      %div3A_244 = vector.broadcast %div3A_243 : f32 to vector<16xf32>
      %div3A_245 = arith.divf %div3A_244, %max3A_242 : vector<16xf32>
      %swap3A_246 = arith.constant 64 : index
      %swap3A_247 = tpu.vector_load %arg11[%swap3A_246] {strides = array<i32>} : memref<96xf32, #tpu.memory_space<vmem>>, vector<16xf32>,
      tpu.vector_store %arg11[%swap3A_246], %div3A_245 {strides = array<i32>} : memref<96xf32, #tpu.memory_space<vmem>>, vector<16xf32>,
      %scan3A_248 = arith.constant 0 : i32
      %scan3A_249 = arith.constant 0 : i32
      %scan3A_250 = arith.constant 80 : i32
      %scan3A_251 = arith.addi %scan3A_249, %scan3A_250 : i32
      %scan3A_252 = arith.constant 1 : i32
      scf.for %scan3A_254 = %scan3A_249 to %scan3A_251 step %scan3A_252  : i32 {
        %get3A = arith.index_cast %scan3A_254 : i32 to index
        %get3A_255 = tpu.vector_load %arg11[%get3A] {strides = array<i32>} : memref<96xf32, #tpu.memory_space<vmem>>, vector<16xf32>,
        %slice3A = vector.extract_strided_slice %get3A_255 {offsets = [0], sizes = [1], strides = [1]} : vector<16xf32> to vector<1xf32>
        %squeeze3A = vector.extract %slice3A[0] : f32 from vector<1xf32>
        %get3A_256 = arith.index_cast %scan3A_254 : i32 to index
        %get3A_257 = arith.constant 0 : index
        %get3A_258 = tpu.vector_load %arg8[%get3A_256, %get3A_257] {strides = array<i32>} : memref<80x128xf32, #tpu.memory_space<vmem>>, vector<16xf32>,
        %mul3A_259 = vector.broadcast %squeeze3A : f32 to vector<16xf32>
        %mul3A_260 = arith.mulf %get3A_258, %mul3A_259 : vector<16xf32>
        %swap3A_261 = arith.index_cast %scan3A_254 : i32 to index
        %swap3A_262 = arith.constant 0 : index
        %swap3A_263 = tpu.vector_load %arg8[%swap3A_261, %swap3A_262] {strides = array<i32>} : memref<80x128xf32, #tpu.memory_space<vmem>>, vector<16xf32>,
        tpu.vector_store %arg8[%swap3A_261, %swap3A_262], %mul3A_260 {strides = array<i32>} : memref<80x128xf32, #tpu.memory_space<vmem>>, vector<16xf32>,
        %get3A_264 = arith.index_cast %scan3A_254 : i32 to index
        %get3A_265 = arith.constant 16 : index
        %get3A_266 = tpu.vector_load %arg8[%get3A_264, %get3A_265] {strides = array<i32>} : memref<80x128xf32, #tpu.memory_space<vmem>>, vector<16xf32>,
        %mul3A_267 = vector.broadcast %squeeze3A : f32 to vector<16xf32>
        %mul3A_268 = arith.mulf %get3A_266, %mul3A_267 : vector<16xf32>
        %swap3A_269 = arith.index_cast %scan3A_254 : i32 to index
        %swap3A_270 = arith.constant 16 : index
        %swap3A_271 = tpu.vector_load %arg8[%swap3A_269, %swap3A_270] {strides = array<i32>} : memref<80x128xf32, #tpu.memory_space<vmem>>, vector<16xf32>,
        tpu.vector_store %arg8[%swap3A_269, %swap3A_270], %mul3A_268 {strides = array<i32>} : memref<80x128xf32, #tpu.memory_space<vmem>>, vector<16xf32>,
        %get3A_272 = arith.index_cast %scan3A_254 : i32 to index
        %get3A_273 = arith.constant 32 : index
        %get3A_274 = tpu.vector_load %arg8[%get3A_272, %get3A_273] {strides = array<i32>} : memref<80x128xf32, #tpu.memory_space<vmem>>, vector<16xf32>,
        %mul3A_275 = vector.broadcast %squeeze3A : f32 to vector<16xf32>
        %mul3A_276 = arith.mulf %get3A_274, %mul3A_275 : vector<16xf32>
        %swap3A_277 = arith.index_cast %scan3A_254 : i32 to index
        %swap3A_278 = arith.constant 32 : index
        %swap3A_279 = tpu.vector_load %arg8[%swap3A_277, %swap3A_278] {strides = array<i32>} : memref<80x128xf32, #tpu.memory_space<vmem>>, vector<16xf32>,
        tpu.vector_store %arg8[%swap3A_277, %swap3A_278], %mul3A_276 {strides = array<i32>} : memref<80x128xf32, #tpu.memory_space<vmem>>, vector<16xf32>,
        %get3A_280 = arith.index_cast %scan3A_254 : i32 to index
        %get3A_281 = arith.constant 48 : index
        %get3A_282 = tpu.vector_load %arg8[%get3A_280, %get3A_281] {strides = array<i32>} : memref<80x128xf32, #tpu.memory_space<vmem>>, vector<16xf32>,
        %mul3A_283 = vector.broadcast %squeeze3A : f32 to vector<16xf32>
        %mul3A_284 = arith.mulf %get3A_282, %mul3A_283 : vector<16xf32>
        %swap3A_285 = arith.index_cast %scan3A_254 : i32 to index
        %swap3A_286 = arith.constant 48 : index
        %swap3A_287 = tpu.vector_load %arg8[%swap3A_285, %swap3A_286] {strides = array<i32>} : memref<80x128xf32, #tpu.memory_space<vmem>>, vector<16xf32>,
        tpu.vector_store %arg8[%swap3A_285, %swap3A_286], %mul3A_284 {strides = array<i32>} : memref<80x128xf32, #tpu.memory_space<vmem>>, vector<16xf32>,
        %get3A_288 = arith.index_cast %scan3A_254 : i32 to index
        %get3A_289 = arith.constant 64 : index
        %get3A_290 = tpu.vector_load %arg8[%get3A_288, %get3A_289] {strides = array<i32>} : memref<80x128xf32, #tpu.memory_space<vmem>>, vector<16xf32>,
        %mul3A_291 = vector.broadcast %squeeze3A : f32 to vector<16xf32>
        %mul3A_292 = arith.mulf %get3A_290, %mul3A_291 : vector<16xf32>
        %swap3A_293 = arith.index_cast %scan3A_254 : i32 to index
        %swap3A_294 = arith.constant 64 : index
        %swap3A_295 = tpu.vector_load %arg8[%swap3A_293, %swap3A_294] {strides = array<i32>} : memref<80x128xf32, #tpu.memory_space<vmem>>, vector<16xf32>,
        tpu.vector_store %arg8[%swap3A_293, %swap3A_294], %mul3A_292 {strides = array<i32>} : memref<80x128xf32, #tpu.memory_space<vmem>>, vector<16xf32>,
        %get3A_296 = arith.index_cast %scan3A_254 : i32 to index
        %get3A_297 = arith.constant 80 : index
        %get3A_298 = tpu.vector_load %arg8[%get3A_296, %get3A_297] {strides = array<i32>} : memref<80x128xf32, #tpu.memory_space<vmem>>, vector<16xf32>,
        %mul3A_299 = vector.broadcast %squeeze3A : f32 to vector<16xf32>
        %mul3A_300 = arith.mulf %get3A_298, %mul3A_299 : vector<16xf32>
        %swap3A_301 = arith.index_cast %scan3A_254 : i32 to index
        %swap3A_302 = arith.constant 80 : index
        %swap3A_303 = tpu.vector_load %arg8[%swap3A_301, %swap3A_302] {strides = array<i32>} : memref<80x128xf32, #tpu.memory_space<vmem>>, vector<16xf32>,
        tpu.vector_store %arg8[%swap3A_301, %swap3A_302], %mul3A_300 {strides = array<i32>} : memref<80x128xf32, #tpu.memory_space<vmem>>, vector<16xf32>,
        %get3A_304 = arith.index_cast %scan3A_254 : i32 to index
        %get3A_305 = arith.constant 96 : index
        %get3A_306 = tpu.vector_load %arg8[%get3A_304, %get3A_305] {strides = array<i32>} : memref<80x128xf32, #tpu.memory_space<vmem>>, vector<16xf32>,
        %mul3A_307 = vector.broadcast %squeeze3A : f32 to vector<16xf32>
        %mul3A_308 = arith.mulf %get3A_306, %mul3A_307 : vector<16xf32>
        %swap3A_309 = arith.index_cast %scan3A_254 : i32 to index
        %swap3A_310 = arith.constant 96 : index
        %swap3A_311 = tpu.vector_load %arg8[%swap3A_309, %swap3A_310] {strides = array<i32>} : memref<80x128xf32, #tpu.memory_space<vmem>>, vector<16xf32>,
        tpu.vector_store %arg8[%swap3A_309, %swap3A_310], %mul3A_308 {strides = array<i32>} : memref<80x128xf32, #tpu.memory_space<vmem>>, vector<16xf32>,
        %get3A_312 = arith.index_cast %scan3A_254 : i32 to index
        %get3A_313 = arith.constant 112 : index
        %get3A_314 = tpu.vector_load %arg8[%get3A_312, %get3A_313] {strides = array<i32>} : memref<80x128xf32, #tpu.memory_space<vmem>>, vector<16xf32>,
        %mul3A_315 = vector.broadcast %squeeze3A : f32 to vector<16xf32>
        %mul3A_316 = arith.mulf %get3A_314, %mul3A_315 : vector<16xf32>
        %swap3A_317 = arith.index_cast %scan3A_254 : i32 to index
        %swap3A_318 = arith.constant 112 : index
        %swap3A_319 = tpu.vector_load %arg8[%swap3A_317, %swap3A_318] {strides = array<i32>} : memref<80x128xf32, #tpu.memory_space<vmem>>, vector<16xf32>,
        tpu.vector_store %arg8[%swap3A_317, %swap3A_318], %mul3A_316 {strides = array<i32>} : memref<80x128xf32, #tpu.memory_space<vmem>>, vector<16xf32>,
      }
      %scan3A_253 = arith.constant 80 : i32
      "tpu.region"() ({
        %run_scoped3A = tpu.sem_alloc : memref<!tpu.dma_semaphore, #tpu.memory_space<semaphore_mem>>
        %dma_start3A = arith.constant 0 : i32
        %dma_start3A_254 = tpu.memref_slice %arg4[%arg0, %mul3A_157, %dma_start3A] : memref<2x10000x128xf32, #tpu.memory_space<hbm>> -> memref<1x80x128xf32, #tpu.memory_space<hbm>>
        %dma_start3A_255 = tpu.memref_squeeze %dma_start3A_254 : memref<1x80x128xf32, #tpu.memory_space<hbm>> -> memref<80x128xf32, #tpu.memory_space<hbm>>
        %dma_start3A_256 = arith.constant 0 : i32
        %dma_start3A_257 = tpu.memref_slice %arg4[%arg0, %mul3A_157, %dma_start3A_256] : memref<2x10000x128xf32, #tpu.memory_space<hbm>> -> memref<1x80x128xf32, #tpu.memory_space<hbm>>
        %dma_start3A_258 = tpu.memref_squeeze %dma_start3A_257 : memref<1x80x128xf32, #tpu.memory_space<hbm>> -> memref<80x128xf32, #tpu.memory_space<hbm>>
        tpu.enqueue_dma source(%arg8 : memref<80x128xf32, #tpu.memory_space<vmem>>) target(%dma_start3A_258 : memref<80x128xf32, #tpu.memory_space<hbm>>) target_semaphore(%run_scoped3A : memref<!tpu.dma_semaphore, #tpu.memory_space<semaphore_mem>>)
        %dma_wait3A = arith.constant 0 : i32
        %dma_wait3A_259 = tpu.memref_slice %arg4[%arg0, %mul3A_157, %dma_wait3A] : memref<2x10000x128xf32, #tpu.memory_space<hbm>> -> memref<1x80x128xf32, #tpu.memory_space<hbm>>
        %dma_wait3A_260 = tpu.memref_squeeze %dma_wait3A_259 : memref<1x80x128xf32, #tpu.memory_space<hbm>> -> memref<80x128xf32, #tpu.memory_space<hbm>>
        %dma_wait3A_261 = arith.constant 0 : i32
        %dma_wait3A_262 = tpu.memref_slice %arg4[%arg0, %mul3A_157, %dma_wait3A_261] : memref<2x10000x128xf32, #tpu.memory_space<hbm>> -> memref<1x80x128xf32, #tpu.memory_space<hbm>>
        %dma_wait3A_263 = tpu.memref_squeeze %dma_wait3A_262 : memref<1x80x128xf32, #tpu.memory_space<hbm>> -> memref<80x128xf32, #tpu.memory_space<hbm>>
        tpu.wait_dma2 semaphore(%run_scoped3A : memref<!tpu.dma_semaphore, #tpu.memory_space<semaphore_mem>>) src(%arg8 : memref<80x128xf32, #tpu.memory_space<vmem>>) dst(%dma_wait3A_263 : memref<80x128xf32, #tpu.memory_space<hbm>>)
        tpu.yield
      }) : () -> ()
    } else {
    }
    %add3A_122 = arith.constant 48 : i32
    %add3A_123 = arith.addi %arg1, %add3A_122 : i32
    %lt3A_124 = arith.constant 125 : i32
    %lt3A_125 = arith.cmpi slt, %add3A_123, %lt3A_124 : i32
    %convert_element_type3A_126 = arith.extui %lt3A_125 : i1 to i32
    %cond3A_127 = arith.constant 0 : i32
    %cond3A_128 = arith.cmpi ne, %convert_element_type3A_126, %cond3A_127 : i32
    scf.if %cond3A_128 {
      %mul3A = arith.constant 80 : i32
      %mul3A_157 = arith.muli %add3A_123, %mul3A : i32
      "tpu.region"() ({
        %run_scoped3A = tpu.sem_alloc : memref<!tpu.dma_semaphore, #tpu.memory_space<semaphore_mem>>
        %dma_start3A = arith.constant 0 : i32
        %dma_start3A_254 = tpu.memref_slice %arg5[%mul3A_157, %dma_start3A] : memref<10000x128xf32, #tpu.memory_space<vmem_shared>> -> memref<80x128xf32, #tpu.memory_space<vmem_shared>>
        %dma_start3A_255 = arith.constant 0 : i32
        %dma_start3A_256 = tpu.memref_slice %arg5[%mul3A_157, %dma_start3A_255] : memref<10000x128xf32, #tpu.memory_space<vmem_shared>> -> memref<80x128xf32, #tpu.memory_space<vmem_shared>>
        tpu.enqueue_dma source(%dma_start3A_256 : memref<80x128xf32, #tpu.memory_space<vmem_shared>>) target(%arg8 : memref<80x128xf32, #tpu.memory_space<vmem>>) target_semaphore(%run_scoped3A : memref<!tpu.dma_semaphore, #tpu.memory_space<semaphore_mem>>)
        %dma_wait3A = arith.constant 0 : i32
        %dma_wait3A_257 = tpu.memref_slice %arg5[%mul3A_157, %dma_wait3A] : memref<10000x128xf32, #tpu.memory_space<vmem_shared>> -> memref<80x128xf32, #tpu.memory_space<vmem_shared>>
        %dma_wait3A_258 = arith.constant 0 : i32
        %dma_wait3A_259 = tpu.memref_slice %arg5[%mul3A_157, %dma_wait3A_258] : memref<10000x128xf32, #tpu.memory_space<vmem_shared>> -> memref<80x128xf32, #tpu.memory_space<vmem_shared>>
        tpu.wait_dma2 semaphore(%run_scoped3A : memref<!tpu.dma_semaphore, #tpu.memory_space<semaphore_mem>>) src(%dma_wait3A_259 : memref<80x128xf32, #tpu.memory_space<vmem_shared>>) dst(%arg8 : memref<80x128xf32, #tpu.memory_space<vmem>>)
        tpu.yield
      }) : () -> ()
      %add3A_158 = arith.constant 0 : i32
      %add3A_159 = arith.addi %mul3A_157, %add3A_158 : i32
      %add3A_160 = vector.broadcast %add3A_159 : i32 to vector<16xi32>
      %add3A_161 = arith.addi %add3A_160, %iota3A : vector<16xi32>
      %shift_right_arithmetic3A = arith.constant 7 : i32
      %shift_right_arithmetic3A_162 = vector.broadcast %shift_right_arithmetic3A : i32 to vector<16xi32>
      %shift_right_arithmetic3A_163 = arith.shrsi %add3A_161, %shift_right_arithmetic3A_162 : vector<16xi32>
      %and3A = arith.constant 127 : i32
      %and3A_164 = vector.broadcast %and3A : i32 to vector<16xi32>
      %and3A_165 = arith.andi %add3A_161, %and3A_164 : vector<16xi32>
      %gather3A = tpu.vector_load_idx %arg9[%shift_right_arithmetic3A_163, %and3A_165] : memref<80x128xf32, #tpu.memory_space<vmem>>[vector<16xi32>, vector<16xi32>], vector<16xf32>,
      %max3A = arith.constant 1.000000e+00 : f32
      %max3A_166 = vector.broadcast %max3A : f32 to vector<16xf32>
      %max3A_167 = arith.maximumf %gather3A, %max3A_166 : vector<16xf32>
      %div3A = arith.constant 1.000000e+00 : f32
      %div3A_168 = vector.broadcast %div3A : f32 to vector<16xf32>
      %div3A_169 = arith.divf %div3A_168, %max3A_167 : vector<16xf32>
      %swap3A_170 = arith.constant 0 : index
      %swap3A_171 = tpu.vector_load %arg11[%swap3A_170] {strides = array<i32>} : memref<96xf32, #tpu.memory_space<vmem>>, vector<16xf32>,
      tpu.vector_store %arg11[%swap3A_170], %div3A_169 {strides = array<i32>} : memref<96xf32, #tpu.memory_space<vmem>>, vector<16xf32>,
      %add3A_172 = arith.constant 16 : i32
      %add3A_173 = arith.addi %mul3A_157, %add3A_172 : i32
      %add3A_174 = vector.broadcast %add3A_173 : i32 to vector<16xi32>
      %add3A_175 = arith.addi %add3A_174, %iota3A : vector<16xi32>
      %shift_right_arithmetic3A_176 = arith.constant 7 : i32
      %shift_right_arithmetic3A_177 = vector.broadcast %shift_right_arithmetic3A_176 : i32 to vector<16xi32>
      %shift_right_arithmetic3A_178 = arith.shrsi %add3A_175, %shift_right_arithmetic3A_177 : vector<16xi32>
      %and3A_179 = arith.constant 127 : i32
      %and3A_180 = vector.broadcast %and3A_179 : i32 to vector<16xi32>
      %and3A_181 = arith.andi %add3A_175, %and3A_180 : vector<16xi32>
      %gather3A_182 = tpu.vector_load_idx %arg9[%shift_right_arithmetic3A_178, %and3A_181] : memref<80x128xf32, #tpu.memory_space<vmem>>[vector<16xi32>, vector<16xi32>], vector<16xf32>,
      %max3A_183 = arith.constant 1.000000e+00 : f32
      %max3A_184 = vector.broadcast %max3A_183 : f32 to vector<16xf32>
      %max3A_185 = arith.maximumf %gather3A_182, %max3A_184 : vector<16xf32>
      %div3A_186 = arith.constant 1.000000e+00 : f32
      %div3A_187 = vector.broadcast %div3A_186 : f32 to vector<16xf32>
      %div3A_188 = arith.divf %div3A_187, %max3A_185 : vector<16xf32>
      %swap3A_189 = arith.constant 16 : index
      %swap3A_190 = tpu.vector_load %arg11[%swap3A_189] {strides = array<i32>} : memref<96xf32, #tpu.memory_space<vmem>>, vector<16xf32>,
      tpu.vector_store %arg11[%swap3A_189], %div3A_188 {strides = array<i32>} : memref<96xf32, #tpu.memory_space<vmem>>, vector<16xf32>,
      %add3A_191 = arith.constant 32 : i32
      %add3A_192 = arith.addi %mul3A_157, %add3A_191 : i32
      %add3A_193 = vector.broadcast %add3A_192 : i32 to vector<16xi32>
      %add3A_194 = arith.addi %add3A_193, %iota3A : vector<16xi32>
      %shift_right_arithmetic3A_195 = arith.constant 7 : i32
      %shift_right_arithmetic3A_196 = vector.broadcast %shift_right_arithmetic3A_195 : i32 to vector<16xi32>
      %shift_right_arithmetic3A_197 = arith.shrsi %add3A_194, %shift_right_arithmetic3A_196 : vector<16xi32>
      %and3A_198 = arith.constant 127 : i32
      %and3A_199 = vector.broadcast %and3A_198 : i32 to vector<16xi32>
      %and3A_200 = arith.andi %add3A_194, %and3A_199 : vector<16xi32>
      %gather3A_201 = tpu.vector_load_idx %arg9[%shift_right_arithmetic3A_197, %and3A_200] : memref<80x128xf32, #tpu.memory_space<vmem>>[vector<16xi32>, vector<16xi32>], vector<16xf32>,
      %max3A_202 = arith.constant 1.000000e+00 : f32
      %max3A_203 = vector.broadcast %max3A_202 : f32 to vector<16xf32>
      %max3A_204 = arith.maximumf %gather3A_201, %max3A_203 : vector<16xf32>
      %div3A_205 = arith.constant 1.000000e+00 : f32
      %div3A_206 = vector.broadcast %div3A_205 : f32 to vector<16xf32>
      %div3A_207 = arith.divf %div3A_206, %max3A_204 : vector<16xf32>
      %swap3A_208 = arith.constant 32 : index
      %swap3A_209 = tpu.vector_load %arg11[%swap3A_208] {strides = array<i32>} : memref<96xf32, #tpu.memory_space<vmem>>, vector<16xf32>,
      tpu.vector_store %arg11[%swap3A_208], %div3A_207 {strides = array<i32>} : memref<96xf32, #tpu.memory_space<vmem>>, vector<16xf32>,
      %add3A_210 = arith.constant 48 : i32
      %add3A_211 = arith.addi %mul3A_157, %add3A_210 : i32
      %add3A_212 = vector.broadcast %add3A_211 : i32 to vector<16xi32>
      %add3A_213 = arith.addi %add3A_212, %iota3A : vector<16xi32>
      %shift_right_arithmetic3A_214 = arith.constant 7 : i32
      %shift_right_arithmetic3A_215 = vector.broadcast %shift_right_arithmetic3A_214 : i32 to vector<16xi32>
      %shift_right_arithmetic3A_216 = arith.shrsi %add3A_213, %shift_right_arithmetic3A_215 : vector<16xi32>
      %and3A_217 = arith.constant 127 : i32
      %and3A_218 = vector.broadcast %and3A_217 : i32 to vector<16xi32>
      %and3A_219 = arith.andi %add3A_213, %and3A_218 : vector<16xi32>
      %gather3A_220 = tpu.vector_load_idx %arg9[%shift_right_arithmetic3A_216, %and3A_219] : memref<80x128xf32, #tpu.memory_space<vmem>>[vector<16xi32>, vector<16xi32>], vector<16xf32>,
      %max3A_221 = arith.constant 1.000000e+00 : f32
      %max3A_222 = vector.broadcast %max3A_221 : f32 to vector<16xf32>
      %max3A_223 = arith.maximumf %gather3A_220, %max3A_222 : vector<16xf32>
      %div3A_224 = arith.constant 1.000000e+00 : f32
      %div3A_225 = vector.broadcast %div3A_224 : f32 to vector<16xf32>
      %div3A_226 = arith.divf %div3A_225, %max3A_223 : vector<16xf32>
      %swap3A_227 = arith.constant 48 : index
      %swap3A_228 = tpu.vector_load %arg11[%swap3A_227] {strides = array<i32>} : memref<96xf32, #tpu.memory_space<vmem>>, vector<16xf32>,
      tpu.vector_store %arg11[%swap3A_227], %div3A_226 {strides = array<i32>} : memref<96xf32, #tpu.memory_space<vmem>>, vector<16xf32>,
      %add3A_229 = arith.constant 64 : i32
      %add3A_230 = arith.addi %mul3A_157, %add3A_229 : i32
      %add3A_231 = vector.broadcast %add3A_230 : i32 to vector<16xi32>
      %add3A_232 = arith.addi %add3A_231, %iota3A : vector<16xi32>
      %shift_right_arithmetic3A_233 = arith.constant 7 : i32
      %shift_right_arithmetic3A_234 = vector.broadcast %shift_right_arithmetic3A_233 : i32 to vector<16xi32>
      %shift_right_arithmetic3A_235 = arith.shrsi %add3A_232, %shift_right_arithmetic3A_234 : vector<16xi32>
      %and3A_236 = arith.constant 127 : i32
      %and3A_237 = vector.broadcast %and3A_236 : i32 to vector<16xi32>
      %and3A_238 = arith.andi %add3A_232, %and3A_237 : vector<16xi32>
      %gather3A_239 = tpu.vector_load_idx %arg9[%shift_right_arithmetic3A_235, %and3A_238] : memref<80x128xf32, #tpu.memory_space<vmem>>[vector<16xi32>, vector<16xi32>], vector<16xf32>,
      %max3A_240 = arith.constant 1.000000e+00 : f32
      %max3A_241 = vector.broadcast %max3A_240 : f32 to vector<16xf32>
      %max3A_242 = arith.maximumf %gather3A_239, %max3A_241 : vector<16xf32>
      %div3A_243 = arith.constant 1.000000e+00 : f32
      %div3A_244 = vector.broadcast %div3A_243 : f32 to vector<16xf32>
      %div3A_245 = arith.divf %div3A_244, %max3A_242 : vector<16xf32>
      %swap3A_246 = arith.constant 64 : index
      %swap3A_247 = tpu.vector_load %arg11[%swap3A_246] {strides = array<i32>} : memref<96xf32, #tpu.memory_space<vmem>>, vector<16xf32>,
      tpu.vector_store %arg11[%swap3A_246], %div3A_245 {strides = array<i32>} : memref<96xf32, #tpu.memory_space<vmem>>, vector<16xf32>,
      %scan3A_248 = arith.constant 0 : i32
      %scan3A_249 = arith.constant 0 : i32
      %scan3A_250 = arith.constant 80 : i32
      %scan3A_251 = arith.addi %scan3A_249, %scan3A_250 : i32
      %scan3A_252 = arith.constant 1 : i32
      scf.for %scan3A_254 = %scan3A_249 to %scan3A_251 step %scan3A_252  : i32 {
        %get3A = arith.index_cast %scan3A_254 : i32 to index
        %get3A_255 = tpu.vector_load %arg11[%get3A] {strides = array<i32>} : memref<96xf32, #tpu.memory_space<vmem>>, vector<16xf32>,
        %slice3A = vector.extract_strided_slice %get3A_255 {offsets = [0], sizes = [1], strides = [1]} : vector<16xf32> to vector<1xf32>
        %squeeze3A = vector.extract %slice3A[0] : f32 from vector<1xf32>
        %get3A_256 = arith.index_cast %scan3A_254 : i32 to index
        %get3A_257 = arith.constant 0 : index
        %get3A_258 = tpu.vector_load %arg8[%get3A_256, %get3A_257] {strides = array<i32>} : memref<80x128xf32, #tpu.memory_space<vmem>>, vector<16xf32>,
        %mul3A_259 = vector.broadcast %squeeze3A : f32 to vector<16xf32>
        %mul3A_260 = arith.mulf %get3A_258, %mul3A_259 : vector<16xf32>
        %swap3A_261 = arith.index_cast %scan3A_254 : i32 to index
        %swap3A_262 = arith.constant 0 : index
        %swap3A_263 = tpu.vector_load %arg8[%swap3A_261, %swap3A_262] {strides = array<i32>} : memref<80x128xf32, #tpu.memory_space<vmem>>, vector<16xf32>,
        tpu.vector_store %arg8[%swap3A_261, %swap3A_262], %mul3A_260 {strides = array<i32>} : memref<80x128xf32, #tpu.memory_space<vmem>>, vector<16xf32>,
        %get3A_264 = arith.index_cast %scan3A_254 : i32 to index
        %get3A_265 = arith.constant 16 : index
        %get3A_266 = tpu.vector_load %arg8[%get3A_264, %get3A_265] {strides = array<i32>} : memref<80x128xf32, #tpu.memory_space<vmem>>, vector<16xf32>,
        %mul3A_267 = vector.broadcast %squeeze3A : f32 to vector<16xf32>
        %mul3A_268 = arith.mulf %get3A_266, %mul3A_267 : vector<16xf32>
        %swap3A_269 = arith.index_cast %scan3A_254 : i32 to index
        %swap3A_270 = arith.constant 16 : index
        %swap3A_271 = tpu.vector_load %arg8[%swap3A_269, %swap3A_270] {strides = array<i32>} : memref<80x128xf32, #tpu.memory_space<vmem>>, vector<16xf32>,
        tpu.vector_store %arg8[%swap3A_269, %swap3A_270], %mul3A_268 {strides = array<i32>} : memref<80x128xf32, #tpu.memory_space<vmem>>, vector<16xf32>,
        %get3A_272 = arith.index_cast %scan3A_254 : i32 to index
        %get3A_273 = arith.constant 32 : index
        %get3A_274 = tpu.vector_load %arg8[%get3A_272, %get3A_273] {strides = array<i32>} : memref<80x128xf32, #tpu.memory_space<vmem>>, vector<16xf32>,
        %mul3A_275 = vector.broadcast %squeeze3A : f32 to vector<16xf32>
        %mul3A_276 = arith.mulf %get3A_274, %mul3A_275 : vector<16xf32>
        %swap3A_277 = arith.index_cast %scan3A_254 : i32 to index
        %swap3A_278 = arith.constant 32 : index
        %swap3A_279 = tpu.vector_load %arg8[%swap3A_277, %swap3A_278] {strides = array<i32>} : memref<80x128xf32, #tpu.memory_space<vmem>>, vector<16xf32>,
        tpu.vector_store %arg8[%swap3A_277, %swap3A_278], %mul3A_276 {strides = array<i32>} : memref<80x128xf32, #tpu.memory_space<vmem>>, vector<16xf32>,
        %get3A_280 = arith.index_cast %scan3A_254 : i32 to index
        %get3A_281 = arith.constant 48 : index
        %get3A_282 = tpu.vector_load %arg8[%get3A_280, %get3A_281] {strides = array<i32>} : memref<80x128xf32, #tpu.memory_space<vmem>>, vector<16xf32>,
        %mul3A_283 = vector.broadcast %squeeze3A : f32 to vector<16xf32>
        %mul3A_284 = arith.mulf %get3A_282, %mul3A_283 : vector<16xf32>
        %swap3A_285 = arith.index_cast %scan3A_254 : i32 to index
        %swap3A_286 = arith.constant 48 : index
        %swap3A_287 = tpu.vector_load %arg8[%swap3A_285, %swap3A_286] {strides = array<i32>} : memref<80x128xf32, #tpu.memory_space<vmem>>, vector<16xf32>,
        tpu.vector_store %arg8[%swap3A_285, %swap3A_286], %mul3A_284 {strides = array<i32>} : memref<80x128xf32, #tpu.memory_space<vmem>>, vector<16xf32>,
        %get3A_288 = arith.index_cast %scan3A_254 : i32 to index
        %get3A_289 = arith.constant 64 : index
        %get3A_290 = tpu.vector_load %arg8[%get3A_288, %get3A_289] {strides = array<i32>} : memref<80x128xf32, #tpu.memory_space<vmem>>, vector<16xf32>,
        %mul3A_291 = vector.broadcast %squeeze3A : f32 to vector<16xf32>
        %mul3A_292 = arith.mulf %get3A_290, %mul3A_291 : vector<16xf32>
        %swap3A_293 = arith.index_cast %scan3A_254 : i32 to index
        %swap3A_294 = arith.constant 64 : index
        %swap3A_295 = tpu.vector_load %arg8[%swap3A_293, %swap3A_294] {strides = array<i32>} : memref<80x128xf32, #tpu.memory_space<vmem>>, vector<16xf32>,
        tpu.vector_store %arg8[%swap3A_293, %swap3A_294], %mul3A_292 {strides = array<i32>} : memref<80x128xf32, #tpu.memory_space<vmem>>, vector<16xf32>,
        %get3A_296 = arith.index_cast %scan3A_254 : i32 to index
        %get3A_297 = arith.constant 80 : index
        %get3A_298 = tpu.vector_load %arg8[%get3A_296, %get3A_297] {strides = array<i32>} : memref<80x128xf32, #tpu.memory_space<vmem>>, vector<16xf32>,
        %mul3A_299 = vector.broadcast %squeeze3A : f32 to vector<16xf32>
        %mul3A_300 = arith.mulf %get3A_298, %mul3A_299 : vector<16xf32>
        %swap3A_301 = arith.index_cast %scan3A_254 : i32 to index
        %swap3A_302 = arith.constant 80 : index
        %swap3A_303 = tpu.vector_load %arg8[%swap3A_301, %swap3A_302] {strides = array<i32>} : memref<80x128xf32, #tpu.memory_space<vmem>>, vector<16xf32>,
        tpu.vector_store %arg8[%swap3A_301, %swap3A_302], %mul3A_300 {strides = array<i32>} : memref<80x128xf32, #tpu.memory_space<vmem>>, vector<16xf32>,
        %get3A_304 = arith.index_cast %scan3A_254 : i32 to index
        %get3A_305 = arith.constant 96 : index
        %get3A_306 = tpu.vector_load %arg8[%get3A_304, %get3A_305] {strides = array<i32>} : memref<80x128xf32, #tpu.memory_space<vmem>>, vector<16xf32>,
        %mul3A_307 = vector.broadcast %squeeze3A : f32 to vector<16xf32>
        %mul3A_308 = arith.mulf %get3A_306, %mul3A_307 : vector<16xf32>
        %swap3A_309 = arith.index_cast %scan3A_254 : i32 to index
        %swap3A_310 = arith.constant 96 : index
        %swap3A_311 = tpu.vector_load %arg8[%swap3A_309, %swap3A_310] {strides = array<i32>} : memref<80x128xf32, #tpu.memory_space<vmem>>, vector<16xf32>,
        tpu.vector_store %arg8[%swap3A_309, %swap3A_310], %mul3A_308 {strides = array<i32>} : memref<80x128xf32, #tpu.memory_space<vmem>>, vector<16xf32>,
        %get3A_312 = arith.index_cast %scan3A_254 : i32 to index
        %get3A_313 = arith.constant 112 : index
        %get3A_314 = tpu.vector_load %arg8[%get3A_312, %get3A_313] {strides = array<i32>} : memref<80x128xf32, #tpu.memory_space<vmem>>, vector<16xf32>,
        %mul3A_315 = vector.broadcast %squeeze3A : f32 to vector<16xf32>
        %mul3A_316 = arith.mulf %get3A_314, %mul3A_315 : vector<16xf32>
        %swap3A_317 = arith.index_cast %scan3A_254 : i32 to index
        %swap3A_318 = arith.constant 112 : index
        %swap3A_319 = tpu.vector_load %arg8[%swap3A_317, %swap3A_318] {strides = array<i32>} : memref<80x128xf32, #tpu.memory_space<vmem>>, vector<16xf32>,
        tpu.vector_store %arg8[%swap3A_317, %swap3A_318], %mul3A_316 {strides = array<i32>} : memref<80x128xf32, #tpu.memory_space<vmem>>, vector<16xf32>,
      }
      %scan3A_253 = arith.constant 80 : i32
      "tpu.region"() ({
        %run_scoped3A = tpu.sem_alloc : memref<!tpu.dma_semaphore, #tpu.memory_space<semaphore_mem>>
        %dma_start3A = arith.constant 0 : i32
        %dma_start3A_254 = tpu.memref_slice %arg4[%arg0, %mul3A_157, %dma_start3A] : memref<2x10000x128xf32, #tpu.memory_space<hbm>> -> memref<1x80x128xf32, #tpu.memory_space<hbm>>
        %dma_start3A_255 = tpu.memref_squeeze %dma_start3A_254 : memref<1x80x128xf32, #tpu.memory_space<hbm>> -> memref<80x128xf32, #tpu.memory_space<hbm>>
        %dma_start3A_256 = arith.constant 0 : i32
        %dma_start3A_257 = tpu.memref_slice %arg4[%arg0, %mul3A_157, %dma_start3A_256] : memref<2x10000x128xf32, #tpu.memory_space<hbm>> -> memref<1x80x128xf32, #tpu.memory_space<hbm>>
        %dma_start3A_258 = tpu.memref_squeeze %dma_start3A_257 : memref<1x80x128xf32, #tpu.memory_space<hbm>> -> memref<80x128xf32, #tpu.memory_space<hbm>>
        tpu.enqueue_dma source(%arg8 : memref<80x128xf32, #tpu.memory_space<vmem>>) target(%dma_start3A_258 : memref<80x128xf32, #tpu.memory_space<hbm>>) target_semaphore(%run_scoped3A : memref<!tpu.dma_semaphore, #tpu.memory_space<semaphore_mem>>)
        %dma_wait3A = arith.constant 0 : i32
        %dma_wait3A_259 = tpu.memref_slice %arg4[%arg0, %mul3A_157, %dma_wait3A] : memref<2x10000x128xf32, #tpu.memory_space<hbm>> -> memref<1x80x128xf32, #tpu.memory_space<hbm>>
        %dma_wait3A_260 = tpu.memref_squeeze %dma_wait3A_259 : memref<1x80x128xf32, #tpu.memory_space<hbm>> -> memref<80x128xf32, #tpu.memory_space<hbm>>
        %dma_wait3A_261 = arith.constant 0 : i32
        %dma_wait3A_262 = tpu.memref_slice %arg4[%arg0, %mul3A_157, %dma_wait3A_261] : memref<2x10000x128xf32, #tpu.memory_space<hbm>> -> memref<1x80x128xf32, #tpu.memory_space<hbm>>
        %dma_wait3A_263 = tpu.memref_squeeze %dma_wait3A_262 : memref<1x80x128xf32, #tpu.memory_space<hbm>> -> memref<80x128xf32, #tpu.memory_space<hbm>>
        tpu.wait_dma2 semaphore(%run_scoped3A : memref<!tpu.dma_semaphore, #tpu.memory_space<semaphore_mem>>) src(%arg8 : memref<80x128xf32, #tpu.memory_space<vmem>>) dst(%dma_wait3A_263 : memref<80x128xf32, #tpu.memory_space<hbm>>)
        tpu.yield
      }) : () -> ()
    } else {
    }
    %add3A_129 = arith.constant 64 : i32
    %add3A_130 = arith.addi %arg1, %add3A_129 : i32
    %lt3A_131 = arith.constant 125 : i32
    %lt3A_132 = arith.cmpi slt, %add3A_130, %lt3A_131 : i32
    %convert_element_type3A_133 = arith.extui %lt3A_132 : i1 to i32
    %cond3A_134 = arith.constant 0 : i32
    %cond3A_135 = arith.cmpi ne, %convert_element_type3A_133, %cond3A_134 : i32
    scf.if %cond3A_135 {
      %mul3A = arith.constant 80 : i32
      %mul3A_157 = arith.muli %add3A_130, %mul3A : i32
      "tpu.region"() ({
        %run_scoped3A = tpu.sem_alloc : memref<!tpu.dma_semaphore, #tpu.memory_space<semaphore_mem>>
        %dma_start3A = arith.constant 0 : i32
        %dma_start3A_254 = tpu.memref_slice %arg5[%mul3A_157, %dma_start3A] : memref<10000x128xf32, #tpu.memory_space<vmem_shared>> -> memref<80x128xf32, #tpu.memory_space<vmem_shared>>
        %dma_start3A_255 = arith.constant 0 : i32
        %dma_start3A_256 = tpu.memref_slice %arg5[%mul3A_157, %dma_start3A_255] : memref<10000x128xf32, #tpu.memory_space<vmem_shared>> -> memref<80x128xf32, #tpu.memory_space<vmem_shared>>
        tpu.enqueue_dma source(%dma_start3A_256 : memref<80x128xf32, #tpu.memory_space<vmem_shared>>) target(%arg8 : memref<80x128xf32, #tpu.memory_space<vmem>>) target_semaphore(%run_scoped3A : memref<!tpu.dma_semaphore, #tpu.memory_space<semaphore_mem>>)
        %dma_wait3A = arith.constant 0 : i32
        %dma_wait3A_257 = tpu.memref_slice %arg5[%mul3A_157, %dma_wait3A] : memref<10000x128xf32, #tpu.memory_space<vmem_shared>> -> memref<80x128xf32, #tpu.memory_space<vmem_shared>>
        %dma_wait3A_258 = arith.constant 0 : i32
        %dma_wait3A_259 = tpu.memref_slice %arg5[%mul3A_157, %dma_wait3A_258] : memref<10000x128xf32, #tpu.memory_space<vmem_shared>> -> memref<80x128xf32, #tpu.memory_space<vmem_shared>>
        tpu.wait_dma2 semaphore(%run_scoped3A : memref<!tpu.dma_semaphore, #tpu.memory_space<semaphore_mem>>) src(%dma_wait3A_259 : memref<80x128xf32, #tpu.memory_space<vmem_shared>>) dst(%arg8 : memref<80x128xf32, #tpu.memory_space<vmem>>)
        tpu.yield
      }) : () -> ()
      %add3A_158 = arith.constant 0 : i32
      %add3A_159 = arith.addi %mul3A_157, %add3A_158 : i32
      %add3A_160 = vector.broadcast %add3A_159 : i32 to vector<16xi32>
      %add3A_161 = arith.addi %add3A_160, %iota3A : vector<16xi32>
      %shift_right_arithmetic3A = arith.constant 7 : i32
      %shift_right_arithmetic3A_162 = vector.broadcast %shift_right_arithmetic3A : i32 to vector<16xi32>
      %shift_right_arithmetic3A_163 = arith.shrsi %add3A_161, %shift_right_arithmetic3A_162 : vector<16xi32>
      %and3A = arith.constant 127 : i32
      %and3A_164 = vector.broadcast %and3A : i32 to vector<16xi32>
      %and3A_165 = arith.andi %add3A_161, %and3A_164 : vector<16xi32>
      %gather3A = tpu.vector_load_idx %arg9[%shift_right_arithmetic3A_163, %and3A_165] : memref<80x128xf32, #tpu.memory_space<vmem>>[vector<16xi32>, vector<16xi32>], vector<16xf32>,
      %max3A = arith.constant 1.000000e+00 : f32
      %max3A_166 = vector.broadcast %max3A : f32 to vector<16xf32>
      %max3A_167 = arith.maximumf %gather3A, %max3A_166 : vector<16xf32>
      %div3A = arith.constant 1.000000e+00 : f32
      %div3A_168 = vector.broadcast %div3A : f32 to vector<16xf32>
      %div3A_169 = arith.divf %div3A_168, %max3A_167 : vector<16xf32>
      %swap3A_170 = arith.constant 0 : index
      %swap3A_171 = tpu.vector_load %arg11[%swap3A_170] {strides = array<i32>} : memref<96xf32, #tpu.memory_space<vmem>>, vector<16xf32>,
      tpu.vector_store %arg11[%swap3A_170], %div3A_169 {strides = array<i32>} : memref<96xf32, #tpu.memory_space<vmem>>, vector<16xf32>,
      %add3A_172 = arith.constant 16 : i32
      %add3A_173 = arith.addi %mul3A_157, %add3A_172 : i32
      %add3A_174 = vector.broadcast %add3A_173 : i32 to vector<16xi32>
      %add3A_175 = arith.addi %add3A_174, %iota3A : vector<16xi32>
      %shift_right_arithmetic3A_176 = arith.constant 7 : i32
      %shift_right_arithmetic3A_177 = vector.broadcast %shift_right_arithmetic3A_176 : i32 to vector<16xi32>
      %shift_right_arithmetic3A_178 = arith.shrsi %add3A_175, %shift_right_arithmetic3A_177 : vector<16xi32>
      %and3A_179 = arith.constant 127 : i32
      %and3A_180 = vector.broadcast %and3A_179 : i32 to vector<16xi32>
      %and3A_181 = arith.andi %add3A_175, %and3A_180 : vector<16xi32>
      %gather3A_182 = tpu.vector_load_idx %arg9[%shift_right_arithmetic3A_178, %and3A_181] : memref<80x128xf32, #tpu.memory_space<vmem>>[vector<16xi32>, vector<16xi32>], vector<16xf32>,
      %max3A_183 = arith.constant 1.000000e+00 : f32
      %max3A_184 = vector.broadcast %max3A_183 : f32 to vector<16xf32>
      %max3A_185 = arith.maximumf %gather3A_182, %max3A_184 : vector<16xf32>
      %div3A_186 = arith.constant 1.000000e+00 : f32
      %div3A_187 = vector.broadcast %div3A_186 : f32 to vector<16xf32>
      %div3A_188 = arith.divf %div3A_187, %max3A_185 : vector<16xf32>
      %swap3A_189 = arith.constant 16 : index
      %swap3A_190 = tpu.vector_load %arg11[%swap3A_189] {strides = array<i32>} : memref<96xf32, #tpu.memory_space<vmem>>, vector<16xf32>,
      tpu.vector_store %arg11[%swap3A_189], %div3A_188 {strides = array<i32>} : memref<96xf32, #tpu.memory_space<vmem>>, vector<16xf32>,
      %add3A_191 = arith.constant 32 : i32
      %add3A_192 = arith.addi %mul3A_157, %add3A_191 : i32
      %add3A_193 = vector.broadcast %add3A_192 : i32 to vector<16xi32>
      %add3A_194 = arith.addi %add3A_193, %iota3A : vector<16xi32>
      %shift_right_arithmetic3A_195 = arith.constant 7 : i32
      %shift_right_arithmetic3A_196 = vector.broadcast %shift_right_arithmetic3A_195 : i32 to vector<16xi32>
      %shift_right_arithmetic3A_197 = arith.shrsi %add3A_194, %shift_right_arithmetic3A_196 : vector<16xi32>
      %and3A_198 = arith.constant 127 : i32
      %and3A_199 = vector.broadcast %and3A_198 : i32 to vector<16xi32>
      %and3A_200 = arith.andi %add3A_194, %and3A_199 : vector<16xi32>
      %gather3A_201 = tpu.vector_load_idx %arg9[%shift_right_arithmetic3A_197, %and3A_200] : memref<80x128xf32, #tpu.memory_space<vmem>>[vector<16xi32>, vector<16xi32>], vector<16xf32>,
      %max3A_202 = arith.constant 1.000000e+00 : f32
      %max3A_203 = vector.broadcast %max3A_202 : f32 to vector<16xf32>
      %max3A_204 = arith.maximumf %gather3A_201, %max3A_203 : vector<16xf32>
      %div3A_205 = arith.constant 1.000000e+00 : f32
      %div3A_206 = vector.broadcast %div3A_205 : f32 to vector<16xf32>
      %div3A_207 = arith.divf %div3A_206, %max3A_204 : vector<16xf32>
      %swap3A_208 = arith.constant 32 : index
      %swap3A_209 = tpu.vector_load %arg11[%swap3A_208] {strides = array<i32>} : memref<96xf32, #tpu.memory_space<vmem>>, vector<16xf32>,
      tpu.vector_store %arg11[%swap3A_208], %div3A_207 {strides = array<i32>} : memref<96xf32, #tpu.memory_space<vmem>>, vector<16xf32>,
      %add3A_210 = arith.constant 48 : i32
      %add3A_211 = arith.addi %mul3A_157, %add3A_210 : i32
      %add3A_212 = vector.broadcast %add3A_211 : i32 to vector<16xi32>
      %add3A_213 = arith.addi %add3A_212, %iota3A : vector<16xi32>
      %shift_right_arithmetic3A_214 = arith.constant 7 : i32
      %shift_right_arithmetic3A_215 = vector.broadcast %shift_right_arithmetic3A_214 : i32 to vector<16xi32>
      %shift_right_arithmetic3A_216 = arith.shrsi %add3A_213, %shift_right_arithmetic3A_215 : vector<16xi32>
      %and3A_217 = arith.constant 127 : i32
      %and3A_218 = vector.broadcast %and3A_217 : i32 to vector<16xi32>
      %and3A_219 = arith.andi %add3A_213, %and3A_218 : vector<16xi32>
      %gather3A_220 = tpu.vector_load_idx %arg9[%shift_right_arithmetic3A_216, %and3A_219] : memref<80x128xf32, #tpu.memory_space<vmem>>[vector<16xi32>, vector<16xi32>], vector<16xf32>,
      %max3A_221 = arith.constant 1.000000e+00 : f32
      %max3A_222 = vector.broadcast %max3A_221 : f32 to vector<16xf32>
      %max3A_223 = arith.maximumf %gather3A_220, %max3A_222 : vector<16xf32>
      %div3A_224 = arith.constant 1.000000e+00 : f32
      %div3A_225 = vector.broadcast %div3A_224 : f32 to vector<16xf32>
      %div3A_226 = arith.divf %div3A_225, %max3A_223 : vector<16xf32>
      %swap3A_227 = arith.constant 48 : index
      %swap3A_228 = tpu.vector_load %arg11[%swap3A_227] {strides = array<i32>} : memref<96xf32, #tpu.memory_space<vmem>>, vector<16xf32>,
      tpu.vector_store %arg11[%swap3A_227], %div3A_226 {strides = array<i32>} : memref<96xf32, #tpu.memory_space<vmem>>, vector<16xf32>,
      %add3A_229 = arith.constant 64 : i32
      %add3A_230 = arith.addi %mul3A_157, %add3A_229 : i32
      %add3A_231 = vector.broadcast %add3A_230 : i32 to vector<16xi32>
      %add3A_232 = arith.addi %add3A_231, %iota3A : vector<16xi32>
      %shift_right_arithmetic3A_233 = arith.constant 7 : i32
      %shift_right_arithmetic3A_234 = vector.broadcast %shift_right_arithmetic3A_233 : i32 to vector<16xi32>
      %shift_right_arithmetic3A_235 = arith.shrsi %add3A_232, %shift_right_arithmetic3A_234 : vector<16xi32>
      %and3A_236 = arith.constant 127 : i32
      %and3A_237 = vector.broadcast %and3A_236 : i32 to vector<16xi32>
      %and3A_238 = arith.andi %add3A_232, %and3A_237 : vector<16xi32>
      %gather3A_239 = tpu.vector_load_idx %arg9[%shift_right_arithmetic3A_235, %and3A_238] : memref<80x128xf32, #tpu.memory_space<vmem>>[vector<16xi32>, vector<16xi32>], vector<16xf32>,
      %max3A_240 = arith.constant 1.000000e+00 : f32
      %max3A_241 = vector.broadcast %max3A_240 : f32 to vector<16xf32>
      %max3A_242 = arith.maximumf %gather3A_239, %max3A_241 : vector<16xf32>
      %div3A_243 = arith.constant 1.000000e+00 : f32
      %div3A_244 = vector.broadcast %div3A_243 : f32 to vector<16xf32>
      %div3A_245 = arith.divf %div3A_244, %max3A_242 : vector<16xf32>
      %swap3A_246 = arith.constant 64 : index
      %swap3A_247 = tpu.vector_load %arg11[%swap3A_246] {strides = array<i32>} : memref<96xf32, #tpu.memory_space<vmem>>, vector<16xf32>,
      tpu.vector_store %arg11[%swap3A_246], %div3A_245 {strides = array<i32>} : memref<96xf32, #tpu.memory_space<vmem>>, vector<16xf32>,
      %scan3A_248 = arith.constant 0 : i32
      %scan3A_249 = arith.constant 0 : i32
      %scan3A_250 = arith.constant 80 : i32
      %scan3A_251 = arith.addi %scan3A_249, %scan3A_250 : i32
      %scan3A_252 = arith.constant 1 : i32
      scf.for %scan3A_254 = %scan3A_249 to %scan3A_251 step %scan3A_252  : i32 {
        %get3A = arith.index_cast %scan3A_254 : i32 to index
        %get3A_255 = tpu.vector_load %arg11[%get3A] {strides = array<i32>} : memref<96xf32, #tpu.memory_space<vmem>>, vector<16xf32>,
        %slice3A = vector.extract_strided_slice %get3A_255 {offsets = [0], sizes = [1], strides = [1]} : vector<16xf32> to vector<1xf32>
        %squeeze3A = vector.extract %slice3A[0] : f32 from vector<1xf32>
        %get3A_256 = arith.index_cast %scan3A_254 : i32 to index
        %get3A_257 = arith.constant 0 : index
        %get3A_258 = tpu.vector_load %arg8[%get3A_256, %get3A_257] {strides = array<i32>} : memref<80x128xf32, #tpu.memory_space<vmem>>, vector<16xf32>,
        %mul3A_259 = vector.broadcast %squeeze3A : f32 to vector<16xf32>
        %mul3A_260 = arith.mulf %get3A_258, %mul3A_259 : vector<16xf32>
        %swap3A_261 = arith.index_cast %scan3A_254 : i32 to index
        %swap3A_262 = arith.constant 0 : index
        %swap3A_263 = tpu.vector_load %arg8[%swap3A_261, %swap3A_262] {strides = array<i32>} : memref<80x128xf32, #tpu.memory_space<vmem>>, vector<16xf32>,
        tpu.vector_store %arg8[%swap3A_261, %swap3A_262], %mul3A_260 {strides = array<i32>} : memref<80x128xf32, #tpu.memory_space<vmem>>, vector<16xf32>,
        %get3A_264 = arith.index_cast %scan3A_254 : i32 to index
        %get3A_265 = arith.constant 16 : index
        %get3A_266 = tpu.vector_load %arg8[%get3A_264, %get3A_265] {strides = array<i32>} : memref<80x128xf32, #tpu.memory_space<vmem>>, vector<16xf32>,
        %mul3A_267 = vector.broadcast %squeeze3A : f32 to vector<16xf32>
        %mul3A_268 = arith.mulf %get3A_266, %mul3A_267 : vector<16xf32>
        %swap3A_269 = arith.index_cast %scan3A_254 : i32 to index
        %swap3A_270 = arith.constant 16 : index
        %swap3A_271 = tpu.vector_load %arg8[%swap3A_269, %swap3A_270] {strides = array<i32>} : memref<80x128xf32, #tpu.memory_space<vmem>>, vector<16xf32>,
        tpu.vector_store %arg8[%swap3A_269, %swap3A_270], %mul3A_268 {strides = array<i32>} : memref<80x128xf32, #tpu.memory_space<vmem>>, vector<16xf32>,
        %get3A_272 = arith.index_cast %scan3A_254 : i32 to index
        %get3A_273 = arith.constant 32 : index
        %get3A_274 = tpu.vector_load %arg8[%get3A_272, %get3A_273] {strides = array<i32>} : memref<80x128xf32, #tpu.memory_space<vmem>>, vector<16xf32>,
        %mul3A_275 = vector.broadcast %squeeze3A : f32 to vector<16xf32>
        %mul3A_276 = arith.mulf %get3A_274, %mul3A_275 : vector<16xf32>
        %swap3A_277 = arith.index_cast %scan3A_254 : i32 to index
        %swap3A_278 = arith.constant 32 : index
        %swap3A_279 = tpu.vector_load %arg8[%swap3A_277, %swap3A_278] {strides = array<i32>} : memref<80x128xf32, #tpu.memory_space<vmem>>, vector<16xf32>,
        tpu.vector_store %arg8[%swap3A_277, %swap3A_278], %mul3A_276 {strides = array<i32>} : memref<80x128xf32, #tpu.memory_space<vmem>>, vector<16xf32>,
        %get3A_280 = arith.index_cast %scan3A_254 : i32 to index
        %get3A_281 = arith.constant 48 : index
        %get3A_282 = tpu.vector_load %arg8[%get3A_280, %get3A_281] {strides = array<i32>} : memref<80x128xf32, #tpu.memory_space<vmem>>, vector<16xf32>,
        %mul3A_283 = vector.broadcast %squeeze3A : f32 to vector<16xf32>
        %mul3A_284 = arith.mulf %get3A_282, %mul3A_283 : vector<16xf32>
        %swap3A_285 = arith.index_cast %scan3A_254 : i32 to index
        %swap3A_286 = arith.constant 48 : index
        %swap3A_287 = tpu.vector_load %arg8[%swap3A_285, %swap3A_286] {strides = array<i32>} : memref<80x128xf32, #tpu.memory_space<vmem>>, vector<16xf32>,
        tpu.vector_store %arg8[%swap3A_285, %swap3A_286], %mul3A_284 {strides = array<i32>} : memref<80x128xf32, #tpu.memory_space<vmem>>, vector<16xf32>,
        %get3A_288 = arith.index_cast %scan3A_254 : i32 to index
        %get3A_289 = arith.constant 64 : index
        %get3A_290 = tpu.vector_load %arg8[%get3A_288, %get3A_289] {strides = array<i32>} : memref<80x128xf32, #tpu.memory_space<vmem>>, vector<16xf32>,
        %mul3A_291 = vector.broadcast %squeeze3A : f32 to vector<16xf32>
        %mul3A_292 = arith.mulf %get3A_290, %mul3A_291 : vector<16xf32>
        %swap3A_293 = arith.index_cast %scan3A_254 : i32 to index
        %swap3A_294 = arith.constant 64 : index
        %swap3A_295 = tpu.vector_load %arg8[%swap3A_293, %swap3A_294] {strides = array<i32>} : memref<80x128xf32, #tpu.memory_space<vmem>>, vector<16xf32>,
        tpu.vector_store %arg8[%swap3A_293, %swap3A_294], %mul3A_292 {strides = array<i32>} : memref<80x128xf32, #tpu.memory_space<vmem>>, vector<16xf32>,
        %get3A_296 = arith.index_cast %scan3A_254 : i32 to index
        %get3A_297 = arith.constant 80 : index
        %get3A_298 = tpu.vector_load %arg8[%get3A_296, %get3A_297] {strides = array<i32>} : memref<80x128xf32, #tpu.memory_space<vmem>>, vector<16xf32>,
        %mul3A_299 = vector.broadcast %squeeze3A : f32 to vector<16xf32>
        %mul3A_300 = arith.mulf %get3A_298, %mul3A_299 : vector<16xf32>
        %swap3A_301 = arith.index_cast %scan3A_254 : i32 to index
        %swap3A_302 = arith.constant 80 : index
        %swap3A_303 = tpu.vector_load %arg8[%swap3A_301, %swap3A_302] {strides = array<i32>} : memref<80x128xf32, #tpu.memory_space<vmem>>, vector<16xf32>,
        tpu.vector_store %arg8[%swap3A_301, %swap3A_302], %mul3A_300 {strides = array<i32>} : memref<80x128xf32, #tpu.memory_space<vmem>>, vector<16xf32>,
        %get3A_304 = arith.index_cast %scan3A_254 : i32 to index
        %get3A_305 = arith.constant 96 : index
        %get3A_306 = tpu.vector_load %arg8[%get3A_304, %get3A_305] {strides = array<i32>} : memref<80x128xf32, #tpu.memory_space<vmem>>, vector<16xf32>,
        %mul3A_307 = vector.broadcast %squeeze3A : f32 to vector<16xf32>
        %mul3A_308 = arith.mulf %get3A_306, %mul3A_307 : vector<16xf32>
        %swap3A_309 = arith.index_cast %scan3A_254 : i32 to index
        %swap3A_310 = arith.constant 96 : index
        %swap3A_311 = tpu.vector_load %arg8[%swap3A_309, %swap3A_310] {strides = array<i32>} : memref<80x128xf32, #tpu.memory_space<vmem>>, vector<16xf32>,
        tpu.vector_store %arg8[%swap3A_309, %swap3A_310], %mul3A_308 {strides = array<i32>} : memref<80x128xf32, #tpu.memory_space<vmem>>, vector<16xf32>,
        %get3A_312 = arith.index_cast %scan3A_254 : i32 to index
        %get3A_313 = arith.constant 112 : index
        %get3A_314 = tpu.vector_load %arg8[%get3A_312, %get3A_313] {strides = array<i32>} : memref<80x128xf32, #tpu.memory_space<vmem>>, vector<16xf32>,
        %mul3A_315 = vector.broadcast %squeeze3A : f32 to vector<16xf32>
        %mul3A_316 = arith.mulf %get3A_314, %mul3A_315 : vector<16xf32>
        %swap3A_317 = arith.index_cast %scan3A_254 : i32 to index
        %swap3A_318 = arith.constant 112 : index
        %swap3A_319 = tpu.vector_load %arg8[%swap3A_317, %swap3A_318] {strides = array<i32>} : memref<80x128xf32, #tpu.memory_space<vmem>>, vector<16xf32>,
        tpu.vector_store %arg8[%swap3A_317, %swap3A_318], %mul3A_316 {strides = array<i32>} : memref<80x128xf32, #tpu.memory_space<vmem>>, vector<16xf32>,
      }
      %scan3A_253 = arith.constant 80 : i32
      "tpu.region"() ({
        %run_scoped3A = tpu.sem_alloc : memref<!tpu.dma_semaphore, #tpu.memory_space<semaphore_mem>>
        %dma_start3A = arith.constant 0 : i32
        %dma_start3A_254 = tpu.memref_slice %arg4[%arg0, %mul3A_157, %dma_start3A] : memref<2x10000x128xf32, #tpu.memory_space<hbm>> -> memref<1x80x128xf32, #tpu.memory_space<hbm>>
        %dma_start3A_255 = tpu.memref_squeeze %dma_start3A_254 : memref<1x80x128xf32, #tpu.memory_space<hbm>> -> memref<80x128xf32, #tpu.memory_space<hbm>>
        %dma_start3A_256 = arith.constant 0 : i32
        %dma_start3A_257 = tpu.memref_slice %arg4[%arg0, %mul3A_157, %dma_start3A_256] : memref<2x10000x128xf32, #tpu.memory_space<hbm>> -> memref<1x80x128xf32, #tpu.memory_space<hbm>>
        %dma_start3A_258 = tpu.memref_squeeze %dma_start3A_257 : memref<1x80x128xf32, #tpu.memory_space<hbm>> -> memref<80x128xf32, #tpu.memory_space<hbm>>
        tpu.enqueue_dma source(%arg8 : memref<80x128xf32, #tpu.memory_space<vmem>>) target(%dma_start3A_258 : memref<80x128xf32, #tpu.memory_space<hbm>>) target_semaphore(%run_scoped3A : memref<!tpu.dma_semaphore, #tpu.memory_space<semaphore_mem>>)
        %dma_wait3A = arith.constant 0 : i32
        %dma_wait3A_259 = tpu.memref_slice %arg4[%arg0, %mul3A_157, %dma_wait3A] : memref<2x10000x128xf32, #tpu.memory_space<hbm>> -> memref<1x80x128xf32, #tpu.memory_space<hbm>>
        %dma_wait3A_260 = tpu.memref_squeeze %dma_wait3A_259 : memref<1x80x128xf32, #tpu.memory_space<hbm>> -> memref<80x128xf32, #tpu.memory_space<hbm>>
        %dma_wait3A_261 = arith.constant 0 : i32
        %dma_wait3A_262 = tpu.memref_slice %arg4[%arg0, %mul3A_157, %dma_wait3A_261] : memref<2x10000x128xf32, #tpu.memory_space<hbm>> -> memref<1x80x128xf32, #tpu.memory_space<hbm>>
        %dma_wait3A_263 = tpu.memref_squeeze %dma_wait3A_262 : memref<1x80x128xf32, #tpu.memory_space<hbm>> -> memref<80x128xf32, #tpu.memory_space<hbm>>
        tpu.wait_dma2 semaphore(%run_scoped3A : memref<!tpu.dma_semaphore, #tpu.memory_space<semaphore_mem>>) src(%arg8 : memref<80x128xf32, #tpu.memory_space<vmem>>) dst(%dma_wait3A_263 : memref<80x128xf32, #tpu.memory_space<hbm>>)
        tpu.yield
      }) : () -> ()
    } else {
    }
    %add3A_136 = arith.constant 80 : i32
    %add3A_137 = arith.addi %arg1, %add3A_136 : i32
    %lt3A_138 = arith.constant 125 : i32
    %lt3A_139 = arith.cmpi slt, %add3A_137, %lt3A_138 : i32
    %convert_element_type3A_140 = arith.extui %lt3A_139 : i1 to i32
    %cond3A_141 = arith.constant 0 : i32
    %cond3A_142 = arith.cmpi ne, %convert_element_type3A_140, %cond3A_141 : i32
    scf.if %cond3A_142 {
      %mul3A = arith.constant 80 : i32
      %mul3A_157 = arith.muli %add3A_137, %mul3A : i32
      "tpu.region"() ({
        %run_scoped3A = tpu.sem_alloc : memref<!tpu.dma_semaphore, #tpu.memory_space<semaphore_mem>>
        %dma_start3A = arith.constant 0 : i32
        %dma_start3A_254 = tpu.memref_slice %arg5[%mul3A_157, %dma_start3A] : memref<10000x128xf32, #tpu.memory_space<vmem_shared>> -> memref<80x128xf32, #tpu.memory_space<vmem_shared>>
        %dma_start3A_255 = arith.constant 0 : i32
        %dma_start3A_256 = tpu.memref_slice %arg5[%mul3A_157, %dma_start3A_255] : memref<10000x128xf32, #tpu.memory_space<vmem_shared>> -> memref<80x128xf32, #tpu.memory_space<vmem_shared>>
        tpu.enqueue_dma source(%dma_start3A_256 : memref<80x128xf32, #tpu.memory_space<vmem_shared>>) target(%arg8 : memref<80x128xf32, #tpu.memory_space<vmem>>) target_semaphore(%run_scoped3A : memref<!tpu.dma_semaphore, #tpu.memory_space<semaphore_mem>>)
        %dma_wait3A = arith.constant 0 : i32
        %dma_wait3A_257 = tpu.memref_slice %arg5[%mul3A_157, %dma_wait3A] : memref<10000x128xf32, #tpu.memory_space<vmem_shared>> -> memref<80x128xf32, #tpu.memory_space<vmem_shared>>
        %dma_wait3A_258 = arith.constant 0 : i32
        %dma_wait3A_259 = tpu.memref_slice %arg5[%mul3A_157, %dma_wait3A_258] : memref<10000x128xf32, #tpu.memory_space<vmem_shared>> -> memref<80x128xf32, #tpu.memory_space<vmem_shared>>
        tpu.wait_dma2 semaphore(%run_scoped3A : memref<!tpu.dma_semaphore, #tpu.memory_space<semaphore_mem>>) src(%dma_wait3A_259 : memref<80x128xf32, #tpu.memory_space<vmem_shared>>) dst(%arg8 : memref<80x128xf32, #tpu.memory_space<vmem>>)
        tpu.yield
      }) : () -> ()
      %add3A_158 = arith.constant 0 : i32
      %add3A_159 = arith.addi %mul3A_157, %add3A_158 : i32
      %add3A_160 = vector.broadcast %add3A_159 : i32 to vector<16xi32>
      %add3A_161 = arith.addi %add3A_160, %iota3A : vector<16xi32>
      %shift_right_arithmetic3A = arith.constant 7 : i32
      %shift_right_arithmetic3A_162 = vector.broadcast %shift_right_arithmetic3A : i32 to vector<16xi32>
      %shift_right_arithmetic3A_163 = arith.shrsi %add3A_161, %shift_right_arithmetic3A_162 : vector<16xi32>
      %and3A = arith.constant 127 : i32
      %and3A_164 = vector.broadcast %and3A : i32 to vector<16xi32>
      %and3A_165 = arith.andi %add3A_161, %and3A_164 : vector<16xi32>
      %gather3A = tpu.vector_load_idx %arg9[%shift_right_arithmetic3A_163, %and3A_165] : memref<80x128xf32, #tpu.memory_space<vmem>>[vector<16xi32>, vector<16xi32>], vector<16xf32>,
      %max3A = arith.constant 1.000000e+00 : f32
      %max3A_166 = vector.broadcast %max3A : f32 to vector<16xf32>
      %max3A_167 = arith.maximumf %gather3A, %max3A_166 : vector<16xf32>
      %div3A = arith.constant 1.000000e+00 : f32
      %div3A_168 = vector.broadcast %div3A : f32 to vector<16xf32>
      %div3A_169 = arith.divf %div3A_168, %max3A_167 : vector<16xf32>
      %swap3A_170 = arith.constant 0 : index
      %swap3A_171 = tpu.vector_load %arg11[%swap3A_170] {strides = array<i32>} : memref<96xf32, #tpu.memory_space<vmem>>, vector<16xf32>,
      tpu.vector_store %arg11[%swap3A_170], %div3A_169 {strides = array<i32>} : memref<96xf32, #tpu.memory_space<vmem>>, vector<16xf32>,
      %add3A_172 = arith.constant 16 : i32
      %add3A_173 = arith.addi %mul3A_157, %add3A_172 : i32
      %add3A_174 = vector.broadcast %add3A_173 : i32 to vector<16xi32>
      %add3A_175 = arith.addi %add3A_174, %iota3A : vector<16xi32>
      %shift_right_arithmetic3A_176 = arith.constant 7 : i32
      %shift_right_arithmetic3A_177 = vector.broadcast %shift_right_arithmetic3A_176 : i32 to vector<16xi32>
      %shift_right_arithmetic3A_178 = arith.shrsi %add3A_175, %shift_right_arithmetic3A_177 : vector<16xi32>
      %and3A_179 = arith.constant 127 : i32
      %and3A_180 = vector.broadcast %and3A_179 : i32 to vector<16xi32>
      %and3A_181 = arith.andi %add3A_175, %and3A_180 : vector<16xi32>
      %gather3A_182 = tpu.vector_load_idx %arg9[%shift_right_arithmetic3A_178, %and3A_181] : memref<80x128xf32, #tpu.memory_space<vmem>>[vector<16xi32>, vector<16xi32>], vector<16xf32>,
      %max3A_183 = arith.constant 1.000000e+00 : f32
      %max3A_184 = vector.broadcast %max3A_183 : f32 to vector<16xf32>
      %max3A_185 = arith.maximumf %gather3A_182, %max3A_184 : vector<16xf32>
      %div3A_186 = arith.constant 1.000000e+00 : f32
      %div3A_187 = vector.broadcast %div3A_186 : f32 to vector<16xf32>
      %div3A_188 = arith.divf %div3A_187, %max3A_185 : vector<16xf32>
      %swap3A_189 = arith.constant 16 : index
      %swap3A_190 = tpu.vector_load %arg11[%swap3A_189] {strides = array<i32>} : memref<96xf32, #tpu.memory_space<vmem>>, vector<16xf32>,
      tpu.vector_store %arg11[%swap3A_189], %div3A_188 {strides = array<i32>} : memref<96xf32, #tpu.memory_space<vmem>>, vector<16xf32>,
      %add3A_191 = arith.constant 32 : i32
      %add3A_192 = arith.addi %mul3A_157, %add3A_191 : i32
      %add3A_193 = vector.broadcast %add3A_192 : i32 to vector<16xi32>
      %add3A_194 = arith.addi %add3A_193, %iota3A : vector<16xi32>
      %shift_right_arithmetic3A_195 = arith.constant 7 : i32
      %shift_right_arithmetic3A_196 = vector.broadcast %shift_right_arithmetic3A_195 : i32 to vector<16xi32>
      %shift_right_arithmetic3A_197 = arith.shrsi %add3A_194, %shift_right_arithmetic3A_196 : vector<16xi32>
      %and3A_198 = arith.constant 127 : i32
      %and3A_199 = vector.broadcast %and3A_198 : i32 to vector<16xi32>
      %and3A_200 = arith.andi %add3A_194, %and3A_199 : vector<16xi32>
      %gather3A_201 = tpu.vector_load_idx %arg9[%shift_right_arithmetic3A_197, %and3A_200] : memref<80x128xf32, #tpu.memory_space<vmem>>[vector<16xi32>, vector<16xi32>], vector<16xf32>,
      %max3A_202 = arith.constant 1.000000e+00 : f32
      %max3A_203 = vector.broadcast %max3A_202 : f32 to vector<16xf32>
      %max3A_204 = arith.maximumf %gather3A_201, %max3A_203 : vector<16xf32>
      %div3A_205 = arith.constant 1.000000e+00 : f32
      %div3A_206 = vector.broadcast %div3A_205 : f32 to vector<16xf32>
      %div3A_207 = arith.divf %div3A_206, %max3A_204 : vector<16xf32>
      %swap3A_208 = arith.constant 32 : index
      %swap3A_209 = tpu.vector_load %arg11[%swap3A_208] {strides = array<i32>} : memref<96xf32, #tpu.memory_space<vmem>>, vector<16xf32>,
      tpu.vector_store %arg11[%swap3A_208], %div3A_207 {strides = array<i32>} : memref<96xf32, #tpu.memory_space<vmem>>, vector<16xf32>,
      %add3A_210 = arith.constant 48 : i32
      %add3A_211 = arith.addi %mul3A_157, %add3A_210 : i32
      %add3A_212 = vector.broadcast %add3A_211 : i32 to vector<16xi32>
      %add3A_213 = arith.addi %add3A_212, %iota3A : vector<16xi32>
      %shift_right_arithmetic3A_214 = arith.constant 7 : i32
      %shift_right_arithmetic3A_215 = vector.broadcast %shift_right_arithmetic3A_214 : i32 to vector<16xi32>
      %shift_right_arithmetic3A_216 = arith.shrsi %add3A_213, %shift_right_arithmetic3A_215 : vector<16xi32>
      %and3A_217 = arith.constant 127 : i32
      %and3A_218 = vector.broadcast %and3A_217 : i32 to vector<16xi32>
      %and3A_219 = arith.andi %add3A_213, %and3A_218 : vector<16xi32>
      %gather3A_220 = tpu.vector_load_idx %arg9[%shift_right_arithmetic3A_216, %and3A_219] : memref<80x128xf32, #tpu.memory_space<vmem>>[vector<16xi32>, vector<16xi32>], vector<16xf32>,
      %max3A_221 = arith.constant 1.000000e+00 : f32
      %max3A_222 = vector.broadcast %max3A_221 : f32 to vector<16xf32>
      %max3A_223 = arith.maximumf %gather3A_220, %max3A_222 : vector<16xf32>
      %div3A_224 = arith.constant 1.000000e+00 : f32
      %div3A_225 = vector.broadcast %div3A_224 : f32 to vector<16xf32>
      %div3A_226 = arith.divf %div3A_225, %max3A_223 : vector<16xf32>
      %swap3A_227 = arith.constant 48 : index
      %swap3A_228 = tpu.vector_load %arg11[%swap3A_227] {strides = array<i32>} : memref<96xf32, #tpu.memory_space<vmem>>, vector<16xf32>,
      tpu.vector_store %arg11[%swap3A_227], %div3A_226 {strides = array<i32>} : memref<96xf32, #tpu.memory_space<vmem>>, vector<16xf32>,
      %add3A_229 = arith.constant 64 : i32
      %add3A_230 = arith.addi %mul3A_157, %add3A_229 : i32
      %add3A_231 = vector.broadcast %add3A_230 : i32 to vector<16xi32>
      %add3A_232 = arith.addi %add3A_231, %iota3A : vector<16xi32>
      %shift_right_arithmetic3A_233 = arith.constant 7 : i32
      %shift_right_arithmetic3A_234 = vector.broadcast %shift_right_arithmetic3A_233 : i32 to vector<16xi32>
      %shift_right_arithmetic3A_235 = arith.shrsi %add3A_232, %shift_right_arithmetic3A_234 : vector<16xi32>
      %and3A_236 = arith.constant 127 : i32
      %and3A_237 = vector.broadcast %and3A_236 : i32 to vector<16xi32>
      %and3A_238 = arith.andi %add3A_232, %and3A_237 : vector<16xi32>
      %gather3A_239 = tpu.vector_load_idx %arg9[%shift_right_arithmetic3A_235, %and3A_238] : memref<80x128xf32, #tpu.memory_space<vmem>>[vector<16xi32>, vector<16xi32>], vector<16xf32>,
      %max3A_240 = arith.constant 1.000000e+00 : f32
      %max3A_241 = vector.broadcast %max3A_240 : f32 to vector<16xf32>
      %max3A_242 = arith.maximumf %gather3A_239, %max3A_241 : vector<16xf32>
      %div3A_243 = arith.constant 1.000000e+00 : f32
      %div3A_244 = vector.broadcast %div3A_243 : f32 to vector<16xf32>
      %div3A_245 = arith.divf %div3A_244, %max3A_242 : vector<16xf32>
      %swap3A_246 = arith.constant 64 : index
      %swap3A_247 = tpu.vector_load %arg11[%swap3A_246] {strides = array<i32>} : memref<96xf32, #tpu.memory_space<vmem>>, vector<16xf32>,
      tpu.vector_store %arg11[%swap3A_246], %div3A_245 {strides = array<i32>} : memref<96xf32, #tpu.memory_space<vmem>>, vector<16xf32>,
      %scan3A_248 = arith.constant 0 : i32
      %scan3A_249 = arith.constant 0 : i32
      %scan3A_250 = arith.constant 80 : i32
      %scan3A_251 = arith.addi %scan3A_249, %scan3A_250 : i32
      %scan3A_252 = arith.constant 1 : i32
      scf.for %scan3A_254 = %scan3A_249 to %scan3A_251 step %scan3A_252  : i32 {
        %get3A = arith.index_cast %scan3A_254 : i32 to index
        %get3A_255 = tpu.vector_load %arg11[%get3A] {strides = array<i32>} : memref<96xf32, #tpu.memory_space<vmem>>, vector<16xf32>,
        %slice3A = vector.extract_strided_slice %get3A_255 {offsets = [0], sizes = [1], strides = [1]} : vector<16xf32> to vector<1xf32>
        %squeeze3A = vector.extract %slice3A[0] : f32 from vector<1xf32>
        %get3A_256 = arith.index_cast %scan3A_254 : i32 to index
        %get3A_257 = arith.constant 0 : index
        %get3A_258 = tpu.vector_load %arg8[%get3A_256, %get3A_257] {strides = array<i32>} : memref<80x128xf32, #tpu.memory_space<vmem>>, vector<16xf32>,
        %mul3A_259 = vector.broadcast %squeeze3A : f32 to vector<16xf32>
        %mul3A_260 = arith.mulf %get3A_258, %mul3A_259 : vector<16xf32>
        %swap3A_261 = arith.index_cast %scan3A_254 : i32 to index
        %swap3A_262 = arith.constant 0 : index
        %swap3A_263 = tpu.vector_load %arg8[%swap3A_261, %swap3A_262] {strides = array<i32>} : memref<80x128xf32, #tpu.memory_space<vmem>>, vector<16xf32>,
        tpu.vector_store %arg8[%swap3A_261, %swap3A_262], %mul3A_260 {strides = array<i32>} : memref<80x128xf32, #tpu.memory_space<vmem>>, vector<16xf32>,
        %get3A_264 = arith.index_cast %scan3A_254 : i32 to index
        %get3A_265 = arith.constant 16 : index
        %get3A_266 = tpu.vector_load %arg8[%get3A_264, %get3A_265] {strides = array<i32>} : memref<80x128xf32, #tpu.memory_space<vmem>>, vector<16xf32>,
        %mul3A_267 = vector.broadcast %squeeze3A : f32 to vector<16xf32>
        %mul3A_268 = arith.mulf %get3A_266, %mul3A_267 : vector<16xf32>
        %swap3A_269 = arith.index_cast %scan3A_254 : i32 to index
        %swap3A_270 = arith.constant 16 : index
        %swap3A_271 = tpu.vector_load %arg8[%swap3A_269, %swap3A_270] {strides = array<i32>} : memref<80x128xf32, #tpu.memory_space<vmem>>, vector<16xf32>,
        tpu.vector_store %arg8[%swap3A_269, %swap3A_270], %mul3A_268 {strides = array<i32>} : memref<80x128xf32, #tpu.memory_space<vmem>>, vector<16xf32>,
        %get3A_272 = arith.index_cast %scan3A_254 : i32 to index
        %get3A_273 = arith.constant 32 : index
        %get3A_274 = tpu.vector_load %arg8[%get3A_272, %get3A_273] {strides = array<i32>} : memref<80x128xf32, #tpu.memory_space<vmem>>, vector<16xf32>,
        %mul3A_275 = vector.broadcast %squeeze3A : f32 to vector<16xf32>
        %mul3A_276 = arith.mulf %get3A_274, %mul3A_275 : vector<16xf32>
        %swap3A_277 = arith.index_cast %scan3A_254 : i32 to index
        %swap3A_278 = arith.constant 32 : index
        %swap3A_279 = tpu.vector_load %arg8[%swap3A_277, %swap3A_278] {strides = array<i32>} : memref<80x128xf32, #tpu.memory_space<vmem>>, vector<16xf32>,
        tpu.vector_store %arg8[%swap3A_277, %swap3A_278], %mul3A_276 {strides = array<i32>} : memref<80x128xf32, #tpu.memory_space<vmem>>, vector<16xf32>,
        %get3A_280 = arith.index_cast %scan3A_254 : i32 to index
        %get3A_281 = arith.constant 48 : index
        %get3A_282 = tpu.vector_load %arg8[%get3A_280, %get3A_281] {strides = array<i32>} : memref<80x128xf32, #tpu.memory_space<vmem>>, vector<16xf32>,
        %mul3A_283 = vector.broadcast %squeeze3A : f32 to vector<16xf32>
        %mul3A_284 = arith.mulf %get3A_282, %mul3A_283 : vector<16xf32>
        %swap3A_285 = arith.index_cast %scan3A_254 : i32 to index
        %swap3A_286 = arith.constant 48 : index
        %swap3A_287 = tpu.vector_load %arg8[%swap3A_285, %swap3A_286] {strides = array<i32>} : memref<80x128xf32, #tpu.memory_space<vmem>>, vector<16xf32>,
        tpu.vector_store %arg8[%swap3A_285, %swap3A_286], %mul3A_284 {strides = array<i32>} : memref<80x128xf32, #tpu.memory_space<vmem>>, vector<16xf32>,
        %get3A_288 = arith.index_cast %scan3A_254 : i32 to index
        %get3A_289 = arith.constant 64 : index
        %get3A_290 = tpu.vector_load %arg8[%get3A_288, %get3A_289] {strides = array<i32>} : memref<80x128xf32, #tpu.memory_space<vmem>>, vector<16xf32>,
        %mul3A_291 = vector.broadcast %squeeze3A : f32 to vector<16xf32>
        %mul3A_292 = arith.mulf %get3A_290, %mul3A_291 : vector<16xf32>
        %swap3A_293 = arith.index_cast %scan3A_254 : i32 to index
        %swap3A_294 = arith.constant 64 : index
        %swap3A_295 = tpu.vector_load %arg8[%swap3A_293, %swap3A_294] {strides = array<i32>} : memref<80x128xf32, #tpu.memory_space<vmem>>, vector<16xf32>,
        tpu.vector_store %arg8[%swap3A_293, %swap3A_294], %mul3A_292 {strides = array<i32>} : memref<80x128xf32, #tpu.memory_space<vmem>>, vector<16xf32>,
        %get3A_296 = arith.index_cast %scan3A_254 : i32 to index
        %get3A_297 = arith.constant 80 : index
        %get3A_298 = tpu.vector_load %arg8[%get3A_296, %get3A_297] {strides = array<i32>} : memref<80x128xf32, #tpu.memory_space<vmem>>, vector<16xf32>,
        %mul3A_299 = vector.broadcast %squeeze3A : f32 to vector<16xf32>
        %mul3A_300 = arith.mulf %get3A_298, %mul3A_299 : vector<16xf32>
        %swap3A_301 = arith.index_cast %scan3A_254 : i32 to index
        %swap3A_302 = arith.constant 80 : index
        %swap3A_303 = tpu.vector_load %arg8[%swap3A_301, %swap3A_302] {strides = array<i32>} : memref<80x128xf32, #tpu.memory_space<vmem>>, vector<16xf32>,
        tpu.vector_store %arg8[%swap3A_301, %swap3A_302], %mul3A_300 {strides = array<i32>} : memref<80x128xf32, #tpu.memory_space<vmem>>, vector<16xf32>,
        %get3A_304 = arith.index_cast %scan3A_254 : i32 to index
        %get3A_305 = arith.constant 96 : index
        %get3A_306 = tpu.vector_load %arg8[%get3A_304, %get3A_305] {strides = array<i32>} : memref<80x128xf32, #tpu.memory_space<vmem>>, vector<16xf32>,
        %mul3A_307 = vector.broadcast %squeeze3A : f32 to vector<16xf32>
        %mul3A_308 = arith.mulf %get3A_306, %mul3A_307 : vector<16xf32>
        %swap3A_309 = arith.index_cast %scan3A_254 : i32 to index
        %swap3A_310 = arith.constant 96 : index
        %swap3A_311 = tpu.vector_load %arg8[%swap3A_309, %swap3A_310] {strides = array<i32>} : memref<80x128xf32, #tpu.memory_space<vmem>>, vector<16xf32>,
        tpu.vector_store %arg8[%swap3A_309, %swap3A_310], %mul3A_308 {strides = array<i32>} : memref<80x128xf32, #tpu.memory_space<vmem>>, vector<16xf32>,
        %get3A_312 = arith.index_cast %scan3A_254 : i32 to index
        %get3A_313 = arith.constant 112 : index
        %get3A_314 = tpu.vector_load %arg8[%get3A_312, %get3A_313] {strides = array<i32>} : memref<80x128xf32, #tpu.memory_space<vmem>>, vector<16xf32>,
        %mul3A_315 = vector.broadcast %squeeze3A : f32 to vector<16xf32>
        %mul3A_316 = arith.mulf %get3A_314, %mul3A_315 : vector<16xf32>
        %swap3A_317 = arith.index_cast %scan3A_254 : i32 to index
        %swap3A_318 = arith.constant 112 : index
        %swap3A_319 = tpu.vector_load %arg8[%swap3A_317, %swap3A_318] {strides = array<i32>} : memref<80x128xf32, #tpu.memory_space<vmem>>, vector<16xf32>,
        tpu.vector_store %arg8[%swap3A_317, %swap3A_318], %mul3A_316 {strides = array<i32>} : memref<80x128xf32, #tpu.memory_space<vmem>>, vector<16xf32>,
      }
      %scan3A_253 = arith.constant 80 : i32
      "tpu.region"() ({
        %run_scoped3A = tpu.sem_alloc : memref<!tpu.dma_semaphore, #tpu.memory_space<semaphore_mem>>
        %dma_start3A = arith.constant 0 : i32
        %dma_start3A_254 = tpu.memref_slice %arg4[%arg0, %mul3A_157, %dma_start3A] : memref<2x10000x128xf32, #tpu.memory_space<hbm>> -> memref<1x80x128xf32, #tpu.memory_space<hbm>>
        %dma_start3A_255 = tpu.memref_squeeze %dma_start3A_254 : memref<1x80x128xf32, #tpu.memory_space<hbm>> -> memref<80x128xf32, #tpu.memory_space<hbm>>
        %dma_start3A_256 = arith.constant 0 : i32
        %dma_start3A_257 = tpu.memref_slice %arg4[%arg0, %mul3A_157, %dma_start3A_256] : memref<2x10000x128xf32, #tpu.memory_space<hbm>> -> memref<1x80x128xf32, #tpu.memory_space<hbm>>
        %dma_start3A_258 = tpu.memref_squeeze %dma_start3A_257 : memref<1x80x128xf32, #tpu.memory_space<hbm>> -> memref<80x128xf32, #tpu.memory_space<hbm>>
        tpu.enqueue_dma source(%arg8 : memref<80x128xf32, #tpu.memory_space<vmem>>) target(%dma_start3A_258 : memref<80x128xf32, #tpu.memory_space<hbm>>) target_semaphore(%run_scoped3A : memref<!tpu.dma_semaphore, #tpu.memory_space<semaphore_mem>>)
        %dma_wait3A = arith.constant 0 : i32
        %dma_wait3A_259 = tpu.memref_slice %arg4[%arg0, %mul3A_157, %dma_wait3A] : memref<2x10000x128xf32, #tpu.memory_space<hbm>> -> memref<1x80x128xf32, #tpu.memory_space<hbm>>
        %dma_wait3A_260 = tpu.memref_squeeze %dma_wait3A_259 : memref<1x80x128xf32, #tpu.memory_space<hbm>> -> memref<80x128xf32, #tpu.memory_space<hbm>>
        %dma_wait3A_261 = arith.constant 0 : i32
        %dma_wait3A_262 = tpu.memref_slice %arg4[%arg0, %mul3A_157, %dma_wait3A_261] : memref<2x10000x128xf32, #tpu.memory_space<hbm>> -> memref<1x80x128xf32, #tpu.memory_space<hbm>>
        %dma_wait3A_263 = tpu.memref_squeeze %dma_wait3A_262 : memref<1x80x128xf32, #tpu.memory_space<hbm>> -> memref<80x128xf32, #tpu.memory_space<hbm>>
        tpu.wait_dma2 semaphore(%run_scoped3A : memref<!tpu.dma_semaphore, #tpu.memory_space<semaphore_mem>>) src(%arg8 : memref<80x128xf32, #tpu.memory_space<vmem>>) dst(%dma_wait3A_263 : memref<80x128xf32, #tpu.memory_space<hbm>>)
        tpu.yield
      }) : () -> ()
    } else {
    }
    %add3A_143 = arith.constant 96 : i32
    %add3A_144 = arith.addi %arg1, %add3A_143 : i32
    %lt3A_145 = arith.constant 125 : i32
    %lt3A_146 = arith.cmpi slt, %add3A_144, %lt3A_145 : i32
    %convert_element_type3A_147 = arith.extui %lt3A_146 : i1 to i32
    %cond3A_148 = arith.constant 0 : i32
    %cond3A_149 = arith.cmpi ne, %convert_element_type3A_147, %cond3A_148 : i32
    scf.if %cond3A_149 {
      %mul3A = arith.constant 80 : i32
      %mul3A_157 = arith.muli %add3A_144, %mul3A : i32
      "tpu.region"() ({
        %run_scoped3A = tpu.sem_alloc : memref<!tpu.dma_semaphore, #tpu.memory_space<semaphore_mem>>
        %dma_start3A = arith.constant 0 : i32
        %dma_start3A_254 = tpu.memref_slice %arg5[%mul3A_157, %dma_start3A] : memref<10000x128xf32, #tpu.memory_space<vmem_shared>> -> memref<80x128xf32, #tpu.memory_space<vmem_shared>>
        %dma_start3A_255 = arith.constant 0 : i32
        %dma_start3A_256 = tpu.memref_slice %arg5[%mul3A_157, %dma_start3A_255] : memref<10000x128xf32, #tpu.memory_space<vmem_shared>> -> memref<80x128xf32, #tpu.memory_space<vmem_shared>>
        tpu.enqueue_dma source(%dma_start3A_256 : memref<80x128xf32, #tpu.memory_space<vmem_shared>>) target(%arg8 : memref<80x128xf32, #tpu.memory_space<vmem>>) target_semaphore(%run_scoped3A : memref<!tpu.dma_semaphore, #tpu.memory_space<semaphore_mem>>)
        %dma_wait3A = arith.constant 0 : i32
        %dma_wait3A_257 = tpu.memref_slice %arg5[%mul3A_157, %dma_wait3A] : memref<10000x128xf32, #tpu.memory_space<vmem_shared>> -> memref<80x128xf32, #tpu.memory_space<vmem_shared>>
        %dma_wait3A_258 = arith.constant 0 : i32
        %dma_wait3A_259 = tpu.memref_slice %arg5[%mul3A_157, %dma_wait3A_258] : memref<10000x128xf32, #tpu.memory_space<vmem_shared>> -> memref<80x128xf32, #tpu.memory_space<vmem_shared>>
        tpu.wait_dma2 semaphore(%run_scoped3A : memref<!tpu.dma_semaphore, #tpu.memory_space<semaphore_mem>>) src(%dma_wait3A_259 : memref<80x128xf32, #tpu.memory_space<vmem_shared>>) dst(%arg8 : memref<80x128xf32, #tpu.memory_space<vmem>>)
        tpu.yield
      }) : () -> ()
      %add3A_158 = arith.constant 0 : i32
      %add3A_159 = arith.addi %mul3A_157, %add3A_158 : i32
      %add3A_160 = vector.broadcast %add3A_159 : i32 to vector<16xi32>
      %add3A_161 = arith.addi %add3A_160, %iota3A : vector<16xi32>
      %shift_right_arithmetic3A = arith.constant 7 : i32
      %shift_right_arithmetic3A_162 = vector.broadcast %shift_right_arithmetic3A : i32 to vector<16xi32>
      %shift_right_arithmetic3A_163 = arith.shrsi %add3A_161, %shift_right_arithmetic3A_162 : vector<16xi32>
      %and3A = arith.constant 127 : i32
      %and3A_164 = vector.broadcast %and3A : i32 to vector<16xi32>
      %and3A_165 = arith.andi %add3A_161, %and3A_164 : vector<16xi32>
      %gather3A = tpu.vector_load_idx %arg9[%shift_right_arithmetic3A_163, %and3A_165] : memref<80x128xf32, #tpu.memory_space<vmem>>[vector<16xi32>, vector<16xi32>], vector<16xf32>,
      %max3A = arith.constant 1.000000e+00 : f32
      %max3A_166 = vector.broadcast %max3A : f32 to vector<16xf32>
      %max3A_167 = arith.maximumf %gather3A, %max3A_166 : vector<16xf32>
      %div3A = arith.constant 1.000000e+00 : f32
      %div3A_168 = vector.broadcast %div3A : f32 to vector<16xf32>
      %div3A_169 = arith.divf %div3A_168, %max3A_167 : vector<16xf32>
      %swap3A_170 = arith.constant 0 : index
      %swap3A_171 = tpu.vector_load %arg11[%swap3A_170] {strides = array<i32>} : memref<96xf32, #tpu.memory_space<vmem>>, vector<16xf32>,
      tpu.vector_store %arg11[%swap3A_170], %div3A_169 {strides = array<i32>} : memref<96xf32, #tpu.memory_space<vmem>>, vector<16xf32>,
      %add3A_172 = arith.constant 16 : i32
      %add3A_173 = arith.addi %mul3A_157, %add3A_172 : i32
      %add3A_174 = vector.broadcast %add3A_173 : i32 to vector<16xi32>
      %add3A_175 = arith.addi %add3A_174, %iota3A : vector<16xi32>
      %shift_right_arithmetic3A_176 = arith.constant 7 : i32
      %shift_right_arithmetic3A_177 = vector.broadcast %shift_right_arithmetic3A_176 : i32 to vector<16xi32>
      %shift_right_arithmetic3A_178 = arith.shrsi %add3A_175, %shift_right_arithmetic3A_177 : vector<16xi32>
      %and3A_179 = arith.constant 127 : i32
      %and3A_180 = vector.broadcast %and3A_179 : i32 to vector<16xi32>
      %and3A_181 = arith.andi %add3A_175, %and3A_180 : vector<16xi32>
      %gather3A_182 = tpu.vector_load_idx %arg9[%shift_right_arithmetic3A_178, %and3A_181] : memref<80x128xf32, #tpu.memory_space<vmem>>[vector<16xi32>, vector<16xi32>], vector<16xf32>,
      %max3A_183 = arith.constant 1.000000e+00 : f32
      %max3A_184 = vector.broadcast %max3A_183 : f32 to vector<16xf32>
      %max3A_185 = arith.maximumf %gather3A_182, %max3A_184 : vector<16xf32>
      %div3A_186 = arith.constant 1.000000e+00 : f32
      %div3A_187 = vector.broadcast %div3A_186 : f32 to vector<16xf32>
      %div3A_188 = arith.divf %div3A_187, %max3A_185 : vector<16xf32>
      %swap3A_189 = arith.constant 16 : index
      %swap3A_190 = tpu.vector_load %arg11[%swap3A_189] {strides = array<i32>} : memref<96xf32, #tpu.memory_space<vmem>>, vector<16xf32>,
      tpu.vector_store %arg11[%swap3A_189], %div3A_188 {strides = array<i32>} : memref<96xf32, #tpu.memory_space<vmem>>, vector<16xf32>,
      %add3A_191 = arith.constant 32 : i32
      %add3A_192 = arith.addi %mul3A_157, %add3A_191 : i32
      %add3A_193 = vector.broadcast %add3A_192 : i32 to vector<16xi32>
      %add3A_194 = arith.addi %add3A_193, %iota3A : vector<16xi32>
      %shift_right_arithmetic3A_195 = arith.constant 7 : i32
      %shift_right_arithmetic3A_196 = vector.broadcast %shift_right_arithmetic3A_195 : i32 to vector<16xi32>
      %shift_right_arithmetic3A_197 = arith.shrsi %add3A_194, %shift_right_arithmetic3A_196 : vector<16xi32>
      %and3A_198 = arith.constant 127 : i32
      %and3A_199 = vector.broadcast %and3A_198 : i32 to vector<16xi32>
      %and3A_200 = arith.andi %add3A_194, %and3A_199 : vector<16xi32>
      %gather3A_201 = tpu.vector_load_idx %arg9[%shift_right_arithmetic3A_197, %and3A_200] : memref<80x128xf32, #tpu.memory_space<vmem>>[vector<16xi32>, vector<16xi32>], vector<16xf32>,
      %max3A_202 = arith.constant 1.000000e+00 : f32
      %max3A_203 = vector.broadcast %max3A_202 : f32 to vector<16xf32>
      %max3A_204 = arith.maximumf %gather3A_201, %max3A_203 : vector<16xf32>
      %div3A_205 = arith.constant 1.000000e+00 : f32
      %div3A_206 = vector.broadcast %div3A_205 : f32 to vector<16xf32>
      %div3A_207 = arith.divf %div3A_206, %max3A_204 : vector<16xf32>
      %swap3A_208 = arith.constant 32 : index
      %swap3A_209 = tpu.vector_load %arg11[%swap3A_208] {strides = array<i32>} : memref<96xf32, #tpu.memory_space<vmem>>, vector<16xf32>,
      tpu.vector_store %arg11[%swap3A_208], %div3A_207 {strides = array<i32>} : memref<96xf32, #tpu.memory_space<vmem>>, vector<16xf32>,
      %add3A_210 = arith.constant 48 : i32
      %add3A_211 = arith.addi %mul3A_157, %add3A_210 : i32
      %add3A_212 = vector.broadcast %add3A_211 : i32 to vector<16xi32>
      %add3A_213 = arith.addi %add3A_212, %iota3A : vector<16xi32>
      %shift_right_arithmetic3A_214 = arith.constant 7 : i32
      %shift_right_arithmetic3A_215 = vector.broadcast %shift_right_arithmetic3A_214 : i32 to vector<16xi32>
      %shift_right_arithmetic3A_216 = arith.shrsi %add3A_213, %shift_right_arithmetic3A_215 : vector<16xi32>
      %and3A_217 = arith.constant 127 : i32
      %and3A_218 = vector.broadcast %and3A_217 : i32 to vector<16xi32>
      %and3A_219 = arith.andi %add3A_213, %and3A_218 : vector<16xi32>
      %gather3A_220 = tpu.vector_load_idx %arg9[%shift_right_arithmetic3A_216, %and3A_219] : memref<80x128xf32, #tpu.memory_space<vmem>>[vector<16xi32>, vector<16xi32>], vector<16xf32>,
      %max3A_221 = arith.constant 1.000000e+00 : f32
      %max3A_222 = vector.broadcast %max3A_221 : f32 to vector<16xf32>
      %max3A_223 = arith.maximumf %gather3A_220, %max3A_222 : vector<16xf32>
      %div3A_224 = arith.constant 1.000000e+00 : f32
      %div3A_225 = vector.broadcast %div3A_224 : f32 to vector<16xf32>
      %div3A_226 = arith.divf %div3A_225, %max3A_223 : vector<16xf32>
      %swap3A_227 = arith.constant 48 : index
      %swap3A_228 = tpu.vector_load %arg11[%swap3A_227] {strides = array<i32>} : memref<96xf32, #tpu.memory_space<vmem>>, vector<16xf32>,
      tpu.vector_store %arg11[%swap3A_227], %div3A_226 {strides = array<i32>} : memref<96xf32, #tpu.memory_space<vmem>>, vector<16xf32>,
      %add3A_229 = arith.constant 64 : i32
      %add3A_230 = arith.addi %mul3A_157, %add3A_229 : i32
      %add3A_231 = vector.broadcast %add3A_230 : i32 to vector<16xi32>
      %add3A_232 = arith.addi %add3A_231, %iota3A : vector<16xi32>
      %shift_right_arithmetic3A_233 = arith.constant 7 : i32
      %shift_right_arithmetic3A_234 = vector.broadcast %shift_right_arithmetic3A_233 : i32 to vector<16xi32>
      %shift_right_arithmetic3A_235 = arith.shrsi %add3A_232, %shift_right_arithmetic3A_234 : vector<16xi32>
      %and3A_236 = arith.constant 127 : i32
      %and3A_237 = vector.broadcast %and3A_236 : i32 to vector<16xi32>
      %and3A_238 = arith.andi %add3A_232, %and3A_237 : vector<16xi32>
      %gather3A_239 = tpu.vector_load_idx %arg9[%shift_right_arithmetic3A_235, %and3A_238] : memref<80x128xf32, #tpu.memory_space<vmem>>[vector<16xi32>, vector<16xi32>], vector<16xf32>,
      %max3A_240 = arith.constant 1.000000e+00 : f32
      %max3A_241 = vector.broadcast %max3A_240 : f32 to vector<16xf32>
      %max3A_242 = arith.maximumf %gather3A_239, %max3A_241 : vector<16xf32>
      %div3A_243 = arith.constant 1.000000e+00 : f32
      %div3A_244 = vector.broadcast %div3A_243 : f32 to vector<16xf32>
      %div3A_245 = arith.divf %div3A_244, %max3A_242 : vector<16xf32>
      %swap3A_246 = arith.constant 64 : index
      %swap3A_247 = tpu.vector_load %arg11[%swap3A_246] {strides = array<i32>} : memref<96xf32, #tpu.memory_space<vmem>>, vector<16xf32>,
      tpu.vector_store %arg11[%swap3A_246], %div3A_245 {strides = array<i32>} : memref<96xf32, #tpu.memory_space<vmem>>, vector<16xf32>,
      %scan3A_248 = arith.constant 0 : i32
      %scan3A_249 = arith.constant 0 : i32
      %scan3A_250 = arith.constant 80 : i32
      %scan3A_251 = arith.addi %scan3A_249, %scan3A_250 : i32
      %scan3A_252 = arith.constant 1 : i32
      scf.for %scan3A_254 = %scan3A_249 to %scan3A_251 step %scan3A_252  : i32 {
        %get3A = arith.index_cast %scan3A_254 : i32 to index
        %get3A_255 = tpu.vector_load %arg11[%get3A] {strides = array<i32>} : memref<96xf32, #tpu.memory_space<vmem>>, vector<16xf32>,
        %slice3A = vector.extract_strided_slice %get3A_255 {offsets = [0], sizes = [1], strides = [1]} : vector<16xf32> to vector<1xf32>
        %squeeze3A = vector.extract %slice3A[0] : f32 from vector<1xf32>
        %get3A_256 = arith.index_cast %scan3A_254 : i32 to index
        %get3A_257 = arith.constant 0 : index
        %get3A_258 = tpu.vector_load %arg8[%get3A_256, %get3A_257] {strides = array<i32>} : memref<80x128xf32, #tpu.memory_space<vmem>>, vector<16xf32>,
        %mul3A_259 = vector.broadcast %squeeze3A : f32 to vector<16xf32>
        %mul3A_260 = arith.mulf %get3A_258, %mul3A_259 : vector<16xf32>
        %swap3A_261 = arith.index_cast %scan3A_254 : i32 to index
        %swap3A_262 = arith.constant 0 : index
        %swap3A_263 = tpu.vector_load %arg8[%swap3A_261, %swap3A_262] {strides = array<i32>} : memref<80x128xf32, #tpu.memory_space<vmem>>, vector<16xf32>,
        tpu.vector_store %arg8[%swap3A_261, %swap3A_262], %mul3A_260 {strides = array<i32>} : memref<80x128xf32, #tpu.memory_space<vmem>>, vector<16xf32>,
        %get3A_264 = arith.index_cast %scan3A_254 : i32 to index
        %get3A_265 = arith.constant 16 : index
        %get3A_266 = tpu.vector_load %arg8[%get3A_264, %get3A_265] {strides = array<i32>} : memref<80x128xf32, #tpu.memory_space<vmem>>, vector<16xf32>,
        %mul3A_267 = vector.broadcast %squeeze3A : f32 to vector<16xf32>
        %mul3A_268 = arith.mulf %get3A_266, %mul3A_267 : vector<16xf32>
        %swap3A_269 = arith.index_cast %scan3A_254 : i32 to index
        %swap3A_270 = arith.constant 16 : index
        %swap3A_271 = tpu.vector_load %arg8[%swap3A_269, %swap3A_270] {strides = array<i32>} : memref<80x128xf32, #tpu.memory_space<vmem>>, vector<16xf32>,
        tpu.vector_store %arg8[%swap3A_269, %swap3A_270], %mul3A_268 {strides = array<i32>} : memref<80x128xf32, #tpu.memory_space<vmem>>, vector<16xf32>,
        %get3A_272 = arith.index_cast %scan3A_254 : i32 to index
        %get3A_273 = arith.constant 32 : index
        %get3A_274 = tpu.vector_load %arg8[%get3A_272, %get3A_273] {strides = array<i32>} : memref<80x128xf32, #tpu.memory_space<vmem>>, vector<16xf32>,
        %mul3A_275 = vector.broadcast %squeeze3A : f32 to vector<16xf32>
        %mul3A_276 = arith.mulf %get3A_274, %mul3A_275 : vector<16xf32>
        %swap3A_277 = arith.index_cast %scan3A_254 : i32 to index
        %swap3A_278 = arith.constant 32 : index
        %swap3A_279 = tpu.vector_load %arg8[%swap3A_277, %swap3A_278] {strides = array<i32>} : memref<80x128xf32, #tpu.memory_space<vmem>>, vector<16xf32>,
        tpu.vector_store %arg8[%swap3A_277, %swap3A_278], %mul3A_276 {strides = array<i32>} : memref<80x128xf32, #tpu.memory_space<vmem>>, vector<16xf32>,
        %get3A_280 = arith.index_cast %scan3A_254 : i32 to index
        %get3A_281 = arith.constant 48 : index
        %get3A_282 = tpu.vector_load %arg8[%get3A_280, %get3A_281] {strides = array<i32>} : memref<80x128xf32, #tpu.memory_space<vmem>>, vector<16xf32>,
        %mul3A_283 = vector.broadcast %squeeze3A : f32 to vector<16xf32>
        %mul3A_284 = arith.mulf %get3A_282, %mul3A_283 : vector<16xf32>
        %swap3A_285 = arith.index_cast %scan3A_254 : i32 to index
        %swap3A_286 = arith.constant 48 : index
        %swap3A_287 = tpu.vector_load %arg8[%swap3A_285, %swap3A_286] {strides = array<i32>} : memref<80x128xf32, #tpu.memory_space<vmem>>, vector<16xf32>,
        tpu.vector_store %arg8[%swap3A_285, %swap3A_286], %mul3A_284 {strides = array<i32>} : memref<80x128xf32, #tpu.memory_space<vmem>>, vector<16xf32>,
        %get3A_288 = arith.index_cast %scan3A_254 : i32 to index
        %get3A_289 = arith.constant 64 : index
        %get3A_290 = tpu.vector_load %arg8[%get3A_288, %get3A_289] {strides = array<i32>} : memref<80x128xf32, #tpu.memory_space<vmem>>, vector<16xf32>,
        %mul3A_291 = vector.broadcast %squeeze3A : f32 to vector<16xf32>
        %mul3A_292 = arith.mulf %get3A_290, %mul3A_291 : vector<16xf32>
        %swap3A_293 = arith.index_cast %scan3A_254 : i32 to index
        %swap3A_294 = arith.constant 64 : index
        %swap3A_295 = tpu.vector_load %arg8[%swap3A_293, %swap3A_294] {strides = array<i32>} : memref<80x128xf32, #tpu.memory_space<vmem>>, vector<16xf32>,
        tpu.vector_store %arg8[%swap3A_293, %swap3A_294], %mul3A_292 {strides = array<i32>} : memref<80x128xf32, #tpu.memory_space<vmem>>, vector<16xf32>,
        %get3A_296 = arith.index_cast %scan3A_254 : i32 to index
        %get3A_297 = arith.constant 80 : index
        %get3A_298 = tpu.vector_load %arg8[%get3A_296, %get3A_297] {strides = array<i32>} : memref<80x128xf32, #tpu.memory_space<vmem>>, vector<16xf32>,
        %mul3A_299 = vector.broadcast %squeeze3A : f32 to vector<16xf32>
        %mul3A_300 = arith.mulf %get3A_298, %mul3A_299 : vector<16xf32>
        %swap3A_301 = arith.index_cast %scan3A_254 : i32 to index
        %swap3A_302 = arith.constant 80 : index
        %swap3A_303 = tpu.vector_load %arg8[%swap3A_301, %swap3A_302] {strides = array<i32>} : memref<80x128xf32, #tpu.memory_space<vmem>>, vector<16xf32>,
        tpu.vector_store %arg8[%swap3A_301, %swap3A_302], %mul3A_300 {strides = array<i32>} : memref<80x128xf32, #tpu.memory_space<vmem>>, vector<16xf32>,
        %get3A_304 = arith.index_cast %scan3A_254 : i32 to index
        %get3A_305 = arith.constant 96 : index
        %get3A_306 = tpu.vector_load %arg8[%get3A_304, %get3A_305] {strides = array<i32>} : memref<80x128xf32, #tpu.memory_space<vmem>>, vector<16xf32>,
        %mul3A_307 = vector.broadcast %squeeze3A : f32 to vector<16xf32>
        %mul3A_308 = arith.mulf %get3A_306, %mul3A_307 : vector<16xf32>
        %swap3A_309 = arith.index_cast %scan3A_254 : i32 to index
        %swap3A_310 = arith.constant 96 : index
        %swap3A_311 = tpu.vector_load %arg8[%swap3A_309, %swap3A_310] {strides = array<i32>} : memref<80x128xf32, #tpu.memory_space<vmem>>, vector<16xf32>,
        tpu.vector_store %arg8[%swap3A_309, %swap3A_310], %mul3A_308 {strides = array<i32>} : memref<80x128xf32, #tpu.memory_space<vmem>>, vector<16xf32>,
        %get3A_312 = arith.index_cast %scan3A_254 : i32 to index
        %get3A_313 = arith.constant 112 : index
        %get3A_314 = tpu.vector_load %arg8[%get3A_312, %get3A_313] {strides = array<i32>} : memref<80x128xf32, #tpu.memory_space<vmem>>, vector<16xf32>,
        %mul3A_315 = vector.broadcast %squeeze3A : f32 to vector<16xf32>
        %mul3A_316 = arith.mulf %get3A_314, %mul3A_315 : vector<16xf32>
        %swap3A_317 = arith.index_cast %scan3A_254 : i32 to index
        %swap3A_318 = arith.constant 112 : index
        %swap3A_319 = tpu.vector_load %arg8[%swap3A_317, %swap3A_318] {strides = array<i32>} : memref<80x128xf32, #tpu.memory_space<vmem>>, vector<16xf32>,
        tpu.vector_store %arg8[%swap3A_317, %swap3A_318], %mul3A_316 {strides = array<i32>} : memref<80x128xf32, #tpu.memory_space<vmem>>, vector<16xf32>,
      }
      %scan3A_253 = arith.constant 80 : i32
      "tpu.region"() ({
        %run_scoped3A = tpu.sem_alloc : memref<!tpu.dma_semaphore, #tpu.memory_space<semaphore_mem>>
        %dma_start3A = arith.constant 0 : i32
        %dma_start3A_254 = tpu.memref_slice %arg4[%arg0, %mul3A_157, %dma_start3A] : memref<2x10000x128xf32, #tpu.memory_space<hbm>> -> memref<1x80x128xf32, #tpu.memory_space<hbm>>
        %dma_start3A_255 = tpu.memref_squeeze %dma_start3A_254 : memref<1x80x128xf32, #tpu.memory_space<hbm>> -> memref<80x128xf32, #tpu.memory_space<hbm>>
        %dma_start3A_256 = arith.constant 0 : i32
        %dma_start3A_257 = tpu.memref_slice %arg4[%arg0, %mul3A_157, %dma_start3A_256] : memref<2x10000x128xf32, #tpu.memory_space<hbm>> -> memref<1x80x128xf32, #tpu.memory_space<hbm>>
        %dma_start3A_258 = tpu.memref_squeeze %dma_start3A_257 : memref<1x80x128xf32, #tpu.memory_space<hbm>> -> memref<80x128xf32, #tpu.memory_space<hbm>>
        tpu.enqueue_dma source(%arg8 : memref<80x128xf32, #tpu.memory_space<vmem>>) target(%dma_start3A_258 : memref<80x128xf32, #tpu.memory_space<hbm>>) target_semaphore(%run_scoped3A : memref<!tpu.dma_semaphore, #tpu.memory_space<semaphore_mem>>)
        %dma_wait3A = arith.constant 0 : i32
        %dma_wait3A_259 = tpu.memref_slice %arg4[%arg0, %mul3A_157, %dma_wait3A] : memref<2x10000x128xf32, #tpu.memory_space<hbm>> -> memref<1x80x128xf32, #tpu.memory_space<hbm>>
        %dma_wait3A_260 = tpu.memref_squeeze %dma_wait3A_259 : memref<1x80x128xf32, #tpu.memory_space<hbm>> -> memref<80x128xf32, #tpu.memory_space<hbm>>
        %dma_wait3A_261 = arith.constant 0 : i32
        %dma_wait3A_262 = tpu.memref_slice %arg4[%arg0, %mul3A_157, %dma_wait3A_261] : memref<2x10000x128xf32, #tpu.memory_space<hbm>> -> memref<1x80x128xf32, #tpu.memory_space<hbm>>
        %dma_wait3A_263 = tpu.memref_squeeze %dma_wait3A_262 : memref<1x80x128xf32, #tpu.memory_space<hbm>> -> memref<80x128xf32, #tpu.memory_space<hbm>>
        tpu.wait_dma2 semaphore(%run_scoped3A : memref<!tpu.dma_semaphore, #tpu.memory_space<semaphore_mem>>) src(%arg8 : memref<80x128xf32, #tpu.memory_space<vmem>>) dst(%dma_wait3A_263 : memref<80x128xf32, #tpu.memory_space<hbm>>)
        tpu.yield
      }) : () -> ()
    } else {
    }
    %add3A_150 = arith.constant 112 : i32
    %add3A_151 = arith.addi %arg1, %add3A_150 : i32
    %lt3A_152 = arith.constant 125 : i32
    %lt3A_153 = arith.cmpi slt, %add3A_151, %lt3A_152 : i32
    %convert_element_type3A_154 = arith.extui %lt3A_153 : i1 to i32
    %cond3A_155 = arith.constant 0 : i32
    %cond3A_156 = arith.cmpi ne, %convert_element_type3A_154, %cond3A_155 : i32
    scf.if %cond3A_156 {
      %mul3A = arith.constant 80 : i32
      %mul3A_157 = arith.muli %add3A_151, %mul3A : i32
      "tpu.region"() ({
        %run_scoped3A = tpu.sem_alloc : memref<!tpu.dma_semaphore, #tpu.memory_space<semaphore_mem>>
        %dma_start3A = arith.constant 0 : i32
        %dma_start3A_254 = tpu.memref_slice %arg5[%mul3A_157, %dma_start3A] : memref<10000x128xf32, #tpu.memory_space<vmem_shared>> -> memref<80x128xf32, #tpu.memory_space<vmem_shared>>
        %dma_start3A_255 = arith.constant 0 : i32
        %dma_start3A_256 = tpu.memref_slice %arg5[%mul3A_157, %dma_start3A_255] : memref<10000x128xf32, #tpu.memory_space<vmem_shared>> -> memref<80x128xf32, #tpu.memory_space<vmem_shared>>
        tpu.enqueue_dma source(%dma_start3A_256 : memref<80x128xf32, #tpu.memory_space<vmem_shared>>) target(%arg8 : memref<80x128xf32, #tpu.memory_space<vmem>>) target_semaphore(%run_scoped3A : memref<!tpu.dma_semaphore, #tpu.memory_space<semaphore_mem>>)
        %dma_wait3A = arith.constant 0 : i32
        %dma_wait3A_257 = tpu.memref_slice %arg5[%mul3A_157, %dma_wait3A] : memref<10000x128xf32, #tpu.memory_space<vmem_shared>> -> memref<80x128xf32, #tpu.memory_space<vmem_shared>>
        %dma_wait3A_258 = arith.constant 0 : i32
        %dma_wait3A_259 = tpu.memref_slice %arg5[%mul3A_157, %dma_wait3A_258] : memref<10000x128xf32, #tpu.memory_space<vmem_shared>> -> memref<80x128xf32, #tpu.memory_space<vmem_shared>>
        tpu.wait_dma2 semaphore(%run_scoped3A : memref<!tpu.dma_semaphore, #tpu.memory_space<semaphore_mem>>) src(%dma_wait3A_259 : memref<80x128xf32, #tpu.memory_space<vmem_shared>>) dst(%arg8 : memref<80x128xf32, #tpu.memory_space<vmem>>)
        tpu.yield
      }) : () -> ()
      %add3A_158 = arith.constant 0 : i32
      %add3A_159 = arith.addi %mul3A_157, %add3A_158 : i32
      %add3A_160 = vector.broadcast %add3A_159 : i32 to vector<16xi32>
      %add3A_161 = arith.addi %add3A_160, %iota3A : vector<16xi32>
      %shift_right_arithmetic3A = arith.constant 7 : i32
      %shift_right_arithmetic3A_162 = vector.broadcast %shift_right_arithmetic3A : i32 to vector<16xi32>
      %shift_right_arithmetic3A_163 = arith.shrsi %add3A_161, %shift_right_arithmetic3A_162 : vector<16xi32>
      %and3A = arith.constant 127 : i32
      %and3A_164 = vector.broadcast %and3A : i32 to vector<16xi32>
      %and3A_165 = arith.andi %add3A_161, %and3A_164 : vector<16xi32>
      %gather3A = tpu.vector_load_idx %arg9[%shift_right_arithmetic3A_163, %and3A_165] : memref<80x128xf32, #tpu.memory_space<vmem>>[vector<16xi32>, vector<16xi32>], vector<16xf32>,
      %max3A = arith.constant 1.000000e+00 : f32
      %max3A_166 = vector.broadcast %max3A : f32 to vector<16xf32>
      %max3A_167 = arith.maximumf %gather3A, %max3A_166 : vector<16xf32>
      %div3A = arith.constant 1.000000e+00 : f32
      %div3A_168 = vector.broadcast %div3A : f32 to vector<16xf32>
      %div3A_169 = arith.divf %div3A_168, %max3A_167 : vector<16xf32>
      %swap3A_170 = arith.constant 0 : index
      %swap3A_171 = tpu.vector_load %arg11[%swap3A_170] {strides = array<i32>} : memref<96xf32, #tpu.memory_space<vmem>>, vector<16xf32>,
      tpu.vector_store %arg11[%swap3A_170], %div3A_169 {strides = array<i32>} : memref<96xf32, #tpu.memory_space<vmem>>, vector<16xf32>,
      %add3A_172 = arith.constant 16 : i32
      %add3A_173 = arith.addi %mul3A_157, %add3A_172 : i32
      %add3A_174 = vector.broadcast %add3A_173 : i32 to vector<16xi32>
      %add3A_175 = arith.addi %add3A_174, %iota3A : vector<16xi32>
      %shift_right_arithmetic3A_176 = arith.constant 7 : i32
      %shift_right_arithmetic3A_177 = vector.broadcast %shift_right_arithmetic3A_176 : i32 to vector<16xi32>
      %shift_right_arithmetic3A_178 = arith.shrsi %add3A_175, %shift_right_arithmetic3A_177 : vector<16xi32>
      %and3A_179 = arith.constant 127 : i32
      %and3A_180 = vector.broadcast %and3A_179 : i32 to vector<16xi32>
      %and3A_181 = arith.andi %add3A_175, %and3A_180 : vector<16xi32>
      %gather3A_182 = tpu.vector_load_idx %arg9[%shift_right_arithmetic3A_178, %and3A_181] : memref<80x128xf32, #tpu.memory_space<vmem>>[vector<16xi32>, vector<16xi32>], vector<16xf32>,
      %max3A_183 = arith.constant 1.000000e+00 : f32
      %max3A_184 = vector.broadcast %max3A_183 : f32 to vector<16xf32>
      %max3A_185 = arith.maximumf %gather3A_182, %max3A_184 : vector<16xf32>
      %div3A_186 = arith.constant 1.000000e+00 : f32
      %div3A_187 = vector.broadcast %div3A_186 : f32 to vector<16xf32>
      %div3A_188 = arith.divf %div3A_187, %max3A_185 : vector<16xf32>
      %swap3A_189 = arith.constant 16 : index
      %swap3A_190 = tpu.vector_load %arg11[%swap3A_189] {strides = array<i32>} : memref<96xf32, #tpu.memory_space<vmem>>, vector<16xf32>,
      tpu.vector_store %arg11[%swap3A_189], %div3A_188 {strides = array<i32>} : memref<96xf32, #tpu.memory_space<vmem>>, vector<16xf32>,
      %add3A_191 = arith.constant 32 : i32
      %add3A_192 = arith.addi %mul3A_157, %add3A_191 : i32
      %add3A_193 = vector.broadcast %add3A_192 : i32 to vector<16xi32>
      %add3A_194 = arith.addi %add3A_193, %iota3A : vector<16xi32>
      %shift_right_arithmetic3A_195 = arith.constant 7 : i32
      %shift_right_arithmetic3A_196 = vector.broadcast %shift_right_arithmetic3A_195 : i32 to vector<16xi32>
      %shift_right_arithmetic3A_197 = arith.shrsi %add3A_194, %shift_right_arithmetic3A_196 : vector<16xi32>
      %and3A_198 = arith.constant 127 : i32
      %and3A_199 = vector.broadcast %and3A_198 : i32 to vector<16xi32>
      %and3A_200 = arith.andi %add3A_194, %and3A_199 : vector<16xi32>
      %gather3A_201 = tpu.vector_load_idx %arg9[%shift_right_arithmetic3A_197, %and3A_200] : memref<80x128xf32, #tpu.memory_space<vmem>>[vector<16xi32>, vector<16xi32>], vector<16xf32>,
      %max3A_202 = arith.constant 1.000000e+00 : f32
      %max3A_203 = vector.broadcast %max3A_202 : f32 to vector<16xf32>
      %max3A_204 = arith.maximumf %gather3A_201, %max3A_203 : vector<16xf32>
      %div3A_205 = arith.constant 1.000000e+00 : f32
      %div3A_206 = vector.broadcast %div3A_205 : f32 to vector<16xf32>
      %div3A_207 = arith.divf %div3A_206, %max3A_204 : vector<16xf32>
      %swap3A_208 = arith.constant 32 : index
      %swap3A_209 = tpu.vector_load %arg11[%swap3A_208] {strides = array<i32>} : memref<96xf32, #tpu.memory_space<vmem>>, vector<16xf32>,
      tpu.vector_store %arg11[%swap3A_208], %div3A_207 {strides = array<i32>} : memref<96xf32, #tpu.memory_space<vmem>>, vector<16xf32>,
      %add3A_210 = arith.constant 48 : i32
      %add3A_211 = arith.addi %mul3A_157, %add3A_210 : i32
      %add3A_212 = vector.broadcast %add3A_211 : i32 to vector<16xi32>
      %add3A_213 = arith.addi %add3A_212, %iota3A : vector<16xi32>
      %shift_right_arithmetic3A_214 = arith.constant 7 : i32
      %shift_right_arithmetic3A_215 = vector.broadcast %shift_right_arithmetic3A_214 : i32 to vector<16xi32>
      %shift_right_arithmetic3A_216 = arith.shrsi %add3A_213, %shift_right_arithmetic3A_215 : vector<16xi32>
      %and3A_217 = arith.constant 127 : i32
      %and3A_218 = vector.broadcast %and3A_217 : i32 to vector<16xi32>
      %and3A_219 = arith.andi %add3A_213, %and3A_218 : vector<16xi32>
      %gather3A_220 = tpu.vector_load_idx %arg9[%shift_right_arithmetic3A_216, %and3A_219] : memref<80x128xf32, #tpu.memory_space<vmem>>[vector<16xi32>, vector<16xi32>], vector<16xf32>,
      %max3A_221 = arith.constant 1.000000e+00 : f32
      %max3A_222 = vector.broadcast %max3A_221 : f32 to vector<16xf32>
      %max3A_223 = arith.maximumf %gather3A_220, %max3A_222 : vector<16xf32>
      %div3A_224 = arith.constant 1.000000e+00 : f32
      %div3A_225 = vector.broadcast %div3A_224 : f32 to vector<16xf32>
      %div3A_226 = arith.divf %div3A_225, %max3A_223 : vector<16xf32>
      %swap3A_227 = arith.constant 48 : index
      %swap3A_228 = tpu.vector_load %arg11[%swap3A_227] {strides = array<i32>} : memref<96xf32, #tpu.memory_space<vmem>>, vector<16xf32>,
      tpu.vector_store %arg11[%swap3A_227], %div3A_226 {strides = array<i32>} : memref<96xf32, #tpu.memory_space<vmem>>, vector<16xf32>,
      %add3A_229 = arith.constant 64 : i32
      %add3A_230 = arith.addi %mul3A_157, %add3A_229 : i32
      %add3A_231 = vector.broadcast %add3A_230 : i32 to vector<16xi32>
      %add3A_232 = arith.addi %add3A_231, %iota3A : vector<16xi32>
      %shift_right_arithmetic3A_233 = arith.constant 7 : i32
      %shift_right_arithmetic3A_234 = vector.broadcast %shift_right_arithmetic3A_233 : i32 to vector<16xi32>
      %shift_right_arithmetic3A_235 = arith.shrsi %add3A_232, %shift_right_arithmetic3A_234 : vector<16xi32>
      %and3A_236 = arith.constant 127 : i32
      %and3A_237 = vector.broadcast %and3A_236 : i32 to vector<16xi32>
      %and3A_238 = arith.andi %add3A_232, %and3A_237 : vector<16xi32>
      %gather3A_239 = tpu.vector_load_idx %arg9[%shift_right_arithmetic3A_235, %and3A_238] : memref<80x128xf32, #tpu.memory_space<vmem>>[vector<16xi32>, vector<16xi32>], vector<16xf32>,
      %max3A_240 = arith.constant 1.000000e+00 : f32
      %max3A_241 = vector.broadcast %max3A_240 : f32 to vector<16xf32>
      %max3A_242 = arith.maximumf %gather3A_239, %max3A_241 : vector<16xf32>
      %div3A_243 = arith.constant 1.000000e+00 : f32
      %div3A_244 = vector.broadcast %div3A_243 : f32 to vector<16xf32>
      %div3A_245 = arith.divf %div3A_244, %max3A_242 : vector<16xf32>
      %swap3A_246 = arith.constant 64 : index
      %swap3A_247 = tpu.vector_load %arg11[%swap3A_246] {strides = array<i32>} : memref<96xf32, #tpu.memory_space<vmem>>, vector<16xf32>,
      tpu.vector_store %arg11[%swap3A_246], %div3A_245 {strides = array<i32>} : memref<96xf32, #tpu.memory_space<vmem>>, vector<16xf32>,
      %scan3A_248 = arith.constant 0 : i32
      %scan3A_249 = arith.constant 0 : i32
      %scan3A_250 = arith.constant 80 : i32
      %scan3A_251 = arith.addi %scan3A_249, %scan3A_250 : i32
      %scan3A_252 = arith.constant 1 : i32
      scf.for %scan3A_254 = %scan3A_249 to %scan3A_251 step %scan3A_252  : i32 {
        %get3A = arith.index_cast %scan3A_254 : i32 to index
        %get3A_255 = tpu.vector_load %arg11[%get3A] {strides = array<i32>} : memref<96xf32, #tpu.memory_space<vmem>>, vector<16xf32>,
        %slice3A = vector.extract_strided_slice %get3A_255 {offsets = [0], sizes = [1], strides = [1]} : vector<16xf32> to vector<1xf32>
        %squeeze3A = vector.extract %slice3A[0] : f32 from vector<1xf32>
        %get3A_256 = arith.index_cast %scan3A_254 : i32 to index
        %get3A_257 = arith.constant 0 : index
        %get3A_258 = tpu.vector_load %arg8[%get3A_256, %get3A_257] {strides = array<i32>} : memref<80x128xf32, #tpu.memory_space<vmem>>, vector<16xf32>,
        %mul3A_259 = vector.broadcast %squeeze3A : f32 to vector<16xf32>
        %mul3A_260 = arith.mulf %get3A_258, %mul3A_259 : vector<16xf32>
        %swap3A_261 = arith.index_cast %scan3A_254 : i32 to index
        %swap3A_262 = arith.constant 0 : index
        %swap3A_263 = tpu.vector_load %arg8[%swap3A_261, %swap3A_262] {strides = array<i32>} : memref<80x128xf32, #tpu.memory_space<vmem>>, vector<16xf32>,
        tpu.vector_store %arg8[%swap3A_261, %swap3A_262], %mul3A_260 {strides = array<i32>} : memref<80x128xf32, #tpu.memory_space<vmem>>, vector<16xf32>,
        %get3A_264 = arith.index_cast %scan3A_254 : i32 to index
        %get3A_265 = arith.constant 16 : index
        %get3A_266 = tpu.vector_load %arg8[%get3A_264, %get3A_265] {strides = array<i32>} : memref<80x128xf32, #tpu.memory_space<vmem>>, vector<16xf32>,
        %mul3A_267 = vector.broadcast %squeeze3A : f32 to vector<16xf32>
        %mul3A_268 = arith.mulf %get3A_266, %mul3A_267 : vector<16xf32>
        %swap3A_269 = arith.index_cast %scan3A_254 : i32 to index
        %swap3A_270 = arith.constant 16 : index
        %swap3A_271 = tpu.vector_load %arg8[%swap3A_269, %swap3A_270] {strides = array<i32>} : memref<80x128xf32, #tpu.memory_space<vmem>>, vector<16xf32>,
        tpu.vector_store %arg8[%swap3A_269, %swap3A_270], %mul3A_268 {strides = array<i32>} : memref<80x128xf32, #tpu.memory_space<vmem>>, vector<16xf32>,
        %get3A_272 = arith.index_cast %scan3A_254 : i32 to index
        %get3A_273 = arith.constant 32 : index
        %get3A_274 = tpu.vector_load %arg8[%get3A_272, %get3A_273] {strides = array<i32>} : memref<80x128xf32, #tpu.memory_space<vmem>>, vector<16xf32>,
        %mul3A_275 = vector.broadcast %squeeze3A : f32 to vector<16xf32>
        %mul3A_276 = arith.mulf %get3A_274, %mul3A_275 : vector<16xf32>
        %swap3A_277 = arith.index_cast %scan3A_254 : i32 to index
        %swap3A_278 = arith.constant 32 : index
        %swap3A_279 = tpu.vector_load %arg8[%swap3A_277, %swap3A_278] {strides = array<i32>} : memref<80x128xf32, #tpu.memory_space<vmem>>, vector<16xf32>,
        tpu.vector_store %arg8[%swap3A_277, %swap3A_278], %mul3A_276 {strides = array<i32>} : memref<80x128xf32, #tpu.memory_space<vmem>>, vector<16xf32>,
        %get3A_280 = arith.index_cast %scan3A_254 : i32 to index
        %get3A_281 = arith.constant 48 : index
        %get3A_282 = tpu.vector_load %arg8[%get3A_280, %get3A_281] {strides = array<i32>} : memref<80x128xf32, #tpu.memory_space<vmem>>, vector<16xf32>,
        %mul3A_283 = vector.broadcast %squeeze3A : f32 to vector<16xf32>
        %mul3A_284 = arith.mulf %get3A_282, %mul3A_283 : vector<16xf32>
        %swap3A_285 = arith.index_cast %scan3A_254 : i32 to index
        %swap3A_286 = arith.constant 48 : index
        %swap3A_287 = tpu.vector_load %arg8[%swap3A_285, %swap3A_286] {strides = array<i32>} : memref<80x128xf32, #tpu.memory_space<vmem>>, vector<16xf32>,
        tpu.vector_store %arg8[%swap3A_285, %swap3A_286], %mul3A_284 {strides = array<i32>} : memref<80x128xf32, #tpu.memory_space<vmem>>, vector<16xf32>,
        %get3A_288 = arith.index_cast %scan3A_254 : i32 to index
        %get3A_289 = arith.constant 64 : index
        %get3A_290 = tpu.vector_load %arg8[%get3A_288, %get3A_289] {strides = array<i32>} : memref<80x128xf32, #tpu.memory_space<vmem>>, vector<16xf32>,
        %mul3A_291 = vector.broadcast %squeeze3A : f32 to vector<16xf32>
        %mul3A_292 = arith.mulf %get3A_290, %mul3A_291 : vector<16xf32>
        %swap3A_293 = arith.index_cast %scan3A_254 : i32 to index
        %swap3A_294 = arith.constant 64 : index
        %swap3A_295 = tpu.vector_load %arg8[%swap3A_293, %swap3A_294] {strides = array<i32>} : memref<80x128xf32, #tpu.memory_space<vmem>>, vector<16xf32>,
        tpu.vector_store %arg8[%swap3A_293, %swap3A_294], %mul3A_292 {strides = array<i32>} : memref<80x128xf32, #tpu.memory_space<vmem>>, vector<16xf32>,
        %get3A_296 = arith.index_cast %scan3A_254 : i32 to index
        %get3A_297 = arith.constant 80 : index
        %get3A_298 = tpu.vector_load %arg8[%get3A_296, %get3A_297] {strides = array<i32>} : memref<80x128xf32, #tpu.memory_space<vmem>>, vector<16xf32>,
        %mul3A_299 = vector.broadcast %squeeze3A : f32 to vector<16xf32>
        %mul3A_300 = arith.mulf %get3A_298, %mul3A_299 : vector<16xf32>
        %swap3A_301 = arith.index_cast %scan3A_254 : i32 to index
        %swap3A_302 = arith.constant 80 : index
        %swap3A_303 = tpu.vector_load %arg8[%swap3A_301, %swap3A_302] {strides = array<i32>} : memref<80x128xf32, #tpu.memory_space<vmem>>, vector<16xf32>,
        tpu.vector_store %arg8[%swap3A_301, %swap3A_302], %mul3A_300 {strides = array<i32>} : memref<80x128xf32, #tpu.memory_space<vmem>>, vector<16xf32>,
        %get3A_304 = arith.index_cast %scan3A_254 : i32 to index
        %get3A_305 = arith.constant 96 : index
        %get3A_306 = tpu.vector_load %arg8[%get3A_304, %get3A_305] {strides = array<i32>} : memref<80x128xf32, #tpu.memory_space<vmem>>, vector<16xf32>,
        %mul3A_307 = vector.broadcast %squeeze3A : f32 to vector<16xf32>
        %mul3A_308 = arith.mulf %get3A_306, %mul3A_307 : vector<16xf32>
        %swap3A_309 = arith.index_cast %scan3A_254 : i32 to index
        %swap3A_310 = arith.constant 96 : index
        %swap3A_311 = tpu.vector_load %arg8[%swap3A_309, %swap3A_310] {strides = array<i32>} : memref<80x128xf32, #tpu.memory_space<vmem>>, vector<16xf32>,
        tpu.vector_store %arg8[%swap3A_309, %swap3A_310], %mul3A_308 {strides = array<i32>} : memref<80x128xf32, #tpu.memory_space<vmem>>, vector<16xf32>,
        %get3A_312 = arith.index_cast %scan3A_254 : i32 to index
        %get3A_313 = arith.constant 112 : index
        %get3A_314 = tpu.vector_load %arg8[%get3A_312, %get3A_313] {strides = array<i32>} : memref<80x128xf32, #tpu.memory_space<vmem>>, vector<16xf32>,
        %mul3A_315 = vector.broadcast %squeeze3A : f32 to vector<16xf32>
        %mul3A_316 = arith.mulf %get3A_314, %mul3A_315 : vector<16xf32>
        %swap3A_317 = arith.index_cast %scan3A_254 : i32 to index
        %swap3A_318 = arith.constant 112 : index
        %swap3A_319 = tpu.vector_load %arg8[%swap3A_317, %swap3A_318] {strides = array<i32>} : memref<80x128xf32, #tpu.memory_space<vmem>>, vector<16xf32>,
        tpu.vector_store %arg8[%swap3A_317, %swap3A_318], %mul3A_316 {strides = array<i32>} : memref<80x128xf32, #tpu.memory_space<vmem>>, vector<16xf32>,
      }
      %scan3A_253 = arith.constant 80 : i32
      "tpu.region"() ({
        %run_scoped3A = tpu.sem_alloc : memref<!tpu.dma_semaphore, #tpu.memory_space<semaphore_mem>>
        %dma_start3A = arith.constant 0 : i32
        %dma_start3A_254 = tpu.memref_slice %arg4[%arg0, %mul3A_157, %dma_start3A] : memref<2x10000x128xf32, #tpu.memory_space<hbm>> -> memref<1x80x128xf32, #tpu.memory_space<hbm>>
        %dma_start3A_255 = tpu.memref_squeeze %dma_start3A_254 : memref<1x80x128xf32, #tpu.memory_space<hbm>> -> memref<80x128xf32, #tpu.memory_space<hbm>>
        %dma_start3A_256 = arith.constant 0 : i32
        %dma_start3A_257 = tpu.memref_slice %arg4[%arg0, %mul3A_157, %dma_start3A_256] : memref<2x10000x128xf32, #tpu.memory_space<hbm>> -> memref<1x80x128xf32, #tpu.memory_space<hbm>>
        %dma_start3A_258 = tpu.memref_squeeze %dma_start3A_257 : memref<1x80x128xf32, #tpu.memory_space<hbm>> -> memref<80x128xf32, #tpu.memory_space<hbm>>
        tpu.enqueue_dma source(%arg8 : memref<80x128xf32, #tpu.memory_space<vmem>>) target(%dma_start3A_258 : memref<80x128xf32, #tpu.memory_space<hbm>>) target_semaphore(%run_scoped3A : memref<!tpu.dma_semaphore, #tpu.memory_space<semaphore_mem>>)
        %dma_wait3A = arith.constant 0 : i32
        %dma_wait3A_259 = tpu.memref_slice %arg4[%arg0, %mul3A_157, %dma_wait3A] : memref<2x10000x128xf32, #tpu.memory_space<hbm>> -> memref<1x80x128xf32, #tpu.memory_space<hbm>>
        %dma_wait3A_260 = tpu.memref_squeeze %dma_wait3A_259 : memref<1x80x128xf32, #tpu.memory_space<hbm>> -> memref<80x128xf32, #tpu.memory_space<hbm>>
        %dma_wait3A_261 = arith.constant 0 : i32
        %dma_wait3A_262 = tpu.memref_slice %arg4[%arg0, %mul3A_157, %dma_wait3A_261] : memref<2x10000x128xf32, #tpu.memory_space<hbm>> -> memref<1x80x128xf32, #tpu.memory_space<hbm>>
        %dma_wait3A_263 = tpu.memref_squeeze %dma_wait3A_262 : memref<1x80x128xf32, #tpu.memory_space<hbm>> -> memref<80x128xf32, #tpu.memory_space<hbm>>
        tpu.wait_dma2 semaphore(%run_scoped3A : memref<!tpu.dma_semaphore, #tpu.memory_space<semaphore_mem>>) src(%arg8 : memref<80x128xf32, #tpu.memory_space<vmem>>) dst(%dma_wait3A_263 : memref<80x128xf32, #tpu.memory_space<hbm>>)
        tpu.yield
      }) : () -> ()
    } else {
    }
    return
  }
}

module attributes {stable_mosaic.version = 14 : i64} {
  func.func @_mlp_body(%arg0: i32, %arg1: memref<512x128xf32, #tpu.memory_space<vmem>>, %arg2: memref<512x128xf32, #tpu.memory_space<vmem>>, %arg3: memref<512x8xf32, #tpu.memory_space<vmem>>, %arg4: memref<128x64xf32, #tpu.memory_space<vmem>>, %arg5: memref<128x64xf32, #tpu.memory_space<vmem>>, %arg6: memref<8x64xf32, #tpu.memory_space<vmem>>, %arg7: memref<8x64xf32, #tpu.memory_space<vmem>>, %arg8: memref<64x64xf32, #tpu.memory_space<vmem>>, %arg9: memref<64x128xf32, #tpu.memory_space<vmem>>, %arg10: memref<8x128xf32, #tpu.memory_space<vmem>>, %arg11: memref<512x128xf32, #tpu.memory_space<vmem>>) attributes {dimension_semantics = [#tpu.dimension_semantics<arbitrary>], iteration_bounds = array<i64: 625>, scalar_prefetch = 0 : i64, scratch_operands = 0 : i64, tpu.core_type = #tpu.core_type<tc>, window_params = [{transform_indices = @transform_0, window_bounds = array<i64: 512, 128>}, {transform_indices = @transform_1, window_bounds = array<i64: 512, 128>}, {transform_indices = @transform_2, window_bounds = array<i64: 512, 8>}, {pipeline_mode = #tpu.pipeline_mode<synchronous>, transform_indices = @transform_3, window_bounds = array<i64: 128, 64>}, {pipeline_mode = #tpu.pipeline_mode<synchronous>, transform_indices = @transform_4, window_bounds = array<i64: 128, 64>}, {pipeline_mode = #tpu.pipeline_mode<synchronous>, transform_indices = @transform_5, window_bounds = array<i64: 8, 64>}, {pipeline_mode = #tpu.pipeline_mode<synchronous>, transform_indices = @transform_6, window_bounds = array<i64: 8, 64>}, {pipeline_mode = #tpu.pipeline_mode<synchronous>, transform_indices = @transform_7, window_bounds = array<i64: 64, 64>}, {pipeline_mode = #tpu.pipeline_mode<synchronous>, transform_indices = @transform_8, window_bounds = array<i64: 64, 128>}, {pipeline_mode = #tpu.pipeline_mode<synchronous>, transform_indices = @transform_9, window_bounds = array<i64: 8, 128>}, {transform_indices = @transform_10, window_bounds = array<i64: 512, 128>}]} {
    %get3A = arith.constant 0 : index
    %get3A_0 = arith.constant 0 : index
    %get3A_1 = vector.load %arg1[%get3A, %get3A_0] : memref<512x128xf32, #tpu.memory_space<vmem>>, vector<512x128xf32>
    %get3A_2 = arith.constant 0 : index
    %get3A_3 = arith.constant 0 : index
    %get3A_4 = vector.load %arg2[%get3A_2, %get3A_3] : memref<512x128xf32, #tpu.memory_space<vmem>>, vector<512x128xf32>
    %get3A_5 = arith.constant 0 : index
    %get3A_6 = arith.constant 0 : index
    %get3A_7 = vector.load %arg3[%get3A_5, %get3A_6] : memref<512x8xf32, #tpu.memory_space<vmem>>, vector<512x8xf32>
    %reduce_sum3A = arith.constant dense<0.000000e+00> : vector<512xf32>
    %reduce_sum3A_8 = vector.multi_reduction <add>, %get3A_1, %reduce_sum3A [1] : vector<512x128xf32> to vector<512xf32>
    %broadcast_in_dim3A = vector.shape_cast %reduce_sum3A_8 : vector<512xf32> to vector<512x1xf32>
    %reduce_sum3A_9 = arith.constant dense<0.000000e+00> : vector<512xf32>
    %reduce_sum3A_10 = vector.multi_reduction <add>, %get3A_4, %reduce_sum3A_9 [1] : vector<512x128xf32> to vector<512xf32>
    %broadcast_in_dim3A_11 = vector.shape_cast %reduce_sum3A_10 : vector<512xf32> to vector<512x1xf32>
    %add3A = arith.addf %broadcast_in_dim3A, %broadcast_in_dim3A_11 : vector<512x1xf32>
    %reduce_sum3A_12 = arith.constant dense<0.000000e+00> : vector<512xf32>
    %reduce_sum3A_13 = vector.multi_reduction <add>, %get3A_7, %reduce_sum3A_12 [1] : vector<512x8xf32> to vector<512xf32>
    %broadcast_in_dim3A_14 = vector.shape_cast %reduce_sum3A_13 : vector<512xf32> to vector<512x1xf32>
    %add3A_15 = arith.addf %add3A, %broadcast_in_dim3A_14 : vector<512x1xf32>
    %mul3A = arith.mulf %get3A_1, %get3A_1 : vector<512x128xf32>
    %reduce_sum3A_16 = arith.constant dense<0.000000e+00> : vector<512xf32>
    %reduce_sum3A_17 = vector.multi_reduction <add>, %mul3A, %reduce_sum3A_16 [1] : vector<512x128xf32> to vector<512xf32>
    %broadcast_in_dim3A_18 = vector.shape_cast %reduce_sum3A_17 : vector<512xf32> to vector<512x1xf32>
    %mul3A_19 = arith.mulf %get3A_4, %get3A_4 : vector<512x128xf32>
    %reduce_sum3A_20 = arith.constant dense<0.000000e+00> : vector<512xf32>
    %reduce_sum3A_21 = vector.multi_reduction <add>, %mul3A_19, %reduce_sum3A_20 [1] : vector<512x128xf32> to vector<512xf32>
    %broadcast_in_dim3A_22 = vector.shape_cast %reduce_sum3A_21 : vector<512xf32> to vector<512x1xf32>
    %add3A_23 = arith.addf %broadcast_in_dim3A_18, %broadcast_in_dim3A_22 : vector<512x1xf32>
    %mul3A_24 = arith.mulf %get3A_7, %get3A_7 : vector<512x8xf32>
    %reduce_sum3A_25 = arith.constant dense<0.000000e+00> : vector<512xf32>
    %reduce_sum3A_26 = vector.multi_reduction <add>, %mul3A_24, %reduce_sum3A_25 [1] : vector<512x8xf32> to vector<512xf32>
    %broadcast_in_dim3A_27 = vector.shape_cast %reduce_sum3A_26 : vector<512xf32> to vector<512x1xf32>
    %add3A_28 = arith.addf %add3A_23, %broadcast_in_dim3A_27 : vector<512x1xf32>
    %mul3A_29 = arith.constant 0.00383141753 : f32
    %mul3A_30 = vector.broadcast %mul3A_29 : f32 to vector<512x1xf32>
    %mul3A_31 = arith.mulf %add3A_15, %mul3A_30 : vector<512x1xf32>
    %mul3A_32 = arith.constant 0.00383141753 : f32
    %mul3A_33 = vector.broadcast %mul3A_32 : f32 to vector<512x1xf32>
    %mul3A_34 = arith.mulf %add3A_28, %mul3A_33 : vector<512x1xf32>
    %mul3A_35 = arith.mulf %mul3A_31, %mul3A_31 : vector<512x1xf32>
    %sub3A = arith.subf %mul3A_34, %mul3A_35 : vector<512x1xf32>
    %add3A_36 = arith.constant 9.99999974E-6 : f32
    %add3A_37 = vector.broadcast %add3A_36 : f32 to vector<512x1xf32>
    %add3A_38 = arith.addf %sub3A, %add3A_37 : vector<512x1xf32>
    %rsqrt3A = math.rsqrt %add3A_38 : vector<512x1xf32>
    %convert_element_type3A = arith.truncf %get3A_1 : vector<512x128xf32> to vector<512x128xbf16>
    %get3A_39 = arith.constant 0 : index
    %get3A_40 = arith.constant 0 : index
    %get3A_41 = vector.load %arg4[%get3A_39, %get3A_40] : memref<128x64xf32, #tpu.memory_space<vmem>>, vector<128x64xf32>
    %convert_element_type3A_42 = arith.truncf %get3A_41 : vector<128x64xf32> to vector<128x64xbf16>
    %dot_general3A = arith.constant dense<0.000000e+00> : vector<512x64xf32>
    %dot_general3A_43 = tpu.matmul %convert_element_type3A, %convert_element_type3A_42, %dot_general3A {dimension_numbers = #tpu.dot_dimension_numbers<[1], [0], [0], [1], [0, 0, 1, 1], [], []>, transpose_lhs_hint = false} : vector<512x128xbf16>, vector<128x64xbf16>, vector<512x64xf32> -> vector<512x64xf32>
    %convert_element_type3A_44 = arith.truncf %get3A_4 : vector<512x128xf32> to vector<512x128xbf16>
    %get3A_45 = arith.constant 0 : index
    %get3A_46 = arith.constant 0 : index
    %get3A_47 = vector.load %arg5[%get3A_45, %get3A_46] : memref<128x64xf32, #tpu.memory_space<vmem>>, vector<128x64xf32>
    %convert_element_type3A_48 = arith.truncf %get3A_47 : vector<128x64xf32> to vector<128x64xbf16>
    %dot_general3A_49 = arith.constant dense<0.000000e+00> : vector<512x64xf32>
    %dot_general3A_50 = tpu.matmul %convert_element_type3A_44, %convert_element_type3A_48, %dot_general3A_49 {dimension_numbers = #tpu.dot_dimension_numbers<[1], [0], [0], [1], [0, 0, 1, 1], [], []>, transpose_lhs_hint = false} : vector<512x128xbf16>, vector<128x64xbf16>, vector<512x64xf32> -> vector<512x64xf32>
    %add3A_51 = arith.addf %dot_general3A_43, %dot_general3A_50 : vector<512x64xf32>
    %get3A_52 = arith.constant 0 : index
    %get3A_53 = arith.constant 0 : index
    %get3A_54 = vector.load %arg6[%get3A_52, %get3A_53] : memref<8x64xf32, #tpu.memory_space<vmem>>, vector<8x64xf32>
    %dot_general3A_55 = arith.constant dense<0.000000e+00> : vector<512x64xf32>
    %dot_general3A_56 = tpu.matmul %get3A_7, %get3A_54, %dot_general3A_55 {dimension_numbers = #tpu.dot_dimension_numbers<[1], [0], [0], [1], [0, 0, 1, 1], [], []>, transpose_lhs_hint = false} : vector<512x8xf32>, vector<8x64xf32>, vector<512x64xf32> -> vector<512x64xf32>
    %add3A_57 = arith.addf %add3A_51, %dot_general3A_56 : vector<512x64xf32>
    %get3A_58 = arith.constant 0 : index
    %get3A_59 = arith.constant 0 : index
    %get3A_60 = vector.load %arg7[%get3A_58, %get3A_59] : memref<8x64xf32, #tpu.memory_space<vmem>>, vector<1x64xf32>
    %get3A_61 = arith.constant 1 : index
    %get3A_62 = arith.constant 0 : index
    %get3A_63 = vector.load %arg7[%get3A_61, %get3A_62] : memref<8x64xf32, #tpu.memory_space<vmem>>, vector<1x64xf32>
    %get3A_64 = arith.constant 2 : index
    %get3A_65 = arith.constant 0 : index
    %get3A_66 = vector.load %arg7[%get3A_64, %get3A_65] : memref<8x64xf32, #tpu.memory_space<vmem>>, vector<1x64xf32>
    %mul3A_67 = vector.broadcast %mul3A_31 : vector<512x1xf32> to vector<512x64xf32>
    %mul3A_68 = vector.broadcast %get3A_63 : vector<1x64xf32> to vector<512x64xf32>
    %mul3A_69 = arith.mulf %mul3A_67, %mul3A_68 : vector<512x64xf32>
    %sub3A_70 = arith.subf %add3A_57, %mul3A_69 : vector<512x64xf32>
    %mul3A_71 = vector.broadcast %rsqrt3A : vector<512x1xf32> to vector<512x64xf32>
    %mul3A_72 = arith.mulf %mul3A_71, %sub3A_70 : vector<512x64xf32>
    %add3A_73 = vector.broadcast %get3A_60 : vector<1x64xf32> to vector<512x64xf32>
    %add3A_74 = arith.addf %mul3A_72, %add3A_73 : vector<512x64xf32>
    %logistic3A = arith.negf %add3A_74 : vector<512x64xf32>
    %logistic3A_75 = math.exp %logistic3A : vector<512x64xf32>
    %logistic3A_76 = arith.constant 1.000000e+00 : f32
    %logistic3A_77 = vector.broadcast %logistic3A_76 : f32 to vector<512x64xf32>
    %logistic3A_78 = arith.addf %logistic3A_77, %logistic3A_75 : vector<512x64xf32>
    %logistic3A_79 = arith.divf %logistic3A_77, %logistic3A_78 : vector<512x64xf32>
    %mul3A_80 = arith.mulf %add3A_74, %logistic3A_79 : vector<512x64xf32>
    %convert_element_type3A_81 = arith.truncf %mul3A_80 : vector<512x64xf32> to vector<512x64xbf16>
    %get3A_82 = arith.constant 0 : index
    %get3A_83 = arith.constant 0 : index
    %get3A_84 = vector.load %arg8[%get3A_82, %get3A_83] : memref<64x64xf32, #tpu.memory_space<vmem>>, vector<64x64xf32>
    %convert_element_type3A_85 = arith.truncf %get3A_84 : vector<64x64xf32> to vector<64x64xbf16>
    %dot_general3A_86 = arith.constant dense<0.000000e+00> : vector<512x64xf32>
    %dot_general3A_87 = tpu.matmul %convert_element_type3A_81, %convert_element_type3A_85, %dot_general3A_86 {dimension_numbers = #tpu.dot_dimension_numbers<[1], [0], [0], [1], [0, 0, 1, 1], [], []>, transpose_lhs_hint = false} : vector<512x64xbf16>, vector<64x64xbf16>, vector<512x64xf32> -> vector<512x64xf32>
    %add3A_88 = vector.broadcast %get3A_66 : vector<1x64xf32> to vector<512x64xf32>
    %add3A_89 = arith.addf %dot_general3A_87, %add3A_88 : vector<512x64xf32>
    %logistic3A_90 = arith.negf %add3A_89 : vector<512x64xf32>
    %logistic3A_91 = math.exp %logistic3A_90 : vector<512x64xf32>
    %logistic3A_92 = arith.constant 1.000000e+00 : f32
    %logistic3A_93 = vector.broadcast %logistic3A_92 : f32 to vector<512x64xf32>
    %logistic3A_94 = arith.addf %logistic3A_93, %logistic3A_91 : vector<512x64xf32>
    %logistic3A_95 = arith.divf %logistic3A_93, %logistic3A_94 : vector<512x64xf32>
    %mul3A_96 = arith.mulf %add3A_89, %logistic3A_95 : vector<512x64xf32>
    %convert_element_type3A_97 = arith.truncf %mul3A_96 : vector<512x64xf32> to vector<512x64xbf16>
    %get3A_98 = arith.constant 0 : index
    %get3A_99 = arith.constant 0 : index
    %get3A_100 = vector.load %arg9[%get3A_98, %get3A_99] : memref<64x128xf32, #tpu.memory_space<vmem>>, vector<64x128xf32>
    %convert_element_type3A_101 = arith.truncf %get3A_100 : vector<64x128xf32> to vector<64x128xbf16>
    %dot_general3A_102 = arith.constant dense<0.000000e+00> : vector<512x128xf32>
    %dot_general3A_103 = tpu.matmul %convert_element_type3A_97, %convert_element_type3A_101, %dot_general3A_102 {dimension_numbers = #tpu.dot_dimension_numbers<[1], [0], [0], [1], [0, 0, 1, 1], [], []>, transpose_lhs_hint = false} : vector<512x64xbf16>, vector<64x128xbf16>, vector<512x128xf32> -> vector<512x128xf32>
    %get3A_104 = arith.constant 0 : index
    %get3A_105 = arith.constant 0 : index
    %get3A_106 = vector.load %arg10[%get3A_104, %get3A_105] : memref<8x128xf32, #tpu.memory_space<vmem>>, vector<1x128xf32>
    %add3A_107 = vector.broadcast %get3A_106 : vector<1x128xf32> to vector<512x128xf32>
    %add3A_108 = arith.addf %dot_general3A_103, %add3A_107 : vector<512x128xf32>
    %swap3A = arith.constant 0 : index
    %swap3A_109 = arith.constant 0 : index
    %swap3A_110 = vector.load %arg11[%swap3A, %swap3A_109] : memref<512x128xf32, #tpu.memory_space<vmem>>, vector<512x128xf32>
    tpu.vector_store %arg11[%swap3A, %swap3A_109], %add3A_108 {strides = array<i32>} : memref<512x128xf32, #tpu.memory_space<vmem>>, vector<512x128xf32>,
    return
  }
  func.func @transform_0(%arg0: i32) -> (i32, i32) {
    %c0_i32 = arith.constant 0 : i32
    %c0_i32_0 = arith.constant 0 : i32
    return %arg0, %c0_i32 : i32, i32
  }
  func.func @transform_1(%arg0: i32) -> (i32, i32) {
    %c0_i32 = arith.constant 0 : i32
    %c0_i32_0 = arith.constant 0 : i32
    return %arg0, %c0_i32 : i32, i32
  }
  func.func @transform_2(%arg0: i32) -> (i32, i32) {
    %c0_i32 = arith.constant 0 : i32
    %c0_i32_0 = arith.constant 0 : i32
    return %arg0, %c0_i32 : i32, i32
  }
  func.func @transform_3(%arg0: i32) -> (i32, i32) {
    %c0_i32 = arith.constant 0 : i32
    %c0_i32_0 = arith.constant 0 : i32
    %c0_i32_1 = arith.constant 0 : i32
    return %c0_i32, %c0_i32_0 : i32, i32
  }
  func.func @transform_4(%arg0: i32) -> (i32, i32) {
    %c0_i32 = arith.constant 0 : i32
    %c0_i32_0 = arith.constant 0 : i32
    %c0_i32_1 = arith.constant 0 : i32
    return %c0_i32, %c0_i32_0 : i32, i32
  }
  func.func @transform_5(%arg0: i32) -> (i32, i32) {
    %c0_i32 = arith.constant 0 : i32
    %c0_i32_0 = arith.constant 0 : i32
    %c0_i32_1 = arith.constant 0 : i32
    return %c0_i32, %c0_i32_0 : i32, i32
  }
  func.func @transform_6(%arg0: i32) -> (i32, i32) {
    %c0_i32 = arith.constant 0 : i32
    %c0_i32_0 = arith.constant 0 : i32
    %c0_i32_1 = arith.constant 0 : i32
    return %c0_i32, %c0_i32_0 : i32, i32
  }
  func.func @transform_7(%arg0: i32) -> (i32, i32) {
    %c0_i32 = arith.constant 0 : i32
    %c0_i32_0 = arith.constant 0 : i32
    %c0_i32_1 = arith.constant 0 : i32
    return %c0_i32, %c0_i32_0 : i32, i32
  }
  func.func @transform_8(%arg0: i32) -> (i32, i32) {
    %c0_i32 = arith.constant 0 : i32
    %c0_i32_0 = arith.constant 0 : i32
    %c0_i32_1 = arith.constant 0 : i32
    return %c0_i32, %c0_i32_0 : i32, i32
  }
  func.func @transform_9(%arg0: i32) -> (i32, i32) {
    %c0_i32 = arith.constant 0 : i32
    %c0_i32_0 = arith.constant 0 : i32
    %c0_i32_1 = arith.constant 0 : i32
    return %c0_i32, %c0_i32_0 : i32, i32
  }
  func.func @transform_10(%arg0: i32) -> (i32, i32) {
    %c0_i32 = arith.constant 0 : i32
    %c0_i32_0 = arith.constant 0 : i32
    return %arg0, %c0_i32 : i32, i32
  }
}

module attributes {stable_mosaic.version = 14 : i64} {
  func.func @_final_body(%arg0: i32, %arg1: memref<1x1000x128xf32, #tpu.memory_space<vmem>>, %arg2: memref<1x1000x128xf32, #tpu.memory_space<vmem>>, %arg3: memref<128x128xf32, #tpu.memory_space<vmem>>, %arg4: memref<1000x128xf32, #tpu.memory_space<vmem>>) attributes {dimension_semantics = [#tpu.dimension_semantics<arbitrary>], iteration_bounds = array<i64: 10>, scalar_prefetch = 0 : i64, scratch_operands = 0 : i64, tpu.core_type = #tpu.core_type<tc>, window_params = [{transform_indices = @transform_0, window_bounds = array<i64: 1, 1000, 128>}, {transform_indices = @transform_1, window_bounds = array<i64: 1, 1000, 128>}, {pipeline_mode = #tpu.pipeline_mode<synchronous>, transform_indices = @transform_2, window_bounds = array<i64: 128, 128>}, {transform_indices = @transform_3, window_bounds = array<i64: 1000, 128>}]} {
    %get3A = arith.constant 0 : index
    %get3A_0 = arith.constant 0 : index
    %get3A_1 = arith.constant 0 : index
    %get3A_2 = vector.load %arg1[%get3A, %get3A_0, %get3A_1] : memref<1x1000x128xf32, #tpu.memory_space<vmem>>, vector<1x1000x128xf32>
    %get3A_3 = vector.shape_cast %get3A_2 : vector<1x1000x128xf32> to vector<1000x128xf32>
    %get3A_4 = arith.constant 0 : index
    %get3A_5 = arith.constant 0 : index
    %get3A_6 = arith.constant 0 : index
    %get3A_7 = vector.load %arg2[%get3A_4, %get3A_5, %get3A_6] : memref<1x1000x128xf32, #tpu.memory_space<vmem>>, vector<1x1000x128xf32>
    %get3A_8 = vector.shape_cast %get3A_7 : vector<1x1000x128xf32> to vector<1000x128xf32>
    %add3A = arith.addf %get3A_3, %get3A_8 : vector<1000x128xf32>
    %mul3A = arith.constant 5.000000e-01 : f32
    %mul3A_9 = vector.broadcast %mul3A : f32 to vector<1000x128xf32>
    %mul3A_10 = arith.mulf %add3A, %mul3A_9 : vector<1000x128xf32>
    %get3A_11 = arith.constant 0 : index
    %get3A_12 = arith.constant 0 : index
    %get3A_13 = vector.load %arg3[%get3A_11, %get3A_12] : memref<128x128xf32, #tpu.memory_space<vmem>>, vector<128x128xf32>
    %dot_general3A = arith.constant dense<0.000000e+00> : vector<1000x128xf32>
    %dot_general3A_14 = tpu.matmul %mul3A_10, %get3A_13, %dot_general3A {dimension_numbers = #tpu.dot_dimension_numbers<[1], [0], [0], [1], [0, 0, 1, 1], [], []>, transpose_lhs_hint = false} : vector<1000x128xf32>, vector<128x128xf32>, vector<1000x128xf32> -> vector<1000x128xf32>
    %mul3A_15 = arith.constant 0.0883883461 : f32
    %mul3A_16 = vector.broadcast %mul3A_15 : f32 to vector<1000x128xf32>
    %mul3A_17 = arith.mulf %dot_general3A_14, %mul3A_16 : vector<1000x128xf32>
    %swap3A = arith.constant 0 : index
    %swap3A_18 = arith.constant 0 : index
    %swap3A_19 = vector.load %arg4[%swap3A, %swap3A_18] : memref<1000x128xf32, #tpu.memory_space<vmem>>, vector<1000x128xf32>
    tpu.vector_store %arg4[%swap3A, %swap3A_18], %mul3A_17 {strides = array<i32>} : memref<1000x128xf32, #tpu.memory_space<vmem>>, vector<1000x128xf32>,
    return
  }
  func.func @transform_0(%arg0: i32) -> (i32, i32, i32) {
    %c0_i32 = arith.constant 0 : i32
    %c0_i32_0 = arith.constant 0 : i32
    %c0_i32_1 = arith.constant 0 : i32
    return %c0_i32, %arg0, %c0_i32_0 : i32, i32, i32
  }
  func.func @transform_1(%arg0: i32) -> (i32, i32, i32) {
    %c1_i32 = arith.constant 1 : i32
    %c0_i32 = arith.constant 0 : i32
    %c0_i32_0 = arith.constant 0 : i32
    return %c1_i32, %arg0, %c0_i32 : i32, i32, i32
  }
  func.func @transform_2(%arg0: i32) -> (i32, i32) {
    %c0_i32 = arith.constant 0 : i32
    %c0_i32_0 = arith.constant 0 : i32
    %c0_i32_1 = arith.constant 0 : i32
    return %c0_i32, %c0_i32_0 : i32, i32
  }
  func.func @transform_3(%arg0: i32) -> (i32, i32) {
    %c0_i32 = arith.constant 0 : i32
    %c0_i32_0 = arith.constant 0 : i32
    return %arg0, %c0_i32 : i32, i32
  }
}

</mosaic_0001>

<sc_bundles>
// kernel: kernel.6.cloned.1.call-start
scs
__scs_entry_jumppad:
0x0: {  	(pc) =	sbr.rel $0x88, $3  }
0x1: {  	(tag) =	ssettag $0x0;
	lr =	simm.s32 $0x1  }
0x2: {  	[smem:$0x3F94] =	sst lr;
	_ =	strace $0xD0000000  }
0x3: {  	_ = 	snop  }
0x4: {  	_ = 	snop  }
0x5: {  	_ = 	snop  }
0x6: {  	_ = 	snop  }
0x7: {  	_ = 	snop  }
__scs_overlays_trampoline_lowered:
0x8: {  	[smem:$0x3FA3] =	sst s0  }
0x9: {  	[smem:$0x3FA4] =	sst s1  }
0xa: {  	[smem:$0x3FA5] =	sst s2  }
0xb: {  	[smem:$0x3FA6] =	sst s3  }
0xc: {  	[smem:$0x3FA7] =	sst s4  }
0xd: {  	[smem:$0x3FA8] =	sst s5  }
0xe: {  	[smem:$0x3FA9] =	sst s6  }
0xf: {  	[smem:$0x3FAA] =	sst s7  }
0x10: {  	[smem:$0x3FAB] =	sst s8  }
0x11: {  	[smem:$0x3FAC] =	sst s9;
	s0 =	simm.s32 @!p0 $0x0  }
0x12: {  	s1 =	sld [smem:$0x3F92];
	s0 =	simm.s32 @p0 $0x1  }
0x13: {  	[smem:$0x3FAD] =	sst s0;
	s0 =	simm.s32 @!p1 $0x0  }
0x14: {  	s2 =	sld [smem:$0x3F91];
	s0 =	simm.s32 @p1 $0x1  }
0x15: {  	[smem:$0x3FAE] =	sst s0;
	s0 =	simm.s32 @!p2 $0x0  }
0x16: {  	s3 =	sld [smem:$0x3FDB];
	s0 =	simm.s32 @p2 $0x1  }
0x17: {  	s4 =	simm.s32 $0x1BF5;
	[smem:$0x3FB0] =	sst s0  }
0x18: {  	s0 =	sld [smem:$0x3F93];
	_ =	swait.ge [sflag:s4], $0x0  }
0x19: {  	s7 =	sld [smem:$0x3F94]  }
0x1a: {  	s8 =	sadd.s32 $0xFFFFE003, lr  }
0x1b: {  	s9 =	sadd.s32 $0xFFFFFEF7, lr;
	s5 =	simm.s32 $0xFFFFFFFF;
	p2 =	slt.u32 s8, $0xFFFFF086  }
0x1c: {  	p1 =	slt.u32 s9, $0xF7A;
	s5 =	simm.s32 @!p2 $0x0  }
0x1d: {  	s5 =	simm.s32 @p1 $0x1;
	p0 =	seq.s32 s7, s2  }
0x1e: {  	s7 =	smul.u32 @!p0 $0xF7A, s2;
	p2 =	seq.s32 @!p0 s5, $0x0  }
0x1f: {  	s9 =	smul.u32 $0xF7A, s1;
	s8 =	simm.s32 @!p0 $0x1BF5;
	p2 =	por !p2, p0  }
0x20: {  	[sflag:s8] =	ssyncset.s32 @!p0 $0xFFFFF086;
	s6 =	sadd.s32 @!p0 s3, s7;
	s7 =	simm.s32 @!p0 $0x108  }
0x21: {  	s3 =	sadd.s32 s3, s9;
	s6 =	sadd.s32 @!p0 $0x88, s6;
	s7 =	simm.s32 @p2 $0x1082  }
0x22: {  	[simem:s7], [sflag:s8] =	dma.local @!p0 [hbm:s6], $0xF7A  }
0x23: {  	s9 =	sor.u32 $0xD0000000, s2;
	s6 =	simm.s32 $0x108;
	_ =	swait.ge @!p0 [sflag:s8], $0x0  }
0x24: {  	s3 =	sadd.s32 $0x88, s3;
	s6 =	simm.s32 @!p1 $0x1082;
	[sflag:s4] =	ssyncset.s32 $0xFFFFF086  }
0x25: {  	[simem:s6], [sflag:s4] =	dma.local [hbm:s3], $0xF7A  }
0x26: {  	[smem:$0x3F94] =	sst s1;
	(tag) =	ssettag s2;
	_ =	strace s9  }
0x27: {  	s1 =	sld [smem:$0x3FA4]  }
0x28: {  	s2 =	sld [smem:$0x3FA5]  }
0x29: {  	s4 =	sld [smem:$0x3FA7]  }
0x2a: {  	p0 =	seq.s32 s5, $0x0;
	s5 =	sld [smem:$0x3FA8]  }
0x2b: {  	s6 =	sld [smem:$0x3FA9]  }
0x2c: {  	s7 =	sld [smem:$0x3FAA]  }
0x2d: {  	s3 =	simm.s32 $0x108;
	s8 =	sld [smem:$0x3FAB]  }
0x2e: {  	s3 =	simm.s32 @!p0 $0x1082;
	s9 =	sld [smem:$0x3FAC]  }
0x2f: {  	lr =	sadd.s32 s0, s3;
	s0 =	sld [smem:$0x3FA3]  }
0x30: {  	s3 =	sld [smem:$0x3FA6]  }
0x31: {  	[smem:$0x3FAF] =	sst s10  }
0x32: {  	s10 =	sld [smem:$0x3FAD];
	_ =	sdelay $0x3  }
0x33: {  	p0 =	seq.s32 s10, $0x1;
	s10 =	sld [smem:$0x3FAF];
	_ =	sdelay $0x3  }
0x34: {  	[smem:$0x3FAF] =	sst s10  }
0x35: {  	s10 =	sld [smem:$0x3FAE];
	_ =	sdelay $0x3  }
0x36: {  	p1 =	seq.s32 s10, $0x1;
	s10 =	sld [smem:$0x3FAF];
	_ =	sdelay $0x3  }
0x37: {  	[smem:$0x3FAF] =	sst s10  }
0x38: {  	s10 =	sld [smem:$0x3FB0]  }
0x39: {  	_ = 	snop;
	(pc) =	sbr.ind lr, $3  }
0x3a: {  	_ = 	snop  }
0x3b: {  	_ = 	snop  }
0x3c: {  	p2 =	seq.s32 s10, $0x1;
	s10 =	sld [smem:$0x3FAF]  }
0x3d: {  	_ =	shalt  }
0x3e: {  	_ =	shalt  }
0x3f: {  	_ =	shalt  }
0x40: {  	_ =	shalt  }
0x41: {  	_ =	shalt  }
0x42: {  	_ =	shalt  }
0x43: {  	_ =	shalt  }
0x44: {  	_ =	shalt  }
0x45: {  	_ =	shalt  }
0x46: {  	_ =	shalt  }
0x47: {  	_ =	shalt  }
0x48: {  	_ =	shalt  }
0x49: {  	_ =	shalt  }
0x4a: {  	_ =	shalt  }
0x4b: {  	_ =	shalt  }
0x4c: {  	_ =	shalt  }
0x4d: {  	_ =	shalt  }
0x4e: {  	_ =	shalt  }
0x4f: {  	_ =	shalt  }
0x50: {  	_ =	shalt  }
0x51: {  	_ =	shalt  }
0x52: {  	_ =	shalt  }
0x53: {  	_ =	shalt  }
0x54: {  	_ =	shalt  }
0x55: {  	_ =	shalt  }
0x56: {  	_ =	shalt  }
0x57: {  	_ =	shalt  }
0x58: {  	_ =	shalt  }
0x59: {  	_ =	shalt  }
0x5a: {  	_ =	shalt  }
0x5b: {  	_ =	shalt  }
0x5c: {  	_ =	shalt  }
0x5d: {  	_ =	shalt  }
0x5e: {  	_ =	shalt  }
0x5f: {  	_ =	shalt  }
0x60: {  	_ =	shalt  }
0x61: {  	_ =	shalt  }
0x62: {  	_ =	shalt  }
0x63: {  	_ =	shalt  }
0x64: {  	_ =	shalt  }
0x65: {  	_ =	shalt  }
0x66: {  	_ =	shalt  }
0x67: {  	_ =	shalt  }
0x68: {  	_ =	shalt  }
0x69: {  	_ =	shalt  }
0x6a: {  	_ =	shalt  }
0x6b: {  	_ =	shalt  }
0x6c: {  	_ =	shalt  }
0x6d: {  	_ =	shalt  }
0x6e: {  	_ =	shalt  }
0x6f: {  	_ =	shalt  }
0x70: {  	_ =	shalt  }
0x71: {  	_ =	shalt  }
0x72: {  	_ =	shalt  }
0x73: {  	_ =	shalt  }
0x74: {  	_ =	shalt  }
0x75: {  	_ =	shalt  }
0x76: {  	_ =	shalt  }
0x77: {  	_ =	shalt  }
0x78: {  	_ =	shalt  }
0x79: {  	_ =	shalt  }
0x7a: {  	_ =	shalt  }
0x7b: {  	_ =	shalt  }
0x7c: {  	_ =	shalt  }
0x7d: {  	_ =	shalt  }
0x7e: {  	_ =	shalt  }
0x7f: {  	_ =	shalt  }
0x80: {  	_ =	shalt  }
0x81: {  	_ =	shalt  }
0x82: {  	_ =	shalt  }
0x83: {  	_ =	shalt  }
0x84: {  	_ =	shalt  }
0x85: {  	_ =	shalt  }
0x86: {  	_ =	shalt  }
0x87: {  	_ =	shalt  }
.Lfunc_end0:
.L_simem_size_0:
called_computation_lowered:
.L_overlay_start_0:
0x88: {  	s2 =	sld [smem:$0x3FD9]  }
0x89: {  	s3 =	sld [smem:$0x3FFE];
	_ =	sdelay $0x1  }
0x8a: {  	s1 =	srdreg.scid  }
0x8b: {  	s0 =	sand.u32 $0x1, s1  }
0x8c: {  	s17 =	sshll.u32 s0, $0xA;
	s2 =	sadd.s32 s3, s2  }
0x8d: {  	s2 =	sadd.s32 s2, s17  }
0x8e: {  	[smem:$0x3FBB] =	sst s2  }
0x8f: {  	_ = 	snop  }
0x90: {  	s2 =	sld [smem:$0x3FC9];
	(tm) =	ssettm $0x1  }
0x91: {  	s18 =	sld [smem:$0x3FFB];
	_ =	sdelay $0x3  }
0x92: {  	_ =	strace s18  }
0x93: {  	s3 =	sld [smem:$0x3FFC];
	_ =	sdelay $0x3  }
0x94: {  	_ =	strace s3  }
0x95: {  	s3 =	sld [smem:$0x3FFD];
	_ =	sdelay $0x3  }
0x96: {  	_ =	strace s3  }
0x97: {  	_ =	strace $0x8FFFFFFF  }
0x98: {  	s19 =	sld [smem:$0x3FDB];
	_ =	sdelay $0x1  }
0x99: {  	s4 =	simm.s32 $_scs_section_size  }
0x9a: {  	s5 =	simm.s32 $_size__tile_overlayer_lowered;
	s6 =	simm.s32 $_tile_overlayer_lowered  }
0x9b: {  	s22 =	simm.s32 $0x1BFF;
	s21 =	sshll.u32 s6, $0x1;
	s3 =	sadd.s32 s4, s19  }
0x9c: {  	s7 =	simm.s32 $0x0;
	s20 =	sshll.u32 s5, $0x1;
	s5 =	sadd.s32 s21, s3  }
0x9d: {  	[timem:s7], [sflag:s22] =	dma.local [hbm:s5], s20  }
0x9e: {  	_ =	swait.ge [sflag:s22], s20  }
0x9f: {  	s4 =	ssub.s32 $0x0, s20;
	[sflag:s22] =	ssyncset.done $0x0  }
0xa0: {  	[sflag:s22] =	ssyncadd.s32 s4;
	_ =	sdelay $0x1  }
0xa1: {  	s23 =	simm.s32 $0x1B8B  }
0xa2: {  	_ =	swait.ge [sflag:s23], $0x1  }
0xa3: {  	[sflag:s23] =	ssyncset.done $0x0  }
0xa4: {  	s25 =	simm.s32 $0x1B8E;
	s24 =	sld [smem:$0x3FFE];
	[sflag:s23] =	ssyncadd.s32 $0xFFFFFFFF  }
0xa5: {  	s26 =	simm.s32 $execute0_lowered;
	[smem:$0x3FD2] =	sst s25  }
0xa6: {  	s5 =	sshll.u32 s26, $0x1;
	_ =	strace $0x80000046;
	[dreg:$0x1] =	wrdreg $0xFFFFFFFF  }
0xa7: {  	s28 =	simm.s32 $_size_execute0_lowered;
	s3 =	sadd.s32 s3, s5;
	[dreg:$0x0] =	wrdreg $0x0  }
0xa8: {  	s5 =	sshll.u32 s28, $0x1;
	[dreg:$0x2] =	wrdreg s3  }
0xa9: {  	[dreg:$0x3] =	wrdreg s5  }
0xaa: {  	[dreg:$0x4] =	wrdreg $0xC0  }
0xab: {  	_ =	task [dreg:s7], $0x5FFFF  }
0xac: {  	[dreg:$0x1] =	wrdreg $0xFFFFFFFF  }
0xad: {  	[dreg:$0x0] =	wrdreg $0x60  }
0xae: {  	[dreg:$0x2] =	wrdreg s2  }
0xaf: {  	[dreg:$0x3] =	wrdreg s24  }
0xb0: {  	[dreg:$0x4] =	wrdreg $0x9  }
0xb1: {  	_ =	task.clear_ibuf [dreg:s7], $0x5FFFF;
	_ =	strace $0x90000046  }
0xb2: {  	s29 =	simm.s32 $0x9;
	_ =	strace $0x80000048  }
0xb3: {  	_ =	swait.ge [sflag:s29], $0x1  }
0xb4: {  	[sflag:s29] =	ssyncadd.s32 $0xFFFFFFFF  }
0xb5: {  	_ =	strace $0x90000048  }
0xb6: {  	_ =	sfence  }
0xb7: {  	s30 =	sld [smem:$0x0];
	_ =	sdelay $0x2  }
0xb8: {  	s31 =	sshll.u32 s1, $0xD;
	s1 =	sshrl.u32 s1, $0x2  }
0xb9: {  	s3 =	sand.u32 $0x4000, s31;
	s1 =	sadd.s32 s1, s30  }
0xba: {  	s0 =	sor.u32 s3, s0;
	s1 =	sshll.u32 s1, $0x11  }
0xbb: {  	s0 =	sor.u32 s1, s0  }
0xbc: {  	s0 =	sadd.s32 $0x8F2B, s0  }
0xbd: {  	[sflag:s0] =	ssyncadd.remote.s32 $0x1  }
0xbe: {  	_ =	sfence.sel $0xFFFF  }
0xbf: {  	[dreg:$0x0] =	wrdreg $0xFFFFFFFF;
	(pc) =	sbr.abs _section_cstart, $3  }
0xc0: {  	[dreg:$0x1] =	wrdreg $0xFFFFFFFF  }
0xc1: {  	_ =	task.clear_ibuf [dreg:s7], $0x2FFFF;
	_ =	strace $0x9FFFFFFF  }
0xc2: {  	(tm) =	ssettm $0x7FFFFFFF  }
0xc3: {  	_ =	shalt  }
tec
execute0_lowered:
.L_overlay_start_1:
0x0: {  	(tag) =	ssettag $0x1  }
0x1: {  	s2 =	rddreg [dreg:$0x0]  }
0x2: {  	s0 =	rddreg [dreg:$0x1]  }
0x3: {  	s1 =	stileid.u32;
	s4 =	srdreg.scid;
	s3 =	simm.s32 $0x0  }
0x4: {  	s13 =	simm.s32 $0x2780;
	s14 =	simm.s32 $0x4F00;
	s15 =	simm.s32 $0x7680  }
0x5: {  	s16 =	simm.s32 $0x7800;
	s17 =	simm.s32 $0x50;
	s18 =	simm.s32 $0x7A00  }
0x6: {  	s19 =	simm.s32 $0xA200;
	s31 =	simm.s32 $0x7700;
	s20 =	simm.s32 $0x7780  }
0x7: {  	s28 =	simm.s32 $0x0;
	s9 =	sand.u32 $0x1, s4;
	s5 =	smul.u32 $0x4E20, s1  }
0x8: {  	[smem:$0x7FF] =	sst s3;
	s21 =	sadd.s32 $0x45E00, s0;
	s7 =	smul.u32 $0x4E200, s1  }
0x9: {  	s6 =	smul.u32 $0x2710, s9;
	_ =	strace $0x80000047;
	[dreg:$0xa] =	wrdreg s21  }
0xa: {  	s12 =	ssub.s32 $0x2, s9;
	s25 =	smul.u32 $0x27100, s9;
	[dreg:$0x9] =	wrdreg s31  }
0xb: {  	v0 =	vlaneseq.u32;
	s21 =	simm.s32 $0x7880;
	s11 =	sadd.s32 s7, s0;
	s8 =	sadd.s32 s6, s5  }
0xc: {  	v0 =	vmul.u32 $0x8, v0;
	s22 =	sshrl.u32 s12, $0x1;
	s5 =	sadd.s32 $0x45800, s0;
	s10 =	sshrl.u32 s8, $0x3  }
0xd: {  	v1 =	vimm.f32 $0.0e+00;
	s6 =	sadd.s32 $0x45200, s0;
	s11 =	sadd.s32 s25, s11;
	s7 =	sadd.s32 s10, s0  }
0xe: {  	v2 =	vor.u32 $0x1, v0;
	v3 =	vor.u32 $0x2, v0;
	v4 =	vor.u32 $0x3, v0;
	s25 =	simm.s32 $0x1;
	s0 =	sadd.s32 s8, s0;
	s10 =	sadd.s32 $0x27800, s7  }
0xf: {  	v5 =	vor.u32 $0x4, v0;
	v6 =	vor.u32 $0x80, v0;
	v7 =	vor.u32 $0x81, v0;
	s8 =	ssub.s32 s12, s22;
	s23 =	sadd.s32 $0x31600, s7;
	[dreg:$0x3] =	wrdreg s10  }
0x10: {  	v8 =	vor.u32 $0x82, v0;
	v9 =	vor.u32 $0x83, v0;
	v10 =	vor.u32 $0x84, v0;
	s12 =	simm.s32 $0x3;
	s24 =	sadd.s32 $0x3B400, s7;
	[dreg:$0x4] =	wrdreg s23  }
0x11: {  	v11 =	vor.u32 $0x100, v0;
	v12 =	vor.u32 $0x101, v0;
	v13 =	vor.u32 $0x102, v0;
	s22 =	simm.s32 $0x7900;
	s26 =	sadd.s32 $0x9E00, s7;
	[dreg:$0x5] =	wrdreg s24  }
0x12: {  	v14 =	vor.u32 $0x103, v0;
	v15 =	vor.u32 $0x104, v0;
	v16 =	vor.u32 $0x180, v0;
	s8 =	smax.u32 s8, $0x1;
	s29 =	sadd.s32 $0x13C00, s7;
	[dreg:$0x6] =	wrdreg s26  }
0x13: {  	v17 =	vor.u32 $0x181, v0;
	v18 =	vor.u32 $0x182, v0;
	v19 =	vor.u32 $0x183, v0;
	s9 =	sadd.s32 $0x46400, s0;
	s30 =	sadd.s32 $0x1DA00, s7;
	[dreg:$0x7] =	wrdreg s29  }
0x14: {  	v20 =	vor.u32 $0x184, v0;
	v21 =	vor.u32 $0x200, v0;
	v22 =	vor.u32 $0x201, v0;
	s10 =	sadd.s32 $0x94600, s11;
	s11 =	sadd.s32 $0x576600, s11;
	[dreg:$0x8] =	wrdreg s30  }
0x15: {  	v23 =	vor.u32 $0x202, v0;
	v24 =	vor.u32 $0x203, v0;
	v25 =	vor.u32 $0x204, v0;
	s23 =	simm.s32 $0x7980;
	s24 =	simm.s32 $0xCA00;
	s26 =	simm.s32 $0x2  }
.LBB2_1:
0x16: {  	s0 =	rddreg [dreg:$0xa]  }
0x17: {  	[tilespmem:s3], [sflag:$0x3] =	stream.linear.gather [hbm4b:s0+s3], $0x2780, $0x38;
	[tilespmem:$0xCC80] =	vst v63  }
0x18: {  	_ =	swait.ge [sflag:s12], $0x2780  }
0x19: {  	[sflag:s12] =	ssyncset.done $0x0  }
0x1a: {  	[sflag:s12] =	ssyncadd.s32 $0xFFFFD880  }
0x1b: {  	[tilespmem:s13], [sflag:$0x3] =	stream.linear.gather [hbm4b:s5+s3], $0x2780, $0x38;
	[tilespmem:$0xCC80] =	vst v63  }
0x1c: {  	_ =	swait.ge [sflag:s12], $0x2780  }
0x1d: {  	[sflag:s12] =	ssyncset.done $0x0  }
0x1e: {  	[sflag:s12] =	ssyncadd.s32 $0xFFFFD880  }
0x1f: {  	[tilespmem:s14], [sflag:$0x3] =	stream.linear.gather [hbm4b:s6+s3], $0x2780, $0x38;
	[tilespmem:$0xCC80] =	vst v63  }
0x20: {  	_ =	swait.ge [sflag:s12], $0x2780  }
0x21: {  	[sflag:s12] =	ssyncset.done $0x0  }
0x22: {  	[sflag:s12] =	ssyncadd.s32 $0xFFFFD880  }
0x23: {  	[tilespmem:$0xCA00] =	vst v1  }
0x24: {  	[tilespmem:$0xCA10] =	vst v1  }
0x25: {  	[tilespmem:$0xCA20] =	vst v1  }
0x26: {  	[tilespmem:$0xCA30] =	vst v1  }
0x27: {  	[tilespmem:$0xCA40] =	vst v1  }
0x28: {  	[tilespmem:$0xCA50] =	vst v1  }
0x29: {  	[tilespmem:$0xCA60] =	vst v1  }
0x2a: {  	[tilespmem:$0xCA70] =	vst v1  }
0x2b: {  	[tilespmem:$0xCA80] =	vst v1  }
0x2c: {  	[tilespmem:$0xCA90] =	vst v1  }
0x2d: {  	[tilespmem:$0xCAA0] =	vst v1  }
0x2e: {  	[tilespmem:$0xCAB0] =	vst v1  }
0x2f: {  	[tilespmem:$0xCAC0] =	vst v1  }
0x30: {  	[tilespmem:$0xCAD0] =	vst v1  }
0x31: {  	[tilespmem:$0xCAE0] =	vst v1  }
0x32: {  	[tilespmem:$0xCAF0] =	vst v1  }
0x33: {  	[tilespmem:$0xCB00] =	vst v1  }
0x34: {  	[tilespmem:$0xCB10] =	vst v1  }
0x35: {  	[tilespmem:$0xCB20] =	vst v1  }
0x36: {  	[tilespmem:$0xCB30] =	vst v1  }
0x37: {  	[tilespmem:$0xCB40] =	vst v1  }
0x38: {  	[tilespmem:$0xCB50] =	vst v1  }
0x39: {  	[tilespmem:$0xCB60] =	vst v1  }
0x3a: {  	[tilespmem:$0xCB70] =	vst v1  }
0x3b: {  	[tilespmem:$0xCB80] =	vst v1  }
0x3c: {  	[tilespmem:$0xCB90] =	vst v1  }
0x3d: {  	[tilespmem:$0xCBA0] =	vst v1  }
0x3e: {  	[tilespmem:$0xCBB0] =	vst v1  }
0x3f: {  	[tilespmem:$0xCBC0] =	vst v1  }
0x40: {  	[tilespmem:$0xCBD0] =	vst v1  }
0x41: {  	[tilespmem:$0xCBE0] =	vst v1  }
0x42: {  	[tilespmem:$0xCBF0] =	vst v1  }
0x43: {  	[tilespmem:$0xCC00] =	vst v1  }
0x44: {  	[tilespmem:$0xCC10] =	vst v1  }
0x45: {  	[tilespmem:$0xCC20] =	vst v1  }
0x46: {  	[tilespmem:$0xCC30] =	vst v1  }
0x47: {  	[tilespmem:$0xCC40] =	vst v1  }
0x48: {  	[tilespmem:$0xCC50] =	vst v1  }
0x49: {  	s29 =	smov.u32 s11;
	[tilespmem:$0xCC60] =	vst v1  }
0x4a: {  	s30 =	smov.u32 s10;
	s31 =	smov.u32 s9;
	s0 =	simm.s32 $0x0;
	[tilespmem:$0xCC70] =	vst v1  }
.LBB2_2:
0x4b: {  	s1 =	rddreg [dreg:$0x8]  }
0x4c: {  	s1 =	sadd.s32 s0, s1  }
0x4d: {  	[tilespmem:s15], [sflag:$0x3] =	stream.linear.gather [hbm4b:s1+s3], $0x50, $0x38;
	[tilespmem:$0xCC80] =	vst v63  }
0x4e: {  	_ =	swait.ge [sflag:s12], $0x50  }
0x4f: {  	[sflag:s12] =	ssyncset.done $0x0  }
0x50: {  	s4 =	sadd.s32 s0, s7;
	[sflag:s12] =	ssyncadd.s32 $0xFFFFFFB0  }
0x51: {  	[tilespmem:s16], [sflag:$0x3] =	stream.linear.gather [hbm4b:s4+s3], $0x50, $0x38;
	[tilespmem:$0xCC80] =	vst v63  }
0x52: {  	_ =	swait.ge [sflag:s12], $0x50  }
0x53: {  	[sflag:s12] =	ssyncset.done $0x0  }
0x54: {  	[sflag:s12] =	ssyncadd.s32 $0xFFFFFFB0  }
0x55: {  	[tilespmem:s18], [sflag:$0x1] =	stream.indirect.gather [hbm4b:s2+s17], $0x80, s15, s17, $0xb8;
	[tilespmem:$0xCC80] =	vst v63  }
0x56: {  	s1 =	rddreg [dreg:$0x7]  }
0x57: {  	[tilespmem:s19], [sflag:$0x2] =	stream.indirect.gather [hbm4b:s2+s17], $0x80, s16, s17, $0xb8;
	[tilespmem:$0xCC80] =	vst v63  }
0x58: {  	s4 =	rddreg [dreg:$0x9];
	s1 =	sadd.s32 s0, s1  }
0x59: {  	[tilespmem:s4], [sflag:$0x3] =	stream.linear.gather [hbm4b:s1+s3], $0x50, $0x38;
	[tilespmem:$0xCC80] =	vst v63  }
0x5a: {  	_ =	swait.ge [sflag:s12], $0x50  }
0x5b: {  	s4 =	rddreg [dreg:$0x6];
	[sflag:s12] =	ssyncset.done $0x0  }
0x5c: {  	[sflag:s12] =	ssyncadd.s32 $0xFFFFFFB0;
	s1 =	sadd.s32 s0, s4  }
0x5d: {  	[tilespmem:s20], [sflag:$0x3] =	stream.linear.gather [hbm4b:s1+s3], $0x50, $0x38;
	[tilespmem:$0xCC80] =	vst v63  }
0x5e: {  	_ =	swait.ge [sflag:s12], $0x50  }
0x5f: {  	s4 =	rddreg [dreg:$0x5];
	[sflag:s12] =	ssyncset.done $0x0  }
0x60: {  	[sflag:s12] =	ssyncadd.s32 $0xFFFFFFB0;
	s1 =	sadd.s32 s0, s4  }
0x61: {  	[tilespmem:s21], [sflag:$0x3] =	stream.linear.gather [hbm4b:s1+s3], $0x50, $0x38;
	[tilespmem:$0xCC80] =	vst v63  }
0x62: {  	_ =	swait.ge [sflag:s12], $0x50  }
0x63: {  	s4 =	rddreg [dreg:$0x4];
	[sflag:s12] =	ssyncset.done $0x0  }
0x64: {  	[sflag:s12] =	ssyncadd.s32 $0xFFFFFFB0;
	s1 =	sadd.s32 s0, s4  }
0x65: {  	[tilespmem:s22], [sflag:$0x3] =	stream.linear.gather [hbm4b:s1+s3], $0x50, $0x38;
	[tilespmem:$0xCC80] =	vst v63  }
0x66: {  	_ =	swait.ge [sflag:s12], $0x50  }
0x67: {  	s4 =	rddreg [dreg:$0x3];
	[sflag:s12] =	ssyncset.done $0x0  }
0x68: {  	[sflag:s12] =	ssyncadd.s32 $0xFFFFFFB0;
	s1 =	sadd.s32 s0, s4  }
0x69: {  	[tilespmem:s23], [sflag:$0x3] =	stream.linear.gather [hbm4b:s1+s3], $0x50, $0x38;
	[tilespmem:$0xCC80] =	vst v63  }
0x6a: {  	_ =	swait.ge [sflag:s12], $0x50  }
0x6b: {  	[sflag:s12] =	ssyncset.done $0x0  }
0x6c: {  	[sflag:s12] =	ssyncadd.s32 $0xFFFFFFB0  }
0x6d: {  	v26 =	vld [tilespmem:$0x7680];
	_ =	sdelay $0x2  }
0x6e: {  	v27 =	vld [tilespmem:$0x7700];
	_ =	sdelay $0x2  }
0x6f: {  	v28 =	vld [tilespmem:$0x7780]  }
0x70: {  	v29 =	vld [tilespmem:$0x7800]  }
0x71: {  	v30 =	vld.idx.msk [tilespmem:v26+s3+$0x0], $0xffff  }
0x72: {  	v31 =	vld.idx.msk [tilespmem:v26+s13+$0x0], $0xffff  }
0x73: {  	v26 =	vld.idx.msk [tilespmem:v26+s14+$0x0], $0xffff  }
0x74: {  	v32 =	vld.idx.msk [tilespmem:v27+s3+$0x0], $0xffff  }
0x75: {  	v33 =	vld.idx.msk [tilespmem:v27+s13+$0x0], $0xffff  }
0x76: {  	v27 =	vld.idx.msk [tilespmem:v27+s14+$0x0], $0xffff  }
0x77: {  	v34 =	vld.idx.msk [tilespmem:v28+s3+$0x0], $0xffff  }
0x78: {  	v35 =	vld.idx.msk [tilespmem:v28+s13+$0x0], $0xffff  }
0x79: {  	v28 =	vld.idx.msk [tilespmem:v28+s14+$0x0], $0xffff  }
0x7a: {  	v36 =	vld.idx.msk [tilespmem:v29+s13+$0x0], $0xffff  }
0x7b: {  	v37 =	vld.idx.msk [tilespmem:v29+s14+$0x0], $0xffff  }
0x7c: {  	v29 =	vld.idx.msk [tilespmem:v29+s3+$0x0], $0xffff  }
0x7d: {  	v30 =	vsub.f32 v32, v30;
	v31 =	vsub.f32 v33, v31  }
0x7e: {  	v26 =	vsub.f32 v27, v26;
	v27 =	vsub.f32 v28, v27  }
0x7f: {  	v33 =	vsub.f32 v35, v33;
	v32 =	vsub.f32 v34, v32  }
0x80: {  	v35 =	vsub.f32 v36, v35;
	v28 =	vsub.f32 v37, v28;
	v56 =	vmul.f32 v27, v31  }
0x81: {  	v29 =	vsub.f32 v29, v34;
	v57 =	vmul.f32 v33, v26;
	v26 =	vmul.f32 v32, v26  }
0x82: {  	v58 =	vmul.f32 v27, v30;
	v59 =	vmul.f32 v28, v33  }
0x83: {  	v38 =	vmul.f32 v35, v27;
	v60 =	vmul.f32 v29, v27  }
0x84: {  	v28 =	vmul.f32 v28, v32;
	v30 =	vmul.f32 v33, v30  }
0x85: {  	v31 =	vmul.f32 v32, v31;
	v61 =	vmul.f32 v35, v32  }
0x86: {  	v29 =	vmul.f32 v29, v33;
	v37 =	vsub.f32 v59, v38;
	v28 =	vsub.f32 v60, v28  }
0x87: {  	v44 =	vmul.f32 v32, v32;
	v36 =	vsub.f32 v56, v57;
	v26 =	vsub.f32 v26, v58  }
0x88: {  	v29 =	vsub.f32 v61, v29;
	v40 =	vmul.f32 v37, v37;
	v41 =	vmul.f32 v28, v28  }
0x89: {  	v30 =	vsub.f32 v30, v31;
	v62 =	vmul.f32 v36, v36;
	v63 =	vmul.f32 v26, v26  }
0x8a: {  	v39 =	vmul.f32 v33, v33;
	v43 =	vmul.f32 v29, v29;
	v34 =	vadd.f32 v41, v40  }
0x8b: {  	v42 =	vmul.f32 v30, v30;
	v31 =	vadd.f32 v63, v62  }
0x8c: {  	v45 =	vmul.f32 v27, v27;
	v38 =	vadd.f32 v39, v44;
	v34 =	vadd.f32 v34, v43  }
0x8d: {  	v31 =	vadd.f32 v31, v42  }
0x8e: {  	v38 =	vadd.f32 v45, v38;
	v40 =	vshra.s32 v34, $0x1;
	v34 =	vmul.f32 $5.000000000e-01, v34  }
0x8f: {  	v35 =	vshra.s32 v31, $0x1;
	v31 =	vmul.f32 $5.000000000e-01, v31;
	v40 =	vsub.s32 $0x5F3759DF, v40  }
0x90: {  	v35 =	vsub.s32 $0x5F3759DF, v35;
	v42 =	vmul.f32 v40, v34  }
0x91: {  	v48 =	vshra.s32 v38, $0x1;
	v38 =	vmul.f32 $5.000000000e-01, v38;
	v41 =	vmul.f32 v35, v31  }
0x92: {  	v47 =	vmul.f32 v40, v42;
	v42 =	vsub.s32 $0x5F3759DF, v48  }
0x93: {  	v46 =	vmul.f32 v35, v41;
	v43 =	vmul.f32 v42, v38;
	_ =	sdelay $0x1  }
0x94: {  	v39 =	vsub.f32 $1.500000000e+00, v46;
	v41 =	vsub.f32 $1.500000000e+00, v47;
	v50 =	vmul.f32 v42, v43;
	_ =	sdelay $0x1  }
0x95: {  	v35 =	vmul.f32 v35, v39;
	v49 =	vmul.f32 v40, v41;
	v40 =	vsub.f32 $1.500000000e+00, v50;
	_ =	sdelay $0x1  }
0x96: {  	v51 =	vmul.f32 v35, v31;
	v40 =	vmul.f32 v42, v40  }
0x97: {  	v52 =	vmul.f32 v49, v34  }
0x98: {  	v41 =	vmul.f32 v51, v35;
	v54 =	vmul.f32 v40, v38  }
0x99: {  	v43 =	vmul.f32 v52, v49  }
0x9a: {  	v41 =	vsub.f32 $1.500000000e+00, v41;
	v55 =	vmul.f32 v54, v40  }
0x9b: {  	v58 =	vmul.f32 v37, v36;
	v59 =	vmul.f32 v26, v27;
	v53 =	vsub.f32 $1.500000000e+00, v43  }
0x9c: {  	v56 =	vld [tilespmem:$0x7880];
	v60 =	vmul.f32 v30, v33;
	v35 =	vmul.f32 v41, v35;
	v41 =	vsub.f32 $1.500000000e+00, v55  }
0x9d: {  	v61 =	vmul.f32 v30, v32;
	v39 =	vmul.f32 v53, v49  }
0x9e: {  	v31 =	vmul.f32 v35, v31;
	v40 =	vmul.f32 v41, v40  }
0x9f: {  	v27 =	vmul.f32 v36, v27;
	v34 =	vmul.f32 v39, v34  }
0xa0: {  	v31 =	vmul.f32 v31, v35;
	v38 =	vmul.f32 v40, v38  }
0xa1: {  	v33 =	vmul.f32 v36, v33;
	[tilespmem:v0+s24+$0x0] =	vst.idx.msk $0xffff, v56;
	v34 =	vmul.f32 v34, v39  }
0xa2: {  	v30 =	vmul.f32 v29, v30;
	v62 =	vld [tilespmem:$0x7900];
	v31 =	vsub.f32 $1.500000000e+00, v31;
	v57 =	vmul.f32 v38, v40  }
0xa3: {  	v63 =	vmul.f32 v28, v26;
	v26 =	vmul.f32 v26, v32;
	v34 =	vsub.f32 $1.500000000e+00, v34  }
0xa4: {  	v27 =	vsub.f32 v61, v27;
	v31 =	vmul.f32 v31, v35;
	v35 =	vsub.f32 $1.500000000e+00, v57  }
0xa5: {  	v36 =	vadd.f32 v63, v58;
	v41 =	vsub.f32 v59, v60;
	v34 =	vmul.f32 v34, v39  }
0xa6: {  	v26 =	vsub.f32 v33, v26;
	v27 =	vmul.f32 v28, v27;
	v40 =	vmul.f32 v35, v40  }
0xa7: {  	[tilespmem:v2+s24+$0x0] =	vst.idx.msk $0xffff, v62;
	v45 =	vmul.f32 v37, v41;
	v31 =	vmin.f32 v31, $1.000000000e+06;
	v44 =	vmin.f32 v34, $1.000000000e+06  }
0xa8: {  	v30 =	vadd.f32 v36, v30;
	v48 =	vld [tilespmem:$0x7980];
	v47 =	vmul.f32 v44, v31;
	v46 =	vmin.f32 v40, $1.000000000e+06  }
0xa9: {  	v26 =	vmul.f32 v29, v26;
	v27 =	vadd.f32 v27, v45;
	v28 =	vmul.f32 v31, v46  }
0xaa: {  	v49 =	vmul.f32 v47, v30  }
0xab: {  	v26 =	vadd.f32 v27, v26;
	v27 =	vmul.f32 v44, v28  }
0xac: {  	v50 =	vmax.f32 v49, $-1.000000000e+00  }
0xad: {  	[tilespmem:v3+s24+$0x0] =	vst.idx.msk $0xffff, v48;
	v28 =	vmin.f32 v50, $1.000000000e+00;
	v26 =	vmul.f32 v27, v26  }
0xae: {  	[tilespmem:v4+s24+$0x0] =	vst.idx.msk $0xffff, v28  }
0xaf: {  	[tilespmem:v5+s24+$0x0] =	vst.idx.msk $0xffff, v26  }
0xb0: {  	v26 =	vld [tilespmem:$0x7690];
	_ =	sdelay $0x2  }
0xb1: {  	v27 =	vld [tilespmem:$0x7710];
	_ =	sdelay $0x2  }
0xb2: {  	v28 =	vld [tilespmem:$0x7790]  }
0xb3: {  	v51 =	vld [tilespmem:$0x7810]  }
0xb4: {  	v52 =	vld.idx.msk [tilespmem:v26+s3+$0x0], $0xffff  }
0xb5: {  	v53 =	vld.idx.msk [tilespmem:v26+s13+$0x0], $0xffff  }
0xb6: {  	v26 =	vld.idx.msk [tilespmem:v26+s14+$0x0], $0xffff  }
0xb7: {  	v54 =	vld.idx.msk [tilespmem:v27+s3+$0x0], $0xffff  }
0xb8: {  	v55 =	vld.idx.msk [tilespmem:v27+s13+$0x0], $0xffff  }
0xb9: {  	v27 =	vld.idx.msk [tilespmem:v27+s14+$0x0], $0xffff  }
0xba: {  	v56 =	vld.idx.msk [tilespmem:v28+s3+$0x0], $0xffff  }
0xbb: {  	v35 =	vld.idx.msk [tilespmem:v28+s13+$0x0], $0xffff  }
0xbc: {  	v28 =	vld.idx.msk [tilespmem:v28+s14+$0x0], $0xffff  }
0xbd: {  	v57 =	vld.idx.msk [tilespmem:v51+s13+$0x0], $0xffff  }
0xbe: {  	v58 =	vld.idx.msk [tilespmem:v51+s14+$0x0], $0xffff  }
0xbf: {  	v29 =	vld.idx.msk [tilespmem:v51+s3+$0x0], $0xffff  }
0xc0: {  	v30 =	vsub.f32 v54, v52;
	v31 =	vsub.f32 v55, v53  }
0xc1: {  	v26 =	vsub.f32 v27, v26;
	v27 =	vsub.f32 v28, v27  }
0xc2: {  	v33 =	vsub.f32 v35, v55;
	v32 =	vsub.f32 v56, v54  }
0xc3: {  	v35 =	vsub.f32 v57, v35;
	v28 =	vsub.f32 v58, v28;
	v59 =	vmul.f32 v27, v31  }
0xc4: {  	v29 =	vsub.f32 v29, v56;
	v60 =	vmul.f32 v33, v26;
	v26 =	vmul.f32 v32, v26  }
0xc5: {  	v61 =	vmul.f32 v27, v30;
	v62 =	vmul.f32 v28, v33  }
0xc6: {  	v63 =	vmul.f32 v35, v27;
	v40 =	vmul.f32 v29, v27  }
0xc7: {  	v28 =	vmul.f32 v28, v32;
	v30 =	vmul.f32 v33, v30  }
0xc8: {  	v31 =	vmul.f32 v32, v31;
	v41 =	vmul.f32 v35, v32  }
0xc9: {  	v29 =	vmul.f32 v29, v33;
	v48 =	vmul.f32 v32, v32  }
0xca: {  	v49 =	vmul.f32 v33, v33;
	v36 =	vsub.f32 v59, v60;
	v26 =	vsub.f32 v26, v61  }
0xcb: {  	v51 =	vmul.f32 v27, v27;
	v37 =	vsub.f32 v62, v63;
	v28 =	vsub.f32 v40, v28  }
0xcc: {  	v30 =	vsub.f32 v30, v31;
	v42 =	vmul.f32 v36, v36;
	v43 =	vmul.f32 v26, v26  }
0xcd: {  	v29 =	vsub.f32 v41, v29;
	v44 =	vmul.f32 v37, v37;
	v45 =	vmul.f32 v28, v28  }
0xce: {  	v38 =	vadd.f32 v49, v48;
	v46 =	vmul.f32 v30, v30;
	v31 =	vadd.f32 v43, v42  }
0xcf: {  	v47 =	vmul.f32 v29, v29;
	v34 =	vadd.f32 v45, v44  }
0xd0: {  	v38 =	vadd.f32 v51, v38;
	v31 =	vadd.f32 v31, v46  }
0xd1: {  	v34 =	vadd.f32 v34, v47  }
0xd2: {  	v56 =	vshra.s32 v38, $0x1;
	v35 =	vshra.s32 v31, $0x1  }
0xd3: {  	v31 =	vmul.f32 $5.000000000e-01, v31;
	v50 =	vshra.s32 v34, $0x1;
	v34 =	vmul.f32 $5.000000000e-01, v34  }
0xd4: {  	v38 =	vmul.f32 $5.000000000e-01, v38;
	v35 =	vsub.s32 $0x5F3759DF, v35;
	v40 =	vsub.s32 $0x5F3759DF, v50  }
0xd5: {  	v42 =	vsub.s32 $0x5F3759DF, v56;
	v52 =	vmul.f32 v35, v31;
	v53 =	vmul.f32 v40, v34  }
0xd6: {  	v57 =	vmul.f32 v42, v38  }
0xd7: {  	v54 =	vmul.f32 v35, v52;
	v55 =	vmul.f32 v40, v53;
	_ =	sdelay $0x1  }
0xd8: {  	v59 =	vmul.f32 v42, v57;
	v39 =	vsub.f32 $1.500000000e+00, v54;
	v41 =	vsub.f32 $1.500000000e+00, v55;
	_ =	sdelay $0x1  }
0xd9: {  	v35 =	vmul.f32 v35, v39;
	v58 =	vmul.f32 v40, v41;
	v40 =	vsub.f32 $1.500000000e+00, v59;
	_ =	sdelay $0x1  }
0xda: {  	v60 =	vmul.f32 v35, v31;
	v40 =	vmul.f32 v42, v40  }
0xdb: {  	v61 =	vmul.f32 v58, v34  }
0xdc: {  	v41 =	vmul.f32 v60, v35;
	v63 =	vmul.f32 v40, v38  }
0xdd: {  	v43 =	vmul.f32 v61, v58  }
0xde: {  	v41 =	vsub.f32 $1.500000000e+00, v41;
	v45 =	vmul.f32 v63, v40  }
0xdf: {  	v49 =	vmul.f32 v26, v27;
	v62 =	vsub.f32 $1.500000000e+00, v43  }
0xe0: {  	v51 =	vmul.f32 v30, v32;
	v46 =	vld [tilespmem:$0x7890];
	v35 =	vmul.f32 v41, v35;
	v41 =	vsub.f32 $1.500000000e+00, v45  }
0xe1: {  	v27 =	vmul.f32 v36, v27;
	v39 =	vmul.f32 v62, v58  }
0xe2: {  	v31 =	vmul.f32 v35, v31;
	v40 =	vmul.f32 v41, v40  }
0xe3: {  	v48 =	vmul.f32 v37, v36;
	v27 =	vsub.f32 v51, v27;
	v34 =	vmul.f32 v39, v34  }
0xe4: {  	v31 =	vmul.f32 v31, v35;
	v38 =	vmul.f32 v40, v38  }
0xe5: {  	v27 =	vmul.f32 v28, v27;
	[tilespmem:v6+s24+$0x0] =	vst.idx.msk $0xffff, v46;
	v34 =	vmul.f32 v34, v39  }
0xe6: {  	v50 =	vmul.f32 v30, v33;
	v52 =	vld [tilespmem:$0x7910];
	v31 =	vsub.f32 $1.500000000e+00, v31;
	v47 =	vmul.f32 v38, v40  }
0xe7: {  	v33 =	vmul.f32 v36, v33;
	v53 =	vmul.f32 v28, v26;
	v34 =	vsub.f32 $1.500000000e+00, v34  }
0xe8: {  	v26 =	vmul.f32 v26, v32;
	v31 =	vmul.f32 v31, v35;
	v35 =	vsub.f32 $1.500000000e+00, v47  }
0xe9: {  	v30 =	vmul.f32 v29, v30;
	v55 =	vsub.f32 v49, v50;
	v34 =	vmul.f32 v34, v39  }
0xea: {  	v36 =	vadd.f32 v53, v48;
	v26 =	vsub.f32 v33, v26;
	v54 =	vmul.f32 v35, v40  }
0xeb: {  	v57 =	vmul.f32 v37, v55;
	[tilespmem:v7+s24+$0x0] =	vst.idx.msk $0xffff, v52;
	v31 =	vmin.f32 v31, $1.000000000e+06;
	v56 =	vmin.f32 v34, $1.000000000e+06  }
0xec: {  	v30 =	vadd.f32 v36, v30;
	v60 =	vld [tilespmem:$0x7990];
	v59 =	vmul.f32 v56, v31;
	v58 =	vmin.f32 v54, $1.000000000e+06  }
0xed: {  	v26 =	vmul.f32 v29, v26;
	v27 =	vadd.f32 v27, v57;
	v28 =	vmul.f32 v31, v58  }
0xee: {  	v61 =	vmul.f32 v59, v30  }
0xef: {  	v26 =	vadd.f32 v27, v26;
	v27 =	vmul.f32 v56, v28  }
0xf0: {  	v62 =	vmax.f32 v61, $-1.000000000e+00  }
0xf1: {  	[tilespmem:v8+s24+$0x0] =	vst.idx.msk $0xffff, v60;
	v28 =	vmin.f32 v62, $1.000000000e+00;
	v26 =	vmul.f32 v27, v26  }
0xf2: {  	[tilespmem:v9+s24+$0x0] =	vst.idx.msk $0xffff, v28  }
0xf3: {  	[tilespmem:v10+s24+$0x0] =	vst.idx.msk $0xffff, v26  }
0xf4: {  	v26 =	vld [tilespmem:$0x76A0];
	_ =	sdelay $0x2  }
0xf5: {  	v27 =	vld [tilespmem:$0x7720];
	_ =	sdelay $0x2  }
0xf6: {  	v28 =	vld [tilespmem:$0x77A0]  }
0xf7: {  	v63 =	vld [tilespmem:$0x7820]  }
0xf8: {  	v40 =	vld.idx.msk [tilespmem:v26+s3+$0x0], $0xffff  }
0xf9: {  	v41 =	vld.idx.msk [tilespmem:v26+s13+$0x0], $0xffff  }
0xfa: {  	v26 =	vld.idx.msk [tilespmem:v26+s14+$0x0], $0xffff  }
0xfb: {  	v42 =	vld.idx.msk [tilespmem:v27+s3+$0x0], $0xffff  }
0xfc: {  	v43 =	vld.idx.msk [tilespmem:v27+s13+$0x0], $0xffff  }
0xfd: {  	v27 =	vld.idx.msk [tilespmem:v27+s14+$0x0], $0xffff  }
0xfe: {  	v44 =	vld.idx.msk [tilespmem:v28+s3+$0x0], $0xffff  }
0xff: {  	v35 =	vld.idx.msk [tilespmem:v28+s13+$0x0], $0xffff  }
0x100: {  	v28 =	vld.idx.msk [tilespmem:v28+s14+$0x0], $0xffff  }
0x101: {  	v45 =	vld.idx.msk [tilespmem:v63+s13+$0x0], $0xffff  }
0x102: {  	v46 =	vld.idx.msk [tilespmem:v63+s14+$0x0], $0xffff  }
0x103: {  	v29 =	vld.idx.msk [tilespmem:v63+s3+$0x0], $0xffff  }
0x104: {  	v30 =	vsub.f32 v42, v40;
	v31 =	vsub.f32 v43, v41  }
0x105: {  	v26 =	vsub.f32 v27, v26;
	v27 =	vsub.f32 v28, v27  }
0x106: {  	v33 =	vsub.f32 v35, v43;
	v32 =	vsub.f32 v44, v42  }
0x107: {  	v35 =	vsub.f32 v45, v35;
	v28 =	vsub.f32 v46, v28;
	v47 =	vmul.f32 v27, v31  }
0x108: {  	v29 =	vsub.f32 v29, v44;
	v48 =	vmul.f32 v33, v26;
	v26 =	vmul.f32 v32, v26  }
0x109: {  	v49 =	vmul.f32 v27, v30;
	v50 =	vmul.f32 v28, v33  }
0x10a: {  	v51 =	vmul.f32 v35, v27;
	v52 =	vmul.f32 v29, v27  }
0x10b: {  	v28 =	vmul.f32 v28, v32;
	v30 =	vmul.f32 v33, v30  }
0x10c: {  	v31 =	vmul.f32 v32, v31;
	v53 =	vmul.f32 v35, v32  }
0x10d: {  	v29 =	vmul.f32 v29, v33;
	v60 =	vmul.f32 v32, v32  }
0x10e: {  	v61 =	vmul.f32 v33, v33;
	v36 =	vsub.f32 v47, v48;
	v26 =	vsub.f32 v26, v49  }
0x10f: {  	v63 =	vmul.f32 v27, v27;
	v37 =	vsub.f32 v50, v51;
	v28 =	vsub.f32 v52, v28  }
0x110: {  	v30 =	vsub.f32 v30, v31;
	v54 =	vmul.f32 v36, v36;
	v55 =	vmul.f32 v26, v26  }
0x111: {  	v29 =	vsub.f32 v53, v29;
	v56 =	vmul.f32 v37, v37;
	v57 =	vmul.f32 v28, v28  }
0x112: {  	v38 =	vadd.f32 v61, v60;
	v58 =	vmul.f32 v30, v30;
	v31 =	vadd.f32 v55, v54  }
0x113: {  	v59 =	vmul.f32 v29, v29;
	v34 =	vadd.f32 v57, v56  }
0x114: {  	v38 =	vadd.f32 v63, v38;
	v31 =	vadd.f32 v31, v58  }
0x115: {  	v34 =	vadd.f32 v34, v59  }
0x116: {  	v49 =	vshra.s32 v38, $0x1;
	v35 =	vshra.s32 v31, $0x1  }
0x117: {  	v31 =	vmul.f32 $5.000000000e-01, v31;
	v62 =	vshra.s32 v34, $0x1;
	v34 =	vmul.f32 $5.000000000e-01, v34  }
0x118: {  	v38 =	vmul.f32 $5.000000000e-01, v38;
	v35 =	vsub.s32 $0x5F3759DF, v35;
	v40 =	vsub.s32 $0x5F3759DF, v62  }
0x119: {  	v42 =	vsub.s32 $0x5F3759DF, v49;
	v45 =	vmul.f32 v35, v31;
	v46 =	vmul.f32 v40, v34  }
0x11a: {  	v50 =	vmul.f32 v42, v38  }
0x11b: {  	v47 =	vmul.f32 v35, v45;
	v48 =	vmul.f32 v40, v46;
	_ =	sdelay $0x1  }
0x11c: {  	v52 =	vmul.f32 v42, v50;
	v39 =	vsub.f32 $1.500000000e+00, v47;
	v41 =	vsub.f32 $1.500000000e+00, v48;
	_ =	sdelay $0x1  }
0x11d: {  	v35 =	vmul.f32 v35, v39;
	v51 =	vmul.f32 v40, v41;
	v40 =	vsub.f32 $1.500000000e+00, v52;
	_ =	sdelay $0x1  }
0x11e: {  	v53 =	vmul.f32 v35, v31;
	v40 =	vmul.f32 v42, v40  }
0x11f: {  	v54 =	vmul.f32 v51, v34  }
0x120: {  	v41 =	vmul.f32 v53, v35;
	v56 =	vmul.f32 v40, v38  }
0x121: {  	v43 =	vmul.f32 v54, v51  }
0x122: {  	v41 =	vsub.f32 $1.500000000e+00, v41;
	v57 =	vmul.f32 v56, v40  }
0x123: {  	v61 =	vmul.f32 v26, v27;
	v55 =	vsub.f32 $1.500000000e+00, v43  }
0x124: {  	v63 =	vmul.f32 v30, v32;
	v58 =	vld [tilespmem:$0x78A0];
	v35 =	vmul.f32 v41, v35;
	v41 =	vsub.f32 $1.500000000e+00, v57  }
0x125: {  	v27 =	vmul.f32 v36, v27;
	v39 =	vmul.f32 v55, v51  }
0x126: {  	v31 =	vmul.f32 v35, v31;
	v40 =	vmul.f32 v41, v40  }
0x127: {  	v60 =	vmul.f32 v37, v36;
	v27 =	vsub.f32 v63, v27;
	v34 =	vmul.f32 v39, v34  }
0x128: {  	v31 =	vmul.f32 v31, v35;
	v38 =	vmul.f32 v40, v38  }
0x129: {  	v27 =	vmul.f32 v28, v27;
	[tilespmem:v11+s24+$0x0] =	vst.idx.msk $0xffff, v58;
	v34 =	vmul.f32 v34, v39  }
0x12a: {  	v62 =	vmul.f32 v30, v33;
	v45 =	vld [tilespmem:$0x7920];
	v31 =	vsub.f32 $1.500000000e+00, v31;
	v59 =	vmul.f32 v38, v40  }
0x12b: {  	v33 =	vmul.f32 v36, v33;
	v46 =	vmul.f32 v28, v26;
	v34 =	vsub.f32 $1.500000000e+00, v34  }
0x12c: {  	v26 =	vmul.f32 v26, v32;
	v31 =	vmul.f32 v31, v35;
	v35 =	vsub.f32 $1.500000000e+00, v59  }
0x12d: {  	v30 =	vmul.f32 v29, v30;
	v48 =	vsub.f32 v61, v62;
	v34 =	vmul.f32 v34, v39  }
0x12e: {  	v36 =	vadd.f32 v46, v60;
	v26 =	vsub.f32 v33, v26;
	v47 =	vmul.f32 v35, v40  }
0x12f: {  	v50 =	vmul.f32 v37, v48;
	[tilespmem:v12+s24+$0x0] =	vst.idx.msk $0xffff, v45;
	v31 =	vmin.f32 v31, $1.000000000e+06;
	v49 =	vmin.f32 v34, $1.000000000e+06  }
0x130: {  	v30 =	vadd.f32 v36, v30;
	v53 =	vld [tilespmem:$0x79A0];
	v52 =	vmul.f32 v49, v31;
	v51 =	vmin.f32 v47, $1.000000000e+06  }
0x131: {  	v26 =	vmul.f32 v29, v26;
	v27 =	vadd.f32 v27, v50;
	v28 =	vmul.f32 v31, v51  }
0x132: {  	v54 =	vmul.f32 v52, v30  }
0x133: {  	v26 =	vadd.f32 v27, v26;
	v27 =	vmul.f32 v49, v28  }
0x134: {  	v55 =	vmax.f32 v54, $-1.000000000e+00  }
0x135: {  	[tilespmem:v13+s24+$0x0] =	vst.idx.msk $0xffff, v53;
	v28 =	vmin.f32 v55, $1.000000000e+00;
	v26 =	vmul.f32 v27, v26  }
0x136: {  	[tilespmem:v14+s24+$0x0] =	vst.idx.msk $0xffff, v28  }
0x137: {  	[tilespmem:v15+s24+$0x0] =	vst.idx.msk $0xffff, v26  }
0x138: {  	v26 =	vld [tilespmem:$0x76B0];
	_ =	sdelay $0x2  }
0x139: {  	v27 =	vld [tilespmem:$0x7730];
	_ =	sdelay $0x2  }
0x13a: {  	v28 =	vld [tilespmem:$0x77B0]  }
0x13b: {  	v56 =	vld [tilespmem:$0x7830]  }
0x13c: {  	v57 =	vld.idx.msk [tilespmem:v26+s3+$0x0], $0xffff  }
0x13d: {  	v58 =	vld.idx.msk [tilespmem:v26+s13+$0x0], $0xffff  }
0x13e: {  	v26 =	vld.idx.msk [tilespmem:v26+s14+$0x0], $0xffff  }
0x13f: {  	v59 =	vld.idx.msk [tilespmem:v27+s3+$0x0], $0xffff  }
0x140: {  	v60 =	vld.idx.msk [tilespmem:v27+s13+$0x0], $0xffff  }
0x141: {  	v27 =	vld.idx.msk [tilespmem:v27+s14+$0x0], $0xffff  }
0x142: {  	v61 =	vld.idx.msk [tilespmem:v28+s3+$0x0], $0xffff  }
0x143: {  	v35 =	vld.idx.msk [tilespmem:v28+s13+$0x0], $0xffff  }
0x144: {  	v28 =	vld.idx.msk [tilespmem:v28+s14+$0x0], $0xffff  }
0x145: {  	v62 =	vld.idx.msk [tilespmem:v56+s13+$0x0], $0xffff  }
0x146: {  	v63 =	vld.idx.msk [tilespmem:v56+s14+$0x0], $0xffff  }
0x147: {  	v29 =	vld.idx.msk [tilespmem:v56+s3+$0x0], $0xffff  }
0x148: {  	v30 =	vsub.f32 v59, v57;
	v31 =	vsub.f32 v60, v58  }
0x149: {  	v26 =	vsub.f32 v27, v26;
	v27 =	vsub.f32 v28, v27  }
0x14a: {  	v33 =	vsub.f32 v35, v60;
	v32 =	vsub.f32 v61, v59  }
0x14b: {  	v35 =	vsub.f32 v62, v35;
	v28 =	vsub.f32 v63, v28;
	v40 =	vmul.f32 v27, v31  }
0x14c: {  	v29 =	vsub.f32 v29, v61;
	v41 =	vmul.f32 v33, v26;
	v26 =	vmul.f32 v32, v26  }
0x14d: {  	v42 =	vmul.f32 v27, v30;
	v43 =	vmul.f32 v28, v33  }
0x14e: {  	v44 =	vmul.f32 v35, v27;
	v45 =	vmul.f32 v29, v27  }
0x14f: {  	v28 =	vmul.f32 v28, v32;
	v30 =	vmul.f32 v33, v30  }
0x150: {  	v31 =	vmul.f32 v32, v31;
	v46 =	vmul.f32 v35, v32  }
0x151: {  	v29 =	vmul.f32 v29, v33;
	v53 =	vmul.f32 v32, v32  }
0x152: {  	v54 =	vmul.f32 v33, v33;
	v36 =	vsub.f32 v40, v41;
	v26 =	vsub.f32 v26, v42  }
0x153: {  	v56 =	vmul.f32 v27, v27;
	v37 =	vsub.f32 v43, v44;
	v28 =	vsub.f32 v45, v28  }
0x154: {  	v30 =	vsub.f32 v30, v31;
	v47 =	vmul.f32 v36, v36;
	v48 =	vmul.f32 v26, v26  }
0x155: {  	v29 =	vsub.f32 v46, v29;
	v49 =	vmul.f32 v37, v37;
	v50 =	vmul.f32 v28, v28  }
0x156: {  	v38 =	vadd.f32 v54, v53;
	v51 =	vmul.f32 v30, v30;
	v31 =	vadd.f32 v48, v47  }
0x157: {  	v52 =	vmul.f32 v29, v29;
	v34 =	vadd.f32 v50, v49  }
0x158: {  	v38 =	vadd.f32 v56, v38;
	v31 =	vadd.f32 v31, v51  }
0x159: {  	v34 =	vadd.f32 v34, v52  }
0x15a: {  	v61 =	vshra.s32 v38, $0x1;
	v35 =	vshra.s32 v31, $0x1  }
0x15b: {  	v31 =	vmul.f32 $5.000000000e-01, v31;
	v55 =	vshra.s32 v34, $0x1;
	v34 =	vmul.f32 $5.000000000e-01, v34  }
0x15c: {  	v38 =	vmul.f32 $5.000000000e-01, v38;
	v35 =	vsub.s32 $0x5F3759DF, v35;
	v40 =	vsub.s32 $0x5F3759DF, v55  }
0x15d: {  	v42 =	vsub.s32 $0x5F3759DF, v61;
	v57 =	vmul.f32 v35, v31;
	v58 =	vmul.f32 v40, v34  }
0x15e: {  	v62 =	vmul.f32 v42, v38  }
0x15f: {  	v59 =	vmul.f32 v35, v57;
	v60 =	vmul.f32 v40, v58;
	_ =	sdelay $0x1  }
0x160: {  	v45 =	vmul.f32 v42, v62;
	v39 =	vsub.f32 $1.500000000e+00, v59;
	v41 =	vsub.f32 $1.500000000e+00, v60;
	_ =	sdelay $0x1  }
0x161: {  	v35 =	vmul.f32 v35, v39;
	v63 =	vmul.f32 v40, v41;
	v40 =	vsub.f32 $1.500000000e+00, v45;
	_ =	sdelay $0x1  }
0x162: {  	v46 =	vmul.f32 v35, v31;
	v40 =	vmul.f32 v42, v40  }
0x163: {  	v47 =	vmul.f32 v63, v34  }
0x164: {  	v41 =	vmul.f32 v46, v35;
	v49 =	vmul.f32 v40, v38  }
0x165: {  	v43 =	vmul.f32 v47, v63  }
0x166: {  	v41 =	vsub.f32 $1.500000000e+00, v41;
	v50 =	vmul.f32 v49, v40  }
0x167: {  	v54 =	vmul.f32 v26, v27;
	v48 =	vsub.f32 $1.500000000e+00, v43  }
0x168: {  	v56 =	vmul.f32 v30, v32;
	v51 =	vld [tilespmem:$0x78B0];
	v35 =	vmul.f32 v41, v35;
	v41 =	vsub.f32 $1.500000000e+00, v50  }
0x169: {  	v27 =	vmul.f32 v36, v27;
	v39 =	vmul.f32 v48, v63  }
0x16a: {  	v31 =	vmul.f32 v35, v31;
	v40 =	vmul.f32 v41, v40  }
0x16b: {  	v53 =	vmul.f32 v37, v36;
	v27 =	vsub.f32 v56, v27;
	v34 =	vmul.f32 v39, v34  }
0x16c: {  	v31 =	vmul.f32 v31, v35;
	v38 =	vmul.f32 v40, v38  }
0x16d: {  	v27 =	vmul.f32 v28, v27;
	[tilespmem:v16+s24+$0x0] =	vst.idx.msk $0xffff, v51;
	v34 =	vmul.f32 v34, v39  }
0x16e: {  	v55 =	vmul.f32 v30, v33;
	v57 =	vld [tilespmem:$0x7930];
	v31 =	vsub.f32 $1.500000000e+00, v31;
	v52 =	vmul.f32 v38, v40  }
0x16f: {  	v33 =	vmul.f32 v36, v33;
	v58 =	vmul.f32 v28, v26;
	v34 =	vsub.f32 $1.500000000e+00, v34  }
0x170: {  	v26 =	vmul.f32 v26, v32;
	v31 =	vmul.f32 v31, v35;
	v35 =	vsub.f32 $1.500000000e+00, v52  }
0x171: {  	v30 =	vmul.f32 v29, v30;
	v60 =	vsub.f32 v54, v55;
	v34 =	vmul.f32 v34, v39  }
0x172: {  	v36 =	vadd.f32 v58, v53;
	v26 =	vsub.f32 v33, v26;
	v59 =	vmul.f32 v35, v40  }
0x173: {  	v62 =	vmul.f32 v37, v60;
	[tilespmem:v17+s24+$0x0] =	vst.idx.msk $0xffff, v57;
	v31 =	vmin.f32 v31, $1.000000000e+06;
	v61 =	vmin.f32 v34, $1.000000000e+06  }
0x174: {  	v30 =	vadd.f32 v36, v30;
	v38 =	vld [tilespmem:$0x79B0];
	v37 =	vmul.f32 v61, v31;
	v63 =	vmin.f32 v59, $1.000000000e+06  }
0x175: {  	v26 =	vmul.f32 v29, v26;
	v27 =	vadd.f32 v27, v62;
	v28 =	vmul.f32 v31, v63  }
0x176: {  	v39 =	vmul.f32 v37, v30  }
0x177: {  	v26 =	vadd.f32 v27, v26;
	v27 =	vmul.f32 v61, v28  }
0x178: {  	v40 =	vmax.f32 v39, $-1.000000000e+00  }
0x179: {  	[tilespmem:v18+s24+$0x0] =	vst.idx.msk $0xffff, v38;
	v28 =	vmin.f32 v40, $1.000000000e+00;
	v26 =	vmul.f32 v27, v26  }
0x17a: {  	[tilespmem:v19+s24+$0x0] =	vst.idx.msk $0xffff, v28  }
0x17b: {  	[tilespmem:v20+s24+$0x0] =	vst.idx.msk $0xffff, v26  }
0x17c: {  	v26 =	vld [tilespmem:$0x76C0];
	_ =	sdelay $0x2  }
0x17d: {  	v27 =	vld [tilespmem:$0x7740];
	_ =	sdelay $0x2  }
0x17e: {  	v28 =	vld [tilespmem:$0x77C0]  }
0x17f: {  	v41 =	vld [tilespmem:$0x7840]  }
0x180: {  	v42 =	vld.idx.msk [tilespmem:v26+s3+$0x0], $0xffff  }
0x181: {  	v43 =	vld.idx.msk [tilespmem:v26+s13+$0x0], $0xffff  }
0x182: {  	v26 =	vld.idx.msk [tilespmem:v26+s14+$0x0], $0xffff  }
0x183: {  	v44 =	vld.idx.msk [tilespmem:v27+s3+$0x0], $0xffff  }
0x184: {  	v45 =	vld.idx.msk [tilespmem:v27+s13+$0x0], $0xffff  }
0x185: {  	v27 =	vld.idx.msk [tilespmem:v27+s14+$0x0], $0xffff  }
0x186: {  	v46 =	vld.idx.msk [tilespmem:v28+s13+$0x0], $0xffff  }
0x187: {  	v35 =	vld.idx.msk [tilespmem:v28+s14+$0x0], $0xffff  }
0x188: {  	v28 =	vld.idx.msk [tilespmem:v28+s3+$0x0], $0xffff  }
0x189: {  	v47 =	vld.idx.msk [tilespmem:v41+s13+$0x0], $0xffff  }
0x18a: {  	v48 =	vld.idx.msk [tilespmem:v41+s14+$0x0], $0xffff  }
0x18b: {  	v29 =	vld.idx.msk [tilespmem:v41+s3+$0x0], $0xffff;
	v31 =	vsub.f32 v45, v43  }
0x18c: {  	v26 =	vsub.f32 v27, v26;
	v27 =	vsub.f32 v35, v27  }
0x18d: {  	v33 =	vsub.f32 v46, v45;
	v32 =	vsub.f32 v28, v44  }
0x18e: {  	v30 =	vsub.f32 v44, v42;
	v34 =	vsub.f32 v47, v46;
	v49 =	vmul.f32 v27, v31  }
0x18f: {  	v35 =	vsub.f32 v48, v35;
	v50 =	vmul.f32 v33, v26;
	v26 =	vmul.f32 v32, v26  }
0x190: {  	v28 =	vsub.f32 v29, v28;
	v51 =	vmul.f32 v27, v30;
	v52 =	vmul.f32 v33, v30  }
0x191: {  	v53 =	vmul.f32 v32, v31;
	v54 =	vmul.f32 v35, v33  }
0x192: {  	v55 =	vmul.f32 v34, v27;
	v56 =	vmul.f32 v28, v27  }
0x193: {  	v35 =	vmul.f32 v35, v32;
	v34 =	vmul.f32 v34, v32  }
0x194: {  	v28 =	vmul.f32 v28, v33;
	v62 =	vmul.f32 v32, v32  }
0x195: {  	v63 =	vmul.f32 v33, v33;
	v31 =	vsub.f32 v49, v50;
	v26 =	vsub.f32 v26, v51  }
0x196: {  	v45 =	vmul.f32 v27, v27;
	v30 =	vsub.f32 v54, v55;
	v35 =	vsub.f32 v56, v35  }
0x197: {  	v29 =	vsub.f32 v52, v53;
	v57 =	vmul.f32 v31, v31;
	v58 =	vmul.f32 v26, v26  }
0x198: {  	v28 =	vsub.f32 v34, v28;
	v60 =	vmul.f32 v30, v30;
	v61 =	vmul.f32 v35, v35  }
0x199: {  	v37 =	vadd.f32 v63, v62;
	v59 =	vmul.f32 v29, v29;
	v36 =	vadd.f32 v58, v57  }
0x19a: {  	v44 =	vmul.f32 v28, v28;
	v34 =	vadd.f32 v61, v60  }
0x19b: {  	v37 =	vadd.f32 v45, v37;
	v36 =	vadd.f32 v36, v59  }
0x19c: {  	v34 =	vadd.f32 v34, v44  }
0x19d: {  	v49 =	vshra.s32 v37, $0x1;
	v46 =	vshra.s32 v36, $0x1  }
0x19e: {  	v36 =	vmul.f32 $5.000000000e-01, v36;
	v48 =	vshra.s32 v34, $0x1;
	v34 =	vmul.f32 $5.000000000e-01, v34  }
0x19f: {  	v37 =	vmul.f32 $5.000000000e-01, v37;
	v47 =	vsub.s32 $0x5F3759DF, v46;
	v39 =	vsub.s32 $0x5F3759DF, v48  }
0x1a0: {  	v40 =	vsub.s32 $0x5F3759DF, v49;
	v50 =	vmul.f32 v47, v36;
	v51 =	vmul.f32 v39, v34  }
0x1a1: {  	v52 =	vmul.f32 v40, v37  }
0x1a2: {  	v41 =	vmul.f32 v47, v50;
	v42 =	vmul.f32 v39, v51  }
0x1a3: {  	v43 =	vmul.f32 v40, v52  }
0x1a4: {  	v41 =	vsub.f32 $1.500000000e+00, v41;
	v42 =	vsub.f32 $1.500000000e+00, v42  }
0x1a5: {  	v43 =	vsub.f32 $1.500000000e+00, v43  }
0x1a6: {  	v38 =	vmul.f32 v47, v41;
	v39 =	vmul.f32 v39, v42  }
0x1a7: {  	v40 =	vmul.f32 v40, v43  }
0x1a8: {  	v41 =	vmul.f32 v38, v36;
	v42 =	vmul.f32 v39, v34  }
0x1a9: {  	v43 =	vmul.f32 v40, v37  }
0x1aa: {  	v41 =	vmul.f32 v41, v38;
	v42 =	vmul.f32 v42, v39  }
0x1ab: {  	v54 =	vmul.f32 v30, v31;
	v43 =	vmul.f32 v43, v40  }
0x1ac: {  	v55 =	vmul.f32 v26, v27;
	v41 =	vsub.f32 $1.500000000e+00, v41;
	v42 =	vsub.f32 $1.500000000e+00, v42  }
0x1ad: {  	v53 =	vld [tilespmem:$0x78C0];
	v56 =	vmul.f32 v29, v33;
	v27 =	vmul.f32 v31, v27;
	v43 =	vsub.f32 $1.500000000e+00, v43  }
0x1ae: {  	v38 =	vmul.f32 v41, v38;
	v39 =	vmul.f32 v42, v39  }
0x1af: {  	v57 =	vmul.f32 v29, v32;
	v40 =	vmul.f32 v43, v40  }
0x1b0: {  	v36 =	vmul.f32 v38, v36;
	v34 =	vmul.f32 v39, v34  }
0x1b1: {  	v32 =	vmul.f32 v26, v32;
	v37 =	vmul.f32 v40, v37  }
0x1b2: {  	[tilespmem:v21+s24+$0x0] =	vst.idx.msk $0xffff, v53;
	v36 =	vmul.f32 v36, v38;
	v34 =	vmul.f32 v34, v39  }
0x1b3: {  	v26 =	vmul.f32 v35, v26;
	v27 =	vsub.f32 v57, v27;
	v37 =	vmul.f32 v37, v40;
	v41 =	vld [tilespmem:$0x7940]  }
0x1b4: {  	v31 =	vmul.f32 v31, v33;
	v36 =	vsub.f32 $1.500000000e+00, v36;
	v34 =	vsub.f32 $1.500000000e+00, v34  }
0x1b5: {  	v29 =	vmul.f32 v28, v29;
	v26 =	vadd.f32 v26, v54;
	v37 =	vsub.f32 $1.500000000e+00, v37  }
0x1b6: {  	v36 =	vmul.f32 v36, v38;
	v34 =	vmul.f32 v34, v39;
	v39 =	vsub.f32 v55, v56  }
0x1b7: {  	v31 =	vsub.f32 v31, v32;
	v27 =	vmul.f32 v35, v27;
	v37 =	vmul.f32 v37, v40  }
0x1b8: {  	[tilespmem:v22+s24+$0x0] =	vst.idx.msk $0xffff, v41;
	v36 =	vmin.f32 v36, $1.000000000e+06;
	v58 =	vmin.f32 v34, $1.000000000e+06;
	v30 =	vmul.f32 v30, v39  }
0x1b9: {  	v26 =	vadd.f32 v26, v29;
	v59 =	vmin.f32 v37, $1.000000000e+06;
	v61 =	vld [tilespmem:$0x79C0];
	v60 =	vmul.f32 v58, v36  }
0x1ba: {  	v28 =	vmul.f32 v28, v31;
	v62 =	vmul.f32 v36, v59;
	v27 =	vadd.f32 v27, v30  }
0x1bb: {  	v26 =	vmul.f32 v60, v26  }
0x1bc: {  	v63 =	vmul.f32 v58, v62;
	v27 =	vadd.f32 v27, v28  }
0x1bd: {  	v26 =	vmax.f32 v26, $-1.000000000e+00  }
0x1be: {  	[tilespmem:v23+s24+$0x0] =	vst.idx.msk $0xffff, v61;
	v26 =	vmin.f32 v26, $1.000000000e+00;
	v27 =	vmul.f32 v63, v27  }
0x1bf: {  	[tilespmem:v24+s24+$0x0] =	vst.idx.msk $0xffff, v26  }
0x1c0: {  	[tilespmem:v25+s24+$0x0] =	vst.idx.msk $0xffff, v27  }
0x1c1: {  	[hbm4b:s31+s3] =	stream.linear.scatter [tilespmem:s24], [sflag:$0x3], $0x280, $0x38;
	[tilespmem:$0xCC80] =	vst v63  }
0x1c2: {  	_ =	swait.ge [sflag:s12], $0x280  }
0x1c3: {  	[sflag:s12] =	ssyncset.done $0x0  }
0x1c4: {  	[sflag:s12] =	ssyncadd.s32 $0xFFFFFD80  }
0x1c5: {  	_ =	swait.ge [sflag:s25], $0x2800  }
0x1c6: {  	[sflag:s25] =	ssyncset.done $0x0  }
0x1c7: {  	[sflag:s25] =	ssyncadd.s32 $0xFFFFD800  }
0x1c8: {  	_ =	swait.ge [sflag:s26], $0x2800  }
0x1c9: {  	[sflag:s26] =	ssyncset.done $0x0  }
0x1ca: {  	[sflag:s26] =	ssyncadd.s32 $0xFFFFD800  }
0x1cb: {  	[hbm4b:s30+s3] =	stream.linear.scatter [tilespmem:s18], [sflag:$0x3], $0x2800, $0x38;
	[tilespmem:$0xCC80] =	vst v63  }
0x1cc: {  	_ =	swait.ge [sflag:s12], $0x2800  }
0x1cd: {  	p0 =	sne.s32 s0, $0x4D8;
	[sflag:s12] =	ssyncset.done $0x0  }
.Ltmp0:
0x1ce: {  	[sflag:s12] =	ssyncadd.s32 $0xFFFFD800;
	(pc) =	sbr.rel @p0 .LBB2_2-.Ltmp0, $4  }
0x1cf: {  	[hbm4b:s29+s3] =	stream.linear.scatter [tilespmem:s19], [sflag:$0x3], $0x2800, $0x38;
	[tilespmem:$0xCC80] =	vst v63  }
0x1d0: {  	_ =	swait.ge [sflag:s12], $0x2800  }
0x1d1: {  	s0 =	sadd.s32 $0xA, s0;
	s31 =	sadd.s32 $0x50, s31;
	[sflag:s12] =	ssyncset.done $0x0  }
0x1d2: {  	s30 =	sadd.s32 $0x500, s30;
	s29 =	sadd.s32 $0x500, s29;
	[sflag:s12] =	ssyncadd.s32 $0xFFFFD800  }
0x1d3: {  	s28 =	sadd.s32 $0x1, s28  }
0x1d4: {  	p0 =	sne.s32 s28, s8  }
.Ltmp1:
0x1d5: {  	_ = 	snop;
	(pc) =	sbr.rel @p0 .LBB2_1-.Ltmp1, $1  }
0x1d6: {  	_ =	sdelay $0x3  }
0x1d7: {  	_ =	sfence.sel $0x180000  }
0x1d8: {  	[bflag:$0x0] =	sbarrier.arrive $0xFFFF  }
0x1d9: {  	_ =	strace $0x90000047  }
0x1da: {  	s0 =	stileid.u32;
	[bflag:$0x2] =	sbarrier.arrive $0xFFFF  }
0x1db: {  	p0 =	sne.s32 s0, $0x0;
	s0 =	rddreg [dreg:$0x2]  }
0x1dc: {  	s0 =	sadd.s32 @!p0 $0x100000, s0  }
0x1dd: {  	[sflag:s0] =	ssyncadd.tile.s32 @!p0 $0x1;
	_ =	shalt  }
.Lfunc_end2:
_tile_overlayer_lowered:
.L_overlay_start_2:
0x1de: {  	(tag) =	ssettag $0x2  }
0x1df: {  	s0 =	rddreg [dreg:$0x0];
	s2 =	stileid.u32  }
0x1e0: {  	s1 =	rddreg [dreg:$0x1];
	p0 =	sne.s32 s2, $0x0  }
0x1e1: {  	s3 =	rddreg [dreg:$0x2];
	[bflag:$0x3] =	sbarrier.arrive $0xFFFF;
	s2 =	simm.s32 @!p0 $0x1C03  }
0x1e2: {  	[timem:s3], [sflag:s2] =	dma.local @!p0 [hbm:s0], s1  }
0x1e3: {  	s0 =	simm.s32 @!p0 $0x3  }
0x1e4: {  	_ =	swait.ge @!p0 [sflag:s0], s1  }
0x1e5: {  	s1 =	ssub.s32 @!p0 $0x0, s1;
	[sflag:s0] =	ssyncset.done @!p0 $0x0  }
0x1e6: {  	[sflag:s0] =	ssyncadd.s32 @!p0 s1  }
0x1e7: {  	[bflag:$0x3] =	sbarrier.arrive $0xFFFF  }
0x1e8: {  	_ =	shalt  }

// kernel: kernel.9.cloned.1.call-start
scs
__scs_entry_jumppad:
0x0: {  	(pc) =	sbr.rel $0x88, $3  }
0x1: {  	(tag) =	ssettag $0x0;
	lr =	simm.s32 $0x1  }
0x2: {  	[smem:$0x3F94] =	sst lr;
	_ =	strace $0xD0000000  }
0x3: {  	_ = 	snop  }
0x4: {  	_ = 	snop  }
0x5: {  	_ = 	snop  }
0x6: {  	_ = 	snop  }
0x7: {  	_ = 	snop  }
__scs_overlays_trampoline_lowered:
0x8: {  	[smem:$0x3FA3] =	sst s0  }
0x9: {  	[smem:$0x3FA4] =	sst s1  }
0xa: {  	[smem:$0x3FA5] =	sst s2  }
0xb: {  	[smem:$0x3FA6] =	sst s3  }
0xc: {  	[smem:$0x3FA7] =	sst s4  }
0xd: {  	[smem:$0x3FA8] =	sst s5  }
0xe: {  	[smem:$0x3FA9] =	sst s6  }
0xf: {  	[smem:$0x3FAA] =	sst s7  }
0x10: {  	[smem:$0x3FAB] =	sst s8  }
0x11: {  	[smem:$0x3FAC] =	sst s9;
	s0 =	simm.s32 @!p0 $0x0  }
0x12: {  	s1 =	sld [smem:$0x3F92];
	s0 =	simm.s32 @p0 $0x1  }
0x13: {  	[smem:$0x3FAD] =	sst s0;
	s0 =	simm.s32 @!p1 $0x0  }
0x14: {  	s2 =	sld [smem:$0x3F91];
	s0 =	simm.s32 @p1 $0x1  }
0x15: {  	[smem:$0x3FAE] =	sst s0;
	s0 =	simm.s32 @!p2 $0x0  }
0x16: {  	s3 =	sld [smem:$0x3FDB];
	s0 =	simm.s32 @p2 $0x1  }
0x17: {  	s4 =	simm.s32 $0x1BF5;
	[smem:$0x3FB0] =	sst s0  }
0x18: {  	s0 =	sld [smem:$0x3F93];
	_ =	swait.ge [sflag:s4], $0x0  }
0x19: {  	s7 =	sld [smem:$0x3F94]  }
0x1a: {  	s8 =	sadd.s32 $0xFFFFE003, lr  }
0x1b: {  	s9 =	sadd.s32 $0xFFFFFEF7, lr;
	s5 =	simm.s32 $0xFFFFFFFF;
	p2 =	slt.u32 s8, $0xFFFFF086  }
0x1c: {  	p1 =	slt.u32 s9, $0xF7A;
	s5 =	simm.s32 @!p2 $0x0  }
0x1d: {  	s5 =	simm.s32 @p1 $0x1;
	p0 =	seq.s32 s7, s2  }
0x1e: {  	s7 =	smul.u32 @!p0 $0xF7A, s2;
	p2 =	seq.s32 @!p0 s5, $0x0  }
0x1f: {  	s9 =	smul.u32 $0xF7A, s1;
	s8 =	simm.s32 @!p0 $0x1BF5;
	p2 =	por !p2, p0  }
0x20: {  	[sflag:s8] =	ssyncset.s32 @!p0 $0xFFFFF086;
	s6 =	sadd.s32 @!p0 s3, s7;
	s7 =	simm.s32 @!p0 $0x108  }
0x21: {  	s3 =	sadd.s32 s3, s9;
	s6 =	sadd.s32 @!p0 $0x88, s6;
	s7 =	simm.s32 @p2 $0x1082  }
0x22: {  	[simem:s7], [sflag:s8] =	dma.local @!p0 [hbm:s6], $0xF7A  }
0x23: {  	s9 =	sor.u32 $0xD0000000, s2;
	s6 =	simm.s32 $0x108;
	_ =	swait.ge @!p0 [sflag:s8], $0x0  }
0x24: {  	s3 =	sadd.s32 $0x88, s3;
	s6 =	simm.s32 @!p1 $0x1082;
	[sflag:s4] =	ssyncset.s32 $0xFFFFF086  }
0x25: {  	[simem:s6], [sflag:s4] =	dma.local [hbm:s3], $0xF7A  }
0x26: {  	[smem:$0x3F94] =	sst s1;
	(tag) =	ssettag s2;
	_ =	strace s9  }
0x27: {  	s1 =	sld [smem:$0x3FA4]  }
0x28: {  	s2 =	sld [smem:$0x3FA5]  }
0x29: {  	s4 =	sld [smem:$0x3FA7]  }
0x2a: {  	p0 =	seq.s32 s5, $0x0;
	s5 =	sld [smem:$0x3FA8]  }
0x2b: {  	s6 =	sld [smem:$0x3FA9]  }
0x2c: {  	s7 =	sld [smem:$0x3FAA]  }
0x2d: {  	s3 =	simm.s32 $0x108;
	s8 =	sld [smem:$0x3FAB]  }
0x2e: {  	s3 =	simm.s32 @!p0 $0x1082;
	s9 =	sld [smem:$0x3FAC]  }
0x2f: {  	lr =	sadd.s32 s0, s3;
	s0 =	sld [smem:$0x3FA3]  }
0x30: {  	s3 =	sld [smem:$0x3FA6]  }
0x31: {  	[smem:$0x3FAF] =	sst s10  }
0x32: {  	s10 =	sld [smem:$0x3FAD];
	_ =	sdelay $0x3  }
0x33: {  	p0 =	seq.s32 s10, $0x1;
	s10 =	sld [smem:$0x3FAF];
	_ =	sdelay $0x3  }
0x34: {  	[smem:$0x3FAF] =	sst s10  }
0x35: {  	s10 =	sld [smem:$0x3FAE];
	_ =	sdelay $0x3  }
0x36: {  	p1 =	seq.s32 s10, $0x1;
	s10 =	sld [smem:$0x3FAF];
	_ =	sdelay $0x3  }
0x37: {  	[smem:$0x3FAF] =	sst s10  }
0x38: {  	s10 =	sld [smem:$0x3FB0]  }
0x39: {  	_ = 	snop;
	(pc) =	sbr.ind lr, $3  }
0x3a: {  	_ = 	snop  }
0x3b: {  	_ = 	snop  }
0x3c: {  	p2 =	seq.s32 s10, $0x1;
	s10 =	sld [smem:$0x3FAF]  }
0x3d: {  	_ =	shalt  }
0x3e: {  	_ =	shalt  }
0x3f: {  	_ =	shalt  }
0x40: {  	_ =	shalt  }
0x41: {  	_ =	shalt  }
0x42: {  	_ =	shalt  }
0x43: {  	_ =	shalt  }
0x44: {  	_ =	shalt  }
0x45: {  	_ =	shalt  }
0x46: {  	_ =	shalt  }
0x47: {  	_ =	shalt  }
0x48: {  	_ =	shalt  }
0x49: {  	_ =	shalt  }
0x4a: {  	_ =	shalt  }
0x4b: {  	_ =	shalt  }
0x4c: {  	_ =	shalt  }
0x4d: {  	_ =	shalt  }
0x4e: {  	_ =	shalt  }
0x4f: {  	_ =	shalt  }
0x50: {  	_ =	shalt  }
0x51: {  	_ =	shalt  }
0x52: {  	_ =	shalt  }
0x53: {  	_ =	shalt  }
0x54: {  	_ =	shalt  }
0x55: {  	_ =	shalt  }
0x56: {  	_ =	shalt  }
0x57: {  	_ =	shalt  }
0x58: {  	_ =	shalt  }
0x59: {  	_ =	shalt  }
0x5a: {  	_ =	shalt  }
0x5b: {  	_ =	shalt  }
0x5c: {  	_ =	shalt  }
0x5d: {  	_ =	shalt  }
0x5e: {  	_ =	shalt  }
0x5f: {  	_ =	shalt  }
0x60: {  	_ =	shalt  }
0x61: {  	_ =	shalt  }
0x62: {  	_ =	shalt  }
0x63: {  	_ =	shalt  }
0x64: {  	_ =	shalt  }
0x65: {  	_ =	shalt  }
0x66: {  	_ =	shalt  }
0x67: {  	_ =	shalt  }
0x68: {  	_ =	shalt  }
0x69: {  	_ =	shalt  }
0x6a: {  	_ =	shalt  }
0x6b: {  	_ =	shalt  }
0x6c: {  	_ =	shalt  }
0x6d: {  	_ =	shalt  }
0x6e: {  	_ =	shalt  }
0x6f: {  	_ =	shalt  }
0x70: {  	_ =	shalt  }
0x71: {  	_ =	shalt  }
0x72: {  	_ =	shalt  }
0x73: {  	_ =	shalt  }
0x74: {  	_ =	shalt  }
0x75: {  	_ =	shalt  }
0x76: {  	_ =	shalt  }
0x77: {  	_ =	shalt  }
0x78: {  	_ =	shalt  }
0x79: {  	_ =	shalt  }
0x7a: {  	_ =	shalt  }
0x7b: {  	_ =	shalt  }
0x7c: {  	_ =	shalt  }
0x7d: {  	_ =	shalt  }
0x7e: {  	_ =	shalt  }
0x7f: {  	_ =	shalt  }
0x80: {  	_ =	shalt  }
0x81: {  	_ =	shalt  }
0x82: {  	_ =	shalt  }
0x83: {  	_ =	shalt  }
0x84: {  	_ =	shalt  }
0x85: {  	_ =	shalt  }
0x86: {  	_ =	shalt  }
0x87: {  	_ =	shalt  }
.Lfunc_end0:
.L_simem_size_0:
called_computation.1_lowered:
.L_overlay_start_0:
0x88: {  	s2 =	sld [smem:$0x3FD9]  }
0x89: {  	s3 =	sld [smem:$0x3FFE];
	_ =	sdelay $0x1  }
0x8a: {  	s1 =	srdreg.scid  }
0x8b: {  	s0 =	sand.u32 $0x1, s1  }
0x8c: {  	s17 =	sshll.u32 s0, $0xA;
	s2 =	sadd.s32 s3, s2  }
0x8d: {  	s2 =	sadd.s32 s2, s17  }
0x8e: {  	[smem:$0x3FBB] =	sst s2  }
0x8f: {  	_ = 	snop  }
0x90: {  	s2 =	sld [smem:$0x3FD0];
	(tm) =	ssettm $0x1  }
0x91: {  	s18 =	sld [smem:$0x3FFB];
	_ =	sdelay $0x3  }
0x92: {  	_ =	strace s18  }
0x93: {  	s3 =	sld [smem:$0x3FFC];
	_ =	sdelay $0x3  }
0x94: {  	_ =	strace s3  }
0x95: {  	s3 =	sld [smem:$0x3FFD];
	_ =	sdelay $0x3  }
0x96: {  	_ =	strace s3  }
0x97: {  	_ =	strace $0x8FFFFFFF  }
0x98: {  	s19 =	sld [smem:$0x3FDB];
	_ =	sdelay $0x1  }
0x99: {  	s4 =	simm.s32 $_scs_section_size  }
0x9a: {  	s5 =	simm.s32 $_size__tile_overlayer_lowered;
	s6 =	simm.s32 $_tile_overlayer_lowered  }
0x9b: {  	s22 =	simm.s32 $0x1BFF;
	s21 =	sshll.u32 s6, $0x1;
	s3 =	sadd.s32 s4, s19  }
0x9c: {  	s7 =	simm.s32 $0x0;
	s20 =	sshll.u32 s5, $0x1;
	s5 =	sadd.s32 s21, s3  }
0x9d: {  	[timem:s7], [sflag:s22] =	dma.local [hbm:s5], s20  }
0x9e: {  	_ =	swait.ge [sflag:s22], s20  }
0x9f: {  	s4 =	ssub.s32 $0x0, s20;
	[sflag:s22] =	ssyncset.done $0x0  }
0xa0: {  	[sflag:s22] =	ssyncadd.s32 s4;
	_ =	sdelay $0x1  }
0xa1: {  	s23 =	simm.s32 $0x1B8B  }
0xa2: {  	_ =	swait.ge [sflag:s23], $0x1  }
0xa3: {  	[sflag:s23] =	ssyncset.done $0x0  }
0xa4: {  	s25 =	simm.s32 $0x1B8E;
	s24 =	sld [smem:$0x3FFE];
	[sflag:s23] =	ssyncadd.s32 $0xFFFFFFFF  }
0xa5: {  	s26 =	simm.s32 $execute0_lowered;
	[smem:$0x3FD2] =	sst s25  }
0xa6: {  	s5 =	sshll.u32 s26, $0x1;
	_ =	strace $0x80000049;
	[dreg:$0x1] =	wrdreg $0xFFFFFFFF  }
0xa7: {  	s28 =	simm.s32 $_size_execute0_lowered;
	s3 =	sadd.s32 s3, s5;
	[dreg:$0x0] =	wrdreg $0x0  }
0xa8: {  	s5 =	sshll.u32 s28, $0x1;
	[dreg:$0x2] =	wrdreg s3  }
0xa9: {  	[dreg:$0x3] =	wrdreg s5  }
0xaa: {  	[dreg:$0x4] =	wrdreg $0xC0  }
0xab: {  	_ =	task [dreg:s7], $0x5FFFF  }
0xac: {  	[dreg:$0x1] =	wrdreg $0xFFFFFFFF  }
0xad: {  	[dreg:$0x0] =	wrdreg $0x60  }
0xae: {  	[dreg:$0x2] =	wrdreg s24  }
0xaf: {  	[dreg:$0x3] =	wrdreg s2  }
0xb0: {  	[dreg:$0x4] =	wrdreg $0x0  }
0xb1: {  	[dreg:$0x5] =	wrdreg $0x138800  }
0xb2: {  	[dreg:$0x6] =	wrdreg $0x9  }
0xb3: {  	_ =	task.clear_ibuf [dreg:s7], $0x7FFFF;
	_ =	strace $0x90000049  }
0xb4: {  	s29 =	simm.s32 $0x9;
	_ =	strace $0x8000004B  }
0xb5: {  	_ =	swait.ge [sflag:s29], $0x1  }
0xb6: {  	[sflag:s29] =	ssyncadd.s32 $0xFFFFFFFF  }
0xb7: {  	_ =	strace $0x9000004B  }
0xb8: {  	_ =	sfence  }
0xb9: {  	s30 =	sld [smem:$0x0];
	_ =	sdelay $0x2  }
0xba: {  	s31 =	sshll.u32 s1, $0xD;
	s1 =	sshrl.u32 s1, $0x2  }
0xbb: {  	s3 =	sand.u32 $0x4000, s31;
	s1 =	sadd.s32 s1, s30  }
0xbc: {  	s0 =	sor.u32 s3, s0;
	s1 =	sshll.u32 s1, $0x11  }
0xbd: {  	s0 =	sor.u32 s1, s0  }
0xbe: {  	s0 =	sadd.s32 $0x8F2B, s0  }
0xbf: {  	[sflag:s0] =	ssyncadd.remote.s32 $0x1  }
0xc0: {  	_ =	sfence.sel $0xFFFF  }
0xc1: {  	[dreg:$0x0] =	wrdreg $0xFFFFFFFF;
	(pc) =	sbr.abs _section_cstart, $3  }
0xc2: {  	[dreg:$0x1] =	wrdreg $0xFFFFFFFF  }
0xc3: {  	_ =	task.clear_ibuf [dreg:s7], $0x2FFFF;
	_ =	strace $0x9FFFFFFF  }
0xc4: {  	(tm) =	ssettm $0x7FFFFFFF  }
0xc5: {  	_ =	shalt  }
tec
execute0_lowered:
.L_overlay_start_1:
0x0: {  	(tag) =	ssettag $0x1  }
0x1: {  	s23 =	stileid.u32  }
0x2: {  	s4 =	smul.u32 $0x4E200, s23  }
0x3: {  	s1 =	srdreg.scid;
	s8 =	smul.u32 $0x2800, s23  }
0x4: {  	s5 =	sand.u32 $0x1, s1;
	s20 =	smul.u32 $0x4E20, s23  }
0x5: {  	s0 =	rddreg [dreg:$0x0];
	s6 =	smul.u32 $0x4E200, s5  }
0x6: {  	s11 =	rddreg [dreg:$0x1];
	s31 =	sor.u32 $0x10, s23;
	s7 =	smul.u32 $0x138800, s5  }
0x7: {  	s2 =	rddreg [dreg:$0x3];
	s30 =	sor.u32 $0x20, s23;
	s9 =	smul.u32 $0x2800, s31  }
0x8: {  	s3 =	simm.s32 $0x0;
	s29 =	sor.u32 $0x30, s23;
	s10 =	smul.u32 $0x2800, s30  }
0x9: {  	s1 =	rddreg [dreg:$0x2];
	s28 =	sor.u32 $0x40, s23;
	s13 =	smul.u32 $0x2800, s29  }
0xa: {  	s26 =	sor.u32 $0x50, s23;
	s25 =	sor.u32 $0x60, s23;
	s18 =	smul.u32 $0x2800, s28  }
0xb: {  	s24 =	sor.u32 $0x70, s23;
	[smem:$0x7FF] =	sst s3;
	s19 =	smul.u32 $0x2800, s26  }
0xc: {  	p0 =	sne.s32 s23, $0x0;
	s5 =	ssub.s32 $0x2, s5;
	s14 =	smul.u32 $0x2800, s25  }
0xd: {  	p1 =	sgt.u32 s23, $0xC;
	s15 =	smul.u32 $0x2800, s24;
	s12 =	sshrl.u32 s5, $0x1  }
0xe: {  	s22 =	sadd.s32 s4, s0;
	s21 =	ssub.s32 s5, s12;
	s8 =	sadd.s32 s8, s7  }
0xf: {  	s9 =	sadd.s32 s7, s9;
	s10 =	sadd.s32 s7, s10;
	s13 =	sadd.s32 s7, s13  }
0x10: {  	s16 =	sadd.s32 s7, s18;
	s12 =	sadd.s32 s7, s19;
	s14 =	sadd.s32 s7, s14  }
0x11: {  	s15 =	sadd.s32 s7, s15;
	s17 =	sadd.s32 s20, s6;
	s18 =	smul.u32 $0xA000, s23  }
0x12: {  	s5 =	smul.u32 $0xA000, s31;
	s22 =	sadd.s32 $0xF3A600, s22;
	s7 =	sshrl.u32 s8, $0x3  }
0x13: {  	s8 =	sshrl.u32 s9, $0x3;
	s10 =	sshrl.u32 s10, $0x3;
	s13 =	sshrl.u32 s13, $0x3  }
0x14: {  	s16 =	sshrl.u32 s16, $0x3;
	s19 =	sshrl.u32 s12, $0x3;
	s20 =	sshrl.u32 s14, $0x3  }
0x15: {  	s14 =	sshrl.u32 s17, $0x3;
	s17 =	smul.u32 $0xA000, s29;
	s21 =	smax.u32 s21, $0x1  }
0x16: {  	s4 =	sadd.s32 s0, s7;
	s9 =	sadd.s32 s0, s8;
	s6 =	sadd.s32 s0, s10  }
0x17: {  	s7 =	sadd.s32 s0, s13;
	s8 =	sadd.s32 s0, s16;
	s10 =	sadd.s32 s0, s20  }
0x18: {  	s12 =	sadd.s32 s14, s11;
	s16 =	smul.u32 $0xA000, s30;
	[dreg:$0x7] =	wrdreg s4  }
0x19: {  	s4 =	sshrl.u32 s15, $0x3;
	s15 =	sshrl.u32 s18, $0x2;
	s18 =	smul.u32 $0xA000, s28  }
0x1a: {  	[dreg:$0x5] =	wrdreg s9;
	s9 =	sadd.s32 s0, s19;
	s19 =	smul.u32 $0xA000, s26  }
0x1b: {  	s20 =	sshrl.u32 s17, $0x2;
	s0 =	sadd.s32 s0, s4;
	s13 =	sadd.s32 s15, s1  }
0x1c: {  	s11 =	sshrl.u32 s16, $0x2;
	s4 =	smul.u32 $0xA000, s25;
	s16 =	sadd.s32 s20, s1  }
0x1d: {  	[dreg:$0x6] =	wrdreg s0;
	s0 =	sshrl.u32 s5, $0x2;
	s15 =	sadd.s32 s11, s1  }
0x1e: {  	s17 =	sshrl.u32 s18, $0x2;
	s5 =	smul.u32 $0xA000, s24;
	_ =	strace $0x8000004A  }
0x1f: {  	s14 =	sadd.s32 s0, s1;
	s17 =	sadd.s32 s17, s1;
	s0 =	sshrl.u32 s19, $0x2  }
0x20: {  	s19 =	sshrl.u32 s4, $0x2;
	s4 =	smul.u32 $0x50, s23;
	s23 =	simm.s32 $0x13B80  }
0x21: {  	s18 =	sadd.s32 s0, s1;
	s19 =	sadd.s32 s19, s1;
	s20 =	sshrl.u32 s5, $0x2  }
0x22: {  	v0 =	vlaneseq.u32;
	v41 =	vimm.f32 $0.0e+00;
	s0 =	smul.u32 $0x50, s31;
	s20 =	sadd.s32 s20, s1;
	s11 =	sadd.s32 $0x10, s4  }
0x23: {  	v46 =	vimm.f32 $1.000000000e+00;
	v42 =	vor.u32 $0x10, v0;
	v1 =	vor.u32 s4, v0;
	s31 =	sadd.s32 $0x20, s4;
	s5 =	sadd.s32 $0x30, s4;
	s4 =	sadd.s32 $0x40, s4  }
0x24: {  	v43 =	vor.u32 $0x20, v0;
	v3 =	vor.u32 s31, v0;
	v4 =	vor.u32 s5, v0;
	s5 =	smul.u32 $0x50, s30;
	s31 =	sadd.s32 $0x10, s0;
	s30 =	sadd.s32 $0x20, s0  }
0x25: {  	v2 =	vor.u32 s11, v0;
	v7 =	vor.u32 s0, v0;
	s11 =	smul.u32 $0x50, s29;
	v6 =	vor.u32 s31, v0;
	s31 =	sadd.s32 $0x30, s0;
	s0 =	sadd.s32 $0x40, s0  }
0x26: {  	v5 =	vor.u32 s4, v0;
	v8 =	vor.u32 s30, v0;
	s30 =	simm.s32 $0x0;
	v9 =	vor.u32 s31, v0;
	s4 =	sadd.s32 $0x10, s5;
	s31 =	sadd.s32 $0x20, s5  }
0x27: {  	v44 =	vor.u32 $0x30, v0;
	v10 =	vor.u32 s0, v0;
	s29 =	sadd.s32 $0x30, s5;
	s0 =	smul.u32 $0x50, s26;
	v12 =	vor.u32 s31, v0;
	s31 =	sadd.s32 $0x40, s5  }
0x28: {  	v45 =	vor.u32 $0x40, v0;
	v13 =	vor.u32 s5, v0;
	v11 =	vor.u32 s4, v0;
	s4 =	smul.u32 $0x50, s28;
	s5 =	sadd.s32 $0x10, s11;
	s28 =	sadd.s32 $0x30, s11  }
0x29: {  	v16 =	vor.u32 s11, v0;
	v14 =	vor.u32 s29, v0;
	s29 =	simm.s32 $0x18B80;
	v15 =	vor.u32 s31, v0;
	s31 =	sadd.s32 $0x20, s11;
	s11 =	sadd.s32 $0x40, s11  }
0x2a: {  	v17 =	vor.u32 s5, v0;
	v19 =	vor.u32 s28, v0;
	s5 =	rddreg [dreg:$0x7];
	v18 =	vor.u32 s31, v0;
	s31 =	sadd.s32 $0x10, s4;
	s26 =	sadd.s32 $0x20, s4  }
0x2b: {  	v20 =	vor.u32 s11, v0;
	v22 =	vor.u32 s4, v0;
	s11 =	smul.u32 $0x50, s25;
	v21 =	vor.u32 s31, v0;
	s31 =	sadd.s32 $0x30, s4;
	s4 =	sadd.s32 $0x40, s4  }
0x2c: {  	v28 =	vor.u32 s0, v0;
	s25 =	sadd.s32 $0x10, s0;
	v23 =	vor.u32 s26, v0;
	s26 =	sadd.s32 $0x20, s0;
	v25 =	vor.u32 s4, v0;
	s4 =	smul.u32 $0x50, s24  }
.Ltmp0:
0x2d: {  	v26 =	vor.u32 s25, v0;
	v24 =	vor.u32 s31, v0;
	s31 =	sadd.s32 $0x30, s0;
	v27 =	vor.u32 s26, v0;
	s0 =	sadd.s32 $0x40, s0;
	(pc) =	sbr.rel .LBB2_1-.Ltmp0, $4  }
0x2e: {  	s24 =	sadd.s32 $0x10, s11;
	v31 =	vor.u32 s11, v0;
	s26 =	sadd.s32 $0x20, s11;
	v29 =	vor.u32 s31, v0;
	v30 =	vor.u32 s0, v0;
	s31 =	sadd.s32 $0x30, s11  }
0x2f: {  	s28 =	simm.s32 $0x16380;
	s11 =	sadd.s32 $0x40, s11;
	v32 =	vor.u32 s24, v0;
	v33 =	vor.u32 s26, v0;
	v34 =	vor.u32 s31, v0;
	s24 =	sadd.s32 $0x10, s4  }
0x30: {  	s25 =	sadd.s32 $0x20, s4;
	s26 =	sadd.s32 $0x30, s4;
	v35 =	vor.u32 s11, v0;
	v37 =	vor.u32 s4, v0;
	s31 =	sadd.s32 $0x40, s4;
	v36 =	vor.u32 s24, v0  }
0x31: {  	v38 =	vor.u32 s25, v0;
	v39 =	vor.u32 s26, v0;
	v40 =	vor.u32 s31, v0;
	s24 =	simm.s32 $0x1;
	s25 =	simm.s32 $0x13B00;
	s26 =	simm.s32 $0x50  }
.LBB2_24:
0x32: {  	[tilespmem:s31+$0x30] =	vst v55  }
0x33: {  	[tilespmem:s31+$0xFFFFFFC0] =	vst v53  }
0x34: {  	v47 =	vmul.f32 v47, v48;
	[tilespmem:s31+$0x10] =	vst v54  }
0x35: {  	v51 =	vmul.f32 v51, v48;
	[tilespmem:s31+$0xFFFFFFE0] =	vst v52  }
0x36: {  	v49 =	vmul.f32 v49, v48;
	[tilespmem:s31+$0xFFFFFFF0] =	vst v47  }
0x37: {  	v63 =	vmul.f32 v50, v48;
	[tilespmem:s31+$0x0] =	vst v51  }
0x38: {  	[tilespmem:s31+$0x20] =	vst v49  }
0x39: {  	s0 =	rddreg [dreg:$0x6];
	[tilespmem:s31+$0xFFFFFFD0] =	vst v63  }
0x3a: {  	[hbm4b:s0+s3] =	stream.linear.scatter [tilespmem:s23], [sflag:$0x1], $0x2800, $0x38;
	[tilespmem:$0x18C80] =	vst v63  }
0x3b: {  	_ =	swait.ge [sflag:s24], $0x2800  }
0x3c: {  	[sflag:s24] =	ssyncset.done $0x0  }
0x3d: {  	[sflag:s24] =	ssyncadd.s32 $0xFFFFD800  }
.LBB2_25:
0x3e: {  	s30 =	sadd.s32 $0x1, s30  }
0x3f: {  	p2 =	sne.s32 s30, s21  }
.Ltmp1:
0x40: {  	_ = 	snop;
	(pc) =	sbr.rel @!p2 .LBB2_26-.Ltmp1, $1  }
0x41: {  	_ =	sdelay $0x3  }
.LBB2_1:
0x42: {  	s0 =	simm.s32 $0x0;
	s11 =	simm.s32 $0x200  }
.LBB2_2:
0x43: {  	p2 =	sne.s32 s11, $0x9E00;
	[tilespmem:s0+$0x163F0] =	vst v41  }
0x44: {  	[tilespmem:s0+$0x16380] =	vst v41  }
0x45: {  	[tilespmem:s0+$0x16390] =	vst v41  }
.Ltmp2:
0x46: {  	[tilespmem:s0+$0x163A0] =	vst v41;
	(pc) =	sbr.rel @p2 .LBB2_2-.Ltmp2, $4  }
0x47: {  	[tilespmem:s0+$0x163B0] =	vst v41  }
0x48: {  	[tilespmem:s0+$0x163C0] =	vst v41  }
0x49: {  	[tilespmem:s0+$0x163D0] =	vst v41  }
0x4a: {  	[tilespmem:s0+$0x163E0] =	vst v41;
	s0 =	sshra.s32 s11, $0x2;
	s11 =	sadd.s32 $0x200, s11  }
0x4b: {  	[tilespmem:s0+$0x163F0] =	vst v41  }
0x4c: {  	[tilespmem:s0+$0x16380] =	vst v41  }
0x4d: {  	[tilespmem:s0+$0x16390] =	vst v41  }
0x4e: {  	[tilespmem:s0+$0x163A0] =	vst v41  }
0x4f: {  	[tilespmem:s0+$0x163B0] =	vst v41  }
0x50: {  	[tilespmem:s0+$0x163C0] =	vst v41  }
0x51: {  	[tilespmem:s0+$0x163D0] =	vst v41  }
0x52: {  	[tilespmem:s0+$0x163E0] =	vst v41  }
0x53: {  	[tilespmem:$0x18B80] =	vst v0  }
0x54: {  	[tilespmem:$0x18B90] =	vst v42  }
0x55: {  	[tilespmem:$0x18BA0] =	vst v43  }
0x56: {  	[tilespmem:$0x18BB0] =	vst v44  }
0x57: {  	s0 =	simm.s32 @!p0 $0x16380;
	[tilespmem:$0x18BC0] =	vst v45  }
0x58: {  	[spmem:s2] =	stream.linear.scatter @!p0 [tilespmem:s0], [sflag:$0x1], $0x2800, $0x38;
	[tilespmem:$0x18C80] =	vst v63  }
0x59: {  	s0 =	simm.s32 @!p0 $0x1  }
0x5a: {  	_ =	swait.ge @!p0 [sflag:s0], $0x2800  }
0x5b: {  	[sflag:s0] =	ssyncset.done @!p0 $0x0  }
0x5c: {  	s11 =	simm.s32 $0x200;
	[sflag:s0] =	ssyncadd.s32 @!p0 $0xFFFFD800;
	s0 =	simm.s32 $0x0  }
.LBB2_4:
0x5d: {  	p2 =	sne.s32 s11, $0x9E00;
	[tilespmem:s0+$0x13BF0] =	vst v41  }
0x5e: {  	[tilespmem:s0+$0x13B80] =	vst v41  }
0x5f: {  	[tilespmem:s0+$0x13B90] =	vst v41  }
.Ltmp3:
0x60: {  	[tilespmem:s0+$0x13BA0] =	vst v41;
	(pc) =	sbr.rel @p2 .LBB2_4-.Ltmp3, $4  }
0x61: {  	[tilespmem:s0+$0x13BB0] =	vst v41  }
0x62: {  	[tilespmem:s0+$0x13BC0] =	vst v41  }
0x63: {  	[tilespmem:s0+$0x13BD0] =	vst v41  }
0x64: {  	[tilespmem:s0+$0x13BE0] =	vst v41;
	s0 =	sshra.s32 s11, $0x2;
	s11 =	sadd.s32 $0x200, s11  }
0x65: {  	[tilespmem:s0+$0x13BF0] =	vst v41  }
0x66: {  	[tilespmem:s0+$0x13B80] =	vst v41  }
0x67: {  	[tilespmem:s0+$0x13B90] =	vst v41  }
0x68: {  	[tilespmem:s0+$0x13BA0] =	vst v41  }
0x69: {  	[tilespmem:s0+$0x13BB0] =	vst v41  }
0x6a: {  	[tilespmem:s0+$0x13BC0] =	vst v41  }
0x6b: {  	[tilespmem:s0+$0x13BD0] =	vst v41  }
0x6c: {  	[tilespmem:s0+$0x13BE0] =	vst v41  }
0x6d: {  	[spmem:s13] =	stream.linear.scatter [tilespmem:s23], [sflag:$0x1], $0x2800, $0x38;
	[tilespmem:$0x18C80] =	vst v63  }
0x6e: {  	_ =	swait.ge [sflag:s24], $0x2800  }
0x6f: {  	[sflag:s24] =	ssyncset.done $0x0  }
0x70: {  	[sflag:s24] =	ssyncadd.s32 $0xFFFFD800  }
0x71: {  	[spmem:s14] =	stream.linear.scatter [tilespmem:s23], [sflag:$0x1], $0x2800, $0x38;
	[tilespmem:$0x18C80] =	vst v63  }
0x72: {  	_ =	swait.ge [sflag:s24], $0x2800  }
0x73: {  	[sflag:s24] =	ssyncset.done $0x0  }
0x74: {  	[sflag:s24] =	ssyncadd.s32 $0xFFFFD800  }
0x75: {  	[spmem:s15] =	stream.linear.scatter [tilespmem:s23], [sflag:$0x1], $0x2800, $0x38;
	[tilespmem:$0x18C80] =	vst v63  }
0x76: {  	_ =	swait.ge [sflag:s24], $0x2800  }
0x77: {  	[sflag:s24] =	ssyncset.done $0x0  }
0x78: {  	[sflag:s24] =	ssyncadd.s32 $0xFFFFD800  }
0x79: {  	[spmem:s16] =	stream.linear.scatter [tilespmem:s23], [sflag:$0x1], $0x2800, $0x38;
	[tilespmem:$0x18C80] =	vst v63  }
0x7a: {  	_ =	swait.ge [sflag:s24], $0x2800  }
0x7b: {  	[sflag:s24] =	ssyncset.done $0x0  }
0x7c: {  	[sflag:s24] =	ssyncadd.s32 $0xFFFFD800  }
0x7d: {  	[spmem:s17] =	stream.linear.scatter [tilespmem:s23], [sflag:$0x1], $0x2800, $0x38;
	[tilespmem:$0x18C80] =	vst v63  }
0x7e: {  	_ =	swait.ge [sflag:s24], $0x2800  }
0x7f: {  	[sflag:s24] =	ssyncset.done $0x0  }
0x80: {  	[sflag:s24] =	ssyncadd.s32 $0xFFFFD800  }
0x81: {  	[spmem:s18] =	stream.linear.scatter [tilespmem:s23], [sflag:$0x1], $0x2800, $0x38;
	[tilespmem:$0x18C80] =	vst v63  }
0x82: {  	_ =	swait.ge [sflag:s24], $0x2800  }
0x83: {  	[sflag:s24] =	ssyncset.done $0x0  }
0x84: {  	[sflag:s24] =	ssyncadd.s32 $0xFFFFD800  }
0x85: {  	[spmem:s19] =	stream.linear.scatter [tilespmem:s23], [sflag:$0x1], $0x2800, $0x38;
	[tilespmem:$0x18C80] =	vst v63  }
0x86: {  	_ =	swait.ge [sflag:s24], $0x2800  }
0x87: {  	[sflag:s24] =	ssyncset.done $0x0  }
0x88: {  	s0 =	simm.s32 @!p1 $0x13B80;
	[sflag:s24] =	ssyncadd.s32 $0xFFFFD800  }
0x89: {  	[spmem:s20] =	stream.linear.scatter @!p1 [tilespmem:s0], [sflag:$0x1], $0x2800, $0x38;
	[tilespmem:$0x18C80] =	vst v63  }
0x8a: {  	s0 =	simm.s32 @!p1 $0x1  }
0x8b: {  	_ =	swait.ge @!p1 [sflag:s0], $0x2800  }
0x8c: {  	[sflag:s0] =	ssyncset.done @!p1 $0x0  }
0x8d: {  	[sflag:s0] =	ssyncadd.s32 @!p1 $0xFFFFD800  }
0x8e: {  	s11 =	smov.u32 s22;
	s0 =	simm.s32 $0x0;
	[bflag:$0x0] =	sbarrier.arrive $0xFFFF  }
.LBB2_6:
0x8f: {  	s4 =	sadd.s32 s0, s12  }
0x90: {  	[tilespmem:s25], [sflag:$0x1] =	stream.linear.gather [hbm4b:s4+s3], $0x50, $0x38;
	[tilespmem:$0x18C80] =	vst v63  }
0x91: {  	_ =	swait.ge [sflag:s24], $0x50  }
0x92: {  	[sflag:s24] =	ssyncset.done $0x0  }
0x93: {  	[sflag:s24] =	ssyncadd.s32 $0xFFFFFFB0  }
0x94: {  	[tilespmem:s23], [sflag:$0x1] =	stream.linear.gather [hbm4b:s11+s3], $0x2800, $0x38;
	[tilespmem:$0x18C80] =	vst v63  }
0x95: {  	_ =	swait.ge [sflag:s24], $0x2800  }
0x96: {  	[sflag:s24] =	ssyncset.done $0x0  }
0x97: {  	[sflag:s24] =	ssyncadd.s32 $0xFFFFD800  }
0x98: {  	[spmem:s1] =	stream.indirect.scatter.add.f32 [tilespmem:s23], [sflag:$0x1], $0x80, s25, s26, $0xb8;
	[tilespmem:$0x18C80] =	vst v63  }
0x99: {  	_ =	swait.ge [sflag:s24], $0x2800  }
0x9a: {  	[sflag:s24] =	ssyncset.done $0x0  }
0x9b: {  	[sflag:s24] =	ssyncadd.s32 $0xFFFFD800  }
0x9c: {  	v47 =	vld [tilespmem:$0x13B00];
	_ =	sdelay $0x7  }
0x9d: {  	[tilespmem:v47+s28+$0x0] =	vst.idx.add.f32.msk $0xffff, v46  }
0x9e: {  	v47 =	vld [tilespmem:$0x13B10];
	_ =	sdelay $0x7  }
0x9f: {  	[tilespmem:v47+s28+$0x0] =	vst.idx.add.f32.msk $0xffff, v46  }
0xa0: {  	v47 =	vld [tilespmem:$0x13B20];
	_ =	sdelay $0x7  }
0xa1: {  	[tilespmem:v47+s28+$0x0] =	vst.idx.add.f32.msk $0xffff, v46  }
0xa2: {  	v47 =	vld [tilespmem:$0x13B30];
	_ =	sdelay $0x7  }
0xa3: {  	[tilespmem:v47+s28+$0x0] =	vst.idx.add.f32.msk $0xffff, v46  }
0xa4: {  	v47 =	vld [tilespmem:$0x13B40];
	_ =	sdelay $0x2  }
0xa5: {  	p2 =	sne.s32 s0, $0x9BA  }
.Ltmp4:
0xa6: {  	_ = 	snop;
	(pc) =	sbr.rel @p2 .LBB2_6-.Ltmp4, $2  }
0xa7: {  	_ =	sdelay $0x2  }
0xa8: {  	s0 =	sadd.s32 $0xA, s0;
	s11 =	sadd.s32 $0x500, s11;
	[tilespmem:v47+s28+$0x0] =	vst.idx.add.f32.msk $0xffff, v46  }
0xa9: {  	[spmem:s2] =	stream.indirect.scatter.add.f32 [tilespmem:s28], [sflag:$0x1], $0x80, s29, s26, $0xb8;
	[tilespmem:$0x18C80] =	vst v63  }
0xaa: {  	_ =	swait.ge [sflag:s24], $0x2800  }
0xab: {  	[sflag:s24] =	ssyncset.done $0x0  }
0xac: {  	[sflag:s24] =	ssyncadd.s32 $0xFFFFD800  }
0xad: {  	[bflag:$0x0] =	sbarrier.arrive $0xFFFF  }
0xae: {  	[tilespmem:s28], [sflag:$0x1] =	stream.linear.gather [spmem:s2], $0x2800, $0x38;
	[tilespmem:$0x18C80] =	vst v63  }
0xaf: {  	_ =	swait.ge [sflag:s24], $0x2800  }
0xb0: {  	[sflag:s24] =	ssyncset.done $0x0  }
0xb1: {  	[sflag:s24] =	ssyncadd.s32 $0xFFFFD800  }
0xb2: {  	[tilespmem:s23], [sflag:$0x1] =	stream.linear.gather [spmem:s13], $0x2800, $0x38;
	[tilespmem:$0x18C80] =	vst v63  }
0xb3: {  	_ =	swait.ge [sflag:s24], $0x2800  }
0xb4: {  	[sflag:s24] =	ssyncset.done $0x0  }
0xb5: {  	[sflag:s24] =	ssyncadd.s32 $0xFFFFD800  }
0xb6: {  	v47 =	vld.idx.msk [tilespmem:v1+s28+$0x0], $0xffff;
	_ =	sdelay $0x4  }
0xb7: {  	v47 =	vmax.f32 v47, $1.000000000e+00  }
0xb8: {  	(erf) = vrcp.f32 v47;
	_ =	sdelay $0x8  }
0xb9: {  	v47 =	vpop (erf)  }
0xba: {  	[tilespmem:$0x18C00] =	vst v47  }
0xbb: {  	v47 =	vld.idx.msk [tilespmem:v2+s28+$0x0], $0xffff;
	_ =	sdelay $0x4  }
0xbc: {  	v47 =	vmax.f32 v47, $1.000000000e+00  }
0xbd: {  	(erf) = vrcp.f32 v47;
	_ =	sdelay $0x8  }
0xbe: {  	v47 =	vpop (erf)  }
0xbf: {  	[tilespmem:$0x18C10] =	vst v47  }
0xc0: {  	v47 =	vld.idx.msk [tilespmem:v3+s28+$0x0], $0xffff;
	_ =	sdelay $0x4  }
0xc1: {  	v47 =	vmax.f32 v47, $1.000000000e+00  }
0xc2: {  	(erf) = vrcp.f32 v47;
	_ =	sdelay $0x8  }
0xc3: {  	v47 =	vpop (erf)  }
0xc4: {  	[tilespmem:$0x18C20] =	vst v47  }
0xc5: {  	v47 =	vld.idx.msk [tilespmem:v4+s28+$0x0], $0xffff;
	_ =	sdelay $0x4  }
0xc6: {  	v47 =	vmax.f32 v47, $1.000000000e+00  }
0xc7: {  	(erf) = vrcp.f32 v47;
	_ =	sdelay $0x8  }
0xc8: {  	v47 =	vpop (erf)  }
0xc9: {  	[tilespmem:$0x18C30] =	vst v47  }
0xca: {  	v47 =	vld.idx.msk [tilespmem:v5+s28+$0x0], $0xffff;
	_ =	sdelay $0x4  }
0xcb: {  	v47 =	vmax.f32 v47, $1.000000000e+00  }
0xcc: {  	(erf) = vrcp.f32 v47;
	_ =	sdelay $0x8  }
0xcd: {  	v47 =	vpop (erf)  }
0xce: {  	s31 =	simm.s32 $0x13BC0;
	[tilespmem:$0x18C40] =	vst v47  }
0xcf: {  	v51 =	vld [tilespmem:s31+$0x30]  }
0xd0: {  	v54 =	vld [tilespmem:s31+$0x10]  }
0xd1: {  	s0 =	simm.s32 $0x0;
	v52 =	vld [tilespmem:s31+$0xFFFFFFC0]  }
0xd2: {  	v48 =	vld.msk [tilespmem:s0+$0x18C00 ss:$0x0], $0xffff  }
0xd3: {  	v56 =	vld [tilespmem:s31+$0xFFFFFFE0]  }
0xd4: {  	v47 =	vld [tilespmem:s31+$0xFFFFFFF0]  }
0xd5: {  	v49 =	vld [tilespmem:s31+$0x20]  }
0xd6: {  	v50 =	vld [tilespmem:s31+$0xFFFFFFD0]  }
0xd7: {  	v55 =	vmul.f32 v51, v48;
	v51 =	vld [tilespmem:s31+$0x0]  }
0xd8: {  	v53 =	vmul.f32 v48, v52  }
0xd9: {  	s11 =	simm.s32 $0x13BC0;
	s0 =	simm.s32 $0x4;
	v52 =	vmul.f32 v56, v48;
	v54 =	vmul.f32 v54, v48  }
.LBB2_8:
0xda: {  	p2 =	sne.s32 s0, $0x13C  }
0xdb: {  	v50 =	vmul.f32 v50, v48;
	v49 =	vmul.f32 v49, v48;
	[tilespmem:s31+$0x30] =	vst v55;
	s11 =	sadd.s32 $0x80, s11;
	s4 =	smov.u32 s0;
	s0 =	sadd.s32 $0x4, s0  }
0xdc: {  	[tilespmem:s31+$0xFFFFFFC0] =	vst v53;
	v53 =	vmul.f32 v47, v48;
	v48 =	vmul.f32 v51, v48  }
0xdd: {  	[tilespmem:s31+$0x10] =	vst v54  }
0xde: {  	[tilespmem:s31+$0xFFFFFFE0] =	vst v52  }
0xdf: {  	v47 =	vld [tilespmem:s11+$0xFFFFFFF0];
	[tilespmem:s31+$0xFFFFFFF0] =	vst v53  }
0xe0: {  	v52 =	vld [tilespmem:s11+$0x30];
	[tilespmem:s31+$0x0] =	vst v48  }
0xe1: {  	v54 =	vld [tilespmem:s11+$0x10];
	[tilespmem:s31+$0x20] =	vst v49  }
0xe2: {  	s4 =	sshra.s32 s4, $0x2;
	v53 =	vld [tilespmem:s11+$0xFFFFFFC0];
	[tilespmem:s31+$0xFFFFFFD0] =	vst v50;
	s31 =	smov.u32 s11  }
0xe3: {  	v48 =	vld.msk [tilespmem:s4+$0x18C00 ss:$0x0], $0xffff  }
0xe4: {  	v56 =	vld [tilespmem:s11+$0xFFFFFFE0]  }
0xe5: {  	v49 =	vld [tilespmem:s11+$0x20]  }
.Ltmp5:
0xe6: {  	v50 =	vld [tilespmem:s11+$0xFFFFFFD0];
	(pc) =	sbr.rel @p2 .LBB2_8-.Ltmp5, $3  }
0xe7: {  	v51 =	vld [tilespmem:s11+$0x0];
	_ =	sdelay $0x1  }
0xe8: {  	v53 =	vmul.f32 v48, v53;
	v55 =	vmul.f32 v52, v48  }
0xe9: {  	v54 =	vmul.f32 v54, v48;
	v52 =	vmul.f32 v56, v48  }
0xea: {  	[tilespmem:s31+$0x30] =	vst v55  }
0xeb: {  	[tilespmem:s31+$0xFFFFFFC0] =	vst v53  }
0xec: {  	v47 =	vmul.f32 v47, v48;
	[tilespmem:s31+$0x10] =	vst v54  }
0xed: {  	v49 =	vmul.f32 v49, v48;
	[tilespmem:s31+$0xFFFFFFE0] =	vst v52  }
0xee: {  	v59 =	vmul.f32 v50, v48;
	[tilespmem:s31+$0xFFFFFFF0] =	vst v47  }
0xef: {  	v51 =	vmul.f32 v51, v48;
	[tilespmem:s31+$0x20] =	vst v49  }
0xf0: {  	[tilespmem:s31+$0xFFFFFFD0] =	vst v59  }
0xf1: {  	s0 =	simm.s32 $0x0;
	[tilespmem:s31+$0x0] =	vst v51  }
0xf2: {  	[hbm4b:s5+s0] =	stream.linear.scatter [tilespmem:s23], [sflag:$0x1], $0x2800, $0x38;
	[tilespmem:$0x18C80] =	vst v63  }
0xf3: {  	_ =	swait.ge [sflag:s24], $0x2800  }
0xf4: {  	[sflag:s24] =	ssyncset.done $0x0  }
0xf5: {  	[sflag:s24] =	ssyncadd.s32 $0xFFFFD800  }
0xf6: {  	[tilespmem:s23], [sflag:$0x1] =	stream.linear.gather [spmem:s14], $0x2800, $0x38;
	[tilespmem:$0x18C80] =	vst v63  }
0xf7: {  	_ =	swait.ge [sflag:s24], $0x2800  }
0xf8: {  	[sflag:s24] =	ssyncset.done $0x0  }
0xf9: {  	[sflag:s24] =	ssyncadd.s32 $0xFFFFD800  }
0xfa: {  	v60 =	vld.idx.msk [tilespmem:v7+s28+$0x0], $0xffff;
	_ =	sdelay $0x4  }
0xfb: {  	v47 =	vmax.f32 v60, $1.000000000e+00  }
0xfc: {  	(erf) = vrcp.f32 v47;
	_ =	sdelay $0x8  }
0xfd: {  	v47 =	vpop (erf)  }
0xfe: {  	[tilespmem:$0x18C00] =	vst v47  }
0xff: {  	v47 =	vld.idx.msk [tilespmem:v6+s28+$0x0], $0xffff;
	_ =	sdelay $0x4  }
0x100: {  	v47 =	vmax.f32 v47, $1.000000000e+00  }
0x101: {  	(erf) = vrcp.f32 v47;
	_ =	sdelay $0x8  }
0x102: {  	v47 =	vpop (erf)  }
0x103: {  	[tilespmem:$0x18C10] =	vst v47  }
0x104: {  	v47 =	vld.idx.msk [tilespmem:v8+s28+$0x0], $0xffff;
	_ =	sdelay $0x4  }
0x105: {  	v47 =	vmax.f32 v47, $1.000000000e+00  }
0x106: {  	(erf) = vrcp.f32 v47;
	_ =	sdelay $0x8  }
0x107: {  	v47 =	vpop (erf)  }
0x108: {  	[tilespmem:$0x18C20] =	vst v47  }
0x109: {  	v47 =	vld.idx.msk [tilespmem:v9+s28+$0x0], $0xffff;
	_ =	sdelay $0x4  }
0x10a: {  	v47 =	vmax.f32 v47, $1.000000000e+00  }
0x10b: {  	(erf) = vrcp.f32 v47;
	_ =	sdelay $0x8  }
0x10c: {  	v47 =	vpop (erf)  }
0x10d: {  	[tilespmem:$0x18C30] =	vst v47  }
0x10e: {  	v47 =	vld.idx.msk [tilespmem:v10+s28+$0x0], $0xffff;
	_ =	sdelay $0x4  }
0x10f: {  	v47 =	vmax.f32 v47, $1.000000000e+00  }
0x110: {  	(erf) = vrcp.f32 v47;
	_ =	sdelay $0x8  }
0x111: {  	v47 =	vpop (erf)  }
0x112: {  	s31 =	simm.s32 $0x13BC0;
	[tilespmem:$0x18C40] =	vst v47  }
0x113: {  	v61 =	vld [tilespmem:s31+$0x30]  }
0x114: {  	v62 =	vld [tilespmem:s31+$0x10]  }
0x115: {  	s11 =	simm.s32 $0x0;
	v63 =	vld [tilespmem:s31+$0xFFFFFFC0]  }
0x116: {  	v48 =	vld.msk [tilespmem:s11+$0x18C00 ss:$0x0], $0xffff  }
0x117: {  	v56 =	vld [tilespmem:s31+$0xFFFFFFE0]  }
0x118: {  	v47 =	vld [tilespmem:s31+$0xFFFFFFF0]  }
0x119: {  	v49 =	vld [tilespmem:s31+$0x20]  }
0x11a: {  	v50 =	vld [tilespmem:s31+$0xFFFFFFD0]  }
0x11b: {  	v51 =	vld [tilespmem:s31+$0x0]  }
0x11c: {  	v53 =	vmul.f32 v48, v63;
	v55 =	vmul.f32 v61, v48  }
0x11d: {  	s0 =	simm.s32 $0x4;
	s11 =	simm.s32 $0x13BC0;
	v52 =	vmul.f32 v56, v48;
	v54 =	vmul.f32 v62, v48  }
.LBB2_10:
0x11e: {  	p2 =	sne.s32 s0, $0x13C  }
0x11f: {  	v50 =	vmul.f32 v50, v48;
	v49 =	vmul.f32 v49, v48;
	[tilespmem:s31+$0x30] =	vst v55;
	s11 =	sadd.s32 $0x80, s11;
	s4 =	smov.u32 s0;
	s0 =	sadd.s32 $0x4, s0  }
0x120: {  	[tilespmem:s31+$0xFFFFFFC0] =	vst v53;
	v53 =	vmul.f32 v47, v48;
	v48 =	vmul.f32 v51, v48  }
0x121: {  	[tilespmem:s31+$0x10] =	vst v54  }
0x122: {  	[tilespmem:s31+$0xFFFFFFE0] =	vst v52  }
0x123: {  	v47 =	vld [tilespmem:s11+$0xFFFFFFF0];
	[tilespmem:s31+$0xFFFFFFF0] =	vst v53  }
0x124: {  	v52 =	vld [tilespmem:s11+$0x30];
	[tilespmem:s31+$0x0] =	vst v48  }
0x125: {  	v54 =	vld [tilespmem:s11+$0x10];
	[tilespmem:s31+$0x20] =	vst v49  }
0x126: {  	s4 =	sshra.s32 s4, $0x2;
	v53 =	vld [tilespmem:s11+$0xFFFFFFC0];
	[tilespmem:s31+$0xFFFFFFD0] =	vst v50;
	s31 =	smov.u32 s11  }
0x127: {  	v48 =	vld.msk [tilespmem:s4+$0x18C00 ss:$0x0], $0xffff  }
0x128: {  	v56 =	vld [tilespmem:s11+$0xFFFFFFE0]  }
0x129: {  	v49 =	vld [tilespmem:s11+$0x20]  }
.Ltmp6:
0x12a: {  	v50 =	vld [tilespmem:s11+$0xFFFFFFD0];
	(pc) =	sbr.rel @p2 .LBB2_10-.Ltmp6, $3  }
0x12b: {  	v51 =	vld [tilespmem:s11+$0x0];
	_ =	sdelay $0x1  }
0x12c: {  	v53 =	vmul.f32 v48, v53;
	v55 =	vmul.f32 v52, v48  }
0x12d: {  	v54 =	vmul.f32 v54, v48;
	v52 =	vmul.f32 v56, v48  }
0x12e: {  	[tilespmem:s31+$0x30] =	vst v55  }
0x12f: {  	[tilespmem:s31+$0xFFFFFFC0] =	vst v53  }
0x130: {  	v47 =	vmul.f32 v47, v48;
	[tilespmem:s31+$0x10] =	vst v54  }
0x131: {  	v49 =	vmul.f32 v49, v48;
	[tilespmem:s31+$0xFFFFFFE0] =	vst v52  }
0x132: {  	v59 =	vmul.f32 v50, v48;
	[tilespmem:s31+$0xFFFFFFF0] =	vst v47  }
0x133: {  	v51 =	vmul.f32 v51, v48;
	[tilespmem:s31+$0x20] =	vst v49  }
0x134: {  	[tilespmem:s31+$0xFFFFFFD0] =	vst v59  }
0x135: {  	s0 =	simm.s32 $0x0;
	s4 =	rddreg [dreg:$0x5];
	[tilespmem:s31+$0x0] =	vst v51  }
0x136: {  	[hbm4b:s4+s0] =	stream.linear.scatter [tilespmem:s23], [sflag:$0x1], $0x2800, $0x38;
	[tilespmem:$0x18C80] =	vst v63  }
0x137: {  	_ =	swait.ge [sflag:s24], $0x2800  }
0x138: {  	[sflag:s24] =	ssyncset.done $0x0  }
0x139: {  	[sflag:s24] =	ssyncadd.s32 $0xFFFFD800  }
0x13a: {  	[tilespmem:s23], [sflag:$0x1] =	stream.linear.gather [spmem:s15], $0x2800, $0x38;
	[tilespmem:$0x18C80] =	vst v63  }
0x13b: {  	_ =	swait.ge [sflag:s24], $0x2800  }
0x13c: {  	[sflag:s24] =	ssyncset.done $0x0  }
0x13d: {  	[sflag:s24] =	ssyncadd.s32 $0xFFFFD800  }
0x13e: {  	v60 =	vld.idx.msk [tilespmem:v13+s28+$0x0], $0xffff;
	_ =	sdelay $0x4  }
0x13f: {  	v47 =	vmax.f32 v60, $1.000000000e+00  }
0x140: {  	(erf) = vrcp.f32 v47;
	_ =	sdelay $0x8  }
0x141: {  	v47 =	vpop (erf)  }
0x142: {  	[tilespmem:$0x18C00] =	vst v47  }
0x143: {  	v47 =	vld.idx.msk [tilespmem:v11+s28+$0x0], $0xffff;
	_ =	sdelay $0x4  }
0x144: {  	v47 =	vmax.f32 v47, $1.000000000e+00  }
0x145: {  	(erf) = vrcp.f32 v47;
	_ =	sdelay $0x8  }
0x146: {  	v47 =	vpop (erf)  }
0x147: {  	[tilespmem:$0x18C10] =	vst v47  }
0x148: {  	v47 =	vld.idx.msk [tilespmem:v12+s28+$0x0], $0xffff;
	_ =	sdelay $0x4  }
0x149: {  	v47 =	vmax.f32 v47, $1.000000000e+00  }
0x14a: {  	(erf) = vrcp.f32 v47;
	_ =	sdelay $0x8  }
0x14b: {  	v47 =	vpop (erf)  }
0x14c: {  	[tilespmem:$0x18C20] =	vst v47  }
0x14d: {  	v47 =	vld.idx.msk [tilespmem:v14+s28+$0x0], $0xffff;
	_ =	sdelay $0x4  }
0x14e: {  	v47 =	vmax.f32 v47, $1.000000000e+00  }
0x14f: {  	(erf) = vrcp.f32 v47;
	_ =	sdelay $0x8  }
0x150: {  	v47 =	vpop (erf)  }
0x151: {  	[tilespmem:$0x18C30] =	vst v47  }
0x152: {  	v47 =	vld.idx.msk [tilespmem:v15+s28+$0x0], $0xffff;
	_ =	sdelay $0x4  }
0x153: {  	v47 =	vmax.f32 v47, $1.000000000e+00  }
0x154: {  	(erf) = vrcp.f32 v47;
	_ =	sdelay $0x8  }
0x155: {  	v47 =	vpop (erf)  }
0x156: {  	s31 =	simm.s32 $0x13BC0;
	[tilespmem:$0x18C40] =	vst v47  }
0x157: {  	v61 =	vld [tilespmem:s31+$0x30]  }
0x158: {  	v62 =	vld [tilespmem:s31+$0x10]  }
0x159: {  	s11 =	simm.s32 $0x0;
	v63 =	vld [tilespmem:s31+$0xFFFFFFC0]  }
0x15a: {  	v48 =	vld.msk [tilespmem:s11+$0x18C00 ss:$0x0], $0xffff  }
0x15b: {  	v56 =	vld [tilespmem:s31+$0xFFFFFFE0]  }
0x15c: {  	v47 =	vld [tilespmem:s31+$0xFFFFFFF0]  }
0x15d: {  	v49 =	vld [tilespmem:s31+$0x20]  }
0x15e: {  	v50 =	vld [tilespmem:s31+$0xFFFFFFD0]  }
0x15f: {  	v51 =	vld [tilespmem:s31+$0x0]  }
0x160: {  	v53 =	vmul.f32 v48, v63;
	v55 =	vmul.f32 v61, v48  }
0x161: {  	s0 =	simm.s32 $0x4;
	s11 =	simm.s32 $0x13BC0;
	v52 =	vmul.f32 v56, v48;
	v54 =	vmul.f32 v62, v48  }
.LBB2_12:
0x162: {  	p2 =	sne.s32 s0, $0x13C  }
0x163: {  	v50 =	vmul.f32 v50, v48;
	v49 =	vmul.f32 v49, v48;
	[tilespmem:s31+$0x30] =	vst v55;
	s11 =	sadd.s32 $0x80, s11;
	s4 =	smov.u32 s0;
	s0 =	sadd.s32 $0x4, s0  }
0x164: {  	[tilespmem:s31+$0xFFFFFFC0] =	vst v53;
	v53 =	vmul.f32 v47, v48;
	v48 =	vmul.f32 v51, v48  }
0x165: {  	[tilespmem:s31+$0x10] =	vst v54  }
0x166: {  	[tilespmem:s31+$0xFFFFFFE0] =	vst v52  }
0x167: {  	v47 =	vld [tilespmem:s11+$0xFFFFFFF0];
	[tilespmem:s31+$0xFFFFFFF0] =	vst v53  }
0x168: {  	v52 =	vld [tilespmem:s11+$0x30];
	[tilespmem:s31+$0x0] =	vst v48  }
0x169: {  	v54 =	vld [tilespmem:s11+$0x10];
	[tilespmem:s31+$0x20] =	vst v49  }
0x16a: {  	s4 =	sshra.s32 s4, $0x2;
	v53 =	vld [tilespmem:s11+$0xFFFFFFC0];
	[tilespmem:s31+$0xFFFFFFD0] =	vst v50;
	s31 =	smov.u32 s11  }
0x16b: {  	v48 =	vld.msk [tilespmem:s4+$0x18C00 ss:$0x0], $0xffff  }
0x16c: {  	v56 =	vld [tilespmem:s11+$0xFFFFFFE0]  }
0x16d: {  	v49 =	vld [tilespmem:s11+$0x20]  }
.Ltmp7:
0x16e: {  	v50 =	vld [tilespmem:s11+$0xFFFFFFD0];
	(pc) =	sbr.rel @p2 .LBB2_12-.Ltmp7, $3  }
0x16f: {  	v51 =	vld [tilespmem:s11+$0x0];
	_ =	sdelay $0x1  }
0x170: {  	v53 =	vmul.f32 v48, v53;
	v55 =	vmul.f32 v52, v48  }
0x171: {  	v54 =	vmul.f32 v54, v48;
	v52 =	vmul.f32 v56, v48  }
0x172: {  	[tilespmem:s31+$0x30] =	vst v55  }
0x173: {  	[tilespmem:s31+$0xFFFFFFC0] =	vst v53  }
0x174: {  	v47 =	vmul.f32 v47, v48;
	[tilespmem:s31+$0x10] =	vst v54  }
0x175: {  	v49 =	vmul.f32 v49, v48;
	[tilespmem:s31+$0xFFFFFFE0] =	vst v52  }
0x176: {  	v59 =	vmul.f32 v50, v48;
	[tilespmem:s31+$0xFFFFFFF0] =	vst v47  }
0x177: {  	v51 =	vmul.f32 v51, v48;
	[tilespmem:s31+$0x20] =	vst v49  }
0x178: {  	[tilespmem:s31+$0xFFFFFFD0] =	vst v59  }
0x179: {  	s0 =	simm.s32 $0x0;
	[tilespmem:s31+$0x0] =	vst v51  }
0x17a: {  	[hbm4b:s6+s0] =	stream.linear.scatter [tilespmem:s23], [sflag:$0x1], $0x2800, $0x38;
	[tilespmem:$0x18C80] =	vst v63  }
0x17b: {  	_ =	swait.ge [sflag:s24], $0x2800  }
0x17c: {  	[sflag:s24] =	ssyncset.done $0x0  }
0x17d: {  	[sflag:s24] =	ssyncadd.s32 $0xFFFFD800  }
0x17e: {  	[tilespmem:s23], [sflag:$0x1] =	stream.linear.gather [spmem:s16], $0x2800, $0x38;
	[tilespmem:$0x18C80] =	vst v63  }
0x17f: {  	_ =	swait.ge [sflag:s24], $0x2800  }
0x180: {  	[sflag:s24] =	ssyncset.done $0x0  }
0x181: {  	[sflag:s24] =	ssyncadd.s32 $0xFFFFD800  }
0x182: {  	v60 =	vld.idx.msk [tilespmem:v16+s28+$0x0], $0xffff;
	_ =	sdelay $0x4  }
0x183: {  	v47 =	vmax.f32 v60, $1.000000000e+00  }
0x184: {  	(erf) = vrcp.f32 v47;
	_ =	sdelay $0x8  }
0x185: {  	v47 =	vpop (erf)  }
0x186: {  	[tilespmem:$0x18C00] =	vst v47  }
0x187: {  	v47 =	vld.idx.msk [tilespmem:v17+s28+$0x0], $0xffff;
	_ =	sdelay $0x4  }
0x188: {  	v47 =	vmax.f32 v47, $1.000000000e+00  }
0x189: {  	(erf) = vrcp.f32 v47;
	_ =	sdelay $0x8  }
0x18a: {  	v47 =	vpop (erf)  }
0x18b: {  	[tilespmem:$0x18C10] =	vst v47  }
0x18c: {  	v47 =	vld.idx.msk [tilespmem:v18+s28+$0x0], $0xffff;
	_ =	sdelay $0x4  }
0x18d: {  	v47 =	vmax.f32 v47, $1.000000000e+00  }
0x18e: {  	(erf) = vrcp.f32 v47;
	_ =	sdelay $0x8  }
0x18f: {  	v47 =	vpop (erf)  }
0x190: {  	[tilespmem:$0x18C20] =	vst v47  }
0x191: {  	v47 =	vld.idx.msk [tilespmem:v19+s28+$0x0], $0xffff;
	_ =	sdelay $0x4  }
0x192: {  	v47 =	vmax.f32 v47, $1.000000000e+00  }
0x193: {  	(erf) = vrcp.f32 v47;
	_ =	sdelay $0x8  }
0x194: {  	v47 =	vpop (erf)  }
0x195: {  	[tilespmem:$0x18C30] =	vst v47  }
0x196: {  	v47 =	vld.idx.msk [tilespmem:v20+s28+$0x0], $0xffff;
	_ =	sdelay $0x4  }
0x197: {  	v47 =	vmax.f32 v47, $1.000000000e+00  }
0x198: {  	(erf) = vrcp.f32 v47;
	_ =	sdelay $0x8  }
0x199: {  	v47 =	vpop (erf)  }
0x19a: {  	s31 =	simm.s32 $0x13BC0;
	[tilespmem:$0x18C40] =	vst v47  }
0x19b: {  	v61 =	vld [tilespmem:s31+$0x30]  }
0x19c: {  	v62 =	vld [tilespmem:s31+$0x10]  }
0x19d: {  	s11 =	simm.s32 $0x0;
	v63 =	vld [tilespmem:s31+$0xFFFFFFC0]  }
0x19e: {  	v48 =	vld.msk [tilespmem:s11+$0x18C00 ss:$0x0], $0xffff  }
0x19f: {  	v56 =	vld [tilespmem:s31+$0xFFFFFFE0]  }
0x1a0: {  	v47 =	vld [tilespmem:s31+$0xFFFFFFF0]  }
0x1a1: {  	v49 =	vld [tilespmem:s31+$0x20]  }
0x1a2: {  	v50 =	vld [tilespmem:s31+$0xFFFFFFD0]  }
0x1a3: {  	v51 =	vld [tilespmem:s31+$0x0]  }
0x1a4: {  	v53 =	vmul.f32 v48, v63;
	v55 =	vmul.f32 v61, v48  }
0x1a5: {  	s0 =	simm.s32 $0x4;
	s11 =	simm.s32 $0x13BC0;
	v52 =	vmul.f32 v56, v48;
	v54 =	vmul.f32 v62, v48  }
.LBB2_14:
0x1a6: {  	p2 =	sne.s32 s0, $0x13C  }
0x1a7: {  	v50 =	vmul.f32 v50, v48;
	v49 =	vmul.f32 v49, v48;
	[tilespmem:s31+$0x30] =	vst v55;
	s11 =	sadd.s32 $0x80, s11;
	s4 =	smov.u32 s0;
	s0 =	sadd.s32 $0x4, s0  }
0x1a8: {  	[tilespmem:s31+$0xFFFFFFC0] =	vst v53;
	v53 =	vmul.f32 v47, v48;
	v48 =	vmul.f32 v51, v48  }
0x1a9: {  	[tilespmem:s31+$0x10] =	vst v54  }
0x1aa: {  	[tilespmem:s31+$0xFFFFFFE0] =	vst v52  }
0x1ab: {  	v47 =	vld [tilespmem:s11+$0xFFFFFFF0];
	[tilespmem:s31+$0xFFFFFFF0] =	vst v53  }
0x1ac: {  	v52 =	vld [tilespmem:s11+$0x30];
	[tilespmem:s31+$0x0] =	vst v48  }
0x1ad: {  	v54 =	vld [tilespmem:s11+$0x10];
	[tilespmem:s31+$0x20] =	vst v49  }
0x1ae: {  	s4 =	sshra.s32 s4, $0x2;
	v53 =	vld [tilespmem:s11+$0xFFFFFFC0];
	[tilespmem:s31+$0xFFFFFFD0] =	vst v50;
	s31 =	smov.u32 s11  }
0x1af: {  	v48 =	vld.msk [tilespmem:s4+$0x18C00 ss:$0x0], $0xffff  }
0x1b0: {  	v56 =	vld [tilespmem:s11+$0xFFFFFFE0]  }
0x1b1: {  	v49 =	vld [tilespmem:s11+$0x20]  }
.Ltmp8:
0x1b2: {  	v50 =	vld [tilespmem:s11+$0xFFFFFFD0];
	(pc) =	sbr.rel @p2 .LBB2_14-.Ltmp8, $3  }
0x1b3: {  	v51 =	vld [tilespmem:s11+$0x0];
	_ =	sdelay $0x1  }
0x1b4: {  	v53 =	vmul.f32 v48, v53;
	v55 =	vmul.f32 v52, v48  }
0x1b5: {  	v54 =	vmul.f32 v54, v48;
	v52 =	vmul.f32 v56, v48  }
0x1b6: {  	[tilespmem:s31+$0x30] =	vst v55  }
0x1b7: {  	[tilespmem:s31+$0xFFFFFFC0] =	vst v53  }
0x1b8: {  	v47 =	vmul.f32 v47, v48;
	[tilespmem:s31+$0x10] =	vst v54  }
0x1b9: {  	v49 =	vmul.f32 v49, v48;
	[tilespmem:s31+$0xFFFFFFE0] =	vst v52  }
0x1ba: {  	v59 =	vmul.f32 v50, v48;
	[tilespmem:s31+$0xFFFFFFF0] =	vst v47  }
0x1bb: {  	v51 =	vmul.f32 v51, v48;
	[tilespmem:s31+$0x20] =	vst v49  }
0x1bc: {  	[tilespmem:s31+$0xFFFFFFD0] =	vst v59  }
0x1bd: {  	s0 =	simm.s32 $0x0;
	[tilespmem:s31+$0x0] =	vst v51  }
0x1be: {  	[hbm4b:s7+s0] =	stream.linear.scatter [tilespmem:s23], [sflag:$0x1], $0x2800, $0x38;
	[tilespmem:$0x18C80] =	vst v63  }
0x1bf: {  	_ =	swait.ge [sflag:s24], $0x2800  }
0x1c0: {  	[sflag:s24] =	ssyncset.done $0x0  }
0x1c1: {  	[sflag:s24] =	ssyncadd.s32 $0xFFFFD800  }
0x1c2: {  	[tilespmem:s23], [sflag:$0x1] =	stream.linear.gather [spmem:s17], $0x2800, $0x38;
	[tilespmem:$0x18C80] =	vst v63  }
0x1c3: {  	_ =	swait.ge [sflag:s24], $0x2800  }
0x1c4: {  	[sflag:s24] =	ssyncset.done $0x0  }
0x1c5: {  	[sflag:s24] =	ssyncadd.s32 $0xFFFFD800  }
0x1c6: {  	v60 =	vld.idx.msk [tilespmem:v22+s28+$0x0], $0xffff;
	_ =	sdelay $0x4  }
0x1c7: {  	v47 =	vmax.f32 v60, $1.000000000e+00  }
0x1c8: {  	(erf) = vrcp.f32 v47;
	_ =	sdelay $0x8  }
0x1c9: {  	v47 =	vpop (erf)  }
0x1ca: {  	[tilespmem:$0x18C00] =	vst v47  }
0x1cb: {  	v47 =	vld.idx.msk [tilespmem:v21+s28+$0x0], $0xffff;
	_ =	sdelay $0x4  }
0x1cc: {  	v47 =	vmax.f32 v47, $1.000000000e+00  }
0x1cd: {  	(erf) = vrcp.f32 v47;
	_ =	sdelay $0x8  }
0x1ce: {  	v47 =	vpop (erf)  }
0x1cf: {  	[tilespmem:$0x18C10] =	vst v47  }
0x1d0: {  	v47 =	vld.idx.msk [tilespmem:v23+s28+$0x0], $0xffff;
	_ =	sdelay $0x4  }
0x1d1: {  	v47 =	vmax.f32 v47, $1.000000000e+00  }
0x1d2: {  	(erf) = vrcp.f32 v47;
	_ =	sdelay $0x8  }
0x1d3: {  	v47 =	vpop (erf)  }
0x1d4: {  	[tilespmem:$0x18C20] =	vst v47  }
0x1d5: {  	v47 =	vld.idx.msk [tilespmem:v24+s28+$0x0], $0xffff;
	_ =	sdelay $0x4  }
0x1d6: {  	v47 =	vmax.f32 v47, $1.000000000e+00  }
0x1d7: {  	(erf) = vrcp.f32 v47;
	_ =	sdelay $0x8  }
0x1d8: {  	v47 =	vpop (erf)  }
0x1d9: {  	[tilespmem:$0x18C30] =	vst v47  }
0x1da: {  	v47 =	vld.idx.msk [tilespmem:v25+s28+$0x0], $0xffff;
	_ =	sdelay $0x4  }
0x1db: {  	v47 =	vmax.f32 v47, $1.000000000e+00  }
0x1dc: {  	(erf) = vrcp.f32 v47;
	_ =	sdelay $0x8  }
0x1dd: {  	v47 =	vpop (erf)  }
0x1de: {  	s31 =	simm.s32 $0x13BC0;
	[tilespmem:$0x18C40] =	vst v47  }
0x1df: {  	v61 =	vld [tilespmem:s31+$0x30]  }
0x1e0: {  	v62 =	vld [tilespmem:s31+$0x10]  }
0x1e1: {  	s11 =	simm.s32 $0x0;
	v63 =	vld [tilespmem:s31+$0xFFFFFFC0]  }
0x1e2: {  	v48 =	vld.msk [tilespmem:s11+$0x18C00 ss:$0x0], $0xffff  }
0x1e3: {  	v56 =	vld [tilespmem:s31+$0xFFFFFFE0]  }
0x1e4: {  	v47 =	vld [tilespmem:s31+$0xFFFFFFF0]  }
0x1e5: {  	v49 =	vld [tilespmem:s31+$0x20]  }
0x1e6: {  	v50 =	vld [tilespmem:s31+$0xFFFFFFD0]  }
0x1e7: {  	v51 =	vld [tilespmem:s31+$0x0]  }
0x1e8: {  	v53 =	vmul.f32 v48, v63;
	v55 =	vmul.f32 v61, v48  }
0x1e9: {  	s0 =	simm.s32 $0x4;
	s11 =	simm.s32 $0x13BC0;
	v52 =	vmul.f32 v56, v48;
	v54 =	vmul.f32 v62, v48  }
.LBB2_16:
0x1ea: {  	p2 =	sne.s32 s0, $0x13C  }
0x1eb: {  	v50 =	vmul.f32 v50, v48;
	v49 =	vmul.f32 v49, v48;
	[tilespmem:s31+$0x30] =	vst v55;
	s11 =	sadd.s32 $0x80, s11;
	s4 =	smov.u32 s0;
	s0 =	sadd.s32 $0x4, s0  }
0x1ec: {  	[tilespmem:s31+$0xFFFFFFC0] =	vst v53;
	v53 =	vmul.f32 v47, v48;
	v48 =	vmul.f32 v51, v48  }
0x1ed: {  	[tilespmem:s31+$0x10] =	vst v54  }
0x1ee: {  	[tilespmem:s31+$0xFFFFFFE0] =	vst v52  }
0x1ef: {  	v47 =	vld [tilespmem:s11+$0xFFFFFFF0];
	[tilespmem:s31+$0xFFFFFFF0] =	vst v53  }
0x1f0: {  	v52 =	vld [tilespmem:s11+$0x30];
	[tilespmem:s31+$0x0] =	vst v48  }
0x1f1: {  	v54 =	vld [tilespmem:s11+$0x10];
	[tilespmem:s31+$0x20] =	vst v49  }
0x1f2: {  	s4 =	sshra.s32 s4, $0x2;
	v53 =	vld [tilespmem:s11+$0xFFFFFFC0];
	[tilespmem:s31+$0xFFFFFFD0] =	vst v50;
	s31 =	smov.u32 s11  }
0x1f3: {  	v48 =	vld.msk [tilespmem:s4+$0x18C00 ss:$0x0], $0xffff  }
0x1f4: {  	v56 =	vld [tilespmem:s11+$0xFFFFFFE0]  }
0x1f5: {  	v49 =	vld [tilespmem:s11+$0x20]  }
.Ltmp9:
0x1f6: {  	v50 =	vld [tilespmem:s11+$0xFFFFFFD0];
	(pc) =	sbr.rel @p2 .LBB2_16-.Ltmp9, $3  }
0x1f7: {  	v51 =	vld [tilespmem:s11+$0x0];
	_ =	sdelay $0x1  }
0x1f8: {  	v53 =	vmul.f32 v48, v53;
	v55 =	vmul.f32 v52, v48  }
0x1f9: {  	v54 =	vmul.f32 v54, v48;
	v52 =	vmul.f32 v56, v48  }
0x1fa: {  	[tilespmem:s31+$0x30] =	vst v55  }
0x1fb: {  	[tilespmem:s31+$0xFFFFFFC0] =	vst v53  }
0x1fc: {  	v47 =	vmul.f32 v47, v48;
	[tilespmem:s31+$0x10] =	vst v54  }
0x1fd: {  	v49 =	vmul.f32 v49, v48;
	[tilespmem:s31+$0xFFFFFFE0] =	vst v52  }
0x1fe: {  	v59 =	vmul.f32 v50, v48;
	[tilespmem:s31+$0xFFFFFFF0] =	vst v47  }
0x1ff: {  	v51 =	vmul.f32 v51, v48;
	[tilespmem:s31+$0x20] =	vst v49  }
0x200: {  	[tilespmem:s31+$0xFFFFFFD0] =	vst v59  }
0x201: {  	s0 =	simm.s32 $0x0;
	[tilespmem:s31+$0x0] =	vst v51  }
0x202: {  	[hbm4b:s8+s0] =	stream.linear.scatter [tilespmem:s23], [sflag:$0x1], $0x2800, $0x38;
	[tilespmem:$0x18C80] =	vst v63  }
0x203: {  	_ =	swait.ge [sflag:s24], $0x2800  }
0x204: {  	[sflag:s24] =	ssyncset.done $0x0  }
0x205: {  	[sflag:s24] =	ssyncadd.s32 $0xFFFFD800  }
0x206: {  	[tilespmem:s23], [sflag:$0x1] =	stream.linear.gather [spmem:s18], $0x2800, $0x38;
	[tilespmem:$0x18C80] =	vst v63  }
0x207: {  	_ =	swait.ge [sflag:s24], $0x2800  }
0x208: {  	[sflag:s24] =	ssyncset.done $0x0  }
0x209: {  	[sflag:s24] =	ssyncadd.s32 $0xFFFFD800  }
0x20a: {  	v60 =	vld.idx.msk [tilespmem:v28+s28+$0x0], $0xffff;
	_ =	sdelay $0x4  }
0x20b: {  	v47 =	vmax.f32 v60, $1.000000000e+00  }
0x20c: {  	(erf) = vrcp.f32 v47;
	_ =	sdelay $0x8  }
0x20d: {  	v47 =	vpop (erf)  }
0x20e: {  	[tilespmem:$0x18C00] =	vst v47  }
0x20f: {  	v47 =	vld.idx.msk [tilespmem:v26+s28+$0x0], $0xffff;
	_ =	sdelay $0x4  }
0x210: {  	v47 =	vmax.f32 v47, $1.000000000e+00  }
0x211: {  	(erf) = vrcp.f32 v47;
	_ =	sdelay $0x8  }
0x212: {  	v47 =	vpop (erf)  }
0x213: {  	[tilespmem:$0x18C10] =	vst v47  }
0x214: {  	v47 =	vld.idx.msk [tilespmem:v27+s28+$0x0], $0xffff;
	_ =	sdelay $0x4  }
0x215: {  	v47 =	vmax.f32 v47, $1.000000000e+00  }
0x216: {  	(erf) = vrcp.f32 v47;
	_ =	sdelay $0x8  }
0x217: {  	v47 =	vpop (erf)  }
0x218: {  	[tilespmem:$0x18C20] =	vst v47  }
0x219: {  	v47 =	vld.idx.msk [tilespmem:v29+s28+$0x0], $0xffff;
	_ =	sdelay $0x4  }
0x21a: {  	v47 =	vmax.f32 v47, $1.000000000e+00  }
0x21b: {  	(erf) = vrcp.f32 v47;
	_ =	sdelay $0x8  }
0x21c: {  	v47 =	vpop (erf)  }
0x21d: {  	[tilespmem:$0x18C30] =	vst v47  }
0x21e: {  	v47 =	vld.idx.msk [tilespmem:v30+s28+$0x0], $0xffff;
	_ =	sdelay $0x4  }
0x21f: {  	v47 =	vmax.f32 v47, $1.000000000e+00  }
0x220: {  	(erf) = vrcp.f32 v47;
	_ =	sdelay $0x8  }
0x221: {  	v47 =	vpop (erf)  }
0x222: {  	s31 =	simm.s32 $0x13BC0;
	[tilespmem:$0x18C40] =	vst v47  }
0x223: {  	v61 =	vld [tilespmem:s31+$0x30]  }
0x224: {  	v62 =	vld [tilespmem:s31+$0x10]  }
0x225: {  	s11 =	simm.s32 $0x0;
	v63 =	vld [tilespmem:s31+$0xFFFFFFC0]  }
0x226: {  	v48 =	vld.msk [tilespmem:s11+$0x18C00 ss:$0x0], $0xffff  }
0x227: {  	v56 =	vld [tilespmem:s31+$0xFFFFFFE0]  }
0x228: {  	v47 =	vld [tilespmem:s31+$0xFFFFFFF0]  }
0x229: {  	v49 =	vld [tilespmem:s31+$0x20]  }
0x22a: {  	v50 =	vld [tilespmem:s31+$0xFFFFFFD0]  }
0x22b: {  	v51 =	vld [tilespmem:s31+$0x0]  }
0x22c: {  	v53 =	vmul.f32 v48, v63;
	v55 =	vmul.f32 v61, v48  }
0x22d: {  	s0 =	simm.s32 $0x4;
	s11 =	simm.s32 $0x13BC0;
	v52 =	vmul.f32 v56, v48;
	v54 =	vmul.f32 v62, v48  }
.LBB2_18:
0x22e: {  	p2 =	sne.s32 s0, $0x13C  }
0x22f: {  	v50 =	vmul.f32 v50, v48;
	v49 =	vmul.f32 v49, v48;
	[tilespmem:s31+$0x30] =	vst v55;
	s11 =	sadd.s32 $0x80, s11;
	s4 =	smov.u32 s0;
	s0 =	sadd.s32 $0x4, s0  }
0x230: {  	[tilespmem:s31+$0xFFFFFFC0] =	vst v53;
	v53 =	vmul.f32 v47, v48;
	v48 =	vmul.f32 v51, v48  }
0x231: {  	[tilespmem:s31+$0x10] =	vst v54  }
0x232: {  	[tilespmem:s31+$0xFFFFFFE0] =	vst v52  }
0x233: {  	v47 =	vld [tilespmem:s11+$0xFFFFFFF0];
	[tilespmem:s31+$0xFFFFFFF0] =	vst v53  }
0x234: {  	v52 =	vld [tilespmem:s11+$0x30];
	[tilespmem:s31+$0x0] =	vst v48  }
0x235: {  	v54 =	vld [tilespmem:s11+$0x10];
	[tilespmem:s31+$0x20] =	vst v49  }
0x236: {  	s4 =	sshra.s32 s4, $0x2;
	v53 =	vld [tilespmem:s11+$0xFFFFFFC0];
	[tilespmem:s31+$0xFFFFFFD0] =	vst v50;
	s31 =	smov.u32 s11  }
0x237: {  	v48 =	vld.msk [tilespmem:s4+$0x18C00 ss:$0x0], $0xffff  }
0x238: {  	v56 =	vld [tilespmem:s11+$0xFFFFFFE0]  }
0x239: {  	v49 =	vld [tilespmem:s11+$0x20]  }
.Ltmp10:
0x23a: {  	v50 =	vld [tilespmem:s11+$0xFFFFFFD0];
	(pc) =	sbr.rel @p2 .LBB2_18-.Ltmp10, $3  }
0x23b: {  	v51 =	vld [tilespmem:s11+$0x0];
	_ =	sdelay $0x1  }
0x23c: {  	v53 =	vmul.f32 v48, v53;
	v55 =	vmul.f32 v52, v48  }
0x23d: {  	v54 =	vmul.f32 v54, v48;
	v52 =	vmul.f32 v56, v48  }
0x23e: {  	[tilespmem:s31+$0x30] =	vst v55  }
0x23f: {  	[tilespmem:s31+$0xFFFFFFC0] =	vst v53  }
0x240: {  	v47 =	vmul.f32 v47, v48;
	[tilespmem:s31+$0x10] =	vst v54  }
0x241: {  	v49 =	vmul.f32 v49, v48;
	[tilespmem:s31+$0xFFFFFFE0] =	vst v52  }
0x242: {  	v59 =	vmul.f32 v50, v48;
	[tilespmem:s31+$0xFFFFFFF0] =	vst v47  }
0x243: {  	v51 =	vmul.f32 v51, v48;
	[tilespmem:s31+$0x20] =	vst v49  }
0x244: {  	[tilespmem:s31+$0xFFFFFFD0] =	vst v59  }
0x245: {  	s0 =	simm.s32 $0x0;
	[tilespmem:s31+$0x0] =	vst v51  }
0x246: {  	[hbm4b:s9+s0] =	stream.linear.scatter [tilespmem:s23], [sflag:$0x1], $0x2800, $0x38;
	[tilespmem:$0x18C80] =	vst v63  }
0x247: {  	_ =	swait.ge [sflag:s24], $0x2800  }
0x248: {  	[sflag:s24] =	ssyncset.done $0x0  }
0x249: {  	[sflag:s24] =	ssyncadd.s32 $0xFFFFD800  }
0x24a: {  	[tilespmem:s23], [sflag:$0x1] =	stream.linear.gather [spmem:s19], $0x2800, $0x38;
	[tilespmem:$0x18C80] =	vst v63  }
0x24b: {  	_ =	swait.ge [sflag:s24], $0x2800  }
0x24c: {  	[sflag:s24] =	ssyncset.done $0x0  }
0x24d: {  	[sflag:s24] =	ssyncadd.s32 $0xFFFFD800  }
0x24e: {  	v60 =	vld.idx.msk [tilespmem:v31+s28+$0x0], $0xffff;
	_ =	sdelay $0x4  }
0x24f: {  	v47 =	vmax.f32 v60, $1.000000000e+00  }
0x250: {  	(erf) = vrcp.f32 v47;
	_ =	sdelay $0x8  }
0x251: {  	v47 =	vpop (erf)  }
0x252: {  	[tilespmem:$0x18C00] =	vst v47  }
0x253: {  	v47 =	vld.idx.msk [tilespmem:v32+s28+$0x0], $0xffff;
	_ =	sdelay $0x4  }
0x254: {  	v47 =	vmax.f32 v47, $1.000000000e+00  }
0x255: {  	(erf) = vrcp.f32 v47;
	_ =	sdelay $0x8  }
0x256: {  	v47 =	vpop (erf)  }
0x257: {  	[tilespmem:$0x18C10] =	vst v47  }
0x258: {  	v47 =	vld.idx.msk [tilespmem:v33+s28+$0x0], $0xffff;
	_ =	sdelay $0x4  }
0x259: {  	v47 =	vmax.f32 v47, $1.000000000e+00  }
0x25a: {  	(erf) = vrcp.f32 v47;
	_ =	sdelay $0x8  }
0x25b: {  	v47 =	vpop (erf)  }
0x25c: {  	[tilespmem:$0x18C20] =	vst v47  }
0x25d: {  	v47 =	vld.idx.msk [tilespmem:v34+s28+$0x0], $0xffff;
	_ =	sdelay $0x4  }
0x25e: {  	v47 =	vmax.f32 v47, $1.000000000e+00  }
0x25f: {  	(erf) = vrcp.f32 v47;
	_ =	sdelay $0x8  }
0x260: {  	v47 =	vpop (erf)  }
0x261: {  	[tilespmem:$0x18C30] =	vst v47  }
0x262: {  	v47 =	vld.idx.msk [tilespmem:v35+s28+$0x0], $0xffff;
	_ =	sdelay $0x4  }
0x263: {  	v47 =	vmax.f32 v47, $1.000000000e+00  }
0x264: {  	(erf) = vrcp.f32 v47;
	_ =	sdelay $0x8  }
0x265: {  	v47 =	vpop (erf)  }
0x266: {  	s31 =	simm.s32 $0x13BC0;
	[tilespmem:$0x18C40] =	vst v47  }
0x267: {  	v61 =	vld [tilespmem:s31+$0x30]  }
0x268: {  	v62 =	vld [tilespmem:s31+$0x10]  }
0x269: {  	s11 =	simm.s32 $0x0;
	v63 =	vld [tilespmem:s31+$0xFFFFFFC0]  }
0x26a: {  	v48 =	vld.msk [tilespmem:s11+$0x18C00 ss:$0x0], $0xffff  }
0x26b: {  	v56 =	vld [tilespmem:s31+$0xFFFFFFE0]  }
0x26c: {  	v47 =	vld [tilespmem:s31+$0xFFFFFFF0]  }
0x26d: {  	v49 =	vld [tilespmem:s31+$0x20]  }
0x26e: {  	v50 =	vld [tilespmem:s31+$0xFFFFFFD0]  }
0x26f: {  	v51 =	vld [tilespmem:s31+$0x0]  }
0x270: {  	v53 =	vmul.f32 v48, v63;
	v55 =	vmul.f32 v61, v48  }
0x271: {  	s0 =	simm.s32 $0x4;
	s11 =	simm.s32 $0x13BC0;
	v52 =	vmul.f32 v56, v48;
	v54 =	vmul.f32 v62, v48  }
.LBB2_20:
0x272: {  	p2 =	sne.s32 s0, $0x13C  }
0x273: {  	v50 =	vmul.f32 v50, v48;
	v49 =	vmul.f32 v49, v48;
	[tilespmem:s31+$0x30] =	vst v55;
	s11 =	sadd.s32 $0x80, s11;
	s4 =	smov.u32 s0;
	s0 =	sadd.s32 $0x4, s0  }
0x274: {  	[tilespmem:s31+$0xFFFFFFC0] =	vst v53;
	v53 =	vmul.f32 v47, v48;
	v48 =	vmul.f32 v51, v48  }
0x275: {  	[tilespmem:s31+$0x10] =	vst v54  }
0x276: {  	[tilespmem:s31+$0xFFFFFFE0] =	vst v52  }
0x277: {  	v47 =	vld [tilespmem:s11+$0xFFFFFFF0];
	[tilespmem:s31+$0xFFFFFFF0] =	vst v53  }
0x278: {  	v52 =	vld [tilespmem:s11+$0x30];
	[tilespmem:s31+$0x0] =	vst v48  }
0x279: {  	v54 =	vld [tilespmem:s11+$0x10];
	[tilespmem:s31+$0x20] =	vst v49  }
0x27a: {  	s4 =	sshra.s32 s4, $0x2;
	v53 =	vld [tilespmem:s11+$0xFFFFFFC0];
	[tilespmem:s31+$0xFFFFFFD0] =	vst v50;
	s31 =	smov.u32 s11  }
0x27b: {  	v48 =	vld.msk [tilespmem:s4+$0x18C00 ss:$0x0], $0xffff  }
0x27c: {  	v56 =	vld [tilespmem:s11+$0xFFFFFFE0]  }
0x27d: {  	v49 =	vld [tilespmem:s11+$0x20]  }
.Ltmp11:
0x27e: {  	v50 =	vld [tilespmem:s11+$0xFFFFFFD0];
	(pc) =	sbr.rel @p2 .LBB2_20-.Ltmp11, $3  }
0x27f: {  	v51 =	vld [tilespmem:s11+$0x0];
	_ =	sdelay $0x1  }
0x280: {  	v53 =	vmul.f32 v48, v53;
	v55 =	vmul.f32 v52, v48  }
0x281: {  	v54 =	vmul.f32 v54, v48;
	v52 =	vmul.f32 v56, v48  }
0x282: {  	[tilespmem:s31+$0x30] =	vst v55  }
0x283: {  	[tilespmem:s31+$0xFFFFFFC0] =	vst v53  }
0x284: {  	v47 =	vmul.f32 v47, v48;
	[tilespmem:s31+$0x10] =	vst v54  }
0x285: {  	v49 =	vmul.f32 v49, v48;
	[tilespmem:s31+$0xFFFFFFE0] =	vst v52  }
0x286: {  	v63 =	vmul.f32 v50, v48;
	[tilespmem:s31+$0xFFFFFFF0] =	vst v47  }
0x287: {  	v51 =	vmul.f32 v51, v48;
	[tilespmem:s31+$0x20] =	vst v49  }
0x288: {  	[tilespmem:s31+$0xFFFFFFD0] =	vst v63  }
.Ltmp12:
0x289: {  	[tilespmem:s31+$0x0] =	vst v51;
	(pc) =	sbr.rel @p1 .LBB2_25-.Ltmp12, $4  }
0x28a: {  	[hbm4b:s10+s3] =	stream.linear.scatter [tilespmem:s23], [sflag:$0x1], $0x2800, $0x38;
	[tilespmem:$0x18C80] =	vst v63  }
0x28b: {  	_ =	swait.ge [sflag:s24], $0x2800  }
0x28c: {  	[sflag:s24] =	ssyncset.done $0x0  }
0x28d: {  	[sflag:s24] =	ssyncadd.s32 $0xFFFFD800  }
0x28e: {  	[tilespmem:s23], [sflag:$0x1] =	stream.linear.gather [spmem:s20], $0x2800, $0x38;
	[tilespmem:$0x18C80] =	vst v63  }
0x28f: {  	_ =	swait.ge [sflag:s24], $0x2800  }
0x290: {  	[sflag:s24] =	ssyncset.done $0x0  }
0x291: {  	[sflag:s24] =	ssyncadd.s32 $0xFFFFD800  }
0x292: {  	v47 =	vld.idx.msk [tilespmem:v37+s28+$0x0], $0xffff;
	_ =	sdelay $0x4  }
0x293: {  	v47 =	vmax.f32 v47, $1.000000000e+00  }
0x294: {  	(erf) = vrcp.f32 v47;
	_ =	sdelay $0x8  }
0x295: {  	v47 =	vpop (erf)  }
0x296: {  	[tilespmem:$0x18C00] =	vst v47  }
0x297: {  	v47 =	vld.idx.msk [tilespmem:v36+s28+$0x0], $0xffff;
	_ =	sdelay $0x4  }
0x298: {  	v47 =	vmax.f32 v47, $1.000000000e+00  }
0x299: {  	(erf) = vrcp.f32 v47;
	_ =	sdelay $0x8  }
0x29a: {  	v47 =	vpop (erf)  }
0x29b: {  	[tilespmem:$0x18C10] =	vst v47  }
0x29c: {  	v47 =	vld.idx.msk [tilespmem:v38+s28+$0x0], $0xffff;
	_ =	sdelay $0x4  }
0x29d: {  	v47 =	vmax.f32 v47, $1.000000000e+00  }
0x29e: {  	(erf) = vrcp.f32 v47;
	_ =	sdelay $0x8  }
0x29f: {  	v47 =	vpop (erf)  }
0x2a0: {  	[tilespmem:$0x18C20] =	vst v47  }
0x2a1: {  	v47 =	vld.idx.msk [tilespmem:v39+s28+$0x0], $0xffff;
	_ =	sdelay $0x4  }
0x2a2: {  	v47 =	vmax.f32 v47, $1.000000000e+00  }
0x2a3: {  	(erf) = vrcp.f32 v47;
	_ =	sdelay $0x8  }
0x2a4: {  	v47 =	vpop (erf)  }
0x2a5: {  	[tilespmem:$0x18C30] =	vst v47  }
0x2a6: {  	v47 =	vld.idx.msk [tilespmem:v40+s28+$0x0], $0xffff;
	_ =	sdelay $0x4  }
0x2a7: {  	v47 =	vmax.f32 v47, $1.000000000e+00  }
0x2a8: {  	(erf) = vrcp.f32 v47;
	_ =	sdelay $0x8  }
0x2a9: {  	v47 =	vpop (erf)  }
0x2aa: {  	s31 =	simm.s32 $0x13BC0;
	[tilespmem:$0x18C40] =	vst v47  }
0x2ab: {  	v51 =	vld [tilespmem:s31+$0x30]  }
0x2ac: {  	v54 =	vld [tilespmem:s31+$0x10]  }
0x2ad: {  	s0 =	simm.s32 $0x0;
	v52 =	vld [tilespmem:s31+$0xFFFFFFC0]  }
0x2ae: {  	v48 =	vld.msk [tilespmem:s0+$0x18C00 ss:$0x0], $0xffff  }
0x2af: {  	v56 =	vld [tilespmem:s31+$0xFFFFFFE0]  }
0x2b0: {  	v47 =	vld [tilespmem:s31+$0xFFFFFFF0]  }
0x2b1: {  	v49 =	vld [tilespmem:s31+$0x20]  }
0x2b2: {  	v50 =	vld [tilespmem:s31+$0xFFFFFFD0]  }
0x2b3: {  	v55 =	vmul.f32 v51, v48;
	v51 =	vld [tilespmem:s31+$0x0]  }
0x2b4: {  	v53 =	vmul.f32 v48, v52  }
0x2b5: {  	s11 =	simm.s32 $0x13BC0;
	s0 =	simm.s32 $0x4;
	v52 =	vmul.f32 v56, v48;
	v54 =	vmul.f32 v54, v48  }
.LBB2_23:
0x2b6: {  	p2 =	sne.s32 s0, $0x13C  }
0x2b7: {  	v50 =	vmul.f32 v50, v48;
	v49 =	vmul.f32 v49, v48;
	[tilespmem:s31+$0x30] =	vst v55;
	s11 =	sadd.s32 $0x80, s11;
	s4 =	smov.u32 s0;
	s0 =	sadd.s32 $0x4, s0  }
0x2b8: {  	[tilespmem:s31+$0xFFFFFFC0] =	vst v53;
	v53 =	vmul.f32 v47, v48;
	v48 =	vmul.f32 v51, v48  }
0x2b9: {  	[tilespmem:s31+$0x10] =	vst v54  }
0x2ba: {  	[tilespmem:s31+$0xFFFFFFE0] =	vst v52  }
0x2bb: {  	v47 =	vld [tilespmem:s11+$0xFFFFFFF0];
	[tilespmem:s31+$0xFFFFFFF0] =	vst v53  }
0x2bc: {  	v52 =	vld [tilespmem:s11+$0x30];
	[tilespmem:s31+$0x0] =	vst v48  }
0x2bd: {  	v54 =	vld [tilespmem:s11+$0x10];
	[tilespmem:s31+$0x20] =	vst v49  }
0x2be: {  	s4 =	sshra.s32 s4, $0x2;
	v53 =	vld [tilespmem:s11+$0xFFFFFFC0];
	[tilespmem:s31+$0xFFFFFFD0] =	vst v50;
	s31 =	smov.u32 s11  }
0x2bf: {  	v48 =	vld.msk [tilespmem:s4+$0x18C00 ss:$0x0], $0xffff  }
0x2c0: {  	v56 =	vld [tilespmem:s11+$0xFFFFFFE0]  }
0x2c1: {  	v49 =	vld [tilespmem:s11+$0x20]  }
.Ltmp13:
0x2c2: {  	v50 =	vld [tilespmem:s11+$0xFFFFFFD0];
	(pc) =	sbr.rel @p2 .LBB2_23-.Ltmp13, $3  }
0x2c3: {  	v51 =	vld [tilespmem:s11+$0x0];
	_ =	sdelay $0x1  }
0x2c4: {  	v53 =	vmul.f32 v48, v53;
	v55 =	vmul.f32 v52, v48  }
0x2c5: {  	v54 =	vmul.f32 v54, v48;
	v52 =	vmul.f32 v56, v48  }
.Ltmp14:
0x2c6: {  	_ = 	snop;
	(pc) =	sbr.rel .LBB2_24-.Ltmp14, $1  }
0x2c7: {  	_ =	sdelay $0x3  }
.LBB2_26:
0x2c8: {  	_ =	sfence.sel $0x180000  }
0x2c9: {  	[bflag:$0x0] =	sbarrier.arrive $0xFFFF  }
0x2ca: {  	_ =	strace $0x9000004A  }
0x2cb: {  	[bflag:$0x2] =	sbarrier.arrive $0xFFFF  }
0x2cc: {  	s0 =	rddreg [dreg:$0x4]  }
0x2cd: {  	s0 =	sadd.s32 @!p0 $0x100000, s0  }
0x2ce: {  	[sflag:s0] =	ssyncadd.tile.s32 @!p0 $0x1;
	_ =	shalt  }
.Lfunc_end2:
_tile_overlayer_lowered:
.L_overlay_start_2:
0x2cf: {  	(tag) =	ssettag $0x2  }
0x2d0: {  	s0 =	rddreg [dreg:$0x0];
	s2 =	stileid.u32  }
0x2d1: {  	s1 =	rddreg [dreg:$0x1];
	p0 =	sne.s32 s2, $0x0  }
0x2d2: {  	s3 =	rddreg [dreg:$0x2];
	[bflag:$0x3] =	sbarrier.arrive $0xFFFF;
	s2 =	simm.s32 @!p0 $0x1C01  }
0x2d3: {  	[timem:s3], [sflag:s2] =	dma.local @!p0 [hbm:s0], s1  }
0x2d4: {  	s0 =	simm.s32 @!p0 $0x1  }
0x2d5: {  	_ =	swait.ge @!p0 [sflag:s0], s1  }
0x2d6: {  	s1 =	ssub.s32 @!p0 $0x0, s1;
	[sflag:s0] =	ssyncset.done @!p0 $0x0  }
0x2d7: {  	[sflag:s0] =	ssyncadd.s32 @!p0 s1  }
0x2d8: {  	[bflag:$0x3] =	sbarrier.arrive $0xFFFF  }
0x2d9: {  	_ =	shalt  }

</sc_bundles>
